<compile_context>
chip_gen: v7x
topology: tpu7x:2x2x1
jax: 0.10.2.dev20260603
libtpu: 0.0.44.dev20260713+nightly
codegen_flags: <defaults>
</compile_context>

<pallas_src>
import functools

import jax
import jax.numpy as jnp
from jax import lax
from jax.experimental import pallas as pl
from jax.experimental.pallas import tpu as pltpu
from jax.experimental.pallas import tpu_sc as plsc

HID = 32
D_EDGE = 16
N_NODES = 10000
CHUNK = 128
EP = 163840
G_TILES = 32
S_TILES = 16
G_CH = EP // G_TILES // CHUNK
S_CH = EP // S_TILES // CHUNK
NP = 10016
NPT = NP // S_TILES
NT = N_NODES // S_TILES


NBUF = 8


def _gather_kernel(h_hbm, src_hbm, out_hbm, idx_v, bufs, h_sh, wsems):
    sid = lax.axis_index("s")
    wid = sid * 2 + lax.axis_index("c")
    base = wid * G_CH
    pltpu.sync_copy(src_hbm.at[pl.ds(base, G_CH)], idx_v)
    pltpu.sync_copy(h_hbm.at[pl.ds(sid * NT, NT)], h_sh.at[pl.ds(sid * NT, NT)])
    plsc.subcore_barrier()

    def body(g, _):
        for b in range(NBUF):
            j = g * NBUF + b
            dst = out_hbm.at[pl.ds((base + j) * CHUNK, CHUNK)]

            @pl.when(j >= NBUF)
            def _():
                pltpu.make_async_copy(bufs.at[b], dst, wsems.at[b]).wait()

            pltpu.sync_copy(h_sh.at[idx_v.at[j]], bufs.at[b])
            pltpu.async_copy(bufs.at[b], dst, wsems.at[b])
        return 0

    lax.fori_loop(0, G_CH // NBUF, body, 0)
    for b in range(NBUF):
        pltpu.make_async_copy(
            bufs.at[b], out_hbm.at[pl.ds(base * CHUNK, CHUNK)],
            wsems.at[b]).wait()


_sc_gather = functools.partial(
    pl.kernel,
    mesh=plsc.VectorSubcoreMesh(core_axis_name="c", subcore_axis_name="s"),
    compiler_params=pltpu.CompilerParams(use_tc_tiling_on_sc=False),
    out_type=jax.ShapeDtypeStruct((EP, HID), jnp.float32),
    scratch_types=[
        pltpu.VMEM((G_CH, CHUNK), jnp.int32),
        pltpu.VMEM((NBUF, CHUNK, HID), jnp.float32),
        pltpu.VMEM_SHARED((N_NODES, HID), jnp.float32),
        pltpu.SemaphoreType.DMA((NBUF,)),
    ],
)(_gather_kernel)


def _scatter_kernel(m_hbm, dst_hbm, h_hbm, bias_hbm, out_hbm,
                    idx_v, buf, acc_v, h_v, bias_v, agg_sh, msems):
    sid = lax.axis_index("s")
    pltpu.sync_copy(dst_hbm.at[pl.ds(sid * S_CH, S_CH)], idx_v)

    z16 = jnp.zeros((16,), jnp.float32)

    def zbody(i, _):
        acc_v[i, pl.ds(0, 16)] = z16
        acc_v[i, pl.ds(16, 16)] = z16
        return 0

    lax.fori_loop(0, NPT, zbody, 0)
    pltpu.sync_copy(acc_v, agg_sh.at[pl.ds(sid * NPT, NPT)])
    plsc.subcore_barrier()

    for b in range(NBUF):
        pltpu.async_copy(m_hbm.at[pl.ds((sid * S_CH + b) * CHUNK, CHUNK)],
                         buf.at[b], msems.at[b])

    def sbody(g, _):
        for b in range(NBUF):
            j = g * NBUF + b
            src = m_hbm.at[pl.ds((sid * S_CH + j) * CHUNK, CHUNK)]
            pltpu.make_async_copy(src, buf.at[b], msems.at[b]).wait()
            pltpu.sync_copy(buf.at[b], agg_sh.at[idx_v.at[j]], add=True)

            @pl.when(j + NBUF < S_CH)
            def _():
                pltpu.async_copy(
                    m_hbm.at[pl.ds((sid * S_CH + j + NBUF) * CHUNK, CHUNK)],
                    buf.at[b], msems.at[b])
        return 0

    lax.fori_loop(0, S_CH // NBUF, sbody, 0)
    plsc.subcore_barrier()

    pltpu.sync_copy(agg_sh.at[pl.ds(sid * NT, NT)], acc_v.at[pl.ds(0, NT)])
    pltpu.sync_copy(h_hbm.at[pl.ds(sid * NT, NT)], h_v)
    pltpu.sync_copy(bias_hbm, bias_v)
    b0 = bias_v[pl.ds(0, 16)]
    b1 = bias_v[pl.ds(16, 16)]

    def ubody(i, _):
        acc_v[i, pl.ds(0, 16)] = acc_v[i, pl.ds(0, 16)] + h_v[i, pl.ds(0, 16)] + b0
        acc_v[i, pl.ds(16, 16)] = acc_v[i, pl.ds(16, 16)] + h_v[i, pl.ds(16, 16)] + b1
        return 0

    lax.fori_loop(0, NT, ubody, 0)
    pltpu.sync_copy(acc_v.at[pl.ds(0, NT)], out_hbm.at[pl.ds(sid * NT, NT)])


_sc_scatter = functools.partial(
    pl.kernel,
    mesh=plsc.VectorSubcoreMesh(core_axis_name="c", subcore_axis_name="s",
                                num_cores=1),
    compiler_params=pltpu.CompilerParams(use_tc_tiling_on_sc=False),
    out_type=jax.ShapeDtypeStruct((N_NODES, HID), jnp.float32),
    scratch_types=[
        pltpu.VMEM((S_CH, CHUNK), jnp.int32),
        pltpu.VMEM((NBUF, CHUNK, HID), jnp.float32),
        pltpu.VMEM((NPT, HID), jnp.float32),
        pltpu.VMEM((NT, HID), jnp.float32),
        pltpu.VMEM((HID,), jnp.float32),
        pltpu.VMEM_SHARED((NP, HID), jnp.float32),
        pltpu.SemaphoreType.DMA((NBUF,)),
    ],
)(_scatter_kernel)


def _mm_body(hs_ref, ef_ref, wcat_ref, r_ref, s_ref, bmat_ref, out_ref):
    hsb = hs_ref[...].astype(jnp.bfloat16)
    u = jnp.dot(hsb, wcat_ref[...], preferred_element_type=jnp.float32)
    efrep = jnp.dot(ef_ref[...], r_ref[...], preferred_element_type=jnp.float32)
    v = (u * efrep).astype(jnp.bfloat16)
    out_ref[...] = (
        jnp.dot(v, s_ref[...], preferred_element_type=jnp.float32)
        + jnp.dot(hsb, bmat_ref[...], preferred_element_type=jnp.float32))


TE = 8192
TB = TE // 4


def _tc_matmul(hs4, ef4, wcat4, r4, s4, bmat4):
    return pl.pallas_call(
        _mm_body,
        grid=(EP // TE,),
        in_specs=[
            pl.BlockSpec((TB, 128), lambda i: (i, 0)),
            pl.BlockSpec((TB, 64), lambda i: (i, 0)),
            pl.BlockSpec((128, 2048), lambda i: (0, 0)),
            pl.BlockSpec((64, 2048), lambda i: (0, 0)),
            pl.BlockSpec((2048, 128), lambda i: (0, 0)),
            pl.BlockSpec((128, 128), lambda i: (0, 0)),
        ],
        out_specs=pl.BlockSpec((TB, 128), lambda i: (i, 0)),
        out_shape=jax.ShapeDtypeStruct((EP // 4, 128), jnp.float32),
    )(hs4, ef4, wcat4, r4, s4, bmat4)


def kernel(node_features, edge_index, initial_edge_features, W_ef, b_ef,
           bias0, bias1):
    E = initial_edge_features.shape[0]
    src = edge_index[0].astype(jnp.int32)
    dst = edge_index[1].astype(jnp.int32)
    src2d = jnp.pad(src, (0, EP - E)).reshape(EP // CHUNK, CHUNK)
    dst2d = jnp.pad(dst, (0, EP - E),
                    constant_values=N_NODES).reshape(EP // CHUNK, CHUNK)
    ef4 = jnp.pad(initial_edge_features.reshape(E // 4, 64),
                  ((0, (EP - E) // 4), (0, 0))).astype(jnp.bfloat16)
    wcat = W_ef.reshape(D_EDGE, HID, HID).transpose(1, 0, 2).reshape(HID, 512)
    eye_d = jnp.eye(D_EDGE, dtype=jnp.float32)
    eye_h = jnp.eye(HID, dtype=jnp.float32)
    eye4 = jnp.eye(4, dtype=jnp.float32)
    rmat = jnp.repeat(eye_d, HID, axis=1).reshape(D_EDGE, 512)
    smat = jnp.tile(eye_h, (D_EDGE, 1))
    bmat = b_ef.reshape(HID, HID)
    wcat4 = jnp.kron(eye4, wcat).astype(jnp.bfloat16)
    r4 = jnp.kron(eye4, rmat).astype(jnp.bfloat16)
    s4 = jnp.kron(eye4, smat).astype(jnp.bfloat16)
    bmat4 = jnp.kron(eye4, bmat).astype(jnp.bfloat16)

    h = node_features
    for bias in (bias0, bias1):
        hs = _sc_gather(h, src2d)
        m4 = _tc_matmul(hs.reshape(EP // 4, 128), ef4, wcat4, r4, s4, bmat4)
        h = _sc_scatter(m4.reshape(EP, HID), dst2d, h, bias)
    return h

# --- scband reference (transcript-rebuilt; emitter-appended) ---
"""Pipeline reference for scband-dglmessage-passing-network-88347477279351 (READ-ONLY COPY).

The authoritative reference and input builder live on the scoring server;
editing this copy changes nothing except your own understanding.
"""

import jax, jax.numpy as jnp
import numpy as np

HID = 32
D_EDGE = 16
N_NODES = 10000
N_EDGES = 160000
NUM_LAYERS = 2


def setup_inputs(seed: int = 0) -> dict:
    key = jax.random.key(seed)
    k1, k2, k3, k4, k5, k6, k7 = jax.random.split(key, 7)
    node_features = jax.random.normal(k1, (N_NODES, HID), dtype=jnp.float32)
    edge_index = jax.random.randint(k2, (2, N_EDGES), 0, N_NODES, dtype=jnp.int64)
    initial_edge_features = jax.random.normal(k3, (N_EDGES, D_EDGE), dtype=jnp.float32)
    # shared edge_func = nn.Linear(D_EDGE, HID*HID), shared across layers (same module instance)
    W_ef = jax.random.normal(k4, (D_EDGE, HID * HID), dtype=jnp.float32) * (1.0 / np.sqrt(D_EDGE))
    b_ef = jnp.zeros((HID * HID,), dtype=jnp.float32)
    # per-layer NNConv bias (DGL NNConv default bias=True); residual is Identity since in==out
    bias0 = jax.random.normal(k5, (HID,), dtype=jnp.float32) * 0.01
    bias1 = jax.random.normal(k6, (HID,), dtype=jnp.float32) * 0.01
    return {
        'node_features': node_features,
        'edge_index': edge_index,
        'initial_edge_features': initial_edge_features,
        'W_ef': W_ef,
        'b_ef': b_ef,
        'bias0': bias0,
        'bias1': bias1,
    }


def reference(node_features, edge_index, initial_edge_features, W_ef, b_ef, bias0, bias1):
    src = edge_index[0]
    dst = edge_index[1]
    E = initial_edge_features.shape[0]
    N = node_features.shape[0]
    # edge_func is the SAME module in every layer, and edge features are the
    # initial ones in every layer, so the per-edge weight matrices are identical
    # across layers; compute once (mathematically identical to per-layer recompute).
    ew = (initial_edge_features @ W_ef + b_ef).reshape(E, HID, HID)
    h = node_features
    for bias in (bias0, bias1):
        # NNConv 'sum' aggregator: m_e = h[src_e] @ W_e ; agg_v = sum_{e: dst_e = v} m_e
        h_src = jnp.take(h, src, axis=0)              # gather [E, HID]
        m = jnp.einsum('ei,eio->eo', h_src, ew)       # per-edge matvec [E, HID]
        agg = jax.ops.segment_sum(m, dst, num_segments=N)  # scatter-add [N, HID]
        h = agg + bias + h                            # bias + identity residual
    return h

if __name__ == "__main__":
    import jax
    _d = setup_inputs()
    print(jax.jit(kernel)(*tuple(_d.values())))

</pallas_src>

<mosaic_0001>
#map = affine_map<(d0, d1) -> (0, 0)>
#map1 = affine_map<(d0, d1) -> (0)>
module attributes {stable_mosaic.version = 14 : i64} {
  func.func @_scatter_kernel(%arg0: i32, %arg1: i32, %arg2: memref<163840x32xf32, #tpu.memory_space<hbm>>, %arg3: memref<1280x128xi32, #tpu.memory_space<hbm>>, %arg4: memref<10000x32xf32, #tpu.memory_space<hbm>>, %arg5: memref<32xf32, #tpu.memory_space<hbm>>, %arg6: memref<10000x32xf32, #tpu.memory_space<hbm>>, %arg7: memref<80x128xi32, #tpu.memory_space<vmem>>, %arg8: memref<8x128x32xf32, #tpu.memory_space<vmem>>, %arg9: memref<626x32xf32, #tpu.memory_space<vmem>>, %arg10: memref<625x32xf32, #tpu.memory_space<vmem>>, %arg11: memref<32xf32, #tpu.memory_space<vmem>>, %arg12: memref<10016x32xf32, #tpu.memory_space<vmem_shared>>, %arg13: memref<8x!tpu.dma_semaphore, #tpu.memory_space<semaphore_mem>>) attributes {dimension_semantics = [#tpu.dimension_semantics<core_parallel>, #tpu.dimension_semantics<subcore_parallel>], iteration_bounds = array<i64: 1, 16>, scalar_prefetch = 0 : i64, scratch_operands = 7 : i64, tpu.core_type = #tpu.core_type<sc_vector_subcore>, window_params = [{transform_indices = #map}, {transform_indices = #map}, {transform_indices = #map}, {transform_indices = #map1}, {transform_indices = #map}]} {
    %mul3A = arith.constant 80 : i32
    %mul3A_0 = arith.muli %arg1, %mul3A : i32
    "tpu.region"() ({
      %run_scoped3A = tpu.sem_alloc : memref<!tpu.dma_semaphore, #tpu.memory_space<semaphore_mem>>
      %dma_start3A_210 = arith.constant 0 : i32
      %dma_start3A_211 = tpu.memref_slice %arg3[%mul3A_0, %dma_start3A_210] : memref<1280x128xi32, #tpu.memory_space<hbm>> -> memref<80x128xi32, #tpu.memory_space<hbm>>
      %dma_start3A_212 = arith.constant 0 : i32
      %dma_start3A_213 = tpu.memref_slice %arg3[%mul3A_0, %dma_start3A_212] : memref<1280x128xi32, #tpu.memory_space<hbm>> -> memref<80x128xi32, #tpu.memory_space<hbm>>
      tpu.enqueue_dma source(%dma_start3A_213 : memref<80x128xi32, #tpu.memory_space<hbm>>) target(%arg7 : memref<80x128xi32, #tpu.memory_space<vmem>>) target_semaphore(%run_scoped3A : memref<!tpu.dma_semaphore, #tpu.memory_space<semaphore_mem>>)
      %dma_wait3A = arith.constant 0 : i32
      %dma_wait3A_214 = tpu.memref_slice %arg3[%mul3A_0, %dma_wait3A] : memref<1280x128xi32, #tpu.memory_space<hbm>> -> memref<80x128xi32, #tpu.memory_space<hbm>>
      %dma_wait3A_215 = arith.constant 0 : i32
      %dma_wait3A_216 = tpu.memref_slice %arg3[%mul3A_0, %dma_wait3A_215] : memref<1280x128xi32, #tpu.memory_space<hbm>> -> memref<80x128xi32, #tpu.memory_space<hbm>>
      tpu.wait_dma2 semaphore(%run_scoped3A : memref<!tpu.dma_semaphore, #tpu.memory_space<semaphore_mem>>) src(%dma_wait3A_216 : memref<80x128xi32, #tpu.memory_space<hbm>>) dst(%arg7 : memref<80x128xi32, #tpu.memory_space<vmem>>)
      tpu.yield
    }) : () -> ()
    %broadcast_in_dim3A = arith.constant 0.000000e+00 : f32
    %broadcast_in_dim3A_1 = vector.broadcast %broadcast_in_dim3A : f32 to vector<16xf32>
    %scan3A = arith.constant 0 : i32
    %scan3A_2 = arith.constant 0 : i32
    %scan3A_3 = arith.constant 626 : i32
    %scan3A_4 = arith.addi %scan3A_2, %scan3A_3 : i32
    %scan3A_5 = arith.constant 1 : i32
    %scan3A_6 = scf.for %scan3A_210 = %scan3A_2 to %scan3A_4 step %scan3A_5 iter_args(%scan3A_211 = %scan3A) -> (i32)  : i32 {
      %swap3A = arith.index_cast %scan3A_210 : i32 to index
      %swap3A_212 = arith.constant 0 : index
      %swap3A_213 = tpu.vector_load %arg9[%swap3A, %swap3A_212] {strides = array<i32>} : memref<626x32xf32, #tpu.memory_space<vmem>>, vector<1x16xf32>,
      %swap3A_214 = vector.shape_cast %swap3A_213 : vector<1x16xf32> to vector<16xf32>
      %swap3A_215 = vector.shape_cast %broadcast_in_dim3A_1 : vector<16xf32> to vector<1x16xf32>
      tpu.vector_store %arg9[%swap3A, %swap3A_212], %swap3A_215 {strides = array<i32>} : memref<626x32xf32, #tpu.memory_space<vmem>>, vector<1x16xf32>,
      %swap3A_216 = arith.index_cast %scan3A_210 : i32 to index
      %swap3A_217 = arith.constant 16 : index
      %swap3A_218 = tpu.vector_load %arg9[%swap3A_216, %swap3A_217] {strides = array<i32>} : memref<626x32xf32, #tpu.memory_space<vmem>>, vector<1x16xf32>,
      %swap3A_219 = vector.shape_cast %swap3A_218 : vector<1x16xf32> to vector<16xf32>
      %swap3A_220 = vector.shape_cast %broadcast_in_dim3A_1 : vector<16xf32> to vector<1x16xf32>
      tpu.vector_store %arg9[%swap3A_216, %swap3A_217], %swap3A_220 {strides = array<i32>} : memref<626x32xf32, #tpu.memory_space<vmem>>, vector<1x16xf32>,
      %scan3A_221 = arith.constant 0 : i32
      scf.yield %scan3A_221 : i32
    }
    %scan3A_7 = arith.constant 626 : i32
    %mul3A_8 = arith.constant 626 : i32
    %mul3A_9 = arith.muli %arg1, %mul3A_8 : i32
    "tpu.region"() ({
      %run_scoped3A = tpu.sem_alloc : memref<!tpu.dma_semaphore, #tpu.memory_space<semaphore_mem>>
      %dma_start3A_210 = arith.constant 0 : i32
      %dma_start3A_211 = tpu.memref_slice %arg12[%mul3A_9, %dma_start3A_210] : memref<10016x32xf32, #tpu.memory_space<vmem_shared>> -> memref<626x32xf32, #tpu.memory_space<vmem_shared>>
      %dma_start3A_212 = arith.constant 0 : i32
      %dma_start3A_213 = tpu.memref_slice %arg12[%mul3A_9, %dma_start3A_212] : memref<10016x32xf32, #tpu.memory_space<vmem_shared>> -> memref<626x32xf32, #tpu.memory_space<vmem_shared>>
      tpu.enqueue_dma source(%arg9 : memref<626x32xf32, #tpu.memory_space<vmem>>) target(%dma_start3A_213 : memref<626x32xf32, #tpu.memory_space<vmem_shared>>) target_semaphore(%run_scoped3A : memref<!tpu.dma_semaphore, #tpu.memory_space<semaphore_mem>>)
      %dma_wait3A = arith.constant 0 : i32
      %dma_wait3A_214 = tpu.memref_slice %arg12[%mul3A_9, %dma_wait3A] : memref<10016x32xf32, #tpu.memory_space<vmem_shared>> -> memref<626x32xf32, #tpu.memory_space<vmem_shared>>
      %dma_wait3A_215 = arith.constant 0 : i32
      %dma_wait3A_216 = tpu.memref_slice %arg12[%mul3A_9, %dma_wait3A_215] : memref<10016x32xf32, #tpu.memory_space<vmem_shared>> -> memref<626x32xf32, #tpu.memory_space<vmem_shared>>
      tpu.wait_dma2 semaphore(%run_scoped3A : memref<!tpu.dma_semaphore, #tpu.memory_space<semaphore_mem>>) src(%arg9 : memref<626x32xf32, #tpu.memory_space<vmem>>) dst(%dma_wait3A_216 : memref<626x32xf32, #tpu.memory_space<vmem_shared>>)
      tpu.yield
    }) : () -> ()
    %barrier3A = arith.constant 0 : index
    tpu.barrier barrier_id(%barrier3A)
    %mul3A_10 = arith.constant 80 : i32
    %mul3A_11 = arith.muli %arg1, %mul3A_10 : i32
    %add3A = arith.constant 0 : i32
    %add3A_12 = arith.addi %mul3A_11, %add3A : i32
    %mul3A_13 = arith.constant 128 : i32
    %mul3A_14 = arith.muli %add3A_12, %mul3A_13 : i32
    %dma_start3A = arith.constant 0 : i32
    %dma_start3A_15 = arith.constant 0 : i32
    %dma_start3A_16 = arith.constant 0 : i32
    %dma_start3A_17 = arith.constant 0 : i32
    %dma_start3A_18 = tpu.memref_slice %arg8[%dma_start3A, %dma_start3A_16, %dma_start3A_17] : memref<8x128x32xf32, #tpu.memory_space<vmem>> -> memref<1x128x32xf32, #tpu.memory_space<vmem>>
    %dma_start3A_19 = tpu.memref_squeeze %dma_start3A_18 : memref<1x128x32xf32, #tpu.memory_space<vmem>> -> memref<128x32xf32, #tpu.memory_space<vmem>>
    %dma_start3A_20 = arith.constant 0 : i32
    %dma_start3A_21 = tpu.memref_slice %arg2[%mul3A_14, %dma_start3A_20] : memref<163840x32xf32, #tpu.memory_space<hbm>> -> memref<128x32xf32, #tpu.memory_space<hbm>>
    %dma_start3A_22 = tpu.memref_slice %arg13[%dma_start3A_15] : memref<8x!tpu.dma_semaphore, #tpu.memory_space<semaphore_mem>> -> memref<1x!tpu.dma_semaphore, #tpu.memory_space<semaphore_mem>>
    %dma_start3A_23 = tpu.memref_squeeze %dma_start3A_22 : memref<1x!tpu.dma_semaphore, #tpu.memory_space<semaphore_mem>> -> memref<!tpu.dma_semaphore, #tpu.memory_space<semaphore_mem>>
    %dma_start3A_24 = arith.constant 0 : i32
    %dma_start3A_25 = arith.constant 0 : i32
    %dma_start3A_26 = tpu.memref_slice %arg8[%dma_start3A, %dma_start3A_24, %dma_start3A_25] : memref<8x128x32xf32, #tpu.memory_space<vmem>> -> memref<1x128x32xf32, #tpu.memory_space<vmem>>
    %dma_start3A_27 = tpu.memref_squeeze %dma_start3A_26 : memref<1x128x32xf32, #tpu.memory_space<vmem>> -> memref<128x32xf32, #tpu.memory_space<vmem>>
    %dma_start3A_28 = arith.constant 0 : i32
    %dma_start3A_29 = tpu.memref_slice %arg2[%mul3A_14, %dma_start3A_28] : memref<163840x32xf32, #tpu.memory_space<hbm>> -> memref<128x32xf32, #tpu.memory_space<hbm>>
    tpu.enqueue_dma source(%dma_start3A_29 : memref<128x32xf32, #tpu.memory_space<hbm>>) target(%dma_start3A_27 : memref<128x32xf32, #tpu.memory_space<vmem>>) target_semaphore(%dma_start3A_23 : memref<!tpu.dma_semaphore, #tpu.memory_space<semaphore_mem>>)
    %mul3A_30 = arith.constant 80 : i32
    %mul3A_31 = arith.muli %arg1, %mul3A_30 : i32
    %add3A_32 = arith.constant 1 : i32
    %add3A_33 = arith.addi %mul3A_31, %add3A_32 : i32
    %mul3A_34 = arith.constant 128 : i32
    %mul3A_35 = arith.muli %add3A_33, %mul3A_34 : i32
    %dma_start3A_36 = arith.constant 1 : i32
    %dma_start3A_37 = arith.constant 1 : i32
    %dma_start3A_38 = arith.constant 0 : i32
    %dma_start3A_39 = arith.constant 0 : i32
    %dma_start3A_40 = tpu.memref_slice %arg8[%dma_start3A_36, %dma_start3A_38, %dma_start3A_39] : memref<8x128x32xf32, #tpu.memory_space<vmem>> -> memref<1x128x32xf32, #tpu.memory_space<vmem>>
    %dma_start3A_41 = tpu.memref_squeeze %dma_start3A_40 : memref<1x128x32xf32, #tpu.memory_space<vmem>> -> memref<128x32xf32, #tpu.memory_space<vmem>>
    %dma_start3A_42 = arith.constant 0 : i32
    %dma_start3A_43 = tpu.memref_slice %arg2[%mul3A_35, %dma_start3A_42] : memref<163840x32xf32, #tpu.memory_space<hbm>> -> memref<128x32xf32, #tpu.memory_space<hbm>>
    %dma_start3A_44 = tpu.memref_slice %arg13[%dma_start3A_37] : memref<8x!tpu.dma_semaphore, #tpu.memory_space<semaphore_mem>> -> memref<1x!tpu.dma_semaphore, #tpu.memory_space<semaphore_mem>>
    %dma_start3A_45 = tpu.memref_squeeze %dma_start3A_44 : memref<1x!tpu.dma_semaphore, #tpu.memory_space<semaphore_mem>> -> memref<!tpu.dma_semaphore, #tpu.memory_space<semaphore_mem>>
    %dma_start3A_46 = arith.constant 0 : i32
    %dma_start3A_47 = arith.constant 0 : i32
    %dma_start3A_48 = tpu.memref_slice %arg8[%dma_start3A_36, %dma_start3A_46, %dma_start3A_47] : memref<8x128x32xf32, #tpu.memory_space<vmem>> -> memref<1x128x32xf32, #tpu.memory_space<vmem>>
    %dma_start3A_49 = tpu.memref_squeeze %dma_start3A_48 : memref<1x128x32xf32, #tpu.memory_space<vmem>> -> memref<128x32xf32, #tpu.memory_space<vmem>>
    %dma_start3A_50 = arith.constant 0 : i32
    %dma_start3A_51 = tpu.memref_slice %arg2[%mul3A_35, %dma_start3A_50] : memref<163840x32xf32, #tpu.memory_space<hbm>> -> memref<128x32xf32, #tpu.memory_space<hbm>>
    tpu.enqueue_dma source(%dma_start3A_51 : memref<128x32xf32, #tpu.memory_space<hbm>>) target(%dma_start3A_49 : memref<128x32xf32, #tpu.memory_space<vmem>>) target_semaphore(%dma_start3A_45 : memref<!tpu.dma_semaphore, #tpu.memory_space<semaphore_mem>>)
    %mul3A_52 = arith.constant 80 : i32
    %mul3A_53 = arith.muli %arg1, %mul3A_52 : i32
    %add3A_54 = arith.constant 2 : i32
    %add3A_55 = arith.addi %mul3A_53, %add3A_54 : i32
    %mul3A_56 = arith.constant 128 : i32
    %mul3A_57 = arith.muli %add3A_55, %mul3A_56 : i32
    %dma_start3A_58 = arith.constant 2 : i32
    %dma_start3A_59 = arith.constant 2 : i32
    %dma_start3A_60 = arith.constant 0 : i32
    %dma_start3A_61 = arith.constant 0 : i32
    %dma_start3A_62 = tpu.memref_slice %arg8[%dma_start3A_58, %dma_start3A_60, %dma_start3A_61] : memref<8x128x32xf32, #tpu.memory_space<vmem>> -> memref<1x128x32xf32, #tpu.memory_space<vmem>>
    %dma_start3A_63 = tpu.memref_squeeze %dma_start3A_62 : memref<1x128x32xf32, #tpu.memory_space<vmem>> -> memref<128x32xf32, #tpu.memory_space<vmem>>
    %dma_start3A_64 = arith.constant 0 : i32
    %dma_start3A_65 = tpu.memref_slice %arg2[%mul3A_57, %dma_start3A_64] : memref<163840x32xf32, #tpu.memory_space<hbm>> -> memref<128x32xf32, #tpu.memory_space<hbm>>
    %dma_start3A_66 = tpu.memref_slice %arg13[%dma_start3A_59] : memref<8x!tpu.dma_semaphore, #tpu.memory_space<semaphore_mem>> -> memref<1x!tpu.dma_semaphore, #tpu.memory_space<semaphore_mem>>
    %dma_start3A_67 = tpu.memref_squeeze %dma_start3A_66 : memref<1x!tpu.dma_semaphore, #tpu.memory_space<semaphore_mem>> -> memref<!tpu.dma_semaphore, #tpu.memory_space<semaphore_mem>>
    %dma_start3A_68 = arith.constant 0 : i32
    %dma_start3A_69 = arith.constant 0 : i32
    %dma_start3A_70 = tpu.memref_slice %arg8[%dma_start3A_58, %dma_start3A_68, %dma_start3A_69] : memref<8x128x32xf32, #tpu.memory_space<vmem>> -> memref<1x128x32xf32, #tpu.memory_space<vmem>>
    %dma_start3A_71 = tpu.memref_squeeze %dma_start3A_70 : memref<1x128x32xf32, #tpu.memory_space<vmem>> -> memref<128x32xf32, #tpu.memory_space<vmem>>
    %dma_start3A_72 = arith.constant 0 : i32
    %dma_start3A_73 = tpu.memref_slice %arg2[%mul3A_57, %dma_start3A_72] : memref<163840x32xf32, #tpu.memory_space<hbm>> -> memref<128x32xf32, #tpu.memory_space<hbm>>
    tpu.enqueue_dma source(%dma_start3A_73 : memref<128x32xf32, #tpu.memory_space<hbm>>) target(%dma_start3A_71 : memref<128x32xf32, #tpu.memory_space<vmem>>) target_semaphore(%dma_start3A_67 : memref<!tpu.dma_semaphore, #tpu.memory_space<semaphore_mem>>)
    %mul3A_74 = arith.constant 80 : i32
    %mul3A_75 = arith.muli %arg1, %mul3A_74 : i32
    %add3A_76 = arith.constant 3 : i32
    %add3A_77 = arith.addi %mul3A_75, %add3A_76 : i32
    %mul3A_78 = arith.constant 128 : i32
    %mul3A_79 = arith.muli %add3A_77, %mul3A_78 : i32
    %dma_start3A_80 = arith.constant 3 : i32
    %dma_start3A_81 = arith.constant 3 : i32
    %dma_start3A_82 = arith.constant 0 : i32
    %dma_start3A_83 = arith.constant 0 : i32
    %dma_start3A_84 = tpu.memref_slice %arg8[%dma_start3A_80, %dma_start3A_82, %dma_start3A_83] : memref<8x128x32xf32, #tpu.memory_space<vmem>> -> memref<1x128x32xf32, #tpu.memory_space<vmem>>
    %dma_start3A_85 = tpu.memref_squeeze %dma_start3A_84 : memref<1x128x32xf32, #tpu.memory_space<vmem>> -> memref<128x32xf32, #tpu.memory_space<vmem>>
    %dma_start3A_86 = arith.constant 0 : i32
    %dma_start3A_87 = tpu.memref_slice %arg2[%mul3A_79, %dma_start3A_86] : memref<163840x32xf32, #tpu.memory_space<hbm>> -> memref<128x32xf32, #tpu.memory_space<hbm>>
    %dma_start3A_88 = tpu.memref_slice %arg13[%dma_start3A_81] : memref<8x!tpu.dma_semaphore, #tpu.memory_space<semaphore_mem>> -> memref<1x!tpu.dma_semaphore, #tpu.memory_space<semaphore_mem>>
    %dma_start3A_89 = tpu.memref_squeeze %dma_start3A_88 : memref<1x!tpu.dma_semaphore, #tpu.memory_space<semaphore_mem>> -> memref<!tpu.dma_semaphore, #tpu.memory_space<semaphore_mem>>
    %dma_start3A_90 = arith.constant 0 : i32
    %dma_start3A_91 = arith.constant 0 : i32
    %dma_start3A_92 = tpu.memref_slice %arg8[%dma_start3A_80, %dma_start3A_90, %dma_start3A_91] : memref<8x128x32xf32, #tpu.memory_space<vmem>> -> memref<1x128x32xf32, #tpu.memory_space<vmem>>
    %dma_start3A_93 = tpu.memref_squeeze %dma_start3A_92 : memref<1x128x32xf32, #tpu.memory_space<vmem>> -> memref<128x32xf32, #tpu.memory_space<vmem>>
    %dma_start3A_94 = arith.constant 0 : i32
    %dma_start3A_95 = tpu.memref_slice %arg2[%mul3A_79, %dma_start3A_94] : memref<163840x32xf32, #tpu.memory_space<hbm>> -> memref<128x32xf32, #tpu.memory_space<hbm>>
    tpu.enqueue_dma source(%dma_start3A_95 : memref<128x32xf32, #tpu.memory_space<hbm>>) target(%dma_start3A_93 : memref<128x32xf32, #tpu.memory_space<vmem>>) target_semaphore(%dma_start3A_89 : memref<!tpu.dma_semaphore, #tpu.memory_space<semaphore_mem>>)
    %mul3A_96 = arith.constant 80 : i32
    %mul3A_97 = arith.muli %arg1, %mul3A_96 : i32
    %add3A_98 = arith.constant 4 : i32
    %add3A_99 = arith.addi %mul3A_97, %add3A_98 : i32
    %mul3A_100 = arith.constant 128 : i32
    %mul3A_101 = arith.muli %add3A_99, %mul3A_100 : i32
    %dma_start3A_102 = arith.constant 4 : i32
    %dma_start3A_103 = arith.constant 4 : i32
    %dma_start3A_104 = arith.constant 0 : i32
    %dma_start3A_105 = arith.constant 0 : i32
    %dma_start3A_106 = tpu.memref_slice %arg8[%dma_start3A_102, %dma_start3A_104, %dma_start3A_105] : memref<8x128x32xf32, #tpu.memory_space<vmem>> -> memref<1x128x32xf32, #tpu.memory_space<vmem>>
    %dma_start3A_107 = tpu.memref_squeeze %dma_start3A_106 : memref<1x128x32xf32, #tpu.memory_space<vmem>> -> memref<128x32xf32, #tpu.memory_space<vmem>>
    %dma_start3A_108 = arith.constant 0 : i32
    %dma_start3A_109 = tpu.memref_slice %arg2[%mul3A_101, %dma_start3A_108] : memref<163840x32xf32, #tpu.memory_space<hbm>> -> memref<128x32xf32, #tpu.memory_space<hbm>>
    %dma_start3A_110 = tpu.memref_slice %arg13[%dma_start3A_103] : memref<8x!tpu.dma_semaphore, #tpu.memory_space<semaphore_mem>> -> memref<1x!tpu.dma_semaphore, #tpu.memory_space<semaphore_mem>>
    %dma_start3A_111 = tpu.memref_squeeze %dma_start3A_110 : memref<1x!tpu.dma_semaphore, #tpu.memory_space<semaphore_mem>> -> memref<!tpu.dma_semaphore, #tpu.memory_space<semaphore_mem>>
    %dma_start3A_112 = arith.constant 0 : i32
    %dma_start3A_113 = arith.constant 0 : i32
    %dma_start3A_114 = tpu.memref_slice %arg8[%dma_start3A_102, %dma_start3A_112, %dma_start3A_113] : memref<8x128x32xf32, #tpu.memory_space<vmem>> -> memref<1x128x32xf32, #tpu.memory_space<vmem>>
    %dma_start3A_115 = tpu.memref_squeeze %dma_start3A_114 : memref<1x128x32xf32, #tpu.memory_space<vmem>> -> memref<128x32xf32, #tpu.memory_space<vmem>>
    %dma_start3A_116 = arith.constant 0 : i32
    %dma_start3A_117 = tpu.memref_slice %arg2[%mul3A_101, %dma_start3A_116] : memref<163840x32xf32, #tpu.memory_space<hbm>> -> memref<128x32xf32, #tpu.memory_space<hbm>>
    tpu.enqueue_dma source(%dma_start3A_117 : memref<128x32xf32, #tpu.memory_space<hbm>>) target(%dma_start3A_115 : memref<128x32xf32, #tpu.memory_space<vmem>>) target_semaphore(%dma_start3A_111 : memref<!tpu.dma_semaphore, #tpu.memory_space<semaphore_mem>>)
    %mul3A_118 = arith.constant 80 : i32
    %mul3A_119 = arith.muli %arg1, %mul3A_118 : i32
    %add3A_120 = arith.constant 5 : i32
    %add3A_121 = arith.addi %mul3A_119, %add3A_120 : i32
    %mul3A_122 = arith.constant 128 : i32
    %mul3A_123 = arith.muli %add3A_121, %mul3A_122 : i32
    %dma_start3A_124 = arith.constant 5 : i32
    %dma_start3A_125 = arith.constant 5 : i32
    %dma_start3A_126 = arith.constant 0 : i32
    %dma_start3A_127 = arith.constant 0 : i32
    %dma_start3A_128 = tpu.memref_slice %arg8[%dma_start3A_124, %dma_start3A_126, %dma_start3A_127] : memref<8x128x32xf32, #tpu.memory_space<vmem>> -> memref<1x128x32xf32, #tpu.memory_space<vmem>>
    %dma_start3A_129 = tpu.memref_squeeze %dma_start3A_128 : memref<1x128x32xf32, #tpu.memory_space<vmem>> -> memref<128x32xf32, #tpu.memory_space<vmem>>
    %dma_start3A_130 = arith.constant 0 : i32
    %dma_start3A_131 = tpu.memref_slice %arg2[%mul3A_123, %dma_start3A_130] : memref<163840x32xf32, #tpu.memory_space<hbm>> -> memref<128x32xf32, #tpu.memory_space<hbm>>
    %dma_start3A_132 = tpu.memref_slice %arg13[%dma_start3A_125] : memref<8x!tpu.dma_semaphore, #tpu.memory_space<semaphore_mem>> -> memref<1x!tpu.dma_semaphore, #tpu.memory_space<semaphore_mem>>
    %dma_start3A_133 = tpu.memref_squeeze %dma_start3A_132 : memref<1x!tpu.dma_semaphore, #tpu.memory_space<semaphore_mem>> -> memref<!tpu.dma_semaphore, #tpu.memory_space<semaphore_mem>>
    %dma_start3A_134 = arith.constant 0 : i32
    %dma_start3A_135 = arith.constant 0 : i32
    %dma_start3A_136 = tpu.memref_slice %arg8[%dma_start3A_124, %dma_start3A_134, %dma_start3A_135] : memref<8x128x32xf32, #tpu.memory_space<vmem>> -> memref<1x128x32xf32, #tpu.memory_space<vmem>>
    %dma_start3A_137 = tpu.memref_squeeze %dma_start3A_136 : memref<1x128x32xf32, #tpu.memory_space<vmem>> -> memref<128x32xf32, #tpu.memory_space<vmem>>
    %dma_start3A_138 = arith.constant 0 : i32
    %dma_start3A_139 = tpu.memref_slice %arg2[%mul3A_123, %dma_start3A_138] : memref<163840x32xf32, #tpu.memory_space<hbm>> -> memref<128x32xf32, #tpu.memory_space<hbm>>
    tpu.enqueue_dma source(%dma_start3A_139 : memref<128x32xf32, #tpu.memory_space<hbm>>) target(%dma_start3A_137 : memref<128x32xf32, #tpu.memory_space<vmem>>) target_semaphore(%dma_start3A_133 : memref<!tpu.dma_semaphore, #tpu.memory_space<semaphore_mem>>)
    %mul3A_140 = arith.constant 80 : i32
    %mul3A_141 = arith.muli %arg1, %mul3A_140 : i32
    %add3A_142 = arith.constant 6 : i32
    %add3A_143 = arith.addi %mul3A_141, %add3A_142 : i32
    %mul3A_144 = arith.constant 128 : i32
    %mul3A_145 = arith.muli %add3A_143, %mul3A_144 : i32
    %dma_start3A_146 = arith.constant 6 : i32
    %dma_start3A_147 = arith.constant 6 : i32
    %dma_start3A_148 = arith.constant 0 : i32
    %dma_start3A_149 = arith.constant 0 : i32
    %dma_start3A_150 = tpu.memref_slice %arg8[%dma_start3A_146, %dma_start3A_148, %dma_start3A_149] : memref<8x128x32xf32, #tpu.memory_space<vmem>> -> memref<1x128x32xf32, #tpu.memory_space<vmem>>
    %dma_start3A_151 = tpu.memref_squeeze %dma_start3A_150 : memref<1x128x32xf32, #tpu.memory_space<vmem>> -> memref<128x32xf32, #tpu.memory_space<vmem>>
    %dma_start3A_152 = arith.constant 0 : i32
    %dma_start3A_153 = tpu.memref_slice %arg2[%mul3A_145, %dma_start3A_152] : memref<163840x32xf32, #tpu.memory_space<hbm>> -> memref<128x32xf32, #tpu.memory_space<hbm>>
    %dma_start3A_154 = tpu.memref_slice %arg13[%dma_start3A_147] : memref<8x!tpu.dma_semaphore, #tpu.memory_space<semaphore_mem>> -> memref<1x!tpu.dma_semaphore, #tpu.memory_space<semaphore_mem>>
    %dma_start3A_155 = tpu.memref_squeeze %dma_start3A_154 : memref<1x!tpu.dma_semaphore, #tpu.memory_space<semaphore_mem>> -> memref<!tpu.dma_semaphore, #tpu.memory_space<semaphore_mem>>
    %dma_start3A_156 = arith.constant 0 : i32
    %dma_start3A_157 = arith.constant 0 : i32
    %dma_start3A_158 = tpu.memref_slice %arg8[%dma_start3A_146, %dma_start3A_156, %dma_start3A_157] : memref<8x128x32xf32, #tpu.memory_space<vmem>> -> memref<1x128x32xf32, #tpu.memory_space<vmem>>
    %dma_start3A_159 = tpu.memref_squeeze %dma_start3A_158 : memref<1x128x32xf32, #tpu.memory_space<vmem>> -> memref<128x32xf32, #tpu.memory_space<vmem>>
    %dma_start3A_160 = arith.constant 0 : i32
    %dma_start3A_161 = tpu.memref_slice %arg2[%mul3A_145, %dma_start3A_160] : memref<163840x32xf32, #tpu.memory_space<hbm>> -> memref<128x32xf32, #tpu.memory_space<hbm>>
    tpu.enqueue_dma source(%dma_start3A_161 : memref<128x32xf32, #tpu.memory_space<hbm>>) target(%dma_start3A_159 : memref<128x32xf32, #tpu.memory_space<vmem>>) target_semaphore(%dma_start3A_155 : memref<!tpu.dma_semaphore, #tpu.memory_space<semaphore_mem>>)
    %mul3A_162 = arith.constant 80 : i32
    %mul3A_163 = arith.muli %arg1, %mul3A_162 : i32
    %add3A_164 = arith.constant 7 : i32
    %add3A_165 = arith.addi %mul3A_163, %add3A_164 : i32
    %mul3A_166 = arith.constant 128 : i32
    %mul3A_167 = arith.muli %add3A_165, %mul3A_166 : i32
    %dma_start3A_168 = arith.constant 7 : i32
    %dma_start3A_169 = arith.constant 7 : i32
    %dma_start3A_170 = arith.constant 0 : i32
    %dma_start3A_171 = arith.constant 0 : i32
    %dma_start3A_172 = tpu.memref_slice %arg8[%dma_start3A_168, %dma_start3A_170, %dma_start3A_171] : memref<8x128x32xf32, #tpu.memory_space<vmem>> -> memref<1x128x32xf32, #tpu.memory_space<vmem>>
    %dma_start3A_173 = tpu.memref_squeeze %dma_start3A_172 : memref<1x128x32xf32, #tpu.memory_space<vmem>> -> memref<128x32xf32, #tpu.memory_space<vmem>>
    %dma_start3A_174 = arith.constant 0 : i32
    %dma_start3A_175 = tpu.memref_slice %arg2[%mul3A_167, %dma_start3A_174] : memref<163840x32xf32, #tpu.memory_space<hbm>> -> memref<128x32xf32, #tpu.memory_space<hbm>>
    %dma_start3A_176 = tpu.memref_slice %arg13[%dma_start3A_169] : memref<8x!tpu.dma_semaphore, #tpu.memory_space<semaphore_mem>> -> memref<1x!tpu.dma_semaphore, #tpu.memory_space<semaphore_mem>>
    %dma_start3A_177 = tpu.memref_squeeze %dma_start3A_176 : memref<1x!tpu.dma_semaphore, #tpu.memory_space<semaphore_mem>> -> memref<!tpu.dma_semaphore, #tpu.memory_space<semaphore_mem>>
    %dma_start3A_178 = arith.constant 0 : i32
    %dma_start3A_179 = arith.constant 0 : i32
    %dma_start3A_180 = tpu.memref_slice %arg8[%dma_start3A_168, %dma_start3A_178, %dma_start3A_179] : memref<8x128x32xf32, #tpu.memory_space<vmem>> -> memref<1x128x32xf32, #tpu.memory_space<vmem>>
    %dma_start3A_181 = tpu.memref_squeeze %dma_start3A_180 : memref<1x128x32xf32, #tpu.memory_space<vmem>> -> memref<128x32xf32, #tpu.memory_space<vmem>>
    %dma_start3A_182 = arith.constant 0 : i32
    %dma_start3A_183 = tpu.memref_slice %arg2[%mul3A_167, %dma_start3A_182] : memref<163840x32xf32, #tpu.memory_space<hbm>> -> memref<128x32xf32, #tpu.memory_space<hbm>>
    tpu.enqueue_dma source(%dma_start3A_183 : memref<128x32xf32, #tpu.memory_space<hbm>>) target(%dma_start3A_181 : memref<128x32xf32, #tpu.memory_space<vmem>>) target_semaphore(%dma_start3A_177 : memref<!tpu.dma_semaphore, #tpu.memory_space<semaphore_mem>>)
    %scan3A_184 = arith.constant 0 : i32
    %scan3A_185 = arith.constant 0 : i32
    %scan3A_186 = arith.constant 10 : i32
    %scan3A_187 = arith.addi %scan3A_185, %scan3A_186 : i32
    %scan3A_188 = arith.constant 1 : i32
    %scan3A_189 = scf.for %scan3A_210 = %scan3A_185 to %scan3A_187 step %scan3A_188 iter_args(%scan3A_211 = %scan3A_184) -> (i32)  : i32 {
      %mul3A_212 = arith.constant 8 : i32
      %mul3A_213 = arith.muli %scan3A_210, %mul3A_212 : i32
      %add3A_214 = arith.constant 0 : i32
      %add3A_215 = arith.addi %mul3A_213, %add3A_214 : i32
      %mul3A_216 = arith.constant 80 : i32
      %mul3A_217 = arith.muli %arg1, %mul3A_216 : i32
      %add3A_218 = arith.addi %mul3A_217, %add3A_215 : i32
      %mul3A_219 = arith.constant 128 : i32
      %mul3A_220 = arith.muli %add3A_218, %mul3A_219 : i32
      %dma_wait3A = arith.constant 0 : i32
      %dma_wait3A_221 = arith.constant 0 : i32
      %dma_wait3A_222 = arith.constant 0 : i32
      %dma_wait3A_223 = arith.constant 0 : i32
      %dma_wait3A_224 = tpu.memref_slice %arg8[%dma_wait3A, %dma_wait3A_222, %dma_wait3A_223] : memref<8x128x32xf32, #tpu.memory_space<vmem>> -> memref<1x128x32xf32, #tpu.memory_space<vmem>>
      %dma_wait3A_225 = tpu.memref_squeeze %dma_wait3A_224 : memref<1x128x32xf32, #tpu.memory_space<vmem>> -> memref<128x32xf32, #tpu.memory_space<vmem>>
      %dma_wait3A_226 = arith.constant 0 : i32
      %dma_wait3A_227 = tpu.memref_slice %arg2[%mul3A_220, %dma_wait3A_226] : memref<163840x32xf32, #tpu.memory_space<hbm>> -> memref<128x32xf32, #tpu.memory_space<hbm>>
      %dma_wait3A_228 = tpu.memref_slice %arg13[%dma_wait3A_221] : memref<8x!tpu.dma_semaphore, #tpu.memory_space<semaphore_mem>> -> memref<1x!tpu.dma_semaphore, #tpu.memory_space<semaphore_mem>>
      %dma_wait3A_229 = tpu.memref_squeeze %dma_wait3A_228 : memref<1x!tpu.dma_semaphore, #tpu.memory_space<semaphore_mem>> -> memref<!tpu.dma_semaphore, #tpu.memory_space<semaphore_mem>>
      %dma_wait3A_230 = arith.constant 0 : i32
      %dma_wait3A_231 = arith.constant 0 : i32
      %dma_wait3A_232 = tpu.memref_slice %arg8[%dma_wait3A, %dma_wait3A_230, %dma_wait3A_231] : memref<8x128x32xf32, #tpu.memory_space<vmem>> -> memref<1x128x32xf32, #tpu.memory_space<vmem>>
      %dma_wait3A_233 = tpu.memref_squeeze %dma_wait3A_232 : memref<1x128x32xf32, #tpu.memory_space<vmem>> -> memref<128x32xf32, #tpu.memory_space<vmem>>
      %dma_wait3A_234 = arith.constant 0 : i32
      %dma_wait3A_235 = tpu.memref_slice %arg2[%mul3A_220, %dma_wait3A_234] : memref<163840x32xf32, #tpu.memory_space<hbm>> -> memref<128x32xf32, #tpu.memory_space<hbm>>
      tpu.wait_dma2 semaphore(%dma_wait3A_229 : memref<!tpu.dma_semaphore, #tpu.memory_space<semaphore_mem>>) src(%dma_wait3A_235 : memref<128x32xf32, #tpu.memory_space<hbm>>) dst(%dma_wait3A_233 : memref<128x32xf32, #tpu.memory_space<vmem>>)
      %run_scoped3A = arith.constant 0 : i32
      "tpu.region"() ({
        %run_scoped3A_472 = tpu.sem_alloc : memref<!tpu.dma_semaphore, #tpu.memory_space<semaphore_mem>>
        %dma_start3A_473 = arith.constant 0 : i32
        %dma_start3A_474 = arith.constant 0 : i32
        %dma_start3A_475 = tpu.memref_slice %arg8[%run_scoped3A, %dma_start3A_473, %dma_start3A_474] : memref<8x128x32xf32, #tpu.memory_space<vmem>> -> memref<1x128x32xf32, #tpu.memory_space<vmem>>
        %dma_start3A_476 = tpu.memref_squeeze %dma_start3A_475 : memref<1x128x32xf32, #tpu.memory_space<vmem>> -> memref<128x32xf32, #tpu.memory_space<vmem>>
        %dma_start3A_477 = arith.constant 0 : i32
        %dma_start3A_478 = tpu.memref_slice %arg7[%add3A_215, %dma_start3A_477] : memref<80x128xi32, #tpu.memory_space<vmem>> -> memref<1x128xi32, #tpu.memory_space<vmem>>
        %dma_start3A_479 = tpu.memref_squeeze %dma_start3A_478 : memref<1x128xi32, #tpu.memory_space<vmem>> -> memref<128xi32, #tpu.memory_space<vmem>>
        %dma_start3A_480 = arith.constant 0 : i32
        %dma_start3A_481 = arith.constant 0 : i32
        %dma_start3A_482 = tpu.memref_slice %arg12[%dma_start3A_480, %dma_start3A_481] : memref<10016x32xf32, #tpu.memory_space<vmem_shared>> -> memref<10016x32xf32, #tpu.memory_space<vmem_shared>>
        tpu.enqueue_indirect_dma source(%dma_start3A_476 : memref<128x32xf32, #tpu.memory_space<vmem>>) target(%dma_start3A_482 : memref<10016x32xf32, #tpu.memory_space<vmem_shared>>) offsets(%dma_start3A_479 : memref<128xi32, #tpu.memory_space<vmem>>) semaphore(%run_scoped3A_472 : memref<!tpu.dma_semaphore, #tpu.memory_space<semaphore_mem>>) {add = true}
        %dma_wait3A_483 = arith.constant 0 : i32
        %dma_wait3A_484 = arith.constant 0 : i32
        %dma_wait3A_485 = tpu.memref_slice %arg8[%run_scoped3A, %dma_wait3A_483, %dma_wait3A_484] : memref<8x128x32xf32, #tpu.memory_space<vmem>> -> memref<1x128x32xf32, #tpu.memory_space<vmem>>
        %dma_wait3A_486 = tpu.memref_squeeze %dma_wait3A_485 : memref<1x128x32xf32, #tpu.memory_space<vmem>> -> memref<128x32xf32, #tpu.memory_space<vmem>>
        %dma_wait3A_487 = arith.constant 0 : i32
        %dma_wait3A_488 = tpu.memref_slice %arg7[%add3A_215, %dma_wait3A_487] : memref<80x128xi32, #tpu.memory_space<vmem>> -> memref<1x128xi32, #tpu.memory_space<vmem>>
        %dma_wait3A_489 = tpu.memref_squeeze %dma_wait3A_488 : memref<1x128xi32, #tpu.memory_space<vmem>> -> memref<128xi32, #tpu.memory_space<vmem>>
        %dma_wait3A_490 = arith.constant 0 : i32
        %dma_wait3A_491 = arith.constant 0 : i32
        %dma_wait3A_492 = tpu.memref_slice %arg12[%dma_wait3A_490, %dma_wait3A_491] : memref<10016x32xf32, #tpu.memory_space<vmem_shared>> -> memref<10016x32xf32, #tpu.memory_space<vmem_shared>>
        tpu.wait_indirect_dma semaphore(%run_scoped3A_472 : memref<!tpu.dma_semaphore, #tpu.memory_space<semaphore_mem>>) src(%dma_wait3A_486 : memref<128x32xf32, #tpu.memory_space<vmem>>) dst(%dma_wait3A_492 : memref<10016x32xf32, #tpu.memory_space<vmem_shared>>)
        tpu.yield
      }) : () -> ()
      %add3A_236 = arith.constant 8 : i32
      %add3A_237 = arith.addi %add3A_215, %add3A_236 : i32
      %lt3A = arith.constant 80 : i32
      %lt3A_238 = arith.cmpi slt, %add3A_237, %lt3A : i32
      %convert_element_type3A = arith.extui %lt3A_238 : i1 to i32
      %cond3A = arith.constant 0 : i32
      %cond3A_239 = arith.cmpi ne, %convert_element_type3A, %cond3A : i32
      scf.if %cond3A_239 {
        %mul3A_472 = arith.constant 80 : i32
        %mul3A_473 = arith.muli %arg1, %mul3A_472 : i32
        %add3A_474 = arith.addi %mul3A_473, %add3A_215 : i32
        %add3A_475 = arith.constant 8 : i32
        %add3A_476 = arith.addi %add3A_474, %add3A_475 : i32
        %mul3A_477 = arith.constant 128 : i32
        %mul3A_478 = arith.muli %add3A_476, %mul3A_477 : i32
        %dma_start3A_479 = arith.constant 0 : i32
        %dma_start3A_480 = arith.constant 0 : i32
        %dma_start3A_481 = arith.constant 0 : i32
        %dma_start3A_482 = arith.constant 0 : i32
        %dma_start3A_483 = tpu.memref_slice %arg8[%dma_start3A_479, %dma_start3A_481, %dma_start3A_482] : memref<8x128x32xf32, #tpu.memory_space<vmem>> -> memref<1x128x32xf32, #tpu.memory_space<vmem>>
        %dma_start3A_484 = tpu.memref_squeeze %dma_start3A_483 : memref<1x128x32xf32, #tpu.memory_space<vmem>> -> memref<128x32xf32, #tpu.memory_space<vmem>>
        %dma_start3A_485 = arith.constant 0 : i32
        %dma_start3A_486 = tpu.memref_slice %arg2[%mul3A_478, %dma_start3A_485] : memref<163840x32xf32, #tpu.memory_space<hbm>> -> memref<128x32xf32, #tpu.memory_space<hbm>>
        %dma_start3A_487 = tpu.memref_slice %arg13[%dma_start3A_480] : memref<8x!tpu.dma_semaphore, #tpu.memory_space<semaphore_mem>> -> memref<1x!tpu.dma_semaphore, #tpu.memory_space<semaphore_mem>>
        %dma_start3A_488 = tpu.memref_squeeze %dma_start3A_487 : memref<1x!tpu.dma_semaphore, #tpu.memory_space<semaphore_mem>> -> memref<!tpu.dma_semaphore, #tpu.memory_space<semaphore_mem>>
        %dma_start3A_489 = arith.constant 0 : i32
        %dma_start3A_490 = arith.constant 0 : i32
        %dma_start3A_491 = tpu.memref_slice %arg8[%dma_start3A_479, %dma_start3A_489, %dma_start3A_490] : memref<8x128x32xf32, #tpu.memory_space<vmem>> -> memref<1x128x32xf32, #tpu.memory_space<vmem>>
        %dma_start3A_492 = tpu.memref_squeeze %dma_start3A_491 : memref<1x128x32xf32, #tpu.memory_space<vmem>> -> memref<128x32xf32, #tpu.memory_space<vmem>>
        %dma_start3A_493 = arith.constant 0 : i32
        %dma_start3A_494 = tpu.memref_slice %arg2[%mul3A_478, %dma_start3A_493] : memref<163840x32xf32, #tpu.memory_space<hbm>> -> memref<128x32xf32, #tpu.memory_space<hbm>>
        tpu.enqueue_dma source(%dma_start3A_494 : memref<128x32xf32, #tpu.memory_space<hbm>>) target(%dma_start3A_492 : memref<128x32xf32, #tpu.memory_space<vmem>>) target_semaphore(%dma_start3A_488 : memref<!tpu.dma_semaphore, #tpu.memory_space<semaphore_mem>>)
      } else {
      }
      %mul3A_240 = arith.constant 8 : i32
      %mul3A_241 = arith.muli %scan3A_210, %mul3A_240 : i32
      %add3A_242 = arith.constant 1 : i32
      %add3A_243 = arith.addi %mul3A_241, %add3A_242 : i32
      %mul3A_244 = arith.constant 80 : i32
      %mul3A_245 = arith.muli %arg1, %mul3A_244 : i32
      %add3A_246 = arith.addi %mul3A_245, %add3A_243 : i32
      %mul3A_247 = arith.constant 128 : i32
      %mul3A_248 = arith.muli %add3A_246, %mul3A_247 : i32
      %dma_wait3A_249 = arith.constant 1 : i32
      %dma_wait3A_250 = arith.constant 1 : i32
      %dma_wait3A_251 = arith.constant 0 : i32
      %dma_wait3A_252 = arith.constant 0 : i32
      %dma_wait3A_253 = tpu.memref_slice %arg8[%dma_wait3A_249, %dma_wait3A_251, %dma_wait3A_252] : memref<8x128x32xf32, #tpu.memory_space<vmem>> -> memref<1x128x32xf32, #tpu.memory_space<vmem>>
      %dma_wait3A_254 = tpu.memref_squeeze %dma_wait3A_253 : memref<1x128x32xf32, #tpu.memory_space<vmem>> -> memref<128x32xf32, #tpu.memory_space<vmem>>
      %dma_wait3A_255 = arith.constant 0 : i32
      %dma_wait3A_256 = tpu.memref_slice %arg2[%mul3A_248, %dma_wait3A_255] : memref<163840x32xf32, #tpu.memory_space<hbm>> -> memref<128x32xf32, #tpu.memory_space<hbm>>
      %dma_wait3A_257 = tpu.memref_slice %arg13[%dma_wait3A_250] : memref<8x!tpu.dma_semaphore, #tpu.memory_space<semaphore_mem>> -> memref<1x!tpu.dma_semaphore, #tpu.memory_space<semaphore_mem>>
      %dma_wait3A_258 = tpu.memref_squeeze %dma_wait3A_257 : memref<1x!tpu.dma_semaphore, #tpu.memory_space<semaphore_mem>> -> memref<!tpu.dma_semaphore, #tpu.memory_space<semaphore_mem>>
      %dma_wait3A_259 = arith.constant 0 : i32
      %dma_wait3A_260 = arith.constant 0 : i32
      %dma_wait3A_261 = tpu.memref_slice %arg8[%dma_wait3A_249, %dma_wait3A_259, %dma_wait3A_260] : memref<8x128x32xf32, #tpu.memory_space<vmem>> -> memref<1x128x32xf32, #tpu.memory_space<vmem>>
      %dma_wait3A_262 = tpu.memref_squeeze %dma_wait3A_261 : memref<1x128x32xf32, #tpu.memory_space<vmem>> -> memref<128x32xf32, #tpu.memory_space<vmem>>
      %dma_wait3A_263 = arith.constant 0 : i32
      %dma_wait3A_264 = tpu.memref_slice %arg2[%mul3A_248, %dma_wait3A_263] : memref<163840x32xf32, #tpu.memory_space<hbm>> -> memref<128x32xf32, #tpu.memory_space<hbm>>
      tpu.wait_dma2 semaphore(%dma_wait3A_258 : memref<!tpu.dma_semaphore, #tpu.memory_space<semaphore_mem>>) src(%dma_wait3A_264 : memref<128x32xf32, #tpu.memory_space<hbm>>) dst(%dma_wait3A_262 : memref<128x32xf32, #tpu.memory_space<vmem>>)
      %run_scoped3A_265 = arith.constant 1 : i32
      "tpu.region"() ({
        %run_scoped3A_472 = tpu.sem_alloc : memref<!tpu.dma_semaphore, #tpu.memory_space<semaphore_mem>>
        %dma_start3A_473 = arith.constant 0 : i32
        %dma_start3A_474 = arith.constant 0 : i32
        %dma_start3A_475 = tpu.memref_slice %arg8[%run_scoped3A_265, %dma_start3A_473, %dma_start3A_474] : memref<8x128x32xf32, #tpu.memory_space<vmem>> -> memref<1x128x32xf32, #tpu.memory_space<vmem>>
        %dma_start3A_476 = tpu.memref_squeeze %dma_start3A_475 : memref<1x128x32xf32, #tpu.memory_space<vmem>> -> memref<128x32xf32, #tpu.memory_space<vmem>>
        %dma_start3A_477 = arith.constant 0 : i32
        %dma_start3A_478 = tpu.memref_slice %arg7[%add3A_243, %dma_start3A_477] : memref<80x128xi32, #tpu.memory_space<vmem>> -> memref<1x128xi32, #tpu.memory_space<vmem>>
        %dma_start3A_479 = tpu.memref_squeeze %dma_start3A_478 : memref<1x128xi32, #tpu.memory_space<vmem>> -> memref<128xi32, #tpu.memory_space<vmem>>
        %dma_start3A_480 = arith.constant 0 : i32
        %dma_start3A_481 = arith.constant 0 : i32
        %dma_start3A_482 = tpu.memref_slice %arg12[%dma_start3A_480, %dma_start3A_481] : memref<10016x32xf32, #tpu.memory_space<vmem_shared>> -> memref<10016x32xf32, #tpu.memory_space<vmem_shared>>
        tpu.enqueue_indirect_dma source(%dma_start3A_476 : memref<128x32xf32, #tpu.memory_space<vmem>>) target(%dma_start3A_482 : memref<10016x32xf32, #tpu.memory_space<vmem_shared>>) offsets(%dma_start3A_479 : memref<128xi32, #tpu.memory_space<vmem>>) semaphore(%run_scoped3A_472 : memref<!tpu.dma_semaphore, #tpu.memory_space<semaphore_mem>>) {add = true}
        %dma_wait3A_483 = arith.constant 0 : i32
        %dma_wait3A_484 = arith.constant 0 : i32
        %dma_wait3A_485 = tpu.memref_slice %arg8[%run_scoped3A_265, %dma_wait3A_483, %dma_wait3A_484] : memref<8x128x32xf32, #tpu.memory_space<vmem>> -> memref<1x128x32xf32, #tpu.memory_space<vmem>>
        %dma_wait3A_486 = tpu.memref_squeeze %dma_wait3A_485 : memref<1x128x32xf32, #tpu.memory_space<vmem>> -> memref<128x32xf32, #tpu.memory_space<vmem>>
        %dma_wait3A_487 = arith.constant 0 : i32
        %dma_wait3A_488 = tpu.memref_slice %arg7[%add3A_243, %dma_wait3A_487] : memref<80x128xi32, #tpu.memory_space<vmem>> -> memref<1x128xi32, #tpu.memory_space<vmem>>
        %dma_wait3A_489 = tpu.memref_squeeze %dma_wait3A_488 : memref<1x128xi32, #tpu.memory_space<vmem>> -> memref<128xi32, #tpu.memory_space<vmem>>
        %dma_wait3A_490 = arith.constant 0 : i32
        %dma_wait3A_491 = arith.constant 0 : i32
        %dma_wait3A_492 = tpu.memref_slice %arg12[%dma_wait3A_490, %dma_wait3A_491] : memref<10016x32xf32, #tpu.memory_space<vmem_shared>> -> memref<10016x32xf32, #tpu.memory_space<vmem_shared>>
        tpu.wait_indirect_dma semaphore(%run_scoped3A_472 : memref<!tpu.dma_semaphore, #tpu.memory_space<semaphore_mem>>) src(%dma_wait3A_486 : memref<128x32xf32, #tpu.memory_space<vmem>>) dst(%dma_wait3A_492 : memref<10016x32xf32, #tpu.memory_space<vmem_shared>>)
        tpu.yield
      }) : () -> ()
      %add3A_266 = arith.constant 8 : i32
      %add3A_267 = arith.addi %add3A_243, %add3A_266 : i32
      %lt3A_268 = arith.constant 80 : i32
      %lt3A_269 = arith.cmpi slt, %add3A_267, %lt3A_268 : i32
      %convert_element_type3A_270 = arith.extui %lt3A_269 : i1 to i32
      %cond3A_271 = arith.constant 0 : i32
      %cond3A_272 = arith.cmpi ne, %convert_element_type3A_270, %cond3A_271 : i32
      scf.if %cond3A_272 {
        %mul3A_472 = arith.constant 80 : i32
        %mul3A_473 = arith.muli %arg1, %mul3A_472 : i32
        %add3A_474 = arith.addi %mul3A_473, %add3A_243 : i32
        %add3A_475 = arith.constant 8 : i32
        %add3A_476 = arith.addi %add3A_474, %add3A_475 : i32
        %mul3A_477 = arith.constant 128 : i32
        %mul3A_478 = arith.muli %add3A_476, %mul3A_477 : i32
        %dma_start3A_479 = arith.constant 1 : i32
        %dma_start3A_480 = arith.constant 1 : i32
        %dma_start3A_481 = arith.constant 0 : i32
        %dma_start3A_482 = arith.constant 0 : i32
        %dma_start3A_483 = tpu.memref_slice %arg8[%dma_start3A_479, %dma_start3A_481, %dma_start3A_482] : memref<8x128x32xf32, #tpu.memory_space<vmem>> -> memref<1x128x32xf32, #tpu.memory_space<vmem>>
        %dma_start3A_484 = tpu.memref_squeeze %dma_start3A_483 : memref<1x128x32xf32, #tpu.memory_space<vmem>> -> memref<128x32xf32, #tpu.memory_space<vmem>>
        %dma_start3A_485 = arith.constant 0 : i32
        %dma_start3A_486 = tpu.memref_slice %arg2[%mul3A_478, %dma_start3A_485] : memref<163840x32xf32, #tpu.memory_space<hbm>> -> memref<128x32xf32, #tpu.memory_space<hbm>>
        %dma_start3A_487 = tpu.memref_slice %arg13[%dma_start3A_480] : memref<8x!tpu.dma_semaphore, #tpu.memory_space<semaphore_mem>> -> memref<1x!tpu.dma_semaphore, #tpu.memory_space<semaphore_mem>>
        %dma_start3A_488 = tpu.memref_squeeze %dma_start3A_487 : memref<1x!tpu.dma_semaphore, #tpu.memory_space<semaphore_mem>> -> memref<!tpu.dma_semaphore, #tpu.memory_space<semaphore_mem>>
        %dma_start3A_489 = arith.constant 0 : i32
        %dma_start3A_490 = arith.constant 0 : i32
        %dma_start3A_491 = tpu.memref_slice %arg8[%dma_start3A_479, %dma_start3A_489, %dma_start3A_490] : memref<8x128x32xf32, #tpu.memory_space<vmem>> -> memref<1x128x32xf32, #tpu.memory_space<vmem>>
        %dma_start3A_492 = tpu.memref_squeeze %dma_start3A_491 : memref<1x128x32xf32, #tpu.memory_space<vmem>> -> memref<128x32xf32, #tpu.memory_space<vmem>>
        %dma_start3A_493 = arith.constant 0 : i32
        %dma_start3A_494 = tpu.memref_slice %arg2[%mul3A_478, %dma_start3A_493] : memref<163840x32xf32, #tpu.memory_space<hbm>> -> memref<128x32xf32, #tpu.memory_space<hbm>>
        tpu.enqueue_dma source(%dma_start3A_494 : memref<128x32xf32, #tpu.memory_space<hbm>>) target(%dma_start3A_492 : memref<128x32xf32, #tpu.memory_space<vmem>>) target_semaphore(%dma_start3A_488 : memref<!tpu.dma_semaphore, #tpu.memory_space<semaphore_mem>>)
      } else {
      }
      %mul3A_273 = arith.constant 8 : i32
      %mul3A_274 = arith.muli %scan3A_210, %mul3A_273 : i32
      %add3A_275 = arith.constant 2 : i32
      %add3A_276 = arith.addi %mul3A_274, %add3A_275 : i32
      %mul3A_277 = arith.constant 80 : i32
      %mul3A_278 = arith.muli %arg1, %mul3A_277 : i32
      %add3A_279 = arith.addi %mul3A_278, %add3A_276 : i32
      %mul3A_280 = arith.constant 128 : i32
      %mul3A_281 = arith.muli %add3A_279, %mul3A_280 : i32
      %dma_wait3A_282 = arith.constant 2 : i32
      %dma_wait3A_283 = arith.constant 2 : i32
      %dma_wait3A_284 = arith.constant 0 : i32
      %dma_wait3A_285 = arith.constant 0 : i32
      %dma_wait3A_286 = tpu.memref_slice %arg8[%dma_wait3A_282, %dma_wait3A_284, %dma_wait3A_285] : memref<8x128x32xf32, #tpu.memory_space<vmem>> -> memref<1x128x32xf32, #tpu.memory_space<vmem>>
      %dma_wait3A_287 = tpu.memref_squeeze %dma_wait3A_286 : memref<1x128x32xf32, #tpu.memory_space<vmem>> -> memref<128x32xf32, #tpu.memory_space<vmem>>
      %dma_wait3A_288 = arith.constant 0 : i32
      %dma_wait3A_289 = tpu.memref_slice %arg2[%mul3A_281, %dma_wait3A_288] : memref<163840x32xf32, #tpu.memory_space<hbm>> -> memref<128x32xf32, #tpu.memory_space<hbm>>
      %dma_wait3A_290 = tpu.memref_slice %arg13[%dma_wait3A_283] : memref<8x!tpu.dma_semaphore, #tpu.memory_space<semaphore_mem>> -> memref<1x!tpu.dma_semaphore, #tpu.memory_space<semaphore_mem>>
      %dma_wait3A_291 = tpu.memref_squeeze %dma_wait3A_290 : memref<1x!tpu.dma_semaphore, #tpu.memory_space<semaphore_mem>> -> memref<!tpu.dma_semaphore, #tpu.memory_space<semaphore_mem>>
      %dma_wait3A_292 = arith.constant 0 : i32
      %dma_wait3A_293 = arith.constant 0 : i32
      %dma_wait3A_294 = tpu.memref_slice %arg8[%dma_wait3A_282, %dma_wait3A_292, %dma_wait3A_293] : memref<8x128x32xf32, #tpu.memory_space<vmem>> -> memref<1x128x32xf32, #tpu.memory_space<vmem>>
      %dma_wait3A_295 = tpu.memref_squeeze %dma_wait3A_294 : memref<1x128x32xf32, #tpu.memory_space<vmem>> -> memref<128x32xf32, #tpu.memory_space<vmem>>
      %dma_wait3A_296 = arith.constant 0 : i32
      %dma_wait3A_297 = tpu.memref_slice %arg2[%mul3A_281, %dma_wait3A_296] : memref<163840x32xf32, #tpu.memory_space<hbm>> -> memref<128x32xf32, #tpu.memory_space<hbm>>
      tpu.wait_dma2 semaphore(%dma_wait3A_291 : memref<!tpu.dma_semaphore, #tpu.memory_space<semaphore_mem>>) src(%dma_wait3A_297 : memref<128x32xf32, #tpu.memory_space<hbm>>) dst(%dma_wait3A_295 : memref<128x32xf32, #tpu.memory_space<vmem>>)
      %run_scoped3A_298 = arith.constant 2 : i32
      "tpu.region"() ({
        %run_scoped3A_472 = tpu.sem_alloc : memref<!tpu.dma_semaphore, #tpu.memory_space<semaphore_mem>>
        %dma_start3A_473 = arith.constant 0 : i32
        %dma_start3A_474 = arith.constant 0 : i32
        %dma_start3A_475 = tpu.memref_slice %arg8[%run_scoped3A_298, %dma_start3A_473, %dma_start3A_474] : memref<8x128x32xf32, #tpu.memory_space<vmem>> -> memref<1x128x32xf32, #tpu.memory_space<vmem>>
        %dma_start3A_476 = tpu.memref_squeeze %dma_start3A_475 : memref<1x128x32xf32, #tpu.memory_space<vmem>> -> memref<128x32xf32, #tpu.memory_space<vmem>>
        %dma_start3A_477 = arith.constant 0 : i32
        %dma_start3A_478 = tpu.memref_slice %arg7[%add3A_276, %dma_start3A_477] : memref<80x128xi32, #tpu.memory_space<vmem>> -> memref<1x128xi32, #tpu.memory_space<vmem>>
        %dma_start3A_479 = tpu.memref_squeeze %dma_start3A_478 : memref<1x128xi32, #tpu.memory_space<vmem>> -> memref<128xi32, #tpu.memory_space<vmem>>
        %dma_start3A_480 = arith.constant 0 : i32
        %dma_start3A_481 = arith.constant 0 : i32
        %dma_start3A_482 = tpu.memref_slice %arg12[%dma_start3A_480, %dma_start3A_481] : memref<10016x32xf32, #tpu.memory_space<vmem_shared>> -> memref<10016x32xf32, #tpu.memory_space<vmem_shared>>
        tpu.enqueue_indirect_dma source(%dma_start3A_476 : memref<128x32xf32, #tpu.memory_space<vmem>>) target(%dma_start3A_482 : memref<10016x32xf32, #tpu.memory_space<vmem_shared>>) offsets(%dma_start3A_479 : memref<128xi32, #tpu.memory_space<vmem>>) semaphore(%run_scoped3A_472 : memref<!tpu.dma_semaphore, #tpu.memory_space<semaphore_mem>>) {add = true}
        %dma_wait3A_483 = arith.constant 0 : i32
        %dma_wait3A_484 = arith.constant 0 : i32
        %dma_wait3A_485 = tpu.memref_slice %arg8[%run_scoped3A_298, %dma_wait3A_483, %dma_wait3A_484] : memref<8x128x32xf32, #tpu.memory_space<vmem>> -> memref<1x128x32xf32, #tpu.memory_space<vmem>>
        %dma_wait3A_486 = tpu.memref_squeeze %dma_wait3A_485 : memref<1x128x32xf32, #tpu.memory_space<vmem>> -> memref<128x32xf32, #tpu.memory_space<vmem>>
        %dma_wait3A_487 = arith.constant 0 : i32
        %dma_wait3A_488 = tpu.memref_slice %arg7[%add3A_276, %dma_wait3A_487] : memref<80x128xi32, #tpu.memory_space<vmem>> -> memref<1x128xi32, #tpu.memory_space<vmem>>
        %dma_wait3A_489 = tpu.memref_squeeze %dma_wait3A_488 : memref<1x128xi32, #tpu.memory_space<vmem>> -> memref<128xi32, #tpu.memory_space<vmem>>
        %dma_wait3A_490 = arith.constant 0 : i32
        %dma_wait3A_491 = arith.constant 0 : i32
        %dma_wait3A_492 = tpu.memref_slice %arg12[%dma_wait3A_490, %dma_wait3A_491] : memref<10016x32xf32, #tpu.memory_space<vmem_shared>> -> memref<10016x32xf32, #tpu.memory_space<vmem_shared>>
        tpu.wait_indirect_dma semaphore(%run_scoped3A_472 : memref<!tpu.dma_semaphore, #tpu.memory_space<semaphore_mem>>) src(%dma_wait3A_486 : memref<128x32xf32, #tpu.memory_space<vmem>>) dst(%dma_wait3A_492 : memref<10016x32xf32, #tpu.memory_space<vmem_shared>>)
        tpu.yield
      }) : () -> ()
      %add3A_299 = arith.constant 8 : i32
      %add3A_300 = arith.addi %add3A_276, %add3A_299 : i32
      %lt3A_301 = arith.constant 80 : i32
      %lt3A_302 = arith.cmpi slt, %add3A_300, %lt3A_301 : i32
      %convert_element_type3A_303 = arith.extui %lt3A_302 : i1 to i32
      %cond3A_304 = arith.constant 0 : i32
      %cond3A_305 = arith.cmpi ne, %convert_element_type3A_303, %cond3A_304 : i32
      scf.if %cond3A_305 {
        %mul3A_472 = arith.constant 80 : i32
        %mul3A_473 = arith.muli %arg1, %mul3A_472 : i32
        %add3A_474 = arith.addi %mul3A_473, %add3A_276 : i32
        %add3A_475 = arith.constant 8 : i32
        %add3A_476 = arith.addi %add3A_474, %add3A_475 : i32
        %mul3A_477 = arith.constant 128 : i32
        %mul3A_478 = arith.muli %add3A_476, %mul3A_477 : i32
        %dma_start3A_479 = arith.constant 2 : i32
        %dma_start3A_480 = arith.constant 2 : i32
        %dma_start3A_481 = arith.constant 0 : i32
        %dma_start3A_482 = arith.constant 0 : i32
        %dma_start3A_483 = tpu.memref_slice %arg8[%dma_start3A_479, %dma_start3A_481, %dma_start3A_482] : memref<8x128x32xf32, #tpu.memory_space<vmem>> -> memref<1x128x32xf32, #tpu.memory_space<vmem>>
        %dma_start3A_484 = tpu.memref_squeeze %dma_start3A_483 : memref<1x128x32xf32, #tpu.memory_space<vmem>> -> memref<128x32xf32, #tpu.memory_space<vmem>>
        %dma_start3A_485 = arith.constant 0 : i32
        %dma_start3A_486 = tpu.memref_slice %arg2[%mul3A_478, %dma_start3A_485] : memref<163840x32xf32, #tpu.memory_space<hbm>> -> memref<128x32xf32, #tpu.memory_space<hbm>>
        %dma_start3A_487 = tpu.memref_slice %arg13[%dma_start3A_480] : memref<8x!tpu.dma_semaphore, #tpu.memory_space<semaphore_mem>> -> memref<1x!tpu.dma_semaphore, #tpu.memory_space<semaphore_mem>>
        %dma_start3A_488 = tpu.memref_squeeze %dma_start3A_487 : memref<1x!tpu.dma_semaphore, #tpu.memory_space<semaphore_mem>> -> memref<!tpu.dma_semaphore, #tpu.memory_space<semaphore_mem>>
        %dma_start3A_489 = arith.constant 0 : i32
        %dma_start3A_490 = arith.constant 0 : i32
        %dma_start3A_491 = tpu.memref_slice %arg8[%dma_start3A_479, %dma_start3A_489, %dma_start3A_490] : memref<8x128x32xf32, #tpu.memory_space<vmem>> -> memref<1x128x32xf32, #tpu.memory_space<vmem>>
        %dma_start3A_492 = tpu.memref_squeeze %dma_start3A_491 : memref<1x128x32xf32, #tpu.memory_space<vmem>> -> memref<128x32xf32, #tpu.memory_space<vmem>>
        %dma_start3A_493 = arith.constant 0 : i32
        %dma_start3A_494 = tpu.memref_slice %arg2[%mul3A_478, %dma_start3A_493] : memref<163840x32xf32, #tpu.memory_space<hbm>> -> memref<128x32xf32, #tpu.memory_space<hbm>>
        tpu.enqueue_dma source(%dma_start3A_494 : memref<128x32xf32, #tpu.memory_space<hbm>>) target(%dma_start3A_492 : memref<128x32xf32, #tpu.memory_space<vmem>>) target_semaphore(%dma_start3A_488 : memref<!tpu.dma_semaphore, #tpu.memory_space<semaphore_mem>>)
      } else {
      }
      %mul3A_306 = arith.constant 8 : i32
      %mul3A_307 = arith.muli %scan3A_210, %mul3A_306 : i32
      %add3A_308 = arith.constant 3 : i32
      %add3A_309 = arith.addi %mul3A_307, %add3A_308 : i32
      %mul3A_310 = arith.constant 80 : i32
      %mul3A_311 = arith.muli %arg1, %mul3A_310 : i32
      %add3A_312 = arith.addi %mul3A_311, %add3A_309 : i32
      %mul3A_313 = arith.constant 128 : i32
      %mul3A_314 = arith.muli %add3A_312, %mul3A_313 : i32
      %dma_wait3A_315 = arith.constant 3 : i32
      %dma_wait3A_316 = arith.constant 3 : i32
      %dma_wait3A_317 = arith.constant 0 : i32
      %dma_wait3A_318 = arith.constant 0 : i32
      %dma_wait3A_319 = tpu.memref_slice %arg8[%dma_wait3A_315, %dma_wait3A_317, %dma_wait3A_318] : memref<8x128x32xf32, #tpu.memory_space<vmem>> -> memref<1x128x32xf32, #tpu.memory_space<vmem>>
      %dma_wait3A_320 = tpu.memref_squeeze %dma_wait3A_319 : memref<1x128x32xf32, #tpu.memory_space<vmem>> -> memref<128x32xf32, #tpu.memory_space<vmem>>
      %dma_wait3A_321 = arith.constant 0 : i32
      %dma_wait3A_322 = tpu.memref_slice %arg2[%mul3A_314, %dma_wait3A_321] : memref<163840x32xf32, #tpu.memory_space<hbm>> -> memref<128x32xf32, #tpu.memory_space<hbm>>
      %dma_wait3A_323 = tpu.memref_slice %arg13[%dma_wait3A_316] : memref<8x!tpu.dma_semaphore, #tpu.memory_space<semaphore_mem>> -> memref<1x!tpu.dma_semaphore, #tpu.memory_space<semaphore_mem>>
      %dma_wait3A_324 = tpu.memref_squeeze %dma_wait3A_323 : memref<1x!tpu.dma_semaphore, #tpu.memory_space<semaphore_mem>> -> memref<!tpu.dma_semaphore, #tpu.memory_space<semaphore_mem>>
      %dma_wait3A_325 = arith.constant 0 : i32
      %dma_wait3A_326 = arith.constant 0 : i32
      %dma_wait3A_327 = tpu.memref_slice %arg8[%dma_wait3A_315, %dma_wait3A_325, %dma_wait3A_326] : memref<8x128x32xf32, #tpu.memory_space<vmem>> -> memref<1x128x32xf32, #tpu.memory_space<vmem>>
      %dma_wait3A_328 = tpu.memref_squeeze %dma_wait3A_327 : memref<1x128x32xf32, #tpu.memory_space<vmem>> -> memref<128x32xf32, #tpu.memory_space<vmem>>
      %dma_wait3A_329 = arith.constant 0 : i32
      %dma_wait3A_330 = tpu.memref_slice %arg2[%mul3A_314, %dma_wait3A_329] : memref<163840x32xf32, #tpu.memory_space<hbm>> -> memref<128x32xf32, #tpu.memory_space<hbm>>
      tpu.wait_dma2 semaphore(%dma_wait3A_324 : memref<!tpu.dma_semaphore, #tpu.memory_space<semaphore_mem>>) src(%dma_wait3A_330 : memref<128x32xf32, #tpu.memory_space<hbm>>) dst(%dma_wait3A_328 : memref<128x32xf32, #tpu.memory_space<vmem>>)
      %run_scoped3A_331 = arith.constant 3 : i32
      "tpu.region"() ({
        %run_scoped3A_472 = tpu.sem_alloc : memref<!tpu.dma_semaphore, #tpu.memory_space<semaphore_mem>>
        %dma_start3A_473 = arith.constant 0 : i32
        %dma_start3A_474 = arith.constant 0 : i32
        %dma_start3A_475 = tpu.memref_slice %arg8[%run_scoped3A_331, %dma_start3A_473, %dma_start3A_474] : memref<8x128x32xf32, #tpu.memory_space<vmem>> -> memref<1x128x32xf32, #tpu.memory_space<vmem>>
        %dma_start3A_476 = tpu.memref_squeeze %dma_start3A_475 : memref<1x128x32xf32, #tpu.memory_space<vmem>> -> memref<128x32xf32, #tpu.memory_space<vmem>>
        %dma_start3A_477 = arith.constant 0 : i32
        %dma_start3A_478 = tpu.memref_slice %arg7[%add3A_309, %dma_start3A_477] : memref<80x128xi32, #tpu.memory_space<vmem>> -> memref<1x128xi32, #tpu.memory_space<vmem>>
        %dma_start3A_479 = tpu.memref_squeeze %dma_start3A_478 : memref<1x128xi32, #tpu.memory_space<vmem>> -> memref<128xi32, #tpu.memory_space<vmem>>
        %dma_start3A_480 = arith.constant 0 : i32
        %dma_start3A_481 = arith.constant 0 : i32
        %dma_start3A_482 = tpu.memref_slice %arg12[%dma_start3A_480, %dma_start3A_481] : memref<10016x32xf32, #tpu.memory_space<vmem_shared>> -> memref<10016x32xf32, #tpu.memory_space<vmem_shared>>
        tpu.enqueue_indirect_dma source(%dma_start3A_476 : memref<128x32xf32, #tpu.memory_space<vmem>>) target(%dma_start3A_482 : memref<10016x32xf32, #tpu.memory_space<vmem_shared>>) offsets(%dma_start3A_479 : memref<128xi32, #tpu.memory_space<vmem>>) semaphore(%run_scoped3A_472 : memref<!tpu.dma_semaphore, #tpu.memory_space<semaphore_mem>>) {add = true}
        %dma_wait3A_483 = arith.constant 0 : i32
        %dma_wait3A_484 = arith.constant 0 : i32
        %dma_wait3A_485 = tpu.memref_slice %arg8[%run_scoped3A_331, %dma_wait3A_483, %dma_wait3A_484] : memref<8x128x32xf32, #tpu.memory_space<vmem>> -> memref<1x128x32xf32, #tpu.memory_space<vmem>>
        %dma_wait3A_486 = tpu.memref_squeeze %dma_wait3A_485 : memref<1x128x32xf32, #tpu.memory_space<vmem>> -> memref<128x32xf32, #tpu.memory_space<vmem>>
        %dma_wait3A_487 = arith.constant 0 : i32
        %dma_wait3A_488 = tpu.memref_slice %arg7[%add3A_309, %dma_wait3A_487] : memref<80x128xi32, #tpu.memory_space<vmem>> -> memref<1x128xi32, #tpu.memory_space<vmem>>
        %dma_wait3A_489 = tpu.memref_squeeze %dma_wait3A_488 : memref<1x128xi32, #tpu.memory_space<vmem>> -> memref<128xi32, #tpu.memory_space<vmem>>
        %dma_wait3A_490 = arith.constant 0 : i32
        %dma_wait3A_491 = arith.constant 0 : i32
        %dma_wait3A_492 = tpu.memref_slice %arg12[%dma_wait3A_490, %dma_wait3A_491] : memref<10016x32xf32, #tpu.memory_space<vmem_shared>> -> memref<10016x32xf32, #tpu.memory_space<vmem_shared>>
        tpu.wait_indirect_dma semaphore(%run_scoped3A_472 : memref<!tpu.dma_semaphore, #tpu.memory_space<semaphore_mem>>) src(%dma_wait3A_486 : memref<128x32xf32, #tpu.memory_space<vmem>>) dst(%dma_wait3A_492 : memref<10016x32xf32, #tpu.memory_space<vmem_shared>>)
        tpu.yield
      }) : () -> ()
      %add3A_332 = arith.constant 8 : i32
      %add3A_333 = arith.addi %add3A_309, %add3A_332 : i32
      %lt3A_334 = arith.constant 80 : i32
      %lt3A_335 = arith.cmpi slt, %add3A_333, %lt3A_334 : i32
      %convert_element_type3A_336 = arith.extui %lt3A_335 : i1 to i32
      %cond3A_337 = arith.constant 0 : i32
      %cond3A_338 = arith.cmpi ne, %convert_element_type3A_336, %cond3A_337 : i32
      scf.if %cond3A_338 {
        %mul3A_472 = arith.constant 80 : i32
        %mul3A_473 = arith.muli %arg1, %mul3A_472 : i32
        %add3A_474 = arith.addi %mul3A_473, %add3A_309 : i32
        %add3A_475 = arith.constant 8 : i32
        %add3A_476 = arith.addi %add3A_474, %add3A_475 : i32
        %mul3A_477 = arith.constant 128 : i32
        %mul3A_478 = arith.muli %add3A_476, %mul3A_477 : i32
        %dma_start3A_479 = arith.constant 3 : i32
        %dma_start3A_480 = arith.constant 3 : i32
        %dma_start3A_481 = arith.constant 0 : i32
        %dma_start3A_482 = arith.constant 0 : i32
        %dma_start3A_483 = tpu.memref_slice %arg8[%dma_start3A_479, %dma_start3A_481, %dma_start3A_482] : memref<8x128x32xf32, #tpu.memory_space<vmem>> -> memref<1x128x32xf32, #tpu.memory_space<vmem>>
        %dma_start3A_484 = tpu.memref_squeeze %dma_start3A_483 : memref<1x128x32xf32, #tpu.memory_space<vmem>> -> memref<128x32xf32, #tpu.memory_space<vmem>>
        %dma_start3A_485 = arith.constant 0 : i32
        %dma_start3A_486 = tpu.memref_slice %arg2[%mul3A_478, %dma_start3A_485] : memref<163840x32xf32, #tpu.memory_space<hbm>> -> memref<128x32xf32, #tpu.memory_space<hbm>>
        %dma_start3A_487 = tpu.memref_slice %arg13[%dma_start3A_480] : memref<8x!tpu.dma_semaphore, #tpu.memory_space<semaphore_mem>> -> memref<1x!tpu.dma_semaphore, #tpu.memory_space<semaphore_mem>>
        %dma_start3A_488 = tpu.memref_squeeze %dma_start3A_487 : memref<1x!tpu.dma_semaphore, #tpu.memory_space<semaphore_mem>> -> memref<!tpu.dma_semaphore, #tpu.memory_space<semaphore_mem>>
        %dma_start3A_489 = arith.constant 0 : i32
        %dma_start3A_490 = arith.constant 0 : i32
        %dma_start3A_491 = tpu.memref_slice %arg8[%dma_start3A_479, %dma_start3A_489, %dma_start3A_490] : memref<8x128x32xf32, #tpu.memory_space<vmem>> -> memref<1x128x32xf32, #tpu.memory_space<vmem>>
        %dma_start3A_492 = tpu.memref_squeeze %dma_start3A_491 : memref<1x128x32xf32, #tpu.memory_space<vmem>> -> memref<128x32xf32, #tpu.memory_space<vmem>>
        %dma_start3A_493 = arith.constant 0 : i32
        %dma_start3A_494 = tpu.memref_slice %arg2[%mul3A_478, %dma_start3A_493] : memref<163840x32xf32, #tpu.memory_space<hbm>> -> memref<128x32xf32, #tpu.memory_space<hbm>>
        tpu.enqueue_dma source(%dma_start3A_494 : memref<128x32xf32, #tpu.memory_space<hbm>>) target(%dma_start3A_492 : memref<128x32xf32, #tpu.memory_space<vmem>>) target_semaphore(%dma_start3A_488 : memref<!tpu.dma_semaphore, #tpu.memory_space<semaphore_mem>>)
      } else {
      }
      %mul3A_339 = arith.constant 8 : i32
      %mul3A_340 = arith.muli %scan3A_210, %mul3A_339 : i32
      %add3A_341 = arith.constant 4 : i32
      %add3A_342 = arith.addi %mul3A_340, %add3A_341 : i32
      %mul3A_343 = arith.constant 80 : i32
      %mul3A_344 = arith.muli %arg1, %mul3A_343 : i32
      %add3A_345 = arith.addi %mul3A_344, %add3A_342 : i32
      %mul3A_346 = arith.constant 128 : i32
      %mul3A_347 = arith.muli %add3A_345, %mul3A_346 : i32
      %dma_wait3A_348 = arith.constant 4 : i32
      %dma_wait3A_349 = arith.constant 4 : i32
      %dma_wait3A_350 = arith.constant 0 : i32
      %dma_wait3A_351 = arith.constant 0 : i32
      %dma_wait3A_352 = tpu.memref_slice %arg8[%dma_wait3A_348, %dma_wait3A_350, %dma_wait3A_351] : memref<8x128x32xf32, #tpu.memory_space<vmem>> -> memref<1x128x32xf32, #tpu.memory_space<vmem>>
      %dma_wait3A_353 = tpu.memref_squeeze %dma_wait3A_352 : memref<1x128x32xf32, #tpu.memory_space<vmem>> -> memref<128x32xf32, #tpu.memory_space<vmem>>
      %dma_wait3A_354 = arith.constant 0 : i32
      %dma_wait3A_355 = tpu.memref_slice %arg2[%mul3A_347, %dma_wait3A_354] : memref<163840x32xf32, #tpu.memory_space<hbm>> -> memref<128x32xf32, #tpu.memory_space<hbm>>
      %dma_wait3A_356 = tpu.memref_slice %arg13[%dma_wait3A_349] : memref<8x!tpu.dma_semaphore, #tpu.memory_space<semaphore_mem>> -> memref<1x!tpu.dma_semaphore, #tpu.memory_space<semaphore_mem>>
      %dma_wait3A_357 = tpu.memref_squeeze %dma_wait3A_356 : memref<1x!tpu.dma_semaphore, #tpu.memory_space<semaphore_mem>> -> memref<!tpu.dma_semaphore, #tpu.memory_space<semaphore_mem>>
      %dma_wait3A_358 = arith.constant 0 : i32
      %dma_wait3A_359 = arith.constant 0 : i32
      %dma_wait3A_360 = tpu.memref_slice %arg8[%dma_wait3A_348, %dma_wait3A_358, %dma_wait3A_359] : memref<8x128x32xf32, #tpu.memory_space<vmem>> -> memref<1x128x32xf32, #tpu.memory_space<vmem>>
      %dma_wait3A_361 = tpu.memref_squeeze %dma_wait3A_360 : memref<1x128x32xf32, #tpu.memory_space<vmem>> -> memref<128x32xf32, #tpu.memory_space<vmem>>
      %dma_wait3A_362 = arith.constant 0 : i32
      %dma_wait3A_363 = tpu.memref_slice %arg2[%mul3A_347, %dma_wait3A_362] : memref<163840x32xf32, #tpu.memory_space<hbm>> -> memref<128x32xf32, #tpu.memory_space<hbm>>
      tpu.wait_dma2 semaphore(%dma_wait3A_357 : memref<!tpu.dma_semaphore, #tpu.memory_space<semaphore_mem>>) src(%dma_wait3A_363 : memref<128x32xf32, #tpu.memory_space<hbm>>) dst(%dma_wait3A_361 : memref<128x32xf32, #tpu.memory_space<vmem>>)
      %run_scoped3A_364 = arith.constant 4 : i32
      "tpu.region"() ({
        %run_scoped3A_472 = tpu.sem_alloc : memref<!tpu.dma_semaphore, #tpu.memory_space<semaphore_mem>>
        %dma_start3A_473 = arith.constant 0 : i32
        %dma_start3A_474 = arith.constant 0 : i32
        %dma_start3A_475 = tpu.memref_slice %arg8[%run_scoped3A_364, %dma_start3A_473, %dma_start3A_474] : memref<8x128x32xf32, #tpu.memory_space<vmem>> -> memref<1x128x32xf32, #tpu.memory_space<vmem>>
        %dma_start3A_476 = tpu.memref_squeeze %dma_start3A_475 : memref<1x128x32xf32, #tpu.memory_space<vmem>> -> memref<128x32xf32, #tpu.memory_space<vmem>>
        %dma_start3A_477 = arith.constant 0 : i32
        %dma_start3A_478 = tpu.memref_slice %arg7[%add3A_342, %dma_start3A_477] : memref<80x128xi32, #tpu.memory_space<vmem>> -> memref<1x128xi32, #tpu.memory_space<vmem>>
        %dma_start3A_479 = tpu.memref_squeeze %dma_start3A_478 : memref<1x128xi32, #tpu.memory_space<vmem>> -> memref<128xi32, #tpu.memory_space<vmem>>
        %dma_start3A_480 = arith.constant 0 : i32
        %dma_start3A_481 = arith.constant 0 : i32
        %dma_start3A_482 = tpu.memref_slice %arg12[%dma_start3A_480, %dma_start3A_481] : memref<10016x32xf32, #tpu.memory_space<vmem_shared>> -> memref<10016x32xf32, #tpu.memory_space<vmem_shared>>
        tpu.enqueue_indirect_dma source(%dma_start3A_476 : memref<128x32xf32, #tpu.memory_space<vmem>>) target(%dma_start3A_482 : memref<10016x32xf32, #tpu.memory_space<vmem_shared>>) offsets(%dma_start3A_479 : memref<128xi32, #tpu.memory_space<vmem>>) semaphore(%run_scoped3A_472 : memref<!tpu.dma_semaphore, #tpu.memory_space<semaphore_mem>>) {add = true}
        %dma_wait3A_483 = arith.constant 0 : i32
        %dma_wait3A_484 = arith.constant 0 : i32
        %dma_wait3A_485 = tpu.memref_slice %arg8[%run_scoped3A_364, %dma_wait3A_483, %dma_wait3A_484] : memref<8x128x32xf32, #tpu.memory_space<vmem>> -> memref<1x128x32xf32, #tpu.memory_space<vmem>>
        %dma_wait3A_486 = tpu.memref_squeeze %dma_wait3A_485 : memref<1x128x32xf32, #tpu.memory_space<vmem>> -> memref<128x32xf32, #tpu.memory_space<vmem>>
        %dma_wait3A_487 = arith.constant 0 : i32
        %dma_wait3A_488 = tpu.memref_slice %arg7[%add3A_342, %dma_wait3A_487] : memref<80x128xi32, #tpu.memory_space<vmem>> -> memref<1x128xi32, #tpu.memory_space<vmem>>
        %dma_wait3A_489 = tpu.memref_squeeze %dma_wait3A_488 : memref<1x128xi32, #tpu.memory_space<vmem>> -> memref<128xi32, #tpu.memory_space<vmem>>
        %dma_wait3A_490 = arith.constant 0 : i32
        %dma_wait3A_491 = arith.constant 0 : i32
        %dma_wait3A_492 = tpu.memref_slice %arg12[%dma_wait3A_490, %dma_wait3A_491] : memref<10016x32xf32, #tpu.memory_space<vmem_shared>> -> memref<10016x32xf32, #tpu.memory_space<vmem_shared>>
        tpu.wait_indirect_dma semaphore(%run_scoped3A_472 : memref<!tpu.dma_semaphore, #tpu.memory_space<semaphore_mem>>) src(%dma_wait3A_486 : memref<128x32xf32, #tpu.memory_space<vmem>>) dst(%dma_wait3A_492 : memref<10016x32xf32, #tpu.memory_space<vmem_shared>>)
        tpu.yield
      }) : () -> ()
      %add3A_365 = arith.constant 8 : i32
      %add3A_366 = arith.addi %add3A_342, %add3A_365 : i32
      %lt3A_367 = arith.constant 80 : i32
      %lt3A_368 = arith.cmpi slt, %add3A_366, %lt3A_367 : i32
      %convert_element_type3A_369 = arith.extui %lt3A_368 : i1 to i32
      %cond3A_370 = arith.constant 0 : i32
      %cond3A_371 = arith.cmpi ne, %convert_element_type3A_369, %cond3A_370 : i32
      scf.if %cond3A_371 {
        %mul3A_472 = arith.constant 80 : i32
        %mul3A_473 = arith.muli %arg1, %mul3A_472 : i32
        %add3A_474 = arith.addi %mul3A_473, %add3A_342 : i32
        %add3A_475 = arith.constant 8 : i32
        %add3A_476 = arith.addi %add3A_474, %add3A_475 : i32
        %mul3A_477 = arith.constant 128 : i32
        %mul3A_478 = arith.muli %add3A_476, %mul3A_477 : i32
        %dma_start3A_479 = arith.constant 4 : i32
        %dma_start3A_480 = arith.constant 4 : i32
        %dma_start3A_481 = arith.constant 0 : i32
        %dma_start3A_482 = arith.constant 0 : i32
        %dma_start3A_483 = tpu.memref_slice %arg8[%dma_start3A_479, %dma_start3A_481, %dma_start3A_482] : memref<8x128x32xf32, #tpu.memory_space<vmem>> -> memref<1x128x32xf32, #tpu.memory_space<vmem>>
        %dma_start3A_484 = tpu.memref_squeeze %dma_start3A_483 : memref<1x128x32xf32, #tpu.memory_space<vmem>> -> memref<128x32xf32, #tpu.memory_space<vmem>>
        %dma_start3A_485 = arith.constant 0 : i32
        %dma_start3A_486 = tpu.memref_slice %arg2[%mul3A_478, %dma_start3A_485] : memref<163840x32xf32, #tpu.memory_space<hbm>> -> memref<128x32xf32, #tpu.memory_space<hbm>>
        %dma_start3A_487 = tpu.memref_slice %arg13[%dma_start3A_480] : memref<8x!tpu.dma_semaphore, #tpu.memory_space<semaphore_mem>> -> memref<1x!tpu.dma_semaphore, #tpu.memory_space<semaphore_mem>>
        %dma_start3A_488 = tpu.memref_squeeze %dma_start3A_487 : memref<1x!tpu.dma_semaphore, #tpu.memory_space<semaphore_mem>> -> memref<!tpu.dma_semaphore, #tpu.memory_space<semaphore_mem>>
        %dma_start3A_489 = arith.constant 0 : i32
        %dma_start3A_490 = arith.constant 0 : i32
        %dma_start3A_491 = tpu.memref_slice %arg8[%dma_start3A_479, %dma_start3A_489, %dma_start3A_490] : memref<8x128x32xf32, #tpu.memory_space<vmem>> -> memref<1x128x32xf32, #tpu.memory_space<vmem>>
        %dma_start3A_492 = tpu.memref_squeeze %dma_start3A_491 : memref<1x128x32xf32, #tpu.memory_space<vmem>> -> memref<128x32xf32, #tpu.memory_space<vmem>>
        %dma_start3A_493 = arith.constant 0 : i32
        %dma_start3A_494 = tpu.memref_slice %arg2[%mul3A_478, %dma_start3A_493] : memref<163840x32xf32, #tpu.memory_space<hbm>> -> memref<128x32xf32, #tpu.memory_space<hbm>>
        tpu.enqueue_dma source(%dma_start3A_494 : memref<128x32xf32, #tpu.memory_space<hbm>>) target(%dma_start3A_492 : memref<128x32xf32, #tpu.memory_space<vmem>>) target_semaphore(%dma_start3A_488 : memref<!tpu.dma_semaphore, #tpu.memory_space<semaphore_mem>>)
      } else {
      }
      %mul3A_372 = arith.constant 8 : i32
      %mul3A_373 = arith.muli %scan3A_210, %mul3A_372 : i32
      %add3A_374 = arith.constant 5 : i32
      %add3A_375 = arith.addi %mul3A_373, %add3A_374 : i32
      %mul3A_376 = arith.constant 80 : i32
      %mul3A_377 = arith.muli %arg1, %mul3A_376 : i32
      %add3A_378 = arith.addi %mul3A_377, %add3A_375 : i32
      %mul3A_379 = arith.constant 128 : i32
      %mul3A_380 = arith.muli %add3A_378, %mul3A_379 : i32
      %dma_wait3A_381 = arith.constant 5 : i32
      %dma_wait3A_382 = arith.constant 5 : i32
      %dma_wait3A_383 = arith.constant 0 : i32
      %dma_wait3A_384 = arith.constant 0 : i32
      %dma_wait3A_385 = tpu.memref_slice %arg8[%dma_wait3A_381, %dma_wait3A_383, %dma_wait3A_384] : memref<8x128x32xf32, #tpu.memory_space<vmem>> -> memref<1x128x32xf32, #tpu.memory_space<vmem>>
      %dma_wait3A_386 = tpu.memref_squeeze %dma_wait3A_385 : memref<1x128x32xf32, #tpu.memory_space<vmem>> -> memref<128x32xf32, #tpu.memory_space<vmem>>
      %dma_wait3A_387 = arith.constant 0 : i32
      %dma_wait3A_388 = tpu.memref_slice %arg2[%mul3A_380, %dma_wait3A_387] : memref<163840x32xf32, #tpu.memory_space<hbm>> -> memref<128x32xf32, #tpu.memory_space<hbm>>
      %dma_wait3A_389 = tpu.memref_slice %arg13[%dma_wait3A_382] : memref<8x!tpu.dma_semaphore, #tpu.memory_space<semaphore_mem>> -> memref<1x!tpu.dma_semaphore, #tpu.memory_space<semaphore_mem>>
      %dma_wait3A_390 = tpu.memref_squeeze %dma_wait3A_389 : memref<1x!tpu.dma_semaphore, #tpu.memory_space<semaphore_mem>> -> memref<!tpu.dma_semaphore, #tpu.memory_space<semaphore_mem>>
      %dma_wait3A_391 = arith.constant 0 : i32
      %dma_wait3A_392 = arith.constant 0 : i32
      %dma_wait3A_393 = tpu.memref_slice %arg8[%dma_wait3A_381, %dma_wait3A_391, %dma_wait3A_392] : memref<8x128x32xf32, #tpu.memory_space<vmem>> -> memref<1x128x32xf32, #tpu.memory_space<vmem>>
      %dma_wait3A_394 = tpu.memref_squeeze %dma_wait3A_393 : memref<1x128x32xf32, #tpu.memory_space<vmem>> -> memref<128x32xf32, #tpu.memory_space<vmem>>
      %dma_wait3A_395 = arith.constant 0 : i32
      %dma_wait3A_396 = tpu.memref_slice %arg2[%mul3A_380, %dma_wait3A_395] : memref<163840x32xf32, #tpu.memory_space<hbm>> -> memref<128x32xf32, #tpu.memory_space<hbm>>
      tpu.wait_dma2 semaphore(%dma_wait3A_390 : memref<!tpu.dma_semaphore, #tpu.memory_space<semaphore_mem>>) src(%dma_wait3A_396 : memref<128x32xf32, #tpu.memory_space<hbm>>) dst(%dma_wait3A_394 : memref<128x32xf32, #tpu.memory_space<vmem>>)
      %run_scoped3A_397 = arith.constant 5 : i32
      "tpu.region"() ({
        %run_scoped3A_472 = tpu.sem_alloc : memref<!tpu.dma_semaphore, #tpu.memory_space<semaphore_mem>>
        %dma_start3A_473 = arith.constant 0 : i32
        %dma_start3A_474 = arith.constant 0 : i32
        %dma_start3A_475 = tpu.memref_slice %arg8[%run_scoped3A_397, %dma_start3A_473, %dma_start3A_474] : memref<8x128x32xf32, #tpu.memory_space<vmem>> -> memref<1x128x32xf32, #tpu.memory_space<vmem>>
        %dma_start3A_476 = tpu.memref_squeeze %dma_start3A_475 : memref<1x128x32xf32, #tpu.memory_space<vmem>> -> memref<128x32xf32, #tpu.memory_space<vmem>>
        %dma_start3A_477 = arith.constant 0 : i32
        %dma_start3A_478 = tpu.memref_slice %arg7[%add3A_375, %dma_start3A_477] : memref<80x128xi32, #tpu.memory_space<vmem>> -> memref<1x128xi32, #tpu.memory_space<vmem>>
        %dma_start3A_479 = tpu.memref_squeeze %dma_start3A_478 : memref<1x128xi32, #tpu.memory_space<vmem>> -> memref<128xi32, #tpu.memory_space<vmem>>
        %dma_start3A_480 = arith.constant 0 : i32
        %dma_start3A_481 = arith.constant 0 : i32
        %dma_start3A_482 = tpu.memref_slice %arg12[%dma_start3A_480, %dma_start3A_481] : memref<10016x32xf32, #tpu.memory_space<vmem_shared>> -> memref<10016x32xf32, #tpu.memory_space<vmem_shared>>
        tpu.enqueue_indirect_dma source(%dma_start3A_476 : memref<128x32xf32, #tpu.memory_space<vmem>>) target(%dma_start3A_482 : memref<10016x32xf32, #tpu.memory_space<vmem_shared>>) offsets(%dma_start3A_479 : memref<128xi32, #tpu.memory_space<vmem>>) semaphore(%run_scoped3A_472 : memref<!tpu.dma_semaphore, #tpu.memory_space<semaphore_mem>>) {add = true}
        %dma_wait3A_483 = arith.constant 0 : i32
        %dma_wait3A_484 = arith.constant 0 : i32
        %dma_wait3A_485 = tpu.memref_slice %arg8[%run_scoped3A_397, %dma_wait3A_483, %dma_wait3A_484] : memref<8x128x32xf32, #tpu.memory_space<vmem>> -> memref<1x128x32xf32, #tpu.memory_space<vmem>>
        %dma_wait3A_486 = tpu.memref_squeeze %dma_wait3A_485 : memref<1x128x32xf32, #tpu.memory_space<vmem>> -> memref<128x32xf32, #tpu.memory_space<vmem>>
        %dma_wait3A_487 = arith.constant 0 : i32
        %dma_wait3A_488 = tpu.memref_slice %arg7[%add3A_375, %dma_wait3A_487] : memref<80x128xi32, #tpu.memory_space<vmem>> -> memref<1x128xi32, #tpu.memory_space<vmem>>
        %dma_wait3A_489 = tpu.memref_squeeze %dma_wait3A_488 : memref<1x128xi32, #tpu.memory_space<vmem>> -> memref<128xi32, #tpu.memory_space<vmem>>
        %dma_wait3A_490 = arith.constant 0 : i32
        %dma_wait3A_491 = arith.constant 0 : i32
        %dma_wait3A_492 = tpu.memref_slice %arg12[%dma_wait3A_490, %dma_wait3A_491] : memref<10016x32xf32, #tpu.memory_space<vmem_shared>> -> memref<10016x32xf32, #tpu.memory_space<vmem_shared>>
        tpu.wait_indirect_dma semaphore(%run_scoped3A_472 : memref<!tpu.dma_semaphore, #tpu.memory_space<semaphore_mem>>) src(%dma_wait3A_486 : memref<128x32xf32, #tpu.memory_space<vmem>>) dst(%dma_wait3A_492 : memref<10016x32xf32, #tpu.memory_space<vmem_shared>>)
        tpu.yield
      }) : () -> ()
      %add3A_398 = arith.constant 8 : i32
      %add3A_399 = arith.addi %add3A_375, %add3A_398 : i32
      %lt3A_400 = arith.constant 80 : i32
      %lt3A_401 = arith.cmpi slt, %add3A_399, %lt3A_400 : i32
      %convert_element_type3A_402 = arith.extui %lt3A_401 : i1 to i32
      %cond3A_403 = arith.constant 0 : i32
      %cond3A_404 = arith.cmpi ne, %convert_element_type3A_402, %cond3A_403 : i32
      scf.if %cond3A_404 {
        %mul3A_472 = arith.constant 80 : i32
        %mul3A_473 = arith.muli %arg1, %mul3A_472 : i32
        %add3A_474 = arith.addi %mul3A_473, %add3A_375 : i32
        %add3A_475 = arith.constant 8 : i32
        %add3A_476 = arith.addi %add3A_474, %add3A_475 : i32
        %mul3A_477 = arith.constant 128 : i32
        %mul3A_478 = arith.muli %add3A_476, %mul3A_477 : i32
        %dma_start3A_479 = arith.constant 5 : i32
        %dma_start3A_480 = arith.constant 5 : i32
        %dma_start3A_481 = arith.constant 0 : i32
        %dma_start3A_482 = arith.constant 0 : i32
        %dma_start3A_483 = tpu.memref_slice %arg8[%dma_start3A_479, %dma_start3A_481, %dma_start3A_482] : memref<8x128x32xf32, #tpu.memory_space<vmem>> -> memref<1x128x32xf32, #tpu.memory_space<vmem>>
        %dma_start3A_484 = tpu.memref_squeeze %dma_start3A_483 : memref<1x128x32xf32, #tpu.memory_space<vmem>> -> memref<128x32xf32, #tpu.memory_space<vmem>>
        %dma_start3A_485 = arith.constant 0 : i32
        %dma_start3A_486 = tpu.memref_slice %arg2[%mul3A_478, %dma_start3A_485] : memref<163840x32xf32, #tpu.memory_space<hbm>> -> memref<128x32xf32, #tpu.memory_space<hbm>>
        %dma_start3A_487 = tpu.memref_slice %arg13[%dma_start3A_480] : memref<8x!tpu.dma_semaphore, #tpu.memory_space<semaphore_mem>> -> memref<1x!tpu.dma_semaphore, #tpu.memory_space<semaphore_mem>>
        %dma_start3A_488 = tpu.memref_squeeze %dma_start3A_487 : memref<1x!tpu.dma_semaphore, #tpu.memory_space<semaphore_mem>> -> memref<!tpu.dma_semaphore, #tpu.memory_space<semaphore_mem>>
        %dma_start3A_489 = arith.constant 0 : i32
        %dma_start3A_490 = arith.constant 0 : i32
        %dma_start3A_491 = tpu.memref_slice %arg8[%dma_start3A_479, %dma_start3A_489, %dma_start3A_490] : memref<8x128x32xf32, #tpu.memory_space<vmem>> -> memref<1x128x32xf32, #tpu.memory_space<vmem>>
        %dma_start3A_492 = tpu.memref_squeeze %dma_start3A_491 : memref<1x128x32xf32, #tpu.memory_space<vmem>> -> memref<128x32xf32, #tpu.memory_space<vmem>>
        %dma_start3A_493 = arith.constant 0 : i32
        %dma_start3A_494 = tpu.memref_slice %arg2[%mul3A_478, %dma_start3A_493] : memref<163840x32xf32, #tpu.memory_space<hbm>> -> memref<128x32xf32, #tpu.memory_space<hbm>>
        tpu.enqueue_dma source(%dma_start3A_494 : memref<128x32xf32, #tpu.memory_space<hbm>>) target(%dma_start3A_492 : memref<128x32xf32, #tpu.memory_space<vmem>>) target_semaphore(%dma_start3A_488 : memref<!tpu.dma_semaphore, #tpu.memory_space<semaphore_mem>>)
      } else {
      }
      %mul3A_405 = arith.constant 8 : i32
      %mul3A_406 = arith.muli %scan3A_210, %mul3A_405 : i32
      %add3A_407 = arith.constant 6 : i32
      %add3A_408 = arith.addi %mul3A_406, %add3A_407 : i32
      %mul3A_409 = arith.constant 80 : i32
      %mul3A_410 = arith.muli %arg1, %mul3A_409 : i32
      %add3A_411 = arith.addi %mul3A_410, %add3A_408 : i32
      %mul3A_412 = arith.constant 128 : i32
      %mul3A_413 = arith.muli %add3A_411, %mul3A_412 : i32
      %dma_wait3A_414 = arith.constant 6 : i32
      %dma_wait3A_415 = arith.constant 6 : i32
      %dma_wait3A_416 = arith.constant 0 : i32
      %dma_wait3A_417 = arith.constant 0 : i32
      %dma_wait3A_418 = tpu.memref_slice %arg8[%dma_wait3A_414, %dma_wait3A_416, %dma_wait3A_417] : memref<8x128x32xf32, #tpu.memory_space<vmem>> -> memref<1x128x32xf32, #tpu.memory_space<vmem>>
      %dma_wait3A_419 = tpu.memref_squeeze %dma_wait3A_418 : memref<1x128x32xf32, #tpu.memory_space<vmem>> -> memref<128x32xf32, #tpu.memory_space<vmem>>
      %dma_wait3A_420 = arith.constant 0 : i32
      %dma_wait3A_421 = tpu.memref_slice %arg2[%mul3A_413, %dma_wait3A_420] : memref<163840x32xf32, #tpu.memory_space<hbm>> -> memref<128x32xf32, #tpu.memory_space<hbm>>
      %dma_wait3A_422 = tpu.memref_slice %arg13[%dma_wait3A_415] : memref<8x!tpu.dma_semaphore, #tpu.memory_space<semaphore_mem>> -> memref<1x!tpu.dma_semaphore, #tpu.memory_space<semaphore_mem>>
      %dma_wait3A_423 = tpu.memref_squeeze %dma_wait3A_422 : memref<1x!tpu.dma_semaphore, #tpu.memory_space<semaphore_mem>> -> memref<!tpu.dma_semaphore, #tpu.memory_space<semaphore_mem>>
      %dma_wait3A_424 = arith.constant 0 : i32
      %dma_wait3A_425 = arith.constant 0 : i32
      %dma_wait3A_426 = tpu.memref_slice %arg8[%dma_wait3A_414, %dma_wait3A_424, %dma_wait3A_425] : memref<8x128x32xf32, #tpu.memory_space<vmem>> -> memref<1x128x32xf32, #tpu.memory_space<vmem>>
      %dma_wait3A_427 = tpu.memref_squeeze %dma_wait3A_426 : memref<1x128x32xf32, #tpu.memory_space<vmem>> -> memref<128x32xf32, #tpu.memory_space<vmem>>
      %dma_wait3A_428 = arith.constant 0 : i32
      %dma_wait3A_429 = tpu.memref_slice %arg2[%mul3A_413, %dma_wait3A_428] : memref<163840x32xf32, #tpu.memory_space<hbm>> -> memref<128x32xf32, #tpu.memory_space<hbm>>
      tpu.wait_dma2 semaphore(%dma_wait3A_423 : memref<!tpu.dma_semaphore, #tpu.memory_space<semaphore_mem>>) src(%dma_wait3A_429 : memref<128x32xf32, #tpu.memory_space<hbm>>) dst(%dma_wait3A_427 : memref<128x32xf32, #tpu.memory_space<vmem>>)
      %run_scoped3A_430 = arith.constant 6 : i32
      "tpu.region"() ({
        %run_scoped3A_472 = tpu.sem_alloc : memref<!tpu.dma_semaphore, #tpu.memory_space<semaphore_mem>>
        %dma_start3A_473 = arith.constant 0 : i32
        %dma_start3A_474 = arith.constant 0 : i32
        %dma_start3A_475 = tpu.memref_slice %arg8[%run_scoped3A_430, %dma_start3A_473, %dma_start3A_474] : memref<8x128x32xf32, #tpu.memory_space<vmem>> -> memref<1x128x32xf32, #tpu.memory_space<vmem>>
        %dma_start3A_476 = tpu.memref_squeeze %dma_start3A_475 : memref<1x128x32xf32, #tpu.memory_space<vmem>> -> memref<128x32xf32, #tpu.memory_space<vmem>>
        %dma_start3A_477 = arith.constant 0 : i32
        %dma_start3A_478 = tpu.memref_slice %arg7[%add3A_408, %dma_start3A_477] : memref<80x128xi32, #tpu.memory_space<vmem>> -> memref<1x128xi32, #tpu.memory_space<vmem>>
        %dma_start3A_479 = tpu.memref_squeeze %dma_start3A_478 : memref<1x128xi32, #tpu.memory_space<vmem>> -> memref<128xi32, #tpu.memory_space<vmem>>
        %dma_start3A_480 = arith.constant 0 : i32
        %dma_start3A_481 = arith.constant 0 : i32
        %dma_start3A_482 = tpu.memref_slice %arg12[%dma_start3A_480, %dma_start3A_481] : memref<10016x32xf32, #tpu.memory_space<vmem_shared>> -> memref<10016x32xf32, #tpu.memory_space<vmem_shared>>
        tpu.enqueue_indirect_dma source(%dma_start3A_476 : memref<128x32xf32, #tpu.memory_space<vmem>>) target(%dma_start3A_482 : memref<10016x32xf32, #tpu.memory_space<vmem_shared>>) offsets(%dma_start3A_479 : memref<128xi32, #tpu.memory_space<vmem>>) semaphore(%run_scoped3A_472 : memref<!tpu.dma_semaphore, #tpu.memory_space<semaphore_mem>>) {add = true}
        %dma_wait3A_483 = arith.constant 0 : i32
        %dma_wait3A_484 = arith.constant 0 : i32
        %dma_wait3A_485 = tpu.memref_slice %arg8[%run_scoped3A_430, %dma_wait3A_483, %dma_wait3A_484] : memref<8x128x32xf32, #tpu.memory_space<vmem>> -> memref<1x128x32xf32, #tpu.memory_space<vmem>>
        %dma_wait3A_486 = tpu.memref_squeeze %dma_wait3A_485 : memref<1x128x32xf32, #tpu.memory_space<vmem>> -> memref<128x32xf32, #tpu.memory_space<vmem>>
        %dma_wait3A_487 = arith.constant 0 : i32
        %dma_wait3A_488 = tpu.memref_slice %arg7[%add3A_408, %dma_wait3A_487] : memref<80x128xi32, #tpu.memory_space<vmem>> -> memref<1x128xi32, #tpu.memory_space<vmem>>
        %dma_wait3A_489 = tpu.memref_squeeze %dma_wait3A_488 : memref<1x128xi32, #tpu.memory_space<vmem>> -> memref<128xi32, #tpu.memory_space<vmem>>
        %dma_wait3A_490 = arith.constant 0 : i32
        %dma_wait3A_491 = arith.constant 0 : i32
        %dma_wait3A_492 = tpu.memref_slice %arg12[%dma_wait3A_490, %dma_wait3A_491] : memref<10016x32xf32, #tpu.memory_space<vmem_shared>> -> memref<10016x32xf32, #tpu.memory_space<vmem_shared>>
        tpu.wait_indirect_dma semaphore(%run_scoped3A_472 : memref<!tpu.dma_semaphore, #tpu.memory_space<semaphore_mem>>) src(%dma_wait3A_486 : memref<128x32xf32, #tpu.memory_space<vmem>>) dst(%dma_wait3A_492 : memref<10016x32xf32, #tpu.memory_space<vmem_shared>>)
        tpu.yield
      }) : () -> ()
      %add3A_431 = arith.constant 8 : i32
      %add3A_432 = arith.addi %add3A_408, %add3A_431 : i32
      %lt3A_433 = arith.constant 80 : i32
      %lt3A_434 = arith.cmpi slt, %add3A_432, %lt3A_433 : i32
      %convert_element_type3A_435 = arith.extui %lt3A_434 : i1 to i32
      %cond3A_436 = arith.constant 0 : i32
      %cond3A_437 = arith.cmpi ne, %convert_element_type3A_435, %cond3A_436 : i32
      scf.if %cond3A_437 {
        %mul3A_472 = arith.constant 80 : i32
        %mul3A_473 = arith.muli %arg1, %mul3A_472 : i32
        %add3A_474 = arith.addi %mul3A_473, %add3A_408 : i32
        %add3A_475 = arith.constant 8 : i32
        %add3A_476 = arith.addi %add3A_474, %add3A_475 : i32
        %mul3A_477 = arith.constant 128 : i32
        %mul3A_478 = arith.muli %add3A_476, %mul3A_477 : i32
        %dma_start3A_479 = arith.constant 6 : i32
        %dma_start3A_480 = arith.constant 6 : i32
        %dma_start3A_481 = arith.constant 0 : i32
        %dma_start3A_482 = arith.constant 0 : i32
        %dma_start3A_483 = tpu.memref_slice %arg8[%dma_start3A_479, %dma_start3A_481, %dma_start3A_482] : memref<8x128x32xf32, #tpu.memory_space<vmem>> -> memref<1x128x32xf32, #tpu.memory_space<vmem>>
        %dma_start3A_484 = tpu.memref_squeeze %dma_start3A_483 : memref<1x128x32xf32, #tpu.memory_space<vmem>> -> memref<128x32xf32, #tpu.memory_space<vmem>>
        %dma_start3A_485 = arith.constant 0 : i32
        %dma_start3A_486 = tpu.memref_slice %arg2[%mul3A_478, %dma_start3A_485] : memref<163840x32xf32, #tpu.memory_space<hbm>> -> memref<128x32xf32, #tpu.memory_space<hbm>>
        %dma_start3A_487 = tpu.memref_slice %arg13[%dma_start3A_480] : memref<8x!tpu.dma_semaphore, #tpu.memory_space<semaphore_mem>> -> memref<1x!tpu.dma_semaphore, #tpu.memory_space<semaphore_mem>>
        %dma_start3A_488 = tpu.memref_squeeze %dma_start3A_487 : memref<1x!tpu.dma_semaphore, #tpu.memory_space<semaphore_mem>> -> memref<!tpu.dma_semaphore, #tpu.memory_space<semaphore_mem>>
        %dma_start3A_489 = arith.constant 0 : i32
        %dma_start3A_490 = arith.constant 0 : i32
        %dma_start3A_491 = tpu.memref_slice %arg8[%dma_start3A_479, %dma_start3A_489, %dma_start3A_490] : memref<8x128x32xf32, #tpu.memory_space<vmem>> -> memref<1x128x32xf32, #tpu.memory_space<vmem>>
        %dma_start3A_492 = tpu.memref_squeeze %dma_start3A_491 : memref<1x128x32xf32, #tpu.memory_space<vmem>> -> memref<128x32xf32, #tpu.memory_space<vmem>>
        %dma_start3A_493 = arith.constant 0 : i32
        %dma_start3A_494 = tpu.memref_slice %arg2[%mul3A_478, %dma_start3A_493] : memref<163840x32xf32, #tpu.memory_space<hbm>> -> memref<128x32xf32, #tpu.memory_space<hbm>>
        tpu.enqueue_dma source(%dma_start3A_494 : memref<128x32xf32, #tpu.memory_space<hbm>>) target(%dma_start3A_492 : memref<128x32xf32, #tpu.memory_space<vmem>>) target_semaphore(%dma_start3A_488 : memref<!tpu.dma_semaphore, #tpu.memory_space<semaphore_mem>>)
      } else {
      }
      %mul3A_438 = arith.constant 8 : i32
      %mul3A_439 = arith.muli %scan3A_210, %mul3A_438 : i32
      %add3A_440 = arith.constant 7 : i32
      %add3A_441 = arith.addi %mul3A_439, %add3A_440 : i32
      %mul3A_442 = arith.constant 80 : i32
      %mul3A_443 = arith.muli %arg1, %mul3A_442 : i32
      %add3A_444 = arith.addi %mul3A_443, %add3A_441 : i32
      %mul3A_445 = arith.constant 128 : i32
      %mul3A_446 = arith.muli %add3A_444, %mul3A_445 : i32
      %dma_wait3A_447 = arith.constant 7 : i32
      %dma_wait3A_448 = arith.constant 7 : i32
      %dma_wait3A_449 = arith.constant 0 : i32
      %dma_wait3A_450 = arith.constant 0 : i32
      %dma_wait3A_451 = tpu.memref_slice %arg8[%dma_wait3A_447, %dma_wait3A_449, %dma_wait3A_450] : memref<8x128x32xf32, #tpu.memory_space<vmem>> -> memref<1x128x32xf32, #tpu.memory_space<vmem>>
      %dma_wait3A_452 = tpu.memref_squeeze %dma_wait3A_451 : memref<1x128x32xf32, #tpu.memory_space<vmem>> -> memref<128x32xf32, #tpu.memory_space<vmem>>
      %dma_wait3A_453 = arith.constant 0 : i32
      %dma_wait3A_454 = tpu.memref_slice %arg2[%mul3A_446, %dma_wait3A_453] : memref<163840x32xf32, #tpu.memory_space<hbm>> -> memref<128x32xf32, #tpu.memory_space<hbm>>
      %dma_wait3A_455 = tpu.memref_slice %arg13[%dma_wait3A_448] : memref<8x!tpu.dma_semaphore, #tpu.memory_space<semaphore_mem>> -> memref<1x!tpu.dma_semaphore, #tpu.memory_space<semaphore_mem>>
      %dma_wait3A_456 = tpu.memref_squeeze %dma_wait3A_455 : memref<1x!tpu.dma_semaphore, #tpu.memory_space<semaphore_mem>> -> memref<!tpu.dma_semaphore, #tpu.memory_space<semaphore_mem>>
      %dma_wait3A_457 = arith.constant 0 : i32
      %dma_wait3A_458 = arith.constant 0 : i32
      %dma_wait3A_459 = tpu.memref_slice %arg8[%dma_wait3A_447, %dma_wait3A_457, %dma_wait3A_458] : memref<8x128x32xf32, #tpu.memory_space<vmem>> -> memref<1x128x32xf32, #tpu.memory_space<vmem>>
      %dma_wait3A_460 = tpu.memref_squeeze %dma_wait3A_459 : memref<1x128x32xf32, #tpu.memory_space<vmem>> -> memref<128x32xf32, #tpu.memory_space<vmem>>
      %dma_wait3A_461 = arith.constant 0 : i32
      %dma_wait3A_462 = tpu.memref_slice %arg2[%mul3A_446, %dma_wait3A_461] : memref<163840x32xf32, #tpu.memory_space<hbm>> -> memref<128x32xf32, #tpu.memory_space<hbm>>
      tpu.wait_dma2 semaphore(%dma_wait3A_456 : memref<!tpu.dma_semaphore, #tpu.memory_space<semaphore_mem>>) src(%dma_wait3A_462 : memref<128x32xf32, #tpu.memory_space<hbm>>) dst(%dma_wait3A_460 : memref<128x32xf32, #tpu.memory_space<vmem>>)
      %run_scoped3A_463 = arith.constant 7 : i32
      "tpu.region"() ({
        %run_scoped3A_472 = tpu.sem_alloc : memref<!tpu.dma_semaphore, #tpu.memory_space<semaphore_mem>>
        %dma_start3A_473 = arith.constant 0 : i32
        %dma_start3A_474 = arith.constant 0 : i32
        %dma_start3A_475 = tpu.memref_slice %arg8[%run_scoped3A_463, %dma_start3A_473, %dma_start3A_474] : memref<8x128x32xf32, #tpu.memory_space<vmem>> -> memref<1x128x32xf32, #tpu.memory_space<vmem>>
        %dma_start3A_476 = tpu.memref_squeeze %dma_start3A_475 : memref<1x128x32xf32, #tpu.memory_space<vmem>> -> memref<128x32xf32, #tpu.memory_space<vmem>>
        %dma_start3A_477 = arith.constant 0 : i32
        %dma_start3A_478 = tpu.memref_slice %arg7[%add3A_441, %dma_start3A_477] : memref<80x128xi32, #tpu.memory_space<vmem>> -> memref<1x128xi32, #tpu.memory_space<vmem>>
        %dma_start3A_479 = tpu.memref_squeeze %dma_start3A_478 : memref<1x128xi32, #tpu.memory_space<vmem>> -> memref<128xi32, #tpu.memory_space<vmem>>
        %dma_start3A_480 = arith.constant 0 : i32
        %dma_start3A_481 = arith.constant 0 : i32
        %dma_start3A_482 = tpu.memref_slice %arg12[%dma_start3A_480, %dma_start3A_481] : memref<10016x32xf32, #tpu.memory_space<vmem_shared>> -> memref<10016x32xf32, #tpu.memory_space<vmem_shared>>
        tpu.enqueue_indirect_dma source(%dma_start3A_476 : memref<128x32xf32, #tpu.memory_space<vmem>>) target(%dma_start3A_482 : memref<10016x32xf32, #tpu.memory_space<vmem_shared>>) offsets(%dma_start3A_479 : memref<128xi32, #tpu.memory_space<vmem>>) semaphore(%run_scoped3A_472 : memref<!tpu.dma_semaphore, #tpu.memory_space<semaphore_mem>>) {add = true}
        %dma_wait3A_483 = arith.constant 0 : i32
        %dma_wait3A_484 = arith.constant 0 : i32
        %dma_wait3A_485 = tpu.memref_slice %arg8[%run_scoped3A_463, %dma_wait3A_483, %dma_wait3A_484] : memref<8x128x32xf32, #tpu.memory_space<vmem>> -> memref<1x128x32xf32, #tpu.memory_space<vmem>>
        %dma_wait3A_486 = tpu.memref_squeeze %dma_wait3A_485 : memref<1x128x32xf32, #tpu.memory_space<vmem>> -> memref<128x32xf32, #tpu.memory_space<vmem>>
        %dma_wait3A_487 = arith.constant 0 : i32
        %dma_wait3A_488 = tpu.memref_slice %arg7[%add3A_441, %dma_wait3A_487] : memref<80x128xi32, #tpu.memory_space<vmem>> -> memref<1x128xi32, #tpu.memory_space<vmem>>
        %dma_wait3A_489 = tpu.memref_squeeze %dma_wait3A_488 : memref<1x128xi32, #tpu.memory_space<vmem>> -> memref<128xi32, #tpu.memory_space<vmem>>
        %dma_wait3A_490 = arith.constant 0 : i32
        %dma_wait3A_491 = arith.constant 0 : i32
        %dma_wait3A_492 = tpu.memref_slice %arg12[%dma_wait3A_490, %dma_wait3A_491] : memref<10016x32xf32, #tpu.memory_space<vmem_shared>> -> memref<10016x32xf32, #tpu.memory_space<vmem_shared>>
        tpu.wait_indirect_dma semaphore(%run_scoped3A_472 : memref<!tpu.dma_semaphore, #tpu.memory_space<semaphore_mem>>) src(%dma_wait3A_486 : memref<128x32xf32, #tpu.memory_space<vmem>>) dst(%dma_wait3A_492 : memref<10016x32xf32, #tpu.memory_space<vmem_shared>>)
        tpu.yield
      }) : () -> ()
      %add3A_464 = arith.constant 8 : i32
      %add3A_465 = arith.addi %add3A_441, %add3A_464 : i32
      %lt3A_466 = arith.constant 80 : i32
      %lt3A_467 = arith.cmpi slt, %add3A_465, %lt3A_466 : i32
      %convert_element_type3A_468 = arith.extui %lt3A_467 : i1 to i32
      %cond3A_469 = arith.constant 0 : i32
      %cond3A_470 = arith.cmpi ne, %convert_element_type3A_468, %cond3A_469 : i32
      scf.if %cond3A_470 {
        %mul3A_472 = arith.constant 80 : i32
        %mul3A_473 = arith.muli %arg1, %mul3A_472 : i32
        %add3A_474 = arith.addi %mul3A_473, %add3A_441 : i32
        %add3A_475 = arith.constant 8 : i32
        %add3A_476 = arith.addi %add3A_474, %add3A_475 : i32
        %mul3A_477 = arith.constant 128 : i32
        %mul3A_478 = arith.muli %add3A_476, %mul3A_477 : i32
        %dma_start3A_479 = arith.constant 7 : i32
        %dma_start3A_480 = arith.constant 7 : i32
        %dma_start3A_481 = arith.constant 0 : i32
        %dma_start3A_482 = arith.constant 0 : i32
        %dma_start3A_483 = tpu.memref_slice %arg8[%dma_start3A_479, %dma_start3A_481, %dma_start3A_482] : memref<8x128x32xf32, #tpu.memory_space<vmem>> -> memref<1x128x32xf32, #tpu.memory_space<vmem>>
        %dma_start3A_484 = tpu.memref_squeeze %dma_start3A_483 : memref<1x128x32xf32, #tpu.memory_space<vmem>> -> memref<128x32xf32, #tpu.memory_space<vmem>>
        %dma_start3A_485 = arith.constant 0 : i32
        %dma_start3A_486 = tpu.memref_slice %arg2[%mul3A_478, %dma_start3A_485] : memref<163840x32xf32, #tpu.memory_space<hbm>> -> memref<128x32xf32, #tpu.memory_space<hbm>>
        %dma_start3A_487 = tpu.memref_slice %arg13[%dma_start3A_480] : memref<8x!tpu.dma_semaphore, #tpu.memory_space<semaphore_mem>> -> memref<1x!tpu.dma_semaphore, #tpu.memory_space<semaphore_mem>>
        %dma_start3A_488 = tpu.memref_squeeze %dma_start3A_487 : memref<1x!tpu.dma_semaphore, #tpu.memory_space<semaphore_mem>> -> memref<!tpu.dma_semaphore, #tpu.memory_space<semaphore_mem>>
        %dma_start3A_489 = arith.constant 0 : i32
        %dma_start3A_490 = arith.constant 0 : i32
        %dma_start3A_491 = tpu.memref_slice %arg8[%dma_start3A_479, %dma_start3A_489, %dma_start3A_490] : memref<8x128x32xf32, #tpu.memory_space<vmem>> -> memref<1x128x32xf32, #tpu.memory_space<vmem>>
        %dma_start3A_492 = tpu.memref_squeeze %dma_start3A_491 : memref<1x128x32xf32, #tpu.memory_space<vmem>> -> memref<128x32xf32, #tpu.memory_space<vmem>>
        %dma_start3A_493 = arith.constant 0 : i32
        %dma_start3A_494 = tpu.memref_slice %arg2[%mul3A_478, %dma_start3A_493] : memref<163840x32xf32, #tpu.memory_space<hbm>> -> memref<128x32xf32, #tpu.memory_space<hbm>>
        tpu.enqueue_dma source(%dma_start3A_494 : memref<128x32xf32, #tpu.memory_space<hbm>>) target(%dma_start3A_492 : memref<128x32xf32, #tpu.memory_space<vmem>>) target_semaphore(%dma_start3A_488 : memref<!tpu.dma_semaphore, #tpu.memory_space<semaphore_mem>>)
      } else {
      }
      %scan3A_471 = arith.constant 0 : i32
      scf.yield %scan3A_471 : i32
    }
    %scan3A_190 = arith.constant 10 : i32
    %barrier3A_191 = arith.constant 0 : index
    tpu.barrier barrier_id(%barrier3A_191)
    %mul3A_192 = arith.constant 625 : i32
    %mul3A_193 = arith.muli %arg1, %mul3A_192 : i32
    "tpu.region"() ({
      %run_scoped3A = tpu.sem_alloc : memref<!tpu.dma_semaphore, #tpu.memory_space<semaphore_mem>>
      %dma_start3A_210 = arith.constant 0 : i32
      %dma_start3A_211 = arith.constant 0 : i32
      %dma_start3A_212 = tpu.memref_slice %arg9[%dma_start3A_210, %dma_start3A_211] : memref<626x32xf32, #tpu.memory_space<vmem>> -> memref<625x32xf32, #tpu.memory_space<vmem>>
      %dma_start3A_213 = arith.constant 0 : i32
      %dma_start3A_214 = tpu.memref_slice %arg12[%mul3A_193, %dma_start3A_213] : memref<10016x32xf32, #tpu.memory_space<vmem_shared>> -> memref<625x32xf32, #tpu.memory_space<vmem_shared>>
      %dma_start3A_215 = arith.constant 0 : i32
      %dma_start3A_216 = arith.constant 0 : i32
      %dma_start3A_217 = tpu.memref_slice %arg9[%dma_start3A_215, %dma_start3A_216] : memref<626x32xf32, #tpu.memory_space<vmem>> -> memref<625x32xf32, #tpu.memory_space<vmem>>
      %dma_start3A_218 = arith.constant 0 : i32
      %dma_start3A_219 = tpu.memref_slice %arg12[%mul3A_193, %dma_start3A_218] : memref<10016x32xf32, #tpu.memory_space<vmem_shared>> -> memref<625x32xf32, #tpu.memory_space<vmem_shared>>
      tpu.enqueue_dma source(%dma_start3A_219 : memref<625x32xf32, #tpu.memory_space<vmem_shared>>) target(%dma_start3A_217 : memref<625x32xf32, #tpu.memory_space<vmem>>) target_semaphore(%run_scoped3A : memref<!tpu.dma_semaphore, #tpu.memory_space<semaphore_mem>>)
      %dma_wait3A = arith.constant 0 : i32
      %dma_wait3A_220 = arith.constant 0 : i32
      %dma_wait3A_221 = tpu.memref_slice %arg9[%dma_wait3A, %dma_wait3A_220] : memref<626x32xf32, #tpu.memory_space<vmem>> -> memref<625x32xf32, #tpu.memory_space<vmem>>
      %dma_wait3A_222 = arith.constant 0 : i32
      %dma_wait3A_223 = tpu.memref_slice %arg12[%mul3A_193, %dma_wait3A_222] : memref<10016x32xf32, #tpu.memory_space<vmem_shared>> -> memref<625x32xf32, #tpu.memory_space<vmem_shared>>
      %dma_wait3A_224 = arith.constant 0 : i32
      %dma_wait3A_225 = arith.constant 0 : i32
      %dma_wait3A_226 = tpu.memref_slice %arg9[%dma_wait3A_224, %dma_wait3A_225] : memref<626x32xf32, #tpu.memory_space<vmem>> -> memref<625x32xf32, #tpu.memory_space<vmem>>
      %dma_wait3A_227 = arith.constant 0 : i32
      %dma_wait3A_228 = tpu.memref_slice %arg12[%mul3A_193, %dma_wait3A_227] : memref<10016x32xf32, #tpu.memory_space<vmem_shared>> -> memref<625x32xf32, #tpu.memory_space<vmem_shared>>
      tpu.wait_dma2 semaphore(%run_scoped3A : memref<!tpu.dma_semaphore, #tpu.memory_space<semaphore_mem>>) src(%dma_wait3A_228 : memref<625x32xf32, #tpu.memory_space<vmem_shared>>) dst(%dma_wait3A_226 : memref<625x32xf32, #tpu.memory_space<vmem>>)
      tpu.yield
    }) : () -> ()
    %mul3A_194 = arith.constant 625 : i32
    %mul3A_195 = arith.muli %arg1, %mul3A_194 : i32
    "tpu.region"() ({
      %run_scoped3A = tpu.sem_alloc : memref<!tpu.dma_semaphore, #tpu.memory_space<semaphore_mem>>
      %dma_start3A_210 = arith.constant 0 : i32
      %dma_start3A_211 = tpu.memref_slice %arg4[%mul3A_195, %dma_start3A_210] : memref<10000x32xf32, #tpu.memory_space<hbm>> -> memref<625x32xf32, #tpu.memory_space<hbm>>
      %dma_start3A_212 = arith.constant 0 : i32
      %dma_start3A_213 = tpu.memref_slice %arg4[%mul3A_195, %dma_start3A_212] : memref<10000x32xf32, #tpu.memory_space<hbm>> -> memref<625x32xf32, #tpu.memory_space<hbm>>
      tpu.enqueue_dma source(%dma_start3A_213 : memref<625x32xf32, #tpu.memory_space<hbm>>) target(%arg10 : memref<625x32xf32, #tpu.memory_space<vmem>>) target_semaphore(%run_scoped3A : memref<!tpu.dma_semaphore, #tpu.memory_space<semaphore_mem>>)
      %dma_wait3A = arith.constant 0 : i32
      %dma_wait3A_214 = tpu.memref_slice %arg4[%mul3A_195, %dma_wait3A] : memref<10000x32xf32, #tpu.memory_space<hbm>> -> memref<625x32xf32, #tpu.memory_space<hbm>>
      %dma_wait3A_215 = arith.constant 0 : i32
      %dma_wait3A_216 = tpu.memref_slice %arg4[%mul3A_195, %dma_wait3A_215] : memref<10000x32xf32, #tpu.memory_space<hbm>> -> memref<625x32xf32, #tpu.memory_space<hbm>>
      tpu.wait_dma2 semaphore(%run_scoped3A : memref<!tpu.dma_semaphore, #tpu.memory_space<semaphore_mem>>) src(%dma_wait3A_216 : memref<625x32xf32, #tpu.memory_space<hbm>>) dst(%arg10 : memref<625x32xf32, #tpu.memory_space<vmem>>)
      tpu.yield
    }) : () -> ()
    "tpu.region"() ({
      %run_scoped3A = tpu.sem_alloc : memref<!tpu.dma_semaphore, #tpu.memory_space<semaphore_mem>>
      tpu.enqueue_dma source(%arg5 : memref<32xf32, #tpu.memory_space<hbm>>) target(%arg11 : memref<32xf32, #tpu.memory_space<vmem>>) target_semaphore(%run_scoped3A : memref<!tpu.dma_semaphore, #tpu.memory_space<semaphore_mem>>)
      tpu.wait_dma2 semaphore(%run_scoped3A : memref<!tpu.dma_semaphore, #tpu.memory_space<semaphore_mem>>) src(%arg5 : memref<32xf32, #tpu.memory_space<hbm>>) dst(%arg11 : memref<32xf32, #tpu.memory_space<vmem>>)
      tpu.yield
    }) : () -> ()
    %get3A = arith.constant 0 : index
    %get3A_196 = tpu.vector_load %arg11[%get3A] {strides = array<i32>} : memref<32xf32, #tpu.memory_space<vmem>>, vector<16xf32>,
    %get3A_197 = vector.shape_cast %get3A_196 : vector<16xf32> to vector<16xf32>
    %get3A_198 = arith.constant 16 : index
    %get3A_199 = tpu.vector_load %arg11[%get3A_198] {strides = array<i32>} : memref<32xf32, #tpu.memory_space<vmem>>, vector<16xf32>,
    %get3A_200 = vector.shape_cast %get3A_199 : vector<16xf32> to vector<16xf32>
    %scan3A_201 = arith.constant 0 : i32
    %scan3A_202 = arith.constant 0 : i32
    %scan3A_203 = arith.constant 625 : i32
    %scan3A_204 = arith.addi %scan3A_202, %scan3A_203 : i32
    %scan3A_205 = arith.constant 1 : i32
    %scan3A_206 = scf.for %scan3A_210 = %scan3A_202 to %scan3A_204 step %scan3A_205 iter_args(%scan3A_211 = %scan3A_201) -> (i32)  : i32 {
      %get3A_212 = arith.index_cast %scan3A_210 : i32 to index
      %get3A_213 = arith.constant 0 : index
      %get3A_214 = tpu.vector_load %arg9[%get3A_212, %get3A_213] {strides = array<i32>} : memref<626x32xf32, #tpu.memory_space<vmem>>, vector<1x16xf32>,
      %get3A_215 = vector.shape_cast %get3A_214 : vector<1x16xf32> to vector<16xf32>
      %get3A_216 = arith.index_cast %scan3A_210 : i32 to index
      %get3A_217 = arith.constant 0 : index
      %get3A_218 = tpu.vector_load %arg10[%get3A_216, %get3A_217] {strides = array<i32>} : memref<625x32xf32, #tpu.memory_space<vmem>>, vector<1x16xf32>,
      %get3A_219 = vector.shape_cast %get3A_218 : vector<1x16xf32> to vector<16xf32>
      %add3A_220 = arith.addf %get3A_215, %get3A_219 : vector<16xf32>
      %add3A_221 = arith.addf %add3A_220, %get3A_197 : vector<16xf32>
      %swap3A = arith.index_cast %scan3A_210 : i32 to index
      %swap3A_222 = arith.constant 0 : index
      %swap3A_223 = tpu.vector_load %arg9[%swap3A, %swap3A_222] {strides = array<i32>} : memref<626x32xf32, #tpu.memory_space<vmem>>, vector<1x16xf32>,
      %swap3A_224 = vector.shape_cast %swap3A_223 : vector<1x16xf32> to vector<16xf32>
      %swap3A_225 = vector.shape_cast %add3A_221 : vector<16xf32> to vector<1x16xf32>
      tpu.vector_store %arg9[%swap3A, %swap3A_222], %swap3A_225 {strides = array<i32>} : memref<626x32xf32, #tpu.memory_space<vmem>>, vector<1x16xf32>,
      %get3A_226 = arith.index_cast %scan3A_210 : i32 to index
      %get3A_227 = arith.constant 16 : index
      %get3A_228 = tpu.vector_load %arg9[%get3A_226, %get3A_227] {strides = array<i32>} : memref<626x32xf32, #tpu.memory_space<vmem>>, vector<1x16xf32>,
      %get3A_229 = vector.shape_cast %get3A_228 : vector<1x16xf32> to vector<16xf32>
      %get3A_230 = arith.index_cast %scan3A_210 : i32 to index
      %get3A_231 = arith.constant 16 : index
      %get3A_232 = tpu.vector_load %arg10[%get3A_230, %get3A_231] {strides = array<i32>} : memref<625x32xf32, #tpu.memory_space<vmem>>, vector<1x16xf32>,
      %get3A_233 = vector.shape_cast %get3A_232 : vector<1x16xf32> to vector<16xf32>
      %add3A_234 = arith.addf %get3A_229, %get3A_233 : vector<16xf32>
      %add3A_235 = arith.addf %add3A_234, %get3A_200 : vector<16xf32>
      %swap3A_236 = arith.index_cast %scan3A_210 : i32 to index
      %swap3A_237 = arith.constant 16 : index
      %swap3A_238 = tpu.vector_load %arg9[%swap3A_236, %swap3A_237] {strides = array<i32>} : memref<626x32xf32, #tpu.memory_space<vmem>>, vector<1x16xf32>,
      %swap3A_239 = vector.shape_cast %swap3A_238 : vector<1x16xf32> to vector<16xf32>
      %swap3A_240 = vector.shape_cast %add3A_235 : vector<16xf32> to vector<1x16xf32>
      tpu.vector_store %arg9[%swap3A_236, %swap3A_237], %swap3A_240 {strides = array<i32>} : memref<626x32xf32, #tpu.memory_space<vmem>>, vector<1x16xf32>,
      %scan3A_241 = arith.constant 0 : i32
      scf.yield %scan3A_241 : i32
    }
    %scan3A_207 = arith.constant 625 : i32
    %mul3A_208 = arith.constant 625 : i32
    %mul3A_209 = arith.muli %arg1, %mul3A_208 : i32
    "tpu.region"() ({
      %run_scoped3A = tpu.sem_alloc : memref<!tpu.dma_semaphore, #tpu.memory_space<semaphore_mem>>
      %dma_start3A_210 = arith.constant 0 : i32
      %dma_start3A_211 = arith.constant 0 : i32
      %dma_start3A_212 = tpu.memref_slice %arg9[%dma_start3A_210, %dma_start3A_211] : memref<626x32xf32, #tpu.memory_space<vmem>> -> memref<625x32xf32, #tpu.memory_space<vmem>>
      %dma_start3A_213 = arith.constant 0 : i32
      %dma_start3A_214 = tpu.memref_slice %arg6[%mul3A_209, %dma_start3A_213] : memref<10000x32xf32, #tpu.memory_space<hbm>> -> memref<625x32xf32, #tpu.memory_space<hbm>>
      %dma_start3A_215 = arith.constant 0 : i32
      %dma_start3A_216 = tpu.memref_slice %arg6[%mul3A_209, %dma_start3A_215] : memref<10000x32xf32, #tpu.memory_space<hbm>> -> memref<625x32xf32, #tpu.memory_space<hbm>>
      %dma_start3A_217 = arith.constant 0 : i32
      %dma_start3A_218 = arith.constant 0 : i32
      %dma_start3A_219 = tpu.memref_slice %arg9[%dma_start3A_217, %dma_start3A_218] : memref<626x32xf32, #tpu.memory_space<vmem>> -> memref<625x32xf32, #tpu.memory_space<vmem>>
      tpu.enqueue_dma source(%dma_start3A_219 : memref<625x32xf32, #tpu.memory_space<vmem>>) target(%dma_start3A_216 : memref<625x32xf32, #tpu.memory_space<hbm>>) target_semaphore(%run_scoped3A : memref<!tpu.dma_semaphore, #tpu.memory_space<semaphore_mem>>)
      %dma_wait3A = arith.constant 0 : i32
      %dma_wait3A_220 = arith.constant 0 : i32
      %dma_wait3A_221 = tpu.memref_slice %arg9[%dma_wait3A, %dma_wait3A_220] : memref<626x32xf32, #tpu.memory_space<vmem>> -> memref<625x32xf32, #tpu.memory_space<vmem>>
      %dma_wait3A_222 = arith.constant 0 : i32
      %dma_wait3A_223 = tpu.memref_slice %arg6[%mul3A_209, %dma_wait3A_222] : memref<10000x32xf32, #tpu.memory_space<hbm>> -> memref<625x32xf32, #tpu.memory_space<hbm>>
      %dma_wait3A_224 = arith.constant 0 : i32
      %dma_wait3A_225 = tpu.memref_slice %arg6[%mul3A_209, %dma_wait3A_224] : memref<10000x32xf32, #tpu.memory_space<hbm>> -> memref<625x32xf32, #tpu.memory_space<hbm>>
      %dma_wait3A_226 = arith.constant 0 : i32
      %dma_wait3A_227 = arith.constant 0 : i32
      %dma_wait3A_228 = tpu.memref_slice %arg9[%dma_wait3A_226, %dma_wait3A_227] : memref<626x32xf32, #tpu.memory_space<vmem>> -> memref<625x32xf32, #tpu.memory_space<vmem>>
      tpu.wait_dma2 semaphore(%run_scoped3A : memref<!tpu.dma_semaphore, #tpu.memory_space<semaphore_mem>>) src(%dma_wait3A_228 : memref<625x32xf32, #tpu.memory_space<vmem>>) dst(%dma_wait3A_225 : memref<625x32xf32, #tpu.memory_space<hbm>>)
      tpu.yield
    }) : () -> ()
    return
  }
}

#map = affine_map<(d0, d1) -> (0, 0)>
module attributes {stable_mosaic.version = 14 : i64} {
  func.func @_gather_kernel(%arg0: i32, %arg1: i32, %arg2: memref<10000x32xf32, #tpu.memory_space<hbm>>, %arg3: memref<1280x128xi32, #tpu.memory_space<hbm>>, %arg4: memref<163840x32xf32, #tpu.memory_space<hbm>>, %arg5: memref<40x128xi32, #tpu.memory_space<vmem>>, %arg6: memref<8x128x32xf32, #tpu.memory_space<vmem>>, %arg7: memref<10000x32xf32, #tpu.memory_space<vmem_shared>>, %arg8: memref<8x!tpu.dma_semaphore, #tpu.memory_space<semaphore_mem>>) attributes {dimension_semantics = [#tpu.dimension_semantics<core_parallel>, #tpu.dimension_semantics<subcore_parallel>], iteration_bounds = array<i64: 2, 16>, scalar_prefetch = 0 : i64, scratch_operands = 4 : i64, tpu.core_type = #tpu.core_type<sc_vector_subcore>, window_params = [{transform_indices = #map}, {transform_indices = #map}, {transform_indices = #map}]} {
    %mul3A = arith.constant 2 : i32
    %mul3A_0 = arith.muli %arg1, %mul3A : i32
    %add3A = arith.addi %mul3A_0, %arg0 : i32
    %mul3A_1 = arith.constant 40 : i32
    %mul3A_2 = arith.muli %add3A, %mul3A_1 : i32
    "tpu.region"() ({
      %run_scoped3A = tpu.sem_alloc : memref<!tpu.dma_semaphore, #tpu.memory_space<semaphore_mem>>
      %dma_start3A = arith.constant 0 : i32
      %dma_start3A_156 = tpu.memref_slice %arg3[%mul3A_2, %dma_start3A] : memref<1280x128xi32, #tpu.memory_space<hbm>> -> memref<40x128xi32, #tpu.memory_space<hbm>>
      %dma_start3A_157 = arith.constant 0 : i32
      %dma_start3A_158 = tpu.memref_slice %arg3[%mul3A_2, %dma_start3A_157] : memref<1280x128xi32, #tpu.memory_space<hbm>> -> memref<40x128xi32, #tpu.memory_space<hbm>>
      tpu.enqueue_dma source(%dma_start3A_158 : memref<40x128xi32, #tpu.memory_space<hbm>>) target(%arg5 : memref<40x128xi32, #tpu.memory_space<vmem>>) target_semaphore(%run_scoped3A : memref<!tpu.dma_semaphore, #tpu.memory_space<semaphore_mem>>)
      %dma_wait3A_159 = arith.constant 0 : i32
      %dma_wait3A_160 = tpu.memref_slice %arg3[%mul3A_2, %dma_wait3A_159] : memref<1280x128xi32, #tpu.memory_space<hbm>> -> memref<40x128xi32, #tpu.memory_space<hbm>>
      %dma_wait3A_161 = arith.constant 0 : i32
      %dma_wait3A_162 = tpu.memref_slice %arg3[%mul3A_2, %dma_wait3A_161] : memref<1280x128xi32, #tpu.memory_space<hbm>> -> memref<40x128xi32, #tpu.memory_space<hbm>>
      tpu.wait_dma2 semaphore(%run_scoped3A : memref<!tpu.dma_semaphore, #tpu.memory_space<semaphore_mem>>) src(%dma_wait3A_162 : memref<40x128xi32, #tpu.memory_space<hbm>>) dst(%arg5 : memref<40x128xi32, #tpu.memory_space<vmem>>)
      tpu.yield
    }) : () -> ()
    %mul3A_3 = arith.constant 625 : i32
    %mul3A_4 = arith.muli %arg1, %mul3A_3 : i32
    %mul3A_5 = arith.constant 625 : i32
    %mul3A_6 = arith.muli %arg1, %mul3A_5 : i32
    "tpu.region"() ({
      %run_scoped3A = tpu.sem_alloc : memref<!tpu.dma_semaphore, #tpu.memory_space<semaphore_mem>>
      %dma_start3A = arith.constant 0 : i32
      %dma_start3A_156 = tpu.memref_slice %arg7[%mul3A_6, %dma_start3A] : memref<10000x32xf32, #tpu.memory_space<vmem_shared>> -> memref<625x32xf32, #tpu.memory_space<vmem_shared>>
      %dma_start3A_157 = arith.constant 0 : i32
      %dma_start3A_158 = tpu.memref_slice %arg2[%mul3A_4, %dma_start3A_157] : memref<10000x32xf32, #tpu.memory_space<hbm>> -> memref<625x32xf32, #tpu.memory_space<hbm>>
      tpu.enqueue_dma source(%dma_start3A_158 : memref<625x32xf32, #tpu.memory_space<hbm>>) target(%dma_start3A_156 : memref<625x32xf32, #tpu.memory_space<vmem_shared>>) target_semaphore(%run_scoped3A : memref<!tpu.dma_semaphore, #tpu.memory_space<semaphore_mem>>)
      %dma_wait3A_159 = arith.constant 0 : i32
      %dma_wait3A_160 = tpu.memref_slice %arg7[%mul3A_6, %dma_wait3A_159] : memref<10000x32xf32, #tpu.memory_space<vmem_shared>> -> memref<625x32xf32, #tpu.memory_space<vmem_shared>>
      %dma_wait3A_161 = arith.constant 0 : i32
      %dma_wait3A_162 = tpu.memref_slice %arg2[%mul3A_4, %dma_wait3A_161] : memref<10000x32xf32, #tpu.memory_space<hbm>> -> memref<625x32xf32, #tpu.memory_space<hbm>>
      tpu.wait_dma2 semaphore(%run_scoped3A : memref<!tpu.dma_semaphore, #tpu.memory_space<semaphore_mem>>) src(%dma_wait3A_162 : memref<625x32xf32, #tpu.memory_space<hbm>>) dst(%dma_wait3A_160 : memref<625x32xf32, #tpu.memory_space<vmem_shared>>)
      tpu.yield
    }) : () -> ()
    %barrier3A = arith.constant 0 : index
    tpu.barrier barrier_id(%barrier3A)
    %scan3A = arith.constant 0 : i32
    %scan3A_7 = arith.constant 0 : i32
    %scan3A_8 = arith.constant 5 : i32
    %scan3A_9 = arith.addi %scan3A_7, %scan3A_8 : i32
    %scan3A_10 = arith.constant 1 : i32
    %scan3A_11 = scf.for %scan3A_156 = %scan3A_7 to %scan3A_9 step %scan3A_10 iter_args(%scan3A_157 = %scan3A) -> (i32)  : i32 {
      %mul3A_158 = arith.constant 8 : i32
      %mul3A_159 = arith.muli %scan3A_156, %mul3A_158 : i32
      %add3A_160 = arith.constant 0 : i32
      %add3A_161 = arith.addi %mul3A_159, %add3A_160 : i32
      %add3A_162 = arith.addi %mul3A_2, %add3A_161 : i32
      %mul3A_163 = arith.constant 128 : i32
      %mul3A_164 = arith.muli %add3A_162, %mul3A_163 : i32
      %ge3A = arith.constant 8 : i32
      %ge3A_165 = arith.cmpi sge, %add3A_161, %ge3A : i32
      %convert_element_type3A = arith.extui %ge3A_165 : i1 to i32
      %cond3A = arith.constant 0 : i32
      %cond3A_166 = arith.cmpi ne, %convert_element_type3A, %cond3A : i32
      scf.if %cond3A_166 {
        %dma_wait3A_386 = arith.constant 0 : i32
        %dma_wait3A_387 = arith.constant 0 : i32
        %dma_wait3A_388 = arith.constant 0 : i32
        %dma_wait3A_389 = arith.constant 0 : i32
        %dma_wait3A_390 = tpu.memref_slice %arg6[%dma_wait3A_386, %dma_wait3A_388, %dma_wait3A_389] : memref<8x128x32xf32, #tpu.memory_space<vmem>> -> memref<1x128x32xf32, #tpu.memory_space<vmem>>
        %dma_wait3A_391 = tpu.memref_squeeze %dma_wait3A_390 : memref<1x128x32xf32, #tpu.memory_space<vmem>> -> memref<128x32xf32, #tpu.memory_space<vmem>>
        %dma_wait3A_392 = arith.constant 0 : i32
        %dma_wait3A_393 = tpu.memref_slice %arg4[%mul3A_164, %dma_wait3A_392] : memref<163840x32xf32, #tpu.memory_space<hbm>> -> memref<128x32xf32, #tpu.memory_space<hbm>>
        %dma_wait3A_394 = tpu.memref_slice %arg8[%dma_wait3A_387] : memref<8x!tpu.dma_semaphore, #tpu.memory_space<semaphore_mem>> -> memref<1x!tpu.dma_semaphore, #tpu.memory_space<semaphore_mem>>
        %dma_wait3A_395 = tpu.memref_squeeze %dma_wait3A_394 : memref<1x!tpu.dma_semaphore, #tpu.memory_space<semaphore_mem>> -> memref<!tpu.dma_semaphore, #tpu.memory_space<semaphore_mem>>
        %dma_wait3A_396 = arith.constant 0 : i32
        %dma_wait3A_397 = tpu.memref_slice %arg4[%mul3A_164, %dma_wait3A_396] : memref<163840x32xf32, #tpu.memory_space<hbm>> -> memref<128x32xf32, #tpu.memory_space<hbm>>
        %dma_wait3A_398 = arith.constant 0 : i32
        %dma_wait3A_399 = arith.constant 0 : i32
        %dma_wait3A_400 = tpu.memref_slice %arg6[%dma_wait3A_386, %dma_wait3A_398, %dma_wait3A_399] : memref<8x128x32xf32, #tpu.memory_space<vmem>> -> memref<1x128x32xf32, #tpu.memory_space<vmem>>
        %dma_wait3A_401 = tpu.memref_squeeze %dma_wait3A_400 : memref<1x128x32xf32, #tpu.memory_space<vmem>> -> memref<128x32xf32, #tpu.memory_space<vmem>>
        tpu.wait_dma2 semaphore(%dma_wait3A_395 : memref<!tpu.dma_semaphore, #tpu.memory_space<semaphore_mem>>) src(%dma_wait3A_401 : memref<128x32xf32, #tpu.memory_space<vmem>>) dst(%dma_wait3A_397 : memref<128x32xf32, #tpu.memory_space<hbm>>)
      } else {
      }
      %run_scoped3A = arith.constant 0 : i32
      "tpu.region"() ({
        %run_scoped3A_386 = tpu.sem_alloc : memref<!tpu.dma_semaphore, #tpu.memory_space<semaphore_mem>>
        %dma_start3A_387 = arith.constant 0 : i32
        %dma_start3A_388 = arith.constant 0 : i32
        %dma_start3A_389 = tpu.memref_slice %arg6[%run_scoped3A, %dma_start3A_387, %dma_start3A_388] : memref<8x128x32xf32, #tpu.memory_space<vmem>> -> memref<1x128x32xf32, #tpu.memory_space<vmem>>
        %dma_start3A_390 = tpu.memref_squeeze %dma_start3A_389 : memref<1x128x32xf32, #tpu.memory_space<vmem>> -> memref<128x32xf32, #tpu.memory_space<vmem>>
        %dma_start3A_391 = arith.constant 0 : i32
        %dma_start3A_392 = tpu.memref_slice %arg5[%add3A_161, %dma_start3A_391] : memref<40x128xi32, #tpu.memory_space<vmem>> -> memref<1x128xi32, #tpu.memory_space<vmem>>
        %dma_start3A_393 = tpu.memref_squeeze %dma_start3A_392 : memref<1x128xi32, #tpu.memory_space<vmem>> -> memref<128xi32, #tpu.memory_space<vmem>>
        %dma_start3A_394 = arith.constant 0 : i32
        %dma_start3A_395 = arith.constant 0 : i32
        %dma_start3A_396 = tpu.memref_slice %arg7[%dma_start3A_394, %dma_start3A_395] : memref<10000x32xf32, #tpu.memory_space<vmem_shared>> -> memref<10000x32xf32, #tpu.memory_space<vmem_shared>>
        tpu.enqueue_indirect_dma source(%dma_start3A_396 : memref<10000x32xf32, #tpu.memory_space<vmem_shared>>) target(%dma_start3A_390 : memref<128x32xf32, #tpu.memory_space<vmem>>) offsets(%dma_start3A_393 : memref<128xi32, #tpu.memory_space<vmem>>) semaphore(%run_scoped3A_386 : memref<!tpu.dma_semaphore, #tpu.memory_space<semaphore_mem>>)
        %dma_wait3A_397 = arith.constant 0 : i32
        %dma_wait3A_398 = arith.constant 0 : i32
        %dma_wait3A_399 = tpu.memref_slice %arg6[%run_scoped3A, %dma_wait3A_397, %dma_wait3A_398] : memref<8x128x32xf32, #tpu.memory_space<vmem>> -> memref<1x128x32xf32, #tpu.memory_space<vmem>>
        %dma_wait3A_400 = tpu.memref_squeeze %dma_wait3A_399 : memref<1x128x32xf32, #tpu.memory_space<vmem>> -> memref<128x32xf32, #tpu.memory_space<vmem>>
        %dma_wait3A_401 = arith.constant 0 : i32
        %dma_wait3A_402 = tpu.memref_slice %arg5[%add3A_161, %dma_wait3A_401] : memref<40x128xi32, #tpu.memory_space<vmem>> -> memref<1x128xi32, #tpu.memory_space<vmem>>
        %dma_wait3A_403 = tpu.memref_squeeze %dma_wait3A_402 : memref<1x128xi32, #tpu.memory_space<vmem>> -> memref<128xi32, #tpu.memory_space<vmem>>
        %dma_wait3A_404 = arith.constant 0 : i32
        %dma_wait3A_405 = arith.constant 0 : i32
        %dma_wait3A_406 = tpu.memref_slice %arg7[%dma_wait3A_404, %dma_wait3A_405] : memref<10000x32xf32, #tpu.memory_space<vmem_shared>> -> memref<10000x32xf32, #tpu.memory_space<vmem_shared>>
        tpu.wait_indirect_dma semaphore(%run_scoped3A_386 : memref<!tpu.dma_semaphore, #tpu.memory_space<semaphore_mem>>) src(%dma_wait3A_406 : memref<10000x32xf32, #tpu.memory_space<vmem_shared>>) dst(%dma_wait3A_400 : memref<128x32xf32, #tpu.memory_space<vmem>>)
        tpu.yield
      }) : () -> ()
      %dma_start3A = arith.constant 0 : i32
      %dma_start3A_167 = arith.constant 0 : i32
      %dma_start3A_168 = arith.constant 0 : i32
      %dma_start3A_169 = arith.constant 0 : i32
      %dma_start3A_170 = tpu.memref_slice %arg6[%dma_start3A, %dma_start3A_168, %dma_start3A_169] : memref<8x128x32xf32, #tpu.memory_space<vmem>> -> memref<1x128x32xf32, #tpu.memory_space<vmem>>
      %dma_start3A_171 = tpu.memref_squeeze %dma_start3A_170 : memref<1x128x32xf32, #tpu.memory_space<vmem>> -> memref<128x32xf32, #tpu.memory_space<vmem>>
      %dma_start3A_172 = arith.constant 0 : i32
      %dma_start3A_173 = tpu.memref_slice %arg4[%mul3A_164, %dma_start3A_172] : memref<163840x32xf32, #tpu.memory_space<hbm>> -> memref<128x32xf32, #tpu.memory_space<hbm>>
      %dma_start3A_174 = tpu.memref_slice %arg8[%dma_start3A_167] : memref<8x!tpu.dma_semaphore, #tpu.memory_space<semaphore_mem>> -> memref<1x!tpu.dma_semaphore, #tpu.memory_space<semaphore_mem>>
      %dma_start3A_175 = tpu.memref_squeeze %dma_start3A_174 : memref<1x!tpu.dma_semaphore, #tpu.memory_space<semaphore_mem>> -> memref<!tpu.dma_semaphore, #tpu.memory_space<semaphore_mem>>
      %dma_start3A_176 = arith.constant 0 : i32
      %dma_start3A_177 = tpu.memref_slice %arg4[%mul3A_164, %dma_start3A_176] : memref<163840x32xf32, #tpu.memory_space<hbm>> -> memref<128x32xf32, #tpu.memory_space<hbm>>
      %dma_start3A_178 = arith.constant 0 : i32
      %dma_start3A_179 = arith.constant 0 : i32
      %dma_start3A_180 = tpu.memref_slice %arg6[%dma_start3A, %dma_start3A_178, %dma_start3A_179] : memref<8x128x32xf32, #tpu.memory_space<vmem>> -> memref<1x128x32xf32, #tpu.memory_space<vmem>>
      %dma_start3A_181 = tpu.memref_squeeze %dma_start3A_180 : memref<1x128x32xf32, #tpu.memory_space<vmem>> -> memref<128x32xf32, #tpu.memory_space<vmem>>
      tpu.enqueue_dma source(%dma_start3A_181 : memref<128x32xf32, #tpu.memory_space<vmem>>) target(%dma_start3A_177 : memref<128x32xf32, #tpu.memory_space<hbm>>) target_semaphore(%dma_start3A_175 : memref<!tpu.dma_semaphore, #tpu.memory_space<semaphore_mem>>)
      %mul3A_182 = arith.constant 8 : i32
      %mul3A_183 = arith.muli %scan3A_156, %mul3A_182 : i32
      %add3A_184 = arith.constant 1 : i32
      %add3A_185 = arith.addi %mul3A_183, %add3A_184 : i32
      %add3A_186 = arith.addi %mul3A_2, %add3A_185 : i32
      %mul3A_187 = arith.constant 128 : i32
      %mul3A_188 = arith.muli %add3A_186, %mul3A_187 : i32
      %ge3A_189 = arith.constant 8 : i32
      %ge3A_190 = arith.cmpi sge, %add3A_185, %ge3A_189 : i32
      %convert_element_type3A_191 = arith.extui %ge3A_190 : i1 to i32
      %cond3A_192 = arith.constant 0 : i32
      %cond3A_193 = arith.cmpi ne, %convert_element_type3A_191, %cond3A_192 : i32
      scf.if %cond3A_193 {
        %dma_wait3A_386 = arith.constant 1 : i32
        %dma_wait3A_387 = arith.constant 1 : i32
        %dma_wait3A_388 = arith.constant 0 : i32
        %dma_wait3A_389 = arith.constant 0 : i32
        %dma_wait3A_390 = tpu.memref_slice %arg6[%dma_wait3A_386, %dma_wait3A_388, %dma_wait3A_389] : memref<8x128x32xf32, #tpu.memory_space<vmem>> -> memref<1x128x32xf32, #tpu.memory_space<vmem>>
        %dma_wait3A_391 = tpu.memref_squeeze %dma_wait3A_390 : memref<1x128x32xf32, #tpu.memory_space<vmem>> -> memref<128x32xf32, #tpu.memory_space<vmem>>
        %dma_wait3A_392 = arith.constant 0 : i32
        %dma_wait3A_393 = tpu.memref_slice %arg4[%mul3A_188, %dma_wait3A_392] : memref<163840x32xf32, #tpu.memory_space<hbm>> -> memref<128x32xf32, #tpu.memory_space<hbm>>
        %dma_wait3A_394 = tpu.memref_slice %arg8[%dma_wait3A_387] : memref<8x!tpu.dma_semaphore, #tpu.memory_space<semaphore_mem>> -> memref<1x!tpu.dma_semaphore, #tpu.memory_space<semaphore_mem>>
        %dma_wait3A_395 = tpu.memref_squeeze %dma_wait3A_394 : memref<1x!tpu.dma_semaphore, #tpu.memory_space<semaphore_mem>> -> memref<!tpu.dma_semaphore, #tpu.memory_space<semaphore_mem>>
        %dma_wait3A_396 = arith.constant 0 : i32
        %dma_wait3A_397 = tpu.memref_slice %arg4[%mul3A_188, %dma_wait3A_396] : memref<163840x32xf32, #tpu.memory_space<hbm>> -> memref<128x32xf32, #tpu.memory_space<hbm>>
        %dma_wait3A_398 = arith.constant 0 : i32
        %dma_wait3A_399 = arith.constant 0 : i32
        %dma_wait3A_400 = tpu.memref_slice %arg6[%dma_wait3A_386, %dma_wait3A_398, %dma_wait3A_399] : memref<8x128x32xf32, #tpu.memory_space<vmem>> -> memref<1x128x32xf32, #tpu.memory_space<vmem>>
        %dma_wait3A_401 = tpu.memref_squeeze %dma_wait3A_400 : memref<1x128x32xf32, #tpu.memory_space<vmem>> -> memref<128x32xf32, #tpu.memory_space<vmem>>
        tpu.wait_dma2 semaphore(%dma_wait3A_395 : memref<!tpu.dma_semaphore, #tpu.memory_space<semaphore_mem>>) src(%dma_wait3A_401 : memref<128x32xf32, #tpu.memory_space<vmem>>) dst(%dma_wait3A_397 : memref<128x32xf32, #tpu.memory_space<hbm>>)
      } else {
      }
      %run_scoped3A_194 = arith.constant 1 : i32
      "tpu.region"() ({
        %run_scoped3A_386 = tpu.sem_alloc : memref<!tpu.dma_semaphore, #tpu.memory_space<semaphore_mem>>
        %dma_start3A_387 = arith.constant 0 : i32
        %dma_start3A_388 = arith.constant 0 : i32
        %dma_start3A_389 = tpu.memref_slice %arg6[%run_scoped3A_194, %dma_start3A_387, %dma_start3A_388] : memref<8x128x32xf32, #tpu.memory_space<vmem>> -> memref<1x128x32xf32, #tpu.memory_space<vmem>>
        %dma_start3A_390 = tpu.memref_squeeze %dma_start3A_389 : memref<1x128x32xf32, #tpu.memory_space<vmem>> -> memref<128x32xf32, #tpu.memory_space<vmem>>
        %dma_start3A_391 = arith.constant 0 : i32
        %dma_start3A_392 = tpu.memref_slice %arg5[%add3A_185, %dma_start3A_391] : memref<40x128xi32, #tpu.memory_space<vmem>> -> memref<1x128xi32, #tpu.memory_space<vmem>>
        %dma_start3A_393 = tpu.memref_squeeze %dma_start3A_392 : memref<1x128xi32, #tpu.memory_space<vmem>> -> memref<128xi32, #tpu.memory_space<vmem>>
        %dma_start3A_394 = arith.constant 0 : i32
        %dma_start3A_395 = arith.constant 0 : i32
        %dma_start3A_396 = tpu.memref_slice %arg7[%dma_start3A_394, %dma_start3A_395] : memref<10000x32xf32, #tpu.memory_space<vmem_shared>> -> memref<10000x32xf32, #tpu.memory_space<vmem_shared>>
        tpu.enqueue_indirect_dma source(%dma_start3A_396 : memref<10000x32xf32, #tpu.memory_space<vmem_shared>>) target(%dma_start3A_390 : memref<128x32xf32, #tpu.memory_space<vmem>>) offsets(%dma_start3A_393 : memref<128xi32, #tpu.memory_space<vmem>>) semaphore(%run_scoped3A_386 : memref<!tpu.dma_semaphore, #tpu.memory_space<semaphore_mem>>)
        %dma_wait3A_397 = arith.constant 0 : i32
        %dma_wait3A_398 = arith.constant 0 : i32
        %dma_wait3A_399 = tpu.memref_slice %arg6[%run_scoped3A_194, %dma_wait3A_397, %dma_wait3A_398] : memref<8x128x32xf32, #tpu.memory_space<vmem>> -> memref<1x128x32xf32, #tpu.memory_space<vmem>>
        %dma_wait3A_400 = tpu.memref_squeeze %dma_wait3A_399 : memref<1x128x32xf32, #tpu.memory_space<vmem>> -> memref<128x32xf32, #tpu.memory_space<vmem>>
        %dma_wait3A_401 = arith.constant 0 : i32
        %dma_wait3A_402 = tpu.memref_slice %arg5[%add3A_185, %dma_wait3A_401] : memref<40x128xi32, #tpu.memory_space<vmem>> -> memref<1x128xi32, #tpu.memory_space<vmem>>
        %dma_wait3A_403 = tpu.memref_squeeze %dma_wait3A_402 : memref<1x128xi32, #tpu.memory_space<vmem>> -> memref<128xi32, #tpu.memory_space<vmem>>
        %dma_wait3A_404 = arith.constant 0 : i32
        %dma_wait3A_405 = arith.constant 0 : i32
        %dma_wait3A_406 = tpu.memref_slice %arg7[%dma_wait3A_404, %dma_wait3A_405] : memref<10000x32xf32, #tpu.memory_space<vmem_shared>> -> memref<10000x32xf32, #tpu.memory_space<vmem_shared>>
        tpu.wait_indirect_dma semaphore(%run_scoped3A_386 : memref<!tpu.dma_semaphore, #tpu.memory_space<semaphore_mem>>) src(%dma_wait3A_406 : memref<10000x32xf32, #tpu.memory_space<vmem_shared>>) dst(%dma_wait3A_400 : memref<128x32xf32, #tpu.memory_space<vmem>>)
        tpu.yield
      }) : () -> ()
      %dma_start3A_195 = arith.constant 1 : i32
      %dma_start3A_196 = arith.constant 1 : i32
      %dma_start3A_197 = arith.constant 0 : i32
      %dma_start3A_198 = arith.constant 0 : i32
      %dma_start3A_199 = tpu.memref_slice %arg6[%dma_start3A_195, %dma_start3A_197, %dma_start3A_198] : memref<8x128x32xf32, #tpu.memory_space<vmem>> -> memref<1x128x32xf32, #tpu.memory_space<vmem>>
      %dma_start3A_200 = tpu.memref_squeeze %dma_start3A_199 : memref<1x128x32xf32, #tpu.memory_space<vmem>> -> memref<128x32xf32, #tpu.memory_space<vmem>>
      %dma_start3A_201 = arith.constant 0 : i32
      %dma_start3A_202 = tpu.memref_slice %arg4[%mul3A_188, %dma_start3A_201] : memref<163840x32xf32, #tpu.memory_space<hbm>> -> memref<128x32xf32, #tpu.memory_space<hbm>>
      %dma_start3A_203 = tpu.memref_slice %arg8[%dma_start3A_196] : memref<8x!tpu.dma_semaphore, #tpu.memory_space<semaphore_mem>> -> memref<1x!tpu.dma_semaphore, #tpu.memory_space<semaphore_mem>>
      %dma_start3A_204 = tpu.memref_squeeze %dma_start3A_203 : memref<1x!tpu.dma_semaphore, #tpu.memory_space<semaphore_mem>> -> memref<!tpu.dma_semaphore, #tpu.memory_space<semaphore_mem>>
      %dma_start3A_205 = arith.constant 0 : i32
      %dma_start3A_206 = tpu.memref_slice %arg4[%mul3A_188, %dma_start3A_205] : memref<163840x32xf32, #tpu.memory_space<hbm>> -> memref<128x32xf32, #tpu.memory_space<hbm>>
      %dma_start3A_207 = arith.constant 0 : i32
      %dma_start3A_208 = arith.constant 0 : i32
      %dma_start3A_209 = tpu.memref_slice %arg6[%dma_start3A_195, %dma_start3A_207, %dma_start3A_208] : memref<8x128x32xf32, #tpu.memory_space<vmem>> -> memref<1x128x32xf32, #tpu.memory_space<vmem>>
      %dma_start3A_210 = tpu.memref_squeeze %dma_start3A_209 : memref<1x128x32xf32, #tpu.memory_space<vmem>> -> memref<128x32xf32, #tpu.memory_space<vmem>>
      tpu.enqueue_dma source(%dma_start3A_210 : memref<128x32xf32, #tpu.memory_space<vmem>>) target(%dma_start3A_206 : memref<128x32xf32, #tpu.memory_space<hbm>>) target_semaphore(%dma_start3A_204 : memref<!tpu.dma_semaphore, #tpu.memory_space<semaphore_mem>>)
      %mul3A_211 = arith.constant 8 : i32
      %mul3A_212 = arith.muli %scan3A_156, %mul3A_211 : i32
      %add3A_213 = arith.constant 2 : i32
      %add3A_214 = arith.addi %mul3A_212, %add3A_213 : i32
      %add3A_215 = arith.addi %mul3A_2, %add3A_214 : i32
      %mul3A_216 = arith.constant 128 : i32
      %mul3A_217 = arith.muli %add3A_215, %mul3A_216 : i32
      %ge3A_218 = arith.constant 8 : i32
      %ge3A_219 = arith.cmpi sge, %add3A_214, %ge3A_218 : i32
      %convert_element_type3A_220 = arith.extui %ge3A_219 : i1 to i32
      %cond3A_221 = arith.constant 0 : i32
      %cond3A_222 = arith.cmpi ne, %convert_element_type3A_220, %cond3A_221 : i32
      scf.if %cond3A_222 {
        %dma_wait3A_386 = arith.constant 2 : i32
        %dma_wait3A_387 = arith.constant 2 : i32
        %dma_wait3A_388 = arith.constant 0 : i32
        %dma_wait3A_389 = arith.constant 0 : i32
        %dma_wait3A_390 = tpu.memref_slice %arg6[%dma_wait3A_386, %dma_wait3A_388, %dma_wait3A_389] : memref<8x128x32xf32, #tpu.memory_space<vmem>> -> memref<1x128x32xf32, #tpu.memory_space<vmem>>
        %dma_wait3A_391 = tpu.memref_squeeze %dma_wait3A_390 : memref<1x128x32xf32, #tpu.memory_space<vmem>> -> memref<128x32xf32, #tpu.memory_space<vmem>>
        %dma_wait3A_392 = arith.constant 0 : i32
        %dma_wait3A_393 = tpu.memref_slice %arg4[%mul3A_217, %dma_wait3A_392] : memref<163840x32xf32, #tpu.memory_space<hbm>> -> memref<128x32xf32, #tpu.memory_space<hbm>>
        %dma_wait3A_394 = tpu.memref_slice %arg8[%dma_wait3A_387] : memref<8x!tpu.dma_semaphore, #tpu.memory_space<semaphore_mem>> -> memref<1x!tpu.dma_semaphore, #tpu.memory_space<semaphore_mem>>
        %dma_wait3A_395 = tpu.memref_squeeze %dma_wait3A_394 : memref<1x!tpu.dma_semaphore, #tpu.memory_space<semaphore_mem>> -> memref<!tpu.dma_semaphore, #tpu.memory_space<semaphore_mem>>
        %dma_wait3A_396 = arith.constant 0 : i32
        %dma_wait3A_397 = tpu.memref_slice %arg4[%mul3A_217, %dma_wait3A_396] : memref<163840x32xf32, #tpu.memory_space<hbm>> -> memref<128x32xf32, #tpu.memory_space<hbm>>
        %dma_wait3A_398 = arith.constant 0 : i32
        %dma_wait3A_399 = arith.constant 0 : i32
        %dma_wait3A_400 = tpu.memref_slice %arg6[%dma_wait3A_386, %dma_wait3A_398, %dma_wait3A_399] : memref<8x128x32xf32, #tpu.memory_space<vmem>> -> memref<1x128x32xf32, #tpu.memory_space<vmem>>
        %dma_wait3A_401 = tpu.memref_squeeze %dma_wait3A_400 : memref<1x128x32xf32, #tpu.memory_space<vmem>> -> memref<128x32xf32, #tpu.memory_space<vmem>>
        tpu.wait_dma2 semaphore(%dma_wait3A_395 : memref<!tpu.dma_semaphore, #tpu.memory_space<semaphore_mem>>) src(%dma_wait3A_401 : memref<128x32xf32, #tpu.memory_space<vmem>>) dst(%dma_wait3A_397 : memref<128x32xf32, #tpu.memory_space<hbm>>)
      } else {
      }
      %run_scoped3A_223 = arith.constant 2 : i32
      "tpu.region"() ({
        %run_scoped3A_386 = tpu.sem_alloc : memref<!tpu.dma_semaphore, #tpu.memory_space<semaphore_mem>>
        %dma_start3A_387 = arith.constant 0 : i32
        %dma_start3A_388 = arith.constant 0 : i32
        %dma_start3A_389 = tpu.memref_slice %arg6[%run_scoped3A_223, %dma_start3A_387, %dma_start3A_388] : memref<8x128x32xf32, #tpu.memory_space<vmem>> -> memref<1x128x32xf32, #tpu.memory_space<vmem>>
        %dma_start3A_390 = tpu.memref_squeeze %dma_start3A_389 : memref<1x128x32xf32, #tpu.memory_space<vmem>> -> memref<128x32xf32, #tpu.memory_space<vmem>>
        %dma_start3A_391 = arith.constant 0 : i32
        %dma_start3A_392 = tpu.memref_slice %arg5[%add3A_214, %dma_start3A_391] : memref<40x128xi32, #tpu.memory_space<vmem>> -> memref<1x128xi32, #tpu.memory_space<vmem>>
        %dma_start3A_393 = tpu.memref_squeeze %dma_start3A_392 : memref<1x128xi32, #tpu.memory_space<vmem>> -> memref<128xi32, #tpu.memory_space<vmem>>
        %dma_start3A_394 = arith.constant 0 : i32
        %dma_start3A_395 = arith.constant 0 : i32
        %dma_start3A_396 = tpu.memref_slice %arg7[%dma_start3A_394, %dma_start3A_395] : memref<10000x32xf32, #tpu.memory_space<vmem_shared>> -> memref<10000x32xf32, #tpu.memory_space<vmem_shared>>
        tpu.enqueue_indirect_dma source(%dma_start3A_396 : memref<10000x32xf32, #tpu.memory_space<vmem_shared>>) target(%dma_start3A_390 : memref<128x32xf32, #tpu.memory_space<vmem>>) offsets(%dma_start3A_393 : memref<128xi32, #tpu.memory_space<vmem>>) semaphore(%run_scoped3A_386 : memref<!tpu.dma_semaphore, #tpu.memory_space<semaphore_mem>>)
        %dma_wait3A_397 = arith.constant 0 : i32
        %dma_wait3A_398 = arith.constant 0 : i32
        %dma_wait3A_399 = tpu.memref_slice %arg6[%run_scoped3A_223, %dma_wait3A_397, %dma_wait3A_398] : memref<8x128x32xf32, #tpu.memory_space<vmem>> -> memref<1x128x32xf32, #tpu.memory_space<vmem>>
        %dma_wait3A_400 = tpu.memref_squeeze %dma_wait3A_399 : memref<1x128x32xf32, #tpu.memory_space<vmem>> -> memref<128x32xf32, #tpu.memory_space<vmem>>
        %dma_wait3A_401 = arith.constant 0 : i32
        %dma_wait3A_402 = tpu.memref_slice %arg5[%add3A_214, %dma_wait3A_401] : memref<40x128xi32, #tpu.memory_space<vmem>> -> memref<1x128xi32, #tpu.memory_space<vmem>>
        %dma_wait3A_403 = tpu.memref_squeeze %dma_wait3A_402 : memref<1x128xi32, #tpu.memory_space<vmem>> -> memref<128xi32, #tpu.memory_space<vmem>>
        %dma_wait3A_404 = arith.constant 0 : i32
        %dma_wait3A_405 = arith.constant 0 : i32
        %dma_wait3A_406 = tpu.memref_slice %arg7[%dma_wait3A_404, %dma_wait3A_405] : memref<10000x32xf32, #tpu.memory_space<vmem_shared>> -> memref<10000x32xf32, #tpu.memory_space<vmem_shared>>
        tpu.wait_indirect_dma semaphore(%run_scoped3A_386 : memref<!tpu.dma_semaphore, #tpu.memory_space<semaphore_mem>>) src(%dma_wait3A_406 : memref<10000x32xf32, #tpu.memory_space<vmem_shared>>) dst(%dma_wait3A_400 : memref<128x32xf32, #tpu.memory_space<vmem>>)
        tpu.yield
      }) : () -> ()
      %dma_start3A_224 = arith.constant 2 : i32
      %dma_start3A_225 = arith.constant 2 : i32
      %dma_start3A_226 = arith.constant 0 : i32
      %dma_start3A_227 = arith.constant 0 : i32
      %dma_start3A_228 = tpu.memref_slice %arg6[%dma_start3A_224, %dma_start3A_226, %dma_start3A_227] : memref<8x128x32xf32, #tpu.memory_space<vmem>> -> memref<1x128x32xf32, #tpu.memory_space<vmem>>
      %dma_start3A_229 = tpu.memref_squeeze %dma_start3A_228 : memref<1x128x32xf32, #tpu.memory_space<vmem>> -> memref<128x32xf32, #tpu.memory_space<vmem>>
      %dma_start3A_230 = arith.constant 0 : i32
      %dma_start3A_231 = tpu.memref_slice %arg4[%mul3A_217, %dma_start3A_230] : memref<163840x32xf32, #tpu.memory_space<hbm>> -> memref<128x32xf32, #tpu.memory_space<hbm>>
      %dma_start3A_232 = tpu.memref_slice %arg8[%dma_start3A_225] : memref<8x!tpu.dma_semaphore, #tpu.memory_space<semaphore_mem>> -> memref<1x!tpu.dma_semaphore, #tpu.memory_space<semaphore_mem>>
      %dma_start3A_233 = tpu.memref_squeeze %dma_start3A_232 : memref<1x!tpu.dma_semaphore, #tpu.memory_space<semaphore_mem>> -> memref<!tpu.dma_semaphore, #tpu.memory_space<semaphore_mem>>
      %dma_start3A_234 = arith.constant 0 : i32
      %dma_start3A_235 = tpu.memref_slice %arg4[%mul3A_217, %dma_start3A_234] : memref<163840x32xf32, #tpu.memory_space<hbm>> -> memref<128x32xf32, #tpu.memory_space<hbm>>
      %dma_start3A_236 = arith.constant 0 : i32
      %dma_start3A_237 = arith.constant 0 : i32
      %dma_start3A_238 = tpu.memref_slice %arg6[%dma_start3A_224, %dma_start3A_236, %dma_start3A_237] : memref<8x128x32xf32, #tpu.memory_space<vmem>> -> memref<1x128x32xf32, #tpu.memory_space<vmem>>
      %dma_start3A_239 = tpu.memref_squeeze %dma_start3A_238 : memref<1x128x32xf32, #tpu.memory_space<vmem>> -> memref<128x32xf32, #tpu.memory_space<vmem>>
      tpu.enqueue_dma source(%dma_start3A_239 : memref<128x32xf32, #tpu.memory_space<vmem>>) target(%dma_start3A_235 : memref<128x32xf32, #tpu.memory_space<hbm>>) target_semaphore(%dma_start3A_233 : memref<!tpu.dma_semaphore, #tpu.memory_space<semaphore_mem>>)
      %mul3A_240 = arith.constant 8 : i32
      %mul3A_241 = arith.muli %scan3A_156, %mul3A_240 : i32
      %add3A_242 = arith.constant 3 : i32
      %add3A_243 = arith.addi %mul3A_241, %add3A_242 : i32
      %add3A_244 = arith.addi %mul3A_2, %add3A_243 : i32
      %mul3A_245 = arith.constant 128 : i32
      %mul3A_246 = arith.muli %add3A_244, %mul3A_245 : i32
      %ge3A_247 = arith.constant 8 : i32
      %ge3A_248 = arith.cmpi sge, %add3A_243, %ge3A_247 : i32
      %convert_element_type3A_249 = arith.extui %ge3A_248 : i1 to i32
      %cond3A_250 = arith.constant 0 : i32
      %cond3A_251 = arith.cmpi ne, %convert_element_type3A_249, %cond3A_250 : i32
      scf.if %cond3A_251 {
        %dma_wait3A_386 = arith.constant 3 : i32
        %dma_wait3A_387 = arith.constant 3 : i32
        %dma_wait3A_388 = arith.constant 0 : i32
        %dma_wait3A_389 = arith.constant 0 : i32
        %dma_wait3A_390 = tpu.memref_slice %arg6[%dma_wait3A_386, %dma_wait3A_388, %dma_wait3A_389] : memref<8x128x32xf32, #tpu.memory_space<vmem>> -> memref<1x128x32xf32, #tpu.memory_space<vmem>>
        %dma_wait3A_391 = tpu.memref_squeeze %dma_wait3A_390 : memref<1x128x32xf32, #tpu.memory_space<vmem>> -> memref<128x32xf32, #tpu.memory_space<vmem>>
        %dma_wait3A_392 = arith.constant 0 : i32
        %dma_wait3A_393 = tpu.memref_slice %arg4[%mul3A_246, %dma_wait3A_392] : memref<163840x32xf32, #tpu.memory_space<hbm>> -> memref<128x32xf32, #tpu.memory_space<hbm>>
        %dma_wait3A_394 = tpu.memref_slice %arg8[%dma_wait3A_387] : memref<8x!tpu.dma_semaphore, #tpu.memory_space<semaphore_mem>> -> memref<1x!tpu.dma_semaphore, #tpu.memory_space<semaphore_mem>>
        %dma_wait3A_395 = tpu.memref_squeeze %dma_wait3A_394 : memref<1x!tpu.dma_semaphore, #tpu.memory_space<semaphore_mem>> -> memref<!tpu.dma_semaphore, #tpu.memory_space<semaphore_mem>>
        %dma_wait3A_396 = arith.constant 0 : i32
        %dma_wait3A_397 = tpu.memref_slice %arg4[%mul3A_246, %dma_wait3A_396] : memref<163840x32xf32, #tpu.memory_space<hbm>> -> memref<128x32xf32, #tpu.memory_space<hbm>>
        %dma_wait3A_398 = arith.constant 0 : i32
        %dma_wait3A_399 = arith.constant 0 : i32
        %dma_wait3A_400 = tpu.memref_slice %arg6[%dma_wait3A_386, %dma_wait3A_398, %dma_wait3A_399] : memref<8x128x32xf32, #tpu.memory_space<vmem>> -> memref<1x128x32xf32, #tpu.memory_space<vmem>>
        %dma_wait3A_401 = tpu.memref_squeeze %dma_wait3A_400 : memref<1x128x32xf32, #tpu.memory_space<vmem>> -> memref<128x32xf32, #tpu.memory_space<vmem>>
        tpu.wait_dma2 semaphore(%dma_wait3A_395 : memref<!tpu.dma_semaphore, #tpu.memory_space<semaphore_mem>>) src(%dma_wait3A_401 : memref<128x32xf32, #tpu.memory_space<vmem>>) dst(%dma_wait3A_397 : memref<128x32xf32, #tpu.memory_space<hbm>>)
      } else {
      }
      %run_scoped3A_252 = arith.constant 3 : i32
      "tpu.region"() ({
        %run_scoped3A_386 = tpu.sem_alloc : memref<!tpu.dma_semaphore, #tpu.memory_space<semaphore_mem>>
        %dma_start3A_387 = arith.constant 0 : i32
        %dma_start3A_388 = arith.constant 0 : i32
        %dma_start3A_389 = tpu.memref_slice %arg6[%run_scoped3A_252, %dma_start3A_387, %dma_start3A_388] : memref<8x128x32xf32, #tpu.memory_space<vmem>> -> memref<1x128x32xf32, #tpu.memory_space<vmem>>
        %dma_start3A_390 = tpu.memref_squeeze %dma_start3A_389 : memref<1x128x32xf32, #tpu.memory_space<vmem>> -> memref<128x32xf32, #tpu.memory_space<vmem>>
        %dma_start3A_391 = arith.constant 0 : i32
        %dma_start3A_392 = tpu.memref_slice %arg5[%add3A_243, %dma_start3A_391] : memref<40x128xi32, #tpu.memory_space<vmem>> -> memref<1x128xi32, #tpu.memory_space<vmem>>
        %dma_start3A_393 = tpu.memref_squeeze %dma_start3A_392 : memref<1x128xi32, #tpu.memory_space<vmem>> -> memref<128xi32, #tpu.memory_space<vmem>>
        %dma_start3A_394 = arith.constant 0 : i32
        %dma_start3A_395 = arith.constant 0 : i32
        %dma_start3A_396 = tpu.memref_slice %arg7[%dma_start3A_394, %dma_start3A_395] : memref<10000x32xf32, #tpu.memory_space<vmem_shared>> -> memref<10000x32xf32, #tpu.memory_space<vmem_shared>>
        tpu.enqueue_indirect_dma source(%dma_start3A_396 : memref<10000x32xf32, #tpu.memory_space<vmem_shared>>) target(%dma_start3A_390 : memref<128x32xf32, #tpu.memory_space<vmem>>) offsets(%dma_start3A_393 : memref<128xi32, #tpu.memory_space<vmem>>) semaphore(%run_scoped3A_386 : memref<!tpu.dma_semaphore, #tpu.memory_space<semaphore_mem>>)
        %dma_wait3A_397 = arith.constant 0 : i32
        %dma_wait3A_398 = arith.constant 0 : i32
        %dma_wait3A_399 = tpu.memref_slice %arg6[%run_scoped3A_252, %dma_wait3A_397, %dma_wait3A_398] : memref<8x128x32xf32, #tpu.memory_space<vmem>> -> memref<1x128x32xf32, #tpu.memory_space<vmem>>
        %dma_wait3A_400 = tpu.memref_squeeze %dma_wait3A_399 : memref<1x128x32xf32, #tpu.memory_space<vmem>> -> memref<128x32xf32, #tpu.memory_space<vmem>>
        %dma_wait3A_401 = arith.constant 0 : i32
        %dma_wait3A_402 = tpu.memref_slice %arg5[%add3A_243, %dma_wait3A_401] : memref<40x128xi32, #tpu.memory_space<vmem>> -> memref<1x128xi32, #tpu.memory_space<vmem>>
        %dma_wait3A_403 = tpu.memref_squeeze %dma_wait3A_402 : memref<1x128xi32, #tpu.memory_space<vmem>> -> memref<128xi32, #tpu.memory_space<vmem>>
        %dma_wait3A_404 = arith.constant 0 : i32
        %dma_wait3A_405 = arith.constant 0 : i32
        %dma_wait3A_406 = tpu.memref_slice %arg7[%dma_wait3A_404, %dma_wait3A_405] : memref<10000x32xf32, #tpu.memory_space<vmem_shared>> -> memref<10000x32xf32, #tpu.memory_space<vmem_shared>>
        tpu.wait_indirect_dma semaphore(%run_scoped3A_386 : memref<!tpu.dma_semaphore, #tpu.memory_space<semaphore_mem>>) src(%dma_wait3A_406 : memref<10000x32xf32, #tpu.memory_space<vmem_shared>>) dst(%dma_wait3A_400 : memref<128x32xf32, #tpu.memory_space<vmem>>)
        tpu.yield
      }) : () -> ()
      %dma_start3A_253 = arith.constant 3 : i32
      %dma_start3A_254 = arith.constant 3 : i32
      %dma_start3A_255 = arith.constant 0 : i32
      %dma_start3A_256 = arith.constant 0 : i32
      %dma_start3A_257 = tpu.memref_slice %arg6[%dma_start3A_253, %dma_start3A_255, %dma_start3A_256] : memref<8x128x32xf32, #tpu.memory_space<vmem>> -> memref<1x128x32xf32, #tpu.memory_space<vmem>>
      %dma_start3A_258 = tpu.memref_squeeze %dma_start3A_257 : memref<1x128x32xf32, #tpu.memory_space<vmem>> -> memref<128x32xf32, #tpu.memory_space<vmem>>
      %dma_start3A_259 = arith.constant 0 : i32
      %dma_start3A_260 = tpu.memref_slice %arg4[%mul3A_246, %dma_start3A_259] : memref<163840x32xf32, #tpu.memory_space<hbm>> -> memref<128x32xf32, #tpu.memory_space<hbm>>
      %dma_start3A_261 = tpu.memref_slice %arg8[%dma_start3A_254] : memref<8x!tpu.dma_semaphore, #tpu.memory_space<semaphore_mem>> -> memref<1x!tpu.dma_semaphore, #tpu.memory_space<semaphore_mem>>
      %dma_start3A_262 = tpu.memref_squeeze %dma_start3A_261 : memref<1x!tpu.dma_semaphore, #tpu.memory_space<semaphore_mem>> -> memref<!tpu.dma_semaphore, #tpu.memory_space<semaphore_mem>>
      %dma_start3A_263 = arith.constant 0 : i32
      %dma_start3A_264 = tpu.memref_slice %arg4[%mul3A_246, %dma_start3A_263] : memref<163840x32xf32, #tpu.memory_space<hbm>> -> memref<128x32xf32, #tpu.memory_space<hbm>>
      %dma_start3A_265 = arith.constant 0 : i32
      %dma_start3A_266 = arith.constant 0 : i32
      %dma_start3A_267 = tpu.memref_slice %arg6[%dma_start3A_253, %dma_start3A_265, %dma_start3A_266] : memref<8x128x32xf32, #tpu.memory_space<vmem>> -> memref<1x128x32xf32, #tpu.memory_space<vmem>>
      %dma_start3A_268 = tpu.memref_squeeze %dma_start3A_267 : memref<1x128x32xf32, #tpu.memory_space<vmem>> -> memref<128x32xf32, #tpu.memory_space<vmem>>
      tpu.enqueue_dma source(%dma_start3A_268 : memref<128x32xf32, #tpu.memory_space<vmem>>) target(%dma_start3A_264 : memref<128x32xf32, #tpu.memory_space<hbm>>) target_semaphore(%dma_start3A_262 : memref<!tpu.dma_semaphore, #tpu.memory_space<semaphore_mem>>)
      %mul3A_269 = arith.constant 8 : i32
      %mul3A_270 = arith.muli %scan3A_156, %mul3A_269 : i32
      %add3A_271 = arith.constant 4 : i32
      %add3A_272 = arith.addi %mul3A_270, %add3A_271 : i32
      %add3A_273 = arith.addi %mul3A_2, %add3A_272 : i32
      %mul3A_274 = arith.constant 128 : i32
      %mul3A_275 = arith.muli %add3A_273, %mul3A_274 : i32
      %ge3A_276 = arith.constant 8 : i32
      %ge3A_277 = arith.cmpi sge, %add3A_272, %ge3A_276 : i32
      %convert_element_type3A_278 = arith.extui %ge3A_277 : i1 to i32
      %cond3A_279 = arith.constant 0 : i32
      %cond3A_280 = arith.cmpi ne, %convert_element_type3A_278, %cond3A_279 : i32
      scf.if %cond3A_280 {
        %dma_wait3A_386 = arith.constant 4 : i32
        %dma_wait3A_387 = arith.constant 4 : i32
        %dma_wait3A_388 = arith.constant 0 : i32
        %dma_wait3A_389 = arith.constant 0 : i32
        %dma_wait3A_390 = tpu.memref_slice %arg6[%dma_wait3A_386, %dma_wait3A_388, %dma_wait3A_389] : memref<8x128x32xf32, #tpu.memory_space<vmem>> -> memref<1x128x32xf32, #tpu.memory_space<vmem>>
        %dma_wait3A_391 = tpu.memref_squeeze %dma_wait3A_390 : memref<1x128x32xf32, #tpu.memory_space<vmem>> -> memref<128x32xf32, #tpu.memory_space<vmem>>
        %dma_wait3A_392 = arith.constant 0 : i32
        %dma_wait3A_393 = tpu.memref_slice %arg4[%mul3A_275, %dma_wait3A_392] : memref<163840x32xf32, #tpu.memory_space<hbm>> -> memref<128x32xf32, #tpu.memory_space<hbm>>
        %dma_wait3A_394 = tpu.memref_slice %arg8[%dma_wait3A_387] : memref<8x!tpu.dma_semaphore, #tpu.memory_space<semaphore_mem>> -> memref<1x!tpu.dma_semaphore, #tpu.memory_space<semaphore_mem>>
        %dma_wait3A_395 = tpu.memref_squeeze %dma_wait3A_394 : memref<1x!tpu.dma_semaphore, #tpu.memory_space<semaphore_mem>> -> memref<!tpu.dma_semaphore, #tpu.memory_space<semaphore_mem>>
        %dma_wait3A_396 = arith.constant 0 : i32
        %dma_wait3A_397 = tpu.memref_slice %arg4[%mul3A_275, %dma_wait3A_396] : memref<163840x32xf32, #tpu.memory_space<hbm>> -> memref<128x32xf32, #tpu.memory_space<hbm>>
        %dma_wait3A_398 = arith.constant 0 : i32
        %dma_wait3A_399 = arith.constant 0 : i32
        %dma_wait3A_400 = tpu.memref_slice %arg6[%dma_wait3A_386, %dma_wait3A_398, %dma_wait3A_399] : memref<8x128x32xf32, #tpu.memory_space<vmem>> -> memref<1x128x32xf32, #tpu.memory_space<vmem>>
        %dma_wait3A_401 = tpu.memref_squeeze %dma_wait3A_400 : memref<1x128x32xf32, #tpu.memory_space<vmem>> -> memref<128x32xf32, #tpu.memory_space<vmem>>
        tpu.wait_dma2 semaphore(%dma_wait3A_395 : memref<!tpu.dma_semaphore, #tpu.memory_space<semaphore_mem>>) src(%dma_wait3A_401 : memref<128x32xf32, #tpu.memory_space<vmem>>) dst(%dma_wait3A_397 : memref<128x32xf32, #tpu.memory_space<hbm>>)
      } else {
      }
      %run_scoped3A_281 = arith.constant 4 : i32
      "tpu.region"() ({
        %run_scoped3A_386 = tpu.sem_alloc : memref<!tpu.dma_semaphore, #tpu.memory_space<semaphore_mem>>
        %dma_start3A_387 = arith.constant 0 : i32
        %dma_start3A_388 = arith.constant 0 : i32
        %dma_start3A_389 = tpu.memref_slice %arg6[%run_scoped3A_281, %dma_start3A_387, %dma_start3A_388] : memref<8x128x32xf32, #tpu.memory_space<vmem>> -> memref<1x128x32xf32, #tpu.memory_space<vmem>>
        %dma_start3A_390 = tpu.memref_squeeze %dma_start3A_389 : memref<1x128x32xf32, #tpu.memory_space<vmem>> -> memref<128x32xf32, #tpu.memory_space<vmem>>
        %dma_start3A_391 = arith.constant 0 : i32
        %dma_start3A_392 = tpu.memref_slice %arg5[%add3A_272, %dma_start3A_391] : memref<40x128xi32, #tpu.memory_space<vmem>> -> memref<1x128xi32, #tpu.memory_space<vmem>>
        %dma_start3A_393 = tpu.memref_squeeze %dma_start3A_392 : memref<1x128xi32, #tpu.memory_space<vmem>> -> memref<128xi32, #tpu.memory_space<vmem>>
        %dma_start3A_394 = arith.constant 0 : i32
        %dma_start3A_395 = arith.constant 0 : i32
        %dma_start3A_396 = tpu.memref_slice %arg7[%dma_start3A_394, %dma_start3A_395] : memref<10000x32xf32, #tpu.memory_space<vmem_shared>> -> memref<10000x32xf32, #tpu.memory_space<vmem_shared>>
        tpu.enqueue_indirect_dma source(%dma_start3A_396 : memref<10000x32xf32, #tpu.memory_space<vmem_shared>>) target(%dma_start3A_390 : memref<128x32xf32, #tpu.memory_space<vmem>>) offsets(%dma_start3A_393 : memref<128xi32, #tpu.memory_space<vmem>>) semaphore(%run_scoped3A_386 : memref<!tpu.dma_semaphore, #tpu.memory_space<semaphore_mem>>)
        %dma_wait3A_397 = arith.constant 0 : i32
        %dma_wait3A_398 = arith.constant 0 : i32
        %dma_wait3A_399 = tpu.memref_slice %arg6[%run_scoped3A_281, %dma_wait3A_397, %dma_wait3A_398] : memref<8x128x32xf32, #tpu.memory_space<vmem>> -> memref<1x128x32xf32, #tpu.memory_space<vmem>>
        %dma_wait3A_400 = tpu.memref_squeeze %dma_wait3A_399 : memref<1x128x32xf32, #tpu.memory_space<vmem>> -> memref<128x32xf32, #tpu.memory_space<vmem>>
        %dma_wait3A_401 = arith.constant 0 : i32
        %dma_wait3A_402 = tpu.memref_slice %arg5[%add3A_272, %dma_wait3A_401] : memref<40x128xi32, #tpu.memory_space<vmem>> -> memref<1x128xi32, #tpu.memory_space<vmem>>
        %dma_wait3A_403 = tpu.memref_squeeze %dma_wait3A_402 : memref<1x128xi32, #tpu.memory_space<vmem>> -> memref<128xi32, #tpu.memory_space<vmem>>
        %dma_wait3A_404 = arith.constant 0 : i32
        %dma_wait3A_405 = arith.constant 0 : i32
        %dma_wait3A_406 = tpu.memref_slice %arg7[%dma_wait3A_404, %dma_wait3A_405] : memref<10000x32xf32, #tpu.memory_space<vmem_shared>> -> memref<10000x32xf32, #tpu.memory_space<vmem_shared>>
        tpu.wait_indirect_dma semaphore(%run_scoped3A_386 : memref<!tpu.dma_semaphore, #tpu.memory_space<semaphore_mem>>) src(%dma_wait3A_406 : memref<10000x32xf32, #tpu.memory_space<vmem_shared>>) dst(%dma_wait3A_400 : memref<128x32xf32, #tpu.memory_space<vmem>>)
        tpu.yield
      }) : () -> ()
      %dma_start3A_282 = arith.constant 4 : i32
      %dma_start3A_283 = arith.constant 4 : i32
      %dma_start3A_284 = arith.constant 0 : i32
      %dma_start3A_285 = arith.constant 0 : i32
      %dma_start3A_286 = tpu.memref_slice %arg6[%dma_start3A_282, %dma_start3A_284, %dma_start3A_285] : memref<8x128x32xf32, #tpu.memory_space<vmem>> -> memref<1x128x32xf32, #tpu.memory_space<vmem>>
      %dma_start3A_287 = tpu.memref_squeeze %dma_start3A_286 : memref<1x128x32xf32, #tpu.memory_space<vmem>> -> memref<128x32xf32, #tpu.memory_space<vmem>>
      %dma_start3A_288 = arith.constant 0 : i32
      %dma_start3A_289 = tpu.memref_slice %arg4[%mul3A_275, %dma_start3A_288] : memref<163840x32xf32, #tpu.memory_space<hbm>> -> memref<128x32xf32, #tpu.memory_space<hbm>>
      %dma_start3A_290 = tpu.memref_slice %arg8[%dma_start3A_283] : memref<8x!tpu.dma_semaphore, #tpu.memory_space<semaphore_mem>> -> memref<1x!tpu.dma_semaphore, #tpu.memory_space<semaphore_mem>>
      %dma_start3A_291 = tpu.memref_squeeze %dma_start3A_290 : memref<1x!tpu.dma_semaphore, #tpu.memory_space<semaphore_mem>> -> memref<!tpu.dma_semaphore, #tpu.memory_space<semaphore_mem>>
      %dma_start3A_292 = arith.constant 0 : i32
      %dma_start3A_293 = tpu.memref_slice %arg4[%mul3A_275, %dma_start3A_292] : memref<163840x32xf32, #tpu.memory_space<hbm>> -> memref<128x32xf32, #tpu.memory_space<hbm>>
      %dma_start3A_294 = arith.constant 0 : i32
      %dma_start3A_295 = arith.constant 0 : i32
      %dma_start3A_296 = tpu.memref_slice %arg6[%dma_start3A_282, %dma_start3A_294, %dma_start3A_295] : memref<8x128x32xf32, #tpu.memory_space<vmem>> -> memref<1x128x32xf32, #tpu.memory_space<vmem>>
      %dma_start3A_297 = tpu.memref_squeeze %dma_start3A_296 : memref<1x128x32xf32, #tpu.memory_space<vmem>> -> memref<128x32xf32, #tpu.memory_space<vmem>>
      tpu.enqueue_dma source(%dma_start3A_297 : memref<128x32xf32, #tpu.memory_space<vmem>>) target(%dma_start3A_293 : memref<128x32xf32, #tpu.memory_space<hbm>>) target_semaphore(%dma_start3A_291 : memref<!tpu.dma_semaphore, #tpu.memory_space<semaphore_mem>>)
      %mul3A_298 = arith.constant 8 : i32
      %mul3A_299 = arith.muli %scan3A_156, %mul3A_298 : i32
      %add3A_300 = arith.constant 5 : i32
      %add3A_301 = arith.addi %mul3A_299, %add3A_300 : i32
      %add3A_302 = arith.addi %mul3A_2, %add3A_301 : i32
      %mul3A_303 = arith.constant 128 : i32
      %mul3A_304 = arith.muli %add3A_302, %mul3A_303 : i32
      %ge3A_305 = arith.constant 8 : i32
      %ge3A_306 = arith.cmpi sge, %add3A_301, %ge3A_305 : i32
      %convert_element_type3A_307 = arith.extui %ge3A_306 : i1 to i32
      %cond3A_308 = arith.constant 0 : i32
      %cond3A_309 = arith.cmpi ne, %convert_element_type3A_307, %cond3A_308 : i32
      scf.if %cond3A_309 {
        %dma_wait3A_386 = arith.constant 5 : i32
        %dma_wait3A_387 = arith.constant 5 : i32
        %dma_wait3A_388 = arith.constant 0 : i32
        %dma_wait3A_389 = arith.constant 0 : i32
        %dma_wait3A_390 = tpu.memref_slice %arg6[%dma_wait3A_386, %dma_wait3A_388, %dma_wait3A_389] : memref<8x128x32xf32, #tpu.memory_space<vmem>> -> memref<1x128x32xf32, #tpu.memory_space<vmem>>
        %dma_wait3A_391 = tpu.memref_squeeze %dma_wait3A_390 : memref<1x128x32xf32, #tpu.memory_space<vmem>> -> memref<128x32xf32, #tpu.memory_space<vmem>>
        %dma_wait3A_392 = arith.constant 0 : i32
        %dma_wait3A_393 = tpu.memref_slice %arg4[%mul3A_304, %dma_wait3A_392] : memref<163840x32xf32, #tpu.memory_space<hbm>> -> memref<128x32xf32, #tpu.memory_space<hbm>>
        %dma_wait3A_394 = tpu.memref_slice %arg8[%dma_wait3A_387] : memref<8x!tpu.dma_semaphore, #tpu.memory_space<semaphore_mem>> -> memref<1x!tpu.dma_semaphore, #tpu.memory_space<semaphore_mem>>
        %dma_wait3A_395 = tpu.memref_squeeze %dma_wait3A_394 : memref<1x!tpu.dma_semaphore, #tpu.memory_space<semaphore_mem>> -> memref<!tpu.dma_semaphore, #tpu.memory_space<semaphore_mem>>
        %dma_wait3A_396 = arith.constant 0 : i32
        %dma_wait3A_397 = tpu.memref_slice %arg4[%mul3A_304, %dma_wait3A_396] : memref<163840x32xf32, #tpu.memory_space<hbm>> -> memref<128x32xf32, #tpu.memory_space<hbm>>
        %dma_wait3A_398 = arith.constant 0 : i32
        %dma_wait3A_399 = arith.constant 0 : i32
        %dma_wait3A_400 = tpu.memref_slice %arg6[%dma_wait3A_386, %dma_wait3A_398, %dma_wait3A_399] : memref<8x128x32xf32, #tpu.memory_space<vmem>> -> memref<1x128x32xf32, #tpu.memory_space<vmem>>
        %dma_wait3A_401 = tpu.memref_squeeze %dma_wait3A_400 : memref<1x128x32xf32, #tpu.memory_space<vmem>> -> memref<128x32xf32, #tpu.memory_space<vmem>>
        tpu.wait_dma2 semaphore(%dma_wait3A_395 : memref<!tpu.dma_semaphore, #tpu.memory_space<semaphore_mem>>) src(%dma_wait3A_401 : memref<128x32xf32, #tpu.memory_space<vmem>>) dst(%dma_wait3A_397 : memref<128x32xf32, #tpu.memory_space<hbm>>)
      } else {
      }
      %run_scoped3A_310 = arith.constant 5 : i32
      "tpu.region"() ({
        %run_scoped3A_386 = tpu.sem_alloc : memref<!tpu.dma_semaphore, #tpu.memory_space<semaphore_mem>>
        %dma_start3A_387 = arith.constant 0 : i32
        %dma_start3A_388 = arith.constant 0 : i32
        %dma_start3A_389 = tpu.memref_slice %arg6[%run_scoped3A_310, %dma_start3A_387, %dma_start3A_388] : memref<8x128x32xf32, #tpu.memory_space<vmem>> -> memref<1x128x32xf32, #tpu.memory_space<vmem>>
        %dma_start3A_390 = tpu.memref_squeeze %dma_start3A_389 : memref<1x128x32xf32, #tpu.memory_space<vmem>> -> memref<128x32xf32, #tpu.memory_space<vmem>>
        %dma_start3A_391 = arith.constant 0 : i32
        %dma_start3A_392 = tpu.memref_slice %arg5[%add3A_301, %dma_start3A_391] : memref<40x128xi32, #tpu.memory_space<vmem>> -> memref<1x128xi32, #tpu.memory_space<vmem>>
        %dma_start3A_393 = tpu.memref_squeeze %dma_start3A_392 : memref<1x128xi32, #tpu.memory_space<vmem>> -> memref<128xi32, #tpu.memory_space<vmem>>
        %dma_start3A_394 = arith.constant 0 : i32
        %dma_start3A_395 = arith.constant 0 : i32
        %dma_start3A_396 = tpu.memref_slice %arg7[%dma_start3A_394, %dma_start3A_395] : memref<10000x32xf32, #tpu.memory_space<vmem_shared>> -> memref<10000x32xf32, #tpu.memory_space<vmem_shared>>
        tpu.enqueue_indirect_dma source(%dma_start3A_396 : memref<10000x32xf32, #tpu.memory_space<vmem_shared>>) target(%dma_start3A_390 : memref<128x32xf32, #tpu.memory_space<vmem>>) offsets(%dma_start3A_393 : memref<128xi32, #tpu.memory_space<vmem>>) semaphore(%run_scoped3A_386 : memref<!tpu.dma_semaphore, #tpu.memory_space<semaphore_mem>>)
        %dma_wait3A_397 = arith.constant 0 : i32
        %dma_wait3A_398 = arith.constant 0 : i32
        %dma_wait3A_399 = tpu.memref_slice %arg6[%run_scoped3A_310, %dma_wait3A_397, %dma_wait3A_398] : memref<8x128x32xf32, #tpu.memory_space<vmem>> -> memref<1x128x32xf32, #tpu.memory_space<vmem>>
        %dma_wait3A_400 = tpu.memref_squeeze %dma_wait3A_399 : memref<1x128x32xf32, #tpu.memory_space<vmem>> -> memref<128x32xf32, #tpu.memory_space<vmem>>
        %dma_wait3A_401 = arith.constant 0 : i32
        %dma_wait3A_402 = tpu.memref_slice %arg5[%add3A_301, %dma_wait3A_401] : memref<40x128xi32, #tpu.memory_space<vmem>> -> memref<1x128xi32, #tpu.memory_space<vmem>>
        %dma_wait3A_403 = tpu.memref_squeeze %dma_wait3A_402 : memref<1x128xi32, #tpu.memory_space<vmem>> -> memref<128xi32, #tpu.memory_space<vmem>>
        %dma_wait3A_404 = arith.constant 0 : i32
        %dma_wait3A_405 = arith.constant 0 : i32
        %dma_wait3A_406 = tpu.memref_slice %arg7[%dma_wait3A_404, %dma_wait3A_405] : memref<10000x32xf32, #tpu.memory_space<vmem_shared>> -> memref<10000x32xf32, #tpu.memory_space<vmem_shared>>
        tpu.wait_indirect_dma semaphore(%run_scoped3A_386 : memref<!tpu.dma_semaphore, #tpu.memory_space<semaphore_mem>>) src(%dma_wait3A_406 : memref<10000x32xf32, #tpu.memory_space<vmem_shared>>) dst(%dma_wait3A_400 : memref<128x32xf32, #tpu.memory_space<vmem>>)
        tpu.yield
      }) : () -> ()
      %dma_start3A_311 = arith.constant 5 : i32
      %dma_start3A_312 = arith.constant 5 : i32
      %dma_start3A_313 = arith.constant 0 : i32
      %dma_start3A_314 = arith.constant 0 : i32
      %dma_start3A_315 = tpu.memref_slice %arg6[%dma_start3A_311, %dma_start3A_313, %dma_start3A_314] : memref<8x128x32xf32, #tpu.memory_space<vmem>> -> memref<1x128x32xf32, #tpu.memory_space<vmem>>
      %dma_start3A_316 = tpu.memref_squeeze %dma_start3A_315 : memref<1x128x32xf32, #tpu.memory_space<vmem>> -> memref<128x32xf32, #tpu.memory_space<vmem>>
      %dma_start3A_317 = arith.constant 0 : i32
      %dma_start3A_318 = tpu.memref_slice %arg4[%mul3A_304, %dma_start3A_317] : memref<163840x32xf32, #tpu.memory_space<hbm>> -> memref<128x32xf32, #tpu.memory_space<hbm>>
      %dma_start3A_319 = tpu.memref_slice %arg8[%dma_start3A_312] : memref<8x!tpu.dma_semaphore, #tpu.memory_space<semaphore_mem>> -> memref<1x!tpu.dma_semaphore, #tpu.memory_space<semaphore_mem>>
      %dma_start3A_320 = tpu.memref_squeeze %dma_start3A_319 : memref<1x!tpu.dma_semaphore, #tpu.memory_space<semaphore_mem>> -> memref<!tpu.dma_semaphore, #tpu.memory_space<semaphore_mem>>
      %dma_start3A_321 = arith.constant 0 : i32
      %dma_start3A_322 = tpu.memref_slice %arg4[%mul3A_304, %dma_start3A_321] : memref<163840x32xf32, #tpu.memory_space<hbm>> -> memref<128x32xf32, #tpu.memory_space<hbm>>
      %dma_start3A_323 = arith.constant 0 : i32
      %dma_start3A_324 = arith.constant 0 : i32
      %dma_start3A_325 = tpu.memref_slice %arg6[%dma_start3A_311, %dma_start3A_323, %dma_start3A_324] : memref<8x128x32xf32, #tpu.memory_space<vmem>> -> memref<1x128x32xf32, #tpu.memory_space<vmem>>
      %dma_start3A_326 = tpu.memref_squeeze %dma_start3A_325 : memref<1x128x32xf32, #tpu.memory_space<vmem>> -> memref<128x32xf32, #tpu.memory_space<vmem>>
      tpu.enqueue_dma source(%dma_start3A_326 : memref<128x32xf32, #tpu.memory_space<vmem>>) target(%dma_start3A_322 : memref<128x32xf32, #tpu.memory_space<hbm>>) target_semaphore(%dma_start3A_320 : memref<!tpu.dma_semaphore, #tpu.memory_space<semaphore_mem>>)
      %mul3A_327 = arith.constant 8 : i32
      %mul3A_328 = arith.muli %scan3A_156, %mul3A_327 : i32
      %add3A_329 = arith.constant 6 : i32
      %add3A_330 = arith.addi %mul3A_328, %add3A_329 : i32
      %add3A_331 = arith.addi %mul3A_2, %add3A_330 : i32
      %mul3A_332 = arith.constant 128 : i32
      %mul3A_333 = arith.muli %add3A_331, %mul3A_332 : i32
      %ge3A_334 = arith.constant 8 : i32
      %ge3A_335 = arith.cmpi sge, %add3A_330, %ge3A_334 : i32
      %convert_element_type3A_336 = arith.extui %ge3A_335 : i1 to i32
      %cond3A_337 = arith.constant 0 : i32
      %cond3A_338 = arith.cmpi ne, %convert_element_type3A_336, %cond3A_337 : i32
      scf.if %cond3A_338 {
        %dma_wait3A_386 = arith.constant 6 : i32
        %dma_wait3A_387 = arith.constant 6 : i32
        %dma_wait3A_388 = arith.constant 0 : i32
        %dma_wait3A_389 = arith.constant 0 : i32
        %dma_wait3A_390 = tpu.memref_slice %arg6[%dma_wait3A_386, %dma_wait3A_388, %dma_wait3A_389] : memref<8x128x32xf32, #tpu.memory_space<vmem>> -> memref<1x128x32xf32, #tpu.memory_space<vmem>>
        %dma_wait3A_391 = tpu.memref_squeeze %dma_wait3A_390 : memref<1x128x32xf32, #tpu.memory_space<vmem>> -> memref<128x32xf32, #tpu.memory_space<vmem>>
        %dma_wait3A_392 = arith.constant 0 : i32
        %dma_wait3A_393 = tpu.memref_slice %arg4[%mul3A_333, %dma_wait3A_392] : memref<163840x32xf32, #tpu.memory_space<hbm>> -> memref<128x32xf32, #tpu.memory_space<hbm>>
        %dma_wait3A_394 = tpu.memref_slice %arg8[%dma_wait3A_387] : memref<8x!tpu.dma_semaphore, #tpu.memory_space<semaphore_mem>> -> memref<1x!tpu.dma_semaphore, #tpu.memory_space<semaphore_mem>>
        %dma_wait3A_395 = tpu.memref_squeeze %dma_wait3A_394 : memref<1x!tpu.dma_semaphore, #tpu.memory_space<semaphore_mem>> -> memref<!tpu.dma_semaphore, #tpu.memory_space<semaphore_mem>>
        %dma_wait3A_396 = arith.constant 0 : i32
        %dma_wait3A_397 = tpu.memref_slice %arg4[%mul3A_333, %dma_wait3A_396] : memref<163840x32xf32, #tpu.memory_space<hbm>> -> memref<128x32xf32, #tpu.memory_space<hbm>>
        %dma_wait3A_398 = arith.constant 0 : i32
        %dma_wait3A_399 = arith.constant 0 : i32
        %dma_wait3A_400 = tpu.memref_slice %arg6[%dma_wait3A_386, %dma_wait3A_398, %dma_wait3A_399] : memref<8x128x32xf32, #tpu.memory_space<vmem>> -> memref<1x128x32xf32, #tpu.memory_space<vmem>>
        %dma_wait3A_401 = tpu.memref_squeeze %dma_wait3A_400 : memref<1x128x32xf32, #tpu.memory_space<vmem>> -> memref<128x32xf32, #tpu.memory_space<vmem>>
        tpu.wait_dma2 semaphore(%dma_wait3A_395 : memref<!tpu.dma_semaphore, #tpu.memory_space<semaphore_mem>>) src(%dma_wait3A_401 : memref<128x32xf32, #tpu.memory_space<vmem>>) dst(%dma_wait3A_397 : memref<128x32xf32, #tpu.memory_space<hbm>>)
      } else {
      }
      %run_scoped3A_339 = arith.constant 6 : i32
      "tpu.region"() ({
        %run_scoped3A_386 = tpu.sem_alloc : memref<!tpu.dma_semaphore, #tpu.memory_space<semaphore_mem>>
        %dma_start3A_387 = arith.constant 0 : i32
        %dma_start3A_388 = arith.constant 0 : i32
        %dma_start3A_389 = tpu.memref_slice %arg6[%run_scoped3A_339, %dma_start3A_387, %dma_start3A_388] : memref<8x128x32xf32, #tpu.memory_space<vmem>> -> memref<1x128x32xf32, #tpu.memory_space<vmem>>
        %dma_start3A_390 = tpu.memref_squeeze %dma_start3A_389 : memref<1x128x32xf32, #tpu.memory_space<vmem>> -> memref<128x32xf32, #tpu.memory_space<vmem>>
        %dma_start3A_391 = arith.constant 0 : i32
        %dma_start3A_392 = tpu.memref_slice %arg5[%add3A_330, %dma_start3A_391] : memref<40x128xi32, #tpu.memory_space<vmem>> -> memref<1x128xi32, #tpu.memory_space<vmem>>
        %dma_start3A_393 = tpu.memref_squeeze %dma_start3A_392 : memref<1x128xi32, #tpu.memory_space<vmem>> -> memref<128xi32, #tpu.memory_space<vmem>>
        %dma_start3A_394 = arith.constant 0 : i32
        %dma_start3A_395 = arith.constant 0 : i32
        %dma_start3A_396 = tpu.memref_slice %arg7[%dma_start3A_394, %dma_start3A_395] : memref<10000x32xf32, #tpu.memory_space<vmem_shared>> -> memref<10000x32xf32, #tpu.memory_space<vmem_shared>>
        tpu.enqueue_indirect_dma source(%dma_start3A_396 : memref<10000x32xf32, #tpu.memory_space<vmem_shared>>) target(%dma_start3A_390 : memref<128x32xf32, #tpu.memory_space<vmem>>) offsets(%dma_start3A_393 : memref<128xi32, #tpu.memory_space<vmem>>) semaphore(%run_scoped3A_386 : memref<!tpu.dma_semaphore, #tpu.memory_space<semaphore_mem>>)
        %dma_wait3A_397 = arith.constant 0 : i32
        %dma_wait3A_398 = arith.constant 0 : i32
        %dma_wait3A_399 = tpu.memref_slice %arg6[%run_scoped3A_339, %dma_wait3A_397, %dma_wait3A_398] : memref<8x128x32xf32, #tpu.memory_space<vmem>> -> memref<1x128x32xf32, #tpu.memory_space<vmem>>
        %dma_wait3A_400 = tpu.memref_squeeze %dma_wait3A_399 : memref<1x128x32xf32, #tpu.memory_space<vmem>> -> memref<128x32xf32, #tpu.memory_space<vmem>>
        %dma_wait3A_401 = arith.constant 0 : i32
        %dma_wait3A_402 = tpu.memref_slice %arg5[%add3A_330, %dma_wait3A_401] : memref<40x128xi32, #tpu.memory_space<vmem>> -> memref<1x128xi32, #tpu.memory_space<vmem>>
        %dma_wait3A_403 = tpu.memref_squeeze %dma_wait3A_402 : memref<1x128xi32, #tpu.memory_space<vmem>> -> memref<128xi32, #tpu.memory_space<vmem>>
        %dma_wait3A_404 = arith.constant 0 : i32
        %dma_wait3A_405 = arith.constant 0 : i32
        %dma_wait3A_406 = tpu.memref_slice %arg7[%dma_wait3A_404, %dma_wait3A_405] : memref<10000x32xf32, #tpu.memory_space<vmem_shared>> -> memref<10000x32xf32, #tpu.memory_space<vmem_shared>>
        tpu.wait_indirect_dma semaphore(%run_scoped3A_386 : memref<!tpu.dma_semaphore, #tpu.memory_space<semaphore_mem>>) src(%dma_wait3A_406 : memref<10000x32xf32, #tpu.memory_space<vmem_shared>>) dst(%dma_wait3A_400 : memref<128x32xf32, #tpu.memory_space<vmem>>)
        tpu.yield
      }) : () -> ()
      %dma_start3A_340 = arith.constant 6 : i32
      %dma_start3A_341 = arith.constant 6 : i32
      %dma_start3A_342 = arith.constant 0 : i32
      %dma_start3A_343 = arith.constant 0 : i32
      %dma_start3A_344 = tpu.memref_slice %arg6[%dma_start3A_340, %dma_start3A_342, %dma_start3A_343] : memref<8x128x32xf32, #tpu.memory_space<vmem>> -> memref<1x128x32xf32, #tpu.memory_space<vmem>>
      %dma_start3A_345 = tpu.memref_squeeze %dma_start3A_344 : memref<1x128x32xf32, #tpu.memory_space<vmem>> -> memref<128x32xf32, #tpu.memory_space<vmem>>
      %dma_start3A_346 = arith.constant 0 : i32
      %dma_start3A_347 = tpu.memref_slice %arg4[%mul3A_333, %dma_start3A_346] : memref<163840x32xf32, #tpu.memory_space<hbm>> -> memref<128x32xf32, #tpu.memory_space<hbm>>
      %dma_start3A_348 = tpu.memref_slice %arg8[%dma_start3A_341] : memref<8x!tpu.dma_semaphore, #tpu.memory_space<semaphore_mem>> -> memref<1x!tpu.dma_semaphore, #tpu.memory_space<semaphore_mem>>
      %dma_start3A_349 = tpu.memref_squeeze %dma_start3A_348 : memref<1x!tpu.dma_semaphore, #tpu.memory_space<semaphore_mem>> -> memref<!tpu.dma_semaphore, #tpu.memory_space<semaphore_mem>>
      %dma_start3A_350 = arith.constant 0 : i32
      %dma_start3A_351 = tpu.memref_slice %arg4[%mul3A_333, %dma_start3A_350] : memref<163840x32xf32, #tpu.memory_space<hbm>> -> memref<128x32xf32, #tpu.memory_space<hbm>>
      %dma_start3A_352 = arith.constant 0 : i32
      %dma_start3A_353 = arith.constant 0 : i32
      %dma_start3A_354 = tpu.memref_slice %arg6[%dma_start3A_340, %dma_start3A_352, %dma_start3A_353] : memref<8x128x32xf32, #tpu.memory_space<vmem>> -> memref<1x128x32xf32, #tpu.memory_space<vmem>>
      %dma_start3A_355 = tpu.memref_squeeze %dma_start3A_354 : memref<1x128x32xf32, #tpu.memory_space<vmem>> -> memref<128x32xf32, #tpu.memory_space<vmem>>
      tpu.enqueue_dma source(%dma_start3A_355 : memref<128x32xf32, #tpu.memory_space<vmem>>) target(%dma_start3A_351 : memref<128x32xf32, #tpu.memory_space<hbm>>) target_semaphore(%dma_start3A_349 : memref<!tpu.dma_semaphore, #tpu.memory_space<semaphore_mem>>)
      %mul3A_356 = arith.constant 8 : i32
      %mul3A_357 = arith.muli %scan3A_156, %mul3A_356 : i32
      %add3A_358 = arith.constant 7 : i32
      %add3A_359 = arith.addi %mul3A_357, %add3A_358 : i32
      %add3A_360 = arith.addi %mul3A_2, %add3A_359 : i32
      %mul3A_361 = arith.constant 128 : i32
      %mul3A_362 = arith.muli %add3A_360, %mul3A_361 : i32
      %ge3A_363 = arith.constant 8 : i32
      %ge3A_364 = arith.cmpi sge, %add3A_359, %ge3A_363 : i32
      %convert_element_type3A_365 = arith.extui %ge3A_364 : i1 to i32
      %cond3A_366 = arith.constant 0 : i32
      %cond3A_367 = arith.cmpi ne, %convert_element_type3A_365, %cond3A_366 : i32
      scf.if %cond3A_367 {
        %dma_wait3A_386 = arith.constant 7 : i32
        %dma_wait3A_387 = arith.constant 7 : i32
        %dma_wait3A_388 = arith.constant 0 : i32
        %dma_wait3A_389 = arith.constant 0 : i32
        %dma_wait3A_390 = tpu.memref_slice %arg6[%dma_wait3A_386, %dma_wait3A_388, %dma_wait3A_389] : memref<8x128x32xf32, #tpu.memory_space<vmem>> -> memref<1x128x32xf32, #tpu.memory_space<vmem>>
        %dma_wait3A_391 = tpu.memref_squeeze %dma_wait3A_390 : memref<1x128x32xf32, #tpu.memory_space<vmem>> -> memref<128x32xf32, #tpu.memory_space<vmem>>
        %dma_wait3A_392 = arith.constant 0 : i32
        %dma_wait3A_393 = tpu.memref_slice %arg4[%mul3A_362, %dma_wait3A_392] : memref<163840x32xf32, #tpu.memory_space<hbm>> -> memref<128x32xf32, #tpu.memory_space<hbm>>
        %dma_wait3A_394 = tpu.memref_slice %arg8[%dma_wait3A_387] : memref<8x!tpu.dma_semaphore, #tpu.memory_space<semaphore_mem>> -> memref<1x!tpu.dma_semaphore, #tpu.memory_space<semaphore_mem>>
        %dma_wait3A_395 = tpu.memref_squeeze %dma_wait3A_394 : memref<1x!tpu.dma_semaphore, #tpu.memory_space<semaphore_mem>> -> memref<!tpu.dma_semaphore, #tpu.memory_space<semaphore_mem>>
        %dma_wait3A_396 = arith.constant 0 : i32
        %dma_wait3A_397 = tpu.memref_slice %arg4[%mul3A_362, %dma_wait3A_396] : memref<163840x32xf32, #tpu.memory_space<hbm>> -> memref<128x32xf32, #tpu.memory_space<hbm>>
        %dma_wait3A_398 = arith.constant 0 : i32
        %dma_wait3A_399 = arith.constant 0 : i32
        %dma_wait3A_400 = tpu.memref_slice %arg6[%dma_wait3A_386, %dma_wait3A_398, %dma_wait3A_399] : memref<8x128x32xf32, #tpu.memory_space<vmem>> -> memref<1x128x32xf32, #tpu.memory_space<vmem>>
        %dma_wait3A_401 = tpu.memref_squeeze %dma_wait3A_400 : memref<1x128x32xf32, #tpu.memory_space<vmem>> -> memref<128x32xf32, #tpu.memory_space<vmem>>
        tpu.wait_dma2 semaphore(%dma_wait3A_395 : memref<!tpu.dma_semaphore, #tpu.memory_space<semaphore_mem>>) src(%dma_wait3A_401 : memref<128x32xf32, #tpu.memory_space<vmem>>) dst(%dma_wait3A_397 : memref<128x32xf32, #tpu.memory_space<hbm>>)
      } else {
      }
      %run_scoped3A_368 = arith.constant 7 : i32
      "tpu.region"() ({
        %run_scoped3A_386 = tpu.sem_alloc : memref<!tpu.dma_semaphore, #tpu.memory_space<semaphore_mem>>
        %dma_start3A_387 = arith.constant 0 : i32
        %dma_start3A_388 = arith.constant 0 : i32
        %dma_start3A_389 = tpu.memref_slice %arg6[%run_scoped3A_368, %dma_start3A_387, %dma_start3A_388] : memref<8x128x32xf32, #tpu.memory_space<vmem>> -> memref<1x128x32xf32, #tpu.memory_space<vmem>>
        %dma_start3A_390 = tpu.memref_squeeze %dma_start3A_389 : memref<1x128x32xf32, #tpu.memory_space<vmem>> -> memref<128x32xf32, #tpu.memory_space<vmem>>
        %dma_start3A_391 = arith.constant 0 : i32
        %dma_start3A_392 = tpu.memref_slice %arg5[%add3A_359, %dma_start3A_391] : memref<40x128xi32, #tpu.memory_space<vmem>> -> memref<1x128xi32, #tpu.memory_space<vmem>>
        %dma_start3A_393 = tpu.memref_squeeze %dma_start3A_392 : memref<1x128xi32, #tpu.memory_space<vmem>> -> memref<128xi32, #tpu.memory_space<vmem>>
        %dma_start3A_394 = arith.constant 0 : i32
        %dma_start3A_395 = arith.constant 0 : i32
        %dma_start3A_396 = tpu.memref_slice %arg7[%dma_start3A_394, %dma_start3A_395] : memref<10000x32xf32, #tpu.memory_space<vmem_shared>> -> memref<10000x32xf32, #tpu.memory_space<vmem_shared>>
        tpu.enqueue_indirect_dma source(%dma_start3A_396 : memref<10000x32xf32, #tpu.memory_space<vmem_shared>>) target(%dma_start3A_390 : memref<128x32xf32, #tpu.memory_space<vmem>>) offsets(%dma_start3A_393 : memref<128xi32, #tpu.memory_space<vmem>>) semaphore(%run_scoped3A_386 : memref<!tpu.dma_semaphore, #tpu.memory_space<semaphore_mem>>)
        %dma_wait3A_397 = arith.constant 0 : i32
        %dma_wait3A_398 = arith.constant 0 : i32
        %dma_wait3A_399 = tpu.memref_slice %arg6[%run_scoped3A_368, %dma_wait3A_397, %dma_wait3A_398] : memref<8x128x32xf32, #tpu.memory_space<vmem>> -> memref<1x128x32xf32, #tpu.memory_space<vmem>>
        %dma_wait3A_400 = tpu.memref_squeeze %dma_wait3A_399 : memref<1x128x32xf32, #tpu.memory_space<vmem>> -> memref<128x32xf32, #tpu.memory_space<vmem>>
        %dma_wait3A_401 = arith.constant 0 : i32
        %dma_wait3A_402 = tpu.memref_slice %arg5[%add3A_359, %dma_wait3A_401] : memref<40x128xi32, #tpu.memory_space<vmem>> -> memref<1x128xi32, #tpu.memory_space<vmem>>
        %dma_wait3A_403 = tpu.memref_squeeze %dma_wait3A_402 : memref<1x128xi32, #tpu.memory_space<vmem>> -> memref<128xi32, #tpu.memory_space<vmem>>
        %dma_wait3A_404 = arith.constant 0 : i32
        %dma_wait3A_405 = arith.constant 0 : i32
        %dma_wait3A_406 = tpu.memref_slice %arg7[%dma_wait3A_404, %dma_wait3A_405] : memref<10000x32xf32, #tpu.memory_space<vmem_shared>> -> memref<10000x32xf32, #tpu.memory_space<vmem_shared>>
        tpu.wait_indirect_dma semaphore(%run_scoped3A_386 : memref<!tpu.dma_semaphore, #tpu.memory_space<semaphore_mem>>) src(%dma_wait3A_406 : memref<10000x32xf32, #tpu.memory_space<vmem_shared>>) dst(%dma_wait3A_400 : memref<128x32xf32, #tpu.memory_space<vmem>>)
        tpu.yield
      }) : () -> ()
      %dma_start3A_369 = arith.constant 7 : i32
      %dma_start3A_370 = arith.constant 7 : i32
      %dma_start3A_371 = arith.constant 0 : i32
      %dma_start3A_372 = arith.constant 0 : i32
      %dma_start3A_373 = tpu.memref_slice %arg6[%dma_start3A_369, %dma_start3A_371, %dma_start3A_372] : memref<8x128x32xf32, #tpu.memory_space<vmem>> -> memref<1x128x32xf32, #tpu.memory_space<vmem>>
      %dma_start3A_374 = tpu.memref_squeeze %dma_start3A_373 : memref<1x128x32xf32, #tpu.memory_space<vmem>> -> memref<128x32xf32, #tpu.memory_space<vmem>>
      %dma_start3A_375 = arith.constant 0 : i32
      %dma_start3A_376 = tpu.memref_slice %arg4[%mul3A_362, %dma_start3A_375] : memref<163840x32xf32, #tpu.memory_space<hbm>> -> memref<128x32xf32, #tpu.memory_space<hbm>>
      %dma_start3A_377 = tpu.memref_slice %arg8[%dma_start3A_370] : memref<8x!tpu.dma_semaphore, #tpu.memory_space<semaphore_mem>> -> memref<1x!tpu.dma_semaphore, #tpu.memory_space<semaphore_mem>>
      %dma_start3A_378 = tpu.memref_squeeze %dma_start3A_377 : memref<1x!tpu.dma_semaphore, #tpu.memory_space<semaphore_mem>> -> memref<!tpu.dma_semaphore, #tpu.memory_space<semaphore_mem>>
      %dma_start3A_379 = arith.constant 0 : i32
      %dma_start3A_380 = tpu.memref_slice %arg4[%mul3A_362, %dma_start3A_379] : memref<163840x32xf32, #tpu.memory_space<hbm>> -> memref<128x32xf32, #tpu.memory_space<hbm>>
      %dma_start3A_381 = arith.constant 0 : i32
      %dma_start3A_382 = arith.constant 0 : i32
      %dma_start3A_383 = tpu.memref_slice %arg6[%dma_start3A_369, %dma_start3A_381, %dma_start3A_382] : memref<8x128x32xf32, #tpu.memory_space<vmem>> -> memref<1x128x32xf32, #tpu.memory_space<vmem>>
      %dma_start3A_384 = tpu.memref_squeeze %dma_start3A_383 : memref<1x128x32xf32, #tpu.memory_space<vmem>> -> memref<128x32xf32, #tpu.memory_space<vmem>>
      tpu.enqueue_dma source(%dma_start3A_384 : memref<128x32xf32, #tpu.memory_space<vmem>>) target(%dma_start3A_380 : memref<128x32xf32, #tpu.memory_space<hbm>>) target_semaphore(%dma_start3A_378 : memref<!tpu.dma_semaphore, #tpu.memory_space<semaphore_mem>>)
      %scan3A_385 = arith.constant 0 : i32
      scf.yield %scan3A_385 : i32
    }
    %scan3A_12 = arith.constant 5 : i32
    %mul3A_13 = arith.constant 128 : i32
    %mul3A_14 = arith.muli %mul3A_2, %mul3A_13 : i32
    %dma_wait3A = arith.constant 0 : i32
    %dma_wait3A_15 = arith.constant 0 : i32
    %dma_wait3A_16 = arith.constant 0 : i32
    %dma_wait3A_17 = arith.constant 0 : i32
    %dma_wait3A_18 = tpu.memref_slice %arg6[%dma_wait3A, %dma_wait3A_16, %dma_wait3A_17] : memref<8x128x32xf32, #tpu.memory_space<vmem>> -> memref<1x128x32xf32, #tpu.memory_space<vmem>>
    %dma_wait3A_19 = tpu.memref_squeeze %dma_wait3A_18 : memref<1x128x32xf32, #tpu.memory_space<vmem>> -> memref<128x32xf32, #tpu.memory_space<vmem>>
    %dma_wait3A_20 = arith.constant 0 : i32
    %dma_wait3A_21 = tpu.memref_slice %arg4[%mul3A_14, %dma_wait3A_20] : memref<163840x32xf32, #tpu.memory_space<hbm>> -> memref<128x32xf32, #tpu.memory_space<hbm>>
    %dma_wait3A_22 = tpu.memref_slice %arg8[%dma_wait3A_15] : memref<8x!tpu.dma_semaphore, #tpu.memory_space<semaphore_mem>> -> memref<1x!tpu.dma_semaphore, #tpu.memory_space<semaphore_mem>>
    %dma_wait3A_23 = tpu.memref_squeeze %dma_wait3A_22 : memref<1x!tpu.dma_semaphore, #tpu.memory_space<semaphore_mem>> -> memref<!tpu.dma_semaphore, #tpu.memory_space<semaphore_mem>>
    %dma_wait3A_24 = arith.constant 0 : i32
    %dma_wait3A_25 = tpu.memref_slice %arg4[%mul3A_14, %dma_wait3A_24] : memref<163840x32xf32, #tpu.memory_space<hbm>> -> memref<128x32xf32, #tpu.memory_space<hbm>>
    %dma_wait3A_26 = arith.constant 0 : i32
    %dma_wait3A_27 = arith.constant 0 : i32
    %dma_wait3A_28 = tpu.memref_slice %arg6[%dma_wait3A, %dma_wait3A_26, %dma_wait3A_27] : memref<8x128x32xf32, #tpu.memory_space<vmem>> -> memref<1x128x32xf32, #tpu.memory_space<vmem>>
    %dma_wait3A_29 = tpu.memref_squeeze %dma_wait3A_28 : memref<1x128x32xf32, #tpu.memory_space<vmem>> -> memref<128x32xf32, #tpu.memory_space<vmem>>
    tpu.wait_dma2 semaphore(%dma_wait3A_23 : memref<!tpu.dma_semaphore, #tpu.memory_space<semaphore_mem>>) src(%dma_wait3A_29 : memref<128x32xf32, #tpu.memory_space<vmem>>) dst(%dma_wait3A_25 : memref<128x32xf32, #tpu.memory_space<hbm>>)
    %mul3A_30 = arith.constant 128 : i32
    %mul3A_31 = arith.muli %mul3A_2, %mul3A_30 : i32
    %dma_wait3A_32 = arith.constant 1 : i32
    %dma_wait3A_33 = arith.constant 1 : i32
    %dma_wait3A_34 = arith.constant 0 : i32
    %dma_wait3A_35 = arith.constant 0 : i32
    %dma_wait3A_36 = tpu.memref_slice %arg6[%dma_wait3A_32, %dma_wait3A_34, %dma_wait3A_35] : memref<8x128x32xf32, #tpu.memory_space<vmem>> -> memref<1x128x32xf32, #tpu.memory_space<vmem>>
    %dma_wait3A_37 = tpu.memref_squeeze %dma_wait3A_36 : memref<1x128x32xf32, #tpu.memory_space<vmem>> -> memref<128x32xf32, #tpu.memory_space<vmem>>
    %dma_wait3A_38 = arith.constant 0 : i32
    %dma_wait3A_39 = tpu.memref_slice %arg4[%mul3A_31, %dma_wait3A_38] : memref<163840x32xf32, #tpu.memory_space<hbm>> -> memref<128x32xf32, #tpu.memory_space<hbm>>
    %dma_wait3A_40 = tpu.memref_slice %arg8[%dma_wait3A_33] : memref<8x!tpu.dma_semaphore, #tpu.memory_space<semaphore_mem>> -> memref<1x!tpu.dma_semaphore, #tpu.memory_space<semaphore_mem>>
    %dma_wait3A_41 = tpu.memref_squeeze %dma_wait3A_40 : memref<1x!tpu.dma_semaphore, #tpu.memory_space<semaphore_mem>> -> memref<!tpu.dma_semaphore, #tpu.memory_space<semaphore_mem>>
    %dma_wait3A_42 = arith.constant 0 : i32
    %dma_wait3A_43 = tpu.memref_slice %arg4[%mul3A_31, %dma_wait3A_42] : memref<163840x32xf32, #tpu.memory_space<hbm>> -> memref<128x32xf32, #tpu.memory_space<hbm>>
    %dma_wait3A_44 = arith.constant 0 : i32
    %dma_wait3A_45 = arith.constant 0 : i32
    %dma_wait3A_46 = tpu.memref_slice %arg6[%dma_wait3A_32, %dma_wait3A_44, %dma_wait3A_45] : memref<8x128x32xf32, #tpu.memory_space<vmem>> -> memref<1x128x32xf32, #tpu.memory_space<vmem>>
    %dma_wait3A_47 = tpu.memref_squeeze %dma_wait3A_46 : memref<1x128x32xf32, #tpu.memory_space<vmem>> -> memref<128x32xf32, #tpu.memory_space<vmem>>
    tpu.wait_dma2 semaphore(%dma_wait3A_41 : memref<!tpu.dma_semaphore, #tpu.memory_space<semaphore_mem>>) src(%dma_wait3A_47 : memref<128x32xf32, #tpu.memory_space<vmem>>) dst(%dma_wait3A_43 : memref<128x32xf32, #tpu.memory_space<hbm>>)
    %mul3A_48 = arith.constant 128 : i32
    %mul3A_49 = arith.muli %mul3A_2, %mul3A_48 : i32
    %dma_wait3A_50 = arith.constant 2 : i32
    %dma_wait3A_51 = arith.constant 2 : i32
    %dma_wait3A_52 = arith.constant 0 : i32
    %dma_wait3A_53 = arith.constant 0 : i32
    %dma_wait3A_54 = tpu.memref_slice %arg6[%dma_wait3A_50, %dma_wait3A_52, %dma_wait3A_53] : memref<8x128x32xf32, #tpu.memory_space<vmem>> -> memref<1x128x32xf32, #tpu.memory_space<vmem>>
    %dma_wait3A_55 = tpu.memref_squeeze %dma_wait3A_54 : memref<1x128x32xf32, #tpu.memory_space<vmem>> -> memref<128x32xf32, #tpu.memory_space<vmem>>
    %dma_wait3A_56 = arith.constant 0 : i32
    %dma_wait3A_57 = tpu.memref_slice %arg4[%mul3A_49, %dma_wait3A_56] : memref<163840x32xf32, #tpu.memory_space<hbm>> -> memref<128x32xf32, #tpu.memory_space<hbm>>
    %dma_wait3A_58 = tpu.memref_slice %arg8[%dma_wait3A_51] : memref<8x!tpu.dma_semaphore, #tpu.memory_space<semaphore_mem>> -> memref<1x!tpu.dma_semaphore, #tpu.memory_space<semaphore_mem>>
    %dma_wait3A_59 = tpu.memref_squeeze %dma_wait3A_58 : memref<1x!tpu.dma_semaphore, #tpu.memory_space<semaphore_mem>> -> memref<!tpu.dma_semaphore, #tpu.memory_space<semaphore_mem>>
    %dma_wait3A_60 = arith.constant 0 : i32
    %dma_wait3A_61 = tpu.memref_slice %arg4[%mul3A_49, %dma_wait3A_60] : memref<163840x32xf32, #tpu.memory_space<hbm>> -> memref<128x32xf32, #tpu.memory_space<hbm>>
    %dma_wait3A_62 = arith.constant 0 : i32
    %dma_wait3A_63 = arith.constant 0 : i32
    %dma_wait3A_64 = tpu.memref_slice %arg6[%dma_wait3A_50, %dma_wait3A_62, %dma_wait3A_63] : memref<8x128x32xf32, #tpu.memory_space<vmem>> -> memref<1x128x32xf32, #tpu.memory_space<vmem>>
    %dma_wait3A_65 = tpu.memref_squeeze %dma_wait3A_64 : memref<1x128x32xf32, #tpu.memory_space<vmem>> -> memref<128x32xf32, #tpu.memory_space<vmem>>
    tpu.wait_dma2 semaphore(%dma_wait3A_59 : memref<!tpu.dma_semaphore, #tpu.memory_space<semaphore_mem>>) src(%dma_wait3A_65 : memref<128x32xf32, #tpu.memory_space<vmem>>) dst(%dma_wait3A_61 : memref<128x32xf32, #tpu.memory_space<hbm>>)
    %mul3A_66 = arith.constant 128 : i32
    %mul3A_67 = arith.muli %mul3A_2, %mul3A_66 : i32
    %dma_wait3A_68 = arith.constant 3 : i32
    %dma_wait3A_69 = arith.constant 3 : i32
    %dma_wait3A_70 = arith.constant 0 : i32
    %dma_wait3A_71 = arith.constant 0 : i32
    %dma_wait3A_72 = tpu.memref_slice %arg6[%dma_wait3A_68, %dma_wait3A_70, %dma_wait3A_71] : memref<8x128x32xf32, #tpu.memory_space<vmem>> -> memref<1x128x32xf32, #tpu.memory_space<vmem>>
    %dma_wait3A_73 = tpu.memref_squeeze %dma_wait3A_72 : memref<1x128x32xf32, #tpu.memory_space<vmem>> -> memref<128x32xf32, #tpu.memory_space<vmem>>
    %dma_wait3A_74 = arith.constant 0 : i32
    %dma_wait3A_75 = tpu.memref_slice %arg4[%mul3A_67, %dma_wait3A_74] : memref<163840x32xf32, #tpu.memory_space<hbm>> -> memref<128x32xf32, #tpu.memory_space<hbm>>
    %dma_wait3A_76 = tpu.memref_slice %arg8[%dma_wait3A_69] : memref<8x!tpu.dma_semaphore, #tpu.memory_space<semaphore_mem>> -> memref<1x!tpu.dma_semaphore, #tpu.memory_space<semaphore_mem>>
    %dma_wait3A_77 = tpu.memref_squeeze %dma_wait3A_76 : memref<1x!tpu.dma_semaphore, #tpu.memory_space<semaphore_mem>> -> memref<!tpu.dma_semaphore, #tpu.memory_space<semaphore_mem>>
    %dma_wait3A_78 = arith.constant 0 : i32
    %dma_wait3A_79 = tpu.memref_slice %arg4[%mul3A_67, %dma_wait3A_78] : memref<163840x32xf32, #tpu.memory_space<hbm>> -> memref<128x32xf32, #tpu.memory_space<hbm>>
    %dma_wait3A_80 = arith.constant 0 : i32
    %dma_wait3A_81 = arith.constant 0 : i32
    %dma_wait3A_82 = tpu.memref_slice %arg6[%dma_wait3A_68, %dma_wait3A_80, %dma_wait3A_81] : memref<8x128x32xf32, #tpu.memory_space<vmem>> -> memref<1x128x32xf32, #tpu.memory_space<vmem>>
    %dma_wait3A_83 = tpu.memref_squeeze %dma_wait3A_82 : memref<1x128x32xf32, #tpu.memory_space<vmem>> -> memref<128x32xf32, #tpu.memory_space<vmem>>
    tpu.wait_dma2 semaphore(%dma_wait3A_77 : memref<!tpu.dma_semaphore, #tpu.memory_space<semaphore_mem>>) src(%dma_wait3A_83 : memref<128x32xf32, #tpu.memory_space<vmem>>) dst(%dma_wait3A_79 : memref<128x32xf32, #tpu.memory_space<hbm>>)
    %mul3A_84 = arith.constant 128 : i32
    %mul3A_85 = arith.muli %mul3A_2, %mul3A_84 : i32
    %dma_wait3A_86 = arith.constant 4 : i32
    %dma_wait3A_87 = arith.constant 4 : i32
    %dma_wait3A_88 = arith.constant 0 : i32
    %dma_wait3A_89 = arith.constant 0 : i32
    %dma_wait3A_90 = tpu.memref_slice %arg6[%dma_wait3A_86, %dma_wait3A_88, %dma_wait3A_89] : memref<8x128x32xf32, #tpu.memory_space<vmem>> -> memref<1x128x32xf32, #tpu.memory_space<vmem>>
    %dma_wait3A_91 = tpu.memref_squeeze %dma_wait3A_90 : memref<1x128x32xf32, #tpu.memory_space<vmem>> -> memref<128x32xf32, #tpu.memory_space<vmem>>
    %dma_wait3A_92 = arith.constant 0 : i32
    %dma_wait3A_93 = tpu.memref_slice %arg4[%mul3A_85, %dma_wait3A_92] : memref<163840x32xf32, #tpu.memory_space<hbm>> -> memref<128x32xf32, #tpu.memory_space<hbm>>
    %dma_wait3A_94 = tpu.memref_slice %arg8[%dma_wait3A_87] : memref<8x!tpu.dma_semaphore, #tpu.memory_space<semaphore_mem>> -> memref<1x!tpu.dma_semaphore, #tpu.memory_space<semaphore_mem>>
    %dma_wait3A_95 = tpu.memref_squeeze %dma_wait3A_94 : memref<1x!tpu.dma_semaphore, #tpu.memory_space<semaphore_mem>> -> memref<!tpu.dma_semaphore, #tpu.memory_space<semaphore_mem>>
    %dma_wait3A_96 = arith.constant 0 : i32
    %dma_wait3A_97 = tpu.memref_slice %arg4[%mul3A_85, %dma_wait3A_96] : memref<163840x32xf32, #tpu.memory_space<hbm>> -> memref<128x32xf32, #tpu.memory_space<hbm>>
    %dma_wait3A_98 = arith.constant 0 : i32
    %dma_wait3A_99 = arith.constant 0 : i32
    %dma_wait3A_100 = tpu.memref_slice %arg6[%dma_wait3A_86, %dma_wait3A_98, %dma_wait3A_99] : memref<8x128x32xf32, #tpu.memory_space<vmem>> -> memref<1x128x32xf32, #tpu.memory_space<vmem>>
    %dma_wait3A_101 = tpu.memref_squeeze %dma_wait3A_100 : memref<1x128x32xf32, #tpu.memory_space<vmem>> -> memref<128x32xf32, #tpu.memory_space<vmem>>
    tpu.wait_dma2 semaphore(%dma_wait3A_95 : memref<!tpu.dma_semaphore, #tpu.memory_space<semaphore_mem>>) src(%dma_wait3A_101 : memref<128x32xf32, #tpu.memory_space<vmem>>) dst(%dma_wait3A_97 : memref<128x32xf32, #tpu.memory_space<hbm>>)
    %mul3A_102 = arith.constant 128 : i32
    %mul3A_103 = arith.muli %mul3A_2, %mul3A_102 : i32
    %dma_wait3A_104 = arith.constant 5 : i32
    %dma_wait3A_105 = arith.constant 5 : i32
    %dma_wait3A_106 = arith.constant 0 : i32
    %dma_wait3A_107 = arith.constant 0 : i32
    %dma_wait3A_108 = tpu.memref_slice %arg6[%dma_wait3A_104, %dma_wait3A_106, %dma_wait3A_107] : memref<8x128x32xf32, #tpu.memory_space<vmem>> -> memref<1x128x32xf32, #tpu.memory_space<vmem>>
    %dma_wait3A_109 = tpu.memref_squeeze %dma_wait3A_108 : memref<1x128x32xf32, #tpu.memory_space<vmem>> -> memref<128x32xf32, #tpu.memory_space<vmem>>
    %dma_wait3A_110 = arith.constant 0 : i32
    %dma_wait3A_111 = tpu.memref_slice %arg4[%mul3A_103, %dma_wait3A_110] : memref<163840x32xf32, #tpu.memory_space<hbm>> -> memref<128x32xf32, #tpu.memory_space<hbm>>
    %dma_wait3A_112 = tpu.memref_slice %arg8[%dma_wait3A_105] : memref<8x!tpu.dma_semaphore, #tpu.memory_space<semaphore_mem>> -> memref<1x!tpu.dma_semaphore, #tpu.memory_space<semaphore_mem>>
    %dma_wait3A_113 = tpu.memref_squeeze %dma_wait3A_112 : memref<1x!tpu.dma_semaphore, #tpu.memory_space<semaphore_mem>> -> memref<!tpu.dma_semaphore, #tpu.memory_space<semaphore_mem>>
    %dma_wait3A_114 = arith.constant 0 : i32
    %dma_wait3A_115 = tpu.memref_slice %arg4[%mul3A_103, %dma_wait3A_114] : memref<163840x32xf32, #tpu.memory_space<hbm>> -> memref<128x32xf32, #tpu.memory_space<hbm>>
    %dma_wait3A_116 = arith.constant 0 : i32
    %dma_wait3A_117 = arith.constant 0 : i32
    %dma_wait3A_118 = tpu.memref_slice %arg6[%dma_wait3A_104, %dma_wait3A_116, %dma_wait3A_117] : memref<8x128x32xf32, #tpu.memory_space<vmem>> -> memref<1x128x32xf32, #tpu.memory_space<vmem>>
    %dma_wait3A_119 = tpu.memref_squeeze %dma_wait3A_118 : memref<1x128x32xf32, #tpu.memory_space<vmem>> -> memref<128x32xf32, #tpu.memory_space<vmem>>
    tpu.wait_dma2 semaphore(%dma_wait3A_113 : memref<!tpu.dma_semaphore, #tpu.memory_space<semaphore_mem>>) src(%dma_wait3A_119 : memref<128x32xf32, #tpu.memory_space<vmem>>) dst(%dma_wait3A_115 : memref<128x32xf32, #tpu.memory_space<hbm>>)
    %mul3A_120 = arith.constant 128 : i32
    %mul3A_121 = arith.muli %mul3A_2, %mul3A_120 : i32
    %dma_wait3A_122 = arith.constant 6 : i32
    %dma_wait3A_123 = arith.constant 6 : i32
    %dma_wait3A_124 = arith.constant 0 : i32
    %dma_wait3A_125 = arith.constant 0 : i32
    %dma_wait3A_126 = tpu.memref_slice %arg6[%dma_wait3A_122, %dma_wait3A_124, %dma_wait3A_125] : memref<8x128x32xf32, #tpu.memory_space<vmem>> -> memref<1x128x32xf32, #tpu.memory_space<vmem>>
    %dma_wait3A_127 = tpu.memref_squeeze %dma_wait3A_126 : memref<1x128x32xf32, #tpu.memory_space<vmem>> -> memref<128x32xf32, #tpu.memory_space<vmem>>
    %dma_wait3A_128 = arith.constant 0 : i32
    %dma_wait3A_129 = tpu.memref_slice %arg4[%mul3A_121, %dma_wait3A_128] : memref<163840x32xf32, #tpu.memory_space<hbm>> -> memref<128x32xf32, #tpu.memory_space<hbm>>
    %dma_wait3A_130 = tpu.memref_slice %arg8[%dma_wait3A_123] : memref<8x!tpu.dma_semaphore, #tpu.memory_space<semaphore_mem>> -> memref<1x!tpu.dma_semaphore, #tpu.memory_space<semaphore_mem>>
    %dma_wait3A_131 = tpu.memref_squeeze %dma_wait3A_130 : memref<1x!tpu.dma_semaphore, #tpu.memory_space<semaphore_mem>> -> memref<!tpu.dma_semaphore, #tpu.memory_space<semaphore_mem>>
    %dma_wait3A_132 = arith.constant 0 : i32
    %dma_wait3A_133 = tpu.memref_slice %arg4[%mul3A_121, %dma_wait3A_132] : memref<163840x32xf32, #tpu.memory_space<hbm>> -> memref<128x32xf32, #tpu.memory_space<hbm>>
    %dma_wait3A_134 = arith.constant 0 : i32
    %dma_wait3A_135 = arith.constant 0 : i32
    %dma_wait3A_136 = tpu.memref_slice %arg6[%dma_wait3A_122, %dma_wait3A_134, %dma_wait3A_135] : memref<8x128x32xf32, #tpu.memory_space<vmem>> -> memref<1x128x32xf32, #tpu.memory_space<vmem>>
    %dma_wait3A_137 = tpu.memref_squeeze %dma_wait3A_136 : memref<1x128x32xf32, #tpu.memory_space<vmem>> -> memref<128x32xf32, #tpu.memory_space<vmem>>
    tpu.wait_dma2 semaphore(%dma_wait3A_131 : memref<!tpu.dma_semaphore, #tpu.memory_space<semaphore_mem>>) src(%dma_wait3A_137 : memref<128x32xf32, #tpu.memory_space<vmem>>) dst(%dma_wait3A_133 : memref<128x32xf32, #tpu.memory_space<hbm>>)
    %mul3A_138 = arith.constant 128 : i32
    %mul3A_139 = arith.muli %mul3A_2, %mul3A_138 : i32
    %dma_wait3A_140 = arith.constant 7 : i32
    %dma_wait3A_141 = arith.constant 7 : i32
    %dma_wait3A_142 = arith.constant 0 : i32
    %dma_wait3A_143 = arith.constant 0 : i32
    %dma_wait3A_144 = tpu.memref_slice %arg6[%dma_wait3A_140, %dma_wait3A_142, %dma_wait3A_143] : memref<8x128x32xf32, #tpu.memory_space<vmem>> -> memref<1x128x32xf32, #tpu.memory_space<vmem>>
    %dma_wait3A_145 = tpu.memref_squeeze %dma_wait3A_144 : memref<1x128x32xf32, #tpu.memory_space<vmem>> -> memref<128x32xf32, #tpu.memory_space<vmem>>
    %dma_wait3A_146 = arith.constant 0 : i32
    %dma_wait3A_147 = tpu.memref_slice %arg4[%mul3A_139, %dma_wait3A_146] : memref<163840x32xf32, #tpu.memory_space<hbm>> -> memref<128x32xf32, #tpu.memory_space<hbm>>
    %dma_wait3A_148 = tpu.memref_slice %arg8[%dma_wait3A_141] : memref<8x!tpu.dma_semaphore, #tpu.memory_space<semaphore_mem>> -> memref<1x!tpu.dma_semaphore, #tpu.memory_space<semaphore_mem>>
    %dma_wait3A_149 = tpu.memref_squeeze %dma_wait3A_148 : memref<1x!tpu.dma_semaphore, #tpu.memory_space<semaphore_mem>> -> memref<!tpu.dma_semaphore, #tpu.memory_space<semaphore_mem>>
    %dma_wait3A_150 = arith.constant 0 : i32
    %dma_wait3A_151 = tpu.memref_slice %arg4[%mul3A_139, %dma_wait3A_150] : memref<163840x32xf32, #tpu.memory_space<hbm>> -> memref<128x32xf32, #tpu.memory_space<hbm>>
    %dma_wait3A_152 = arith.constant 0 : i32
    %dma_wait3A_153 = arith.constant 0 : i32
    %dma_wait3A_154 = tpu.memref_slice %arg6[%dma_wait3A_140, %dma_wait3A_152, %dma_wait3A_153] : memref<8x128x32xf32, #tpu.memory_space<vmem>> -> memref<1x128x32xf32, #tpu.memory_space<vmem>>
    %dma_wait3A_155 = tpu.memref_squeeze %dma_wait3A_154 : memref<1x128x32xf32, #tpu.memory_space<vmem>> -> memref<128x32xf32, #tpu.memory_space<vmem>>
    tpu.wait_dma2 semaphore(%dma_wait3A_149 : memref<!tpu.dma_semaphore, #tpu.memory_space<semaphore_mem>>) src(%dma_wait3A_155 : memref<128x32xf32, #tpu.memory_space<vmem>>) dst(%dma_wait3A_151 : memref<128x32xf32, #tpu.memory_space<hbm>>)
    return
  }
}

#map = affine_map<(d0, d1) -> (0, 0)>
module attributes {stable_mosaic.version = 14 : i64} {
  func.func @_gather_kernel(%arg0: i32, %arg1: i32, %arg2: memref<10000x32xf32, #tpu.memory_space<hbm>>, %arg3: memref<1280x128xi32, #tpu.memory_space<hbm>>, %arg4: memref<163840x32xf32, #tpu.memory_space<hbm>>, %arg5: memref<40x128xi32, #tpu.memory_space<vmem>>, %arg6: memref<8x128x32xf32, #tpu.memory_space<vmem>>, %arg7: memref<10000x32xf32, #tpu.memory_space<vmem_shared>>, %arg8: memref<8x!tpu.dma_semaphore, #tpu.memory_space<semaphore_mem>>) attributes {dimension_semantics = [#tpu.dimension_semantics<core_parallel>, #tpu.dimension_semantics<subcore_parallel>], iteration_bounds = array<i64: 2, 16>, scalar_prefetch = 0 : i64, scratch_operands = 4 : i64, tpu.core_type = #tpu.core_type<sc_vector_subcore>, window_params = [{transform_indices = #map}, {transform_indices = #map}, {transform_indices = #map}]} {
    %mul3A = arith.constant 2 : i32
    %mul3A_0 = arith.muli %arg1, %mul3A : i32
    %add3A = arith.addi %mul3A_0, %arg0 : i32
    %mul3A_1 = arith.constant 40 : i32
    %mul3A_2 = arith.muli %add3A, %mul3A_1 : i32
    "tpu.region"() ({
      %run_scoped3A = tpu.sem_alloc : memref<!tpu.dma_semaphore, #tpu.memory_space<semaphore_mem>>
      %dma_start3A = arith.constant 0 : i32
      %dma_start3A_156 = tpu.memref_slice %arg3[%mul3A_2, %dma_start3A] : memref<1280x128xi32, #tpu.memory_space<hbm>> -> memref<40x128xi32, #tpu.memory_space<hbm>>
      %dma_start3A_157 = arith.constant 0 : i32
      %dma_start3A_158 = tpu.memref_slice %arg3[%mul3A_2, %dma_start3A_157] : memref<1280x128xi32, #tpu.memory_space<hbm>> -> memref<40x128xi32, #tpu.memory_space<hbm>>
      tpu.enqueue_dma source(%dma_start3A_158 : memref<40x128xi32, #tpu.memory_space<hbm>>) target(%arg5 : memref<40x128xi32, #tpu.memory_space<vmem>>) target_semaphore(%run_scoped3A : memref<!tpu.dma_semaphore, #tpu.memory_space<semaphore_mem>>)
      %dma_wait3A_159 = arith.constant 0 : i32
      %dma_wait3A_160 = tpu.memref_slice %arg3[%mul3A_2, %dma_wait3A_159] : memref<1280x128xi32, #tpu.memory_space<hbm>> -> memref<40x128xi32, #tpu.memory_space<hbm>>
      %dma_wait3A_161 = arith.constant 0 : i32
      %dma_wait3A_162 = tpu.memref_slice %arg3[%mul3A_2, %dma_wait3A_161] : memref<1280x128xi32, #tpu.memory_space<hbm>> -> memref<40x128xi32, #tpu.memory_space<hbm>>
      tpu.wait_dma2 semaphore(%run_scoped3A : memref<!tpu.dma_semaphore, #tpu.memory_space<semaphore_mem>>) src(%dma_wait3A_162 : memref<40x128xi32, #tpu.memory_space<hbm>>) dst(%arg5 : memref<40x128xi32, #tpu.memory_space<vmem>>)
      tpu.yield
    }) : () -> ()
    %mul3A_3 = arith.constant 625 : i32
    %mul3A_4 = arith.muli %arg1, %mul3A_3 : i32
    %mul3A_5 = arith.constant 625 : i32
    %mul3A_6 = arith.muli %arg1, %mul3A_5 : i32
    "tpu.region"() ({
      %run_scoped3A = tpu.sem_alloc : memref<!tpu.dma_semaphore, #tpu.memory_space<semaphore_mem>>
      %dma_start3A = arith.constant 0 : i32
      %dma_start3A_156 = tpu.memref_slice %arg7[%mul3A_6, %dma_start3A] : memref<10000x32xf32, #tpu.memory_space<vmem_shared>> -> memref<625x32xf32, #tpu.memory_space<vmem_shared>>
      %dma_start3A_157 = arith.constant 0 : i32
      %dma_start3A_158 = tpu.memref_slice %arg2[%mul3A_4, %dma_start3A_157] : memref<10000x32xf32, #tpu.memory_space<hbm>> -> memref<625x32xf32, #tpu.memory_space<hbm>>
      tpu.enqueue_dma source(%dma_start3A_158 : memref<625x32xf32, #tpu.memory_space<hbm>>) target(%dma_start3A_156 : memref<625x32xf32, #tpu.memory_space<vmem_shared>>) target_semaphore(%run_scoped3A : memref<!tpu.dma_semaphore, #tpu.memory_space<semaphore_mem>>)
      %dma_wait3A_159 = arith.constant 0 : i32
      %dma_wait3A_160 = tpu.memref_slice %arg7[%mul3A_6, %dma_wait3A_159] : memref<10000x32xf32, #tpu.memory_space<vmem_shared>> -> memref<625x32xf32, #tpu.memory_space<vmem_shared>>
      %dma_wait3A_161 = arith.constant 0 : i32
      %dma_wait3A_162 = tpu.memref_slice %arg2[%mul3A_4, %dma_wait3A_161] : memref<10000x32xf32, #tpu.memory_space<hbm>> -> memref<625x32xf32, #tpu.memory_space<hbm>>
      tpu.wait_dma2 semaphore(%run_scoped3A : memref<!tpu.dma_semaphore, #tpu.memory_space<semaphore_mem>>) src(%dma_wait3A_162 : memref<625x32xf32, #tpu.memory_space<hbm>>) dst(%dma_wait3A_160 : memref<625x32xf32, #tpu.memory_space<vmem_shared>>)
      tpu.yield
    }) : () -> ()
    %barrier3A = arith.constant 0 : index
    tpu.barrier barrier_id(%barrier3A)
    %scan3A = arith.constant 0 : i32
    %scan3A_7 = arith.constant 0 : i32
    %scan3A_8 = arith.constant 5 : i32
    %scan3A_9 = arith.addi %scan3A_7, %scan3A_8 : i32
    %scan3A_10 = arith.constant 1 : i32
    %scan3A_11 = scf.for %scan3A_156 = %scan3A_7 to %scan3A_9 step %scan3A_10 iter_args(%scan3A_157 = %scan3A) -> (i32)  : i32 {
      %mul3A_158 = arith.constant 8 : i32
      %mul3A_159 = arith.muli %scan3A_156, %mul3A_158 : i32
      %add3A_160 = arith.constant 0 : i32
      %add3A_161 = arith.addi %mul3A_159, %add3A_160 : i32
      %add3A_162 = arith.addi %mul3A_2, %add3A_161 : i32
      %mul3A_163 = arith.constant 128 : i32
      %mul3A_164 = arith.muli %add3A_162, %mul3A_163 : i32
      %ge3A = arith.constant 8 : i32
      %ge3A_165 = arith.cmpi sge, %add3A_161, %ge3A : i32
      %convert_element_type3A = arith.extui %ge3A_165 : i1 to i32
      %cond3A = arith.constant 0 : i32
      %cond3A_166 = arith.cmpi ne, %convert_element_type3A, %cond3A : i32
      scf.if %cond3A_166 {
        %dma_wait3A_386 = arith.constant 0 : i32
        %dma_wait3A_387 = arith.constant 0 : i32
        %dma_wait3A_388 = arith.constant 0 : i32
        %dma_wait3A_389 = arith.constant 0 : i32
        %dma_wait3A_390 = tpu.memref_slice %arg6[%dma_wait3A_386, %dma_wait3A_388, %dma_wait3A_389] : memref<8x128x32xf32, #tpu.memory_space<vmem>> -> memref<1x128x32xf32, #tpu.memory_space<vmem>>
        %dma_wait3A_391 = tpu.memref_squeeze %dma_wait3A_390 : memref<1x128x32xf32, #tpu.memory_space<vmem>> -> memref<128x32xf32, #tpu.memory_space<vmem>>
        %dma_wait3A_392 = arith.constant 0 : i32
        %dma_wait3A_393 = tpu.memref_slice %arg4[%mul3A_164, %dma_wait3A_392] : memref<163840x32xf32, #tpu.memory_space<hbm>> -> memref<128x32xf32, #tpu.memory_space<hbm>>
        %dma_wait3A_394 = tpu.memref_slice %arg8[%dma_wait3A_387] : memref<8x!tpu.dma_semaphore, #tpu.memory_space<semaphore_mem>> -> memref<1x!tpu.dma_semaphore, #tpu.memory_space<semaphore_mem>>
        %dma_wait3A_395 = tpu.memref_squeeze %dma_wait3A_394 : memref<1x!tpu.dma_semaphore, #tpu.memory_space<semaphore_mem>> -> memref<!tpu.dma_semaphore, #tpu.memory_space<semaphore_mem>>
        %dma_wait3A_396 = arith.constant 0 : i32
        %dma_wait3A_397 = tpu.memref_slice %arg4[%mul3A_164, %dma_wait3A_396] : memref<163840x32xf32, #tpu.memory_space<hbm>> -> memref<128x32xf32, #tpu.memory_space<hbm>>
        %dma_wait3A_398 = arith.constant 0 : i32
        %dma_wait3A_399 = arith.constant 0 : i32
        %dma_wait3A_400 = tpu.memref_slice %arg6[%dma_wait3A_386, %dma_wait3A_398, %dma_wait3A_399] : memref<8x128x32xf32, #tpu.memory_space<vmem>> -> memref<1x128x32xf32, #tpu.memory_space<vmem>>
        %dma_wait3A_401 = tpu.memref_squeeze %dma_wait3A_400 : memref<1x128x32xf32, #tpu.memory_space<vmem>> -> memref<128x32xf32, #tpu.memory_space<vmem>>
        tpu.wait_dma2 semaphore(%dma_wait3A_395 : memref<!tpu.dma_semaphore, #tpu.memory_space<semaphore_mem>>) src(%dma_wait3A_401 : memref<128x32xf32, #tpu.memory_space<vmem>>) dst(%dma_wait3A_397 : memref<128x32xf32, #tpu.memory_space<hbm>>)
      } else {
      }
      %run_scoped3A = arith.constant 0 : i32
      "tpu.region"() ({
        %run_scoped3A_386 = tpu.sem_alloc : memref<!tpu.dma_semaphore, #tpu.memory_space<semaphore_mem>>
        %dma_start3A_387 = arith.constant 0 : i32
        %dma_start3A_388 = arith.constant 0 : i32
        %dma_start3A_389 = tpu.memref_slice %arg6[%run_scoped3A, %dma_start3A_387, %dma_start3A_388] : memref<8x128x32xf32, #tpu.memory_space<vmem>> -> memref<1x128x32xf32, #tpu.memory_space<vmem>>
        %dma_start3A_390 = tpu.memref_squeeze %dma_start3A_389 : memref<1x128x32xf32, #tpu.memory_space<vmem>> -> memref<128x32xf32, #tpu.memory_space<vmem>>
        %dma_start3A_391 = arith.constant 0 : i32
        %dma_start3A_392 = tpu.memref_slice %arg5[%add3A_161, %dma_start3A_391] : memref<40x128xi32, #tpu.memory_space<vmem>> -> memref<1x128xi32, #tpu.memory_space<vmem>>
        %dma_start3A_393 = tpu.memref_squeeze %dma_start3A_392 : memref<1x128xi32, #tpu.memory_space<vmem>> -> memref<128xi32, #tpu.memory_space<vmem>>
        %dma_start3A_394 = arith.constant 0 : i32
        %dma_start3A_395 = arith.constant 0 : i32
        %dma_start3A_396 = tpu.memref_slice %arg7[%dma_start3A_394, %dma_start3A_395] : memref<10000x32xf32, #tpu.memory_space<vmem_shared>> -> memref<10000x32xf32, #tpu.memory_space<vmem_shared>>
        tpu.enqueue_indirect_dma source(%dma_start3A_396 : memref<10000x32xf32, #tpu.memory_space<vmem_shared>>) target(%dma_start3A_390 : memref<128x32xf32, #tpu.memory_space<vmem>>) offsets(%dma_start3A_393 : memref<128xi32, #tpu.memory_space<vmem>>) semaphore(%run_scoped3A_386 : memref<!tpu.dma_semaphore, #tpu.memory_space<semaphore_mem>>)
        %dma_wait3A_397 = arith.constant 0 : i32
        %dma_wait3A_398 = arith.constant 0 : i32
        %dma_wait3A_399 = tpu.memref_slice %arg6[%run_scoped3A, %dma_wait3A_397, %dma_wait3A_398] : memref<8x128x32xf32, #tpu.memory_space<vmem>> -> memref<1x128x32xf32, #tpu.memory_space<vmem>>
        %dma_wait3A_400 = tpu.memref_squeeze %dma_wait3A_399 : memref<1x128x32xf32, #tpu.memory_space<vmem>> -> memref<128x32xf32, #tpu.memory_space<vmem>>
        %dma_wait3A_401 = arith.constant 0 : i32
        %dma_wait3A_402 = tpu.memref_slice %arg5[%add3A_161, %dma_wait3A_401] : memref<40x128xi32, #tpu.memory_space<vmem>> -> memref<1x128xi32, #tpu.memory_space<vmem>>
        %dma_wait3A_403 = tpu.memref_squeeze %dma_wait3A_402 : memref<1x128xi32, #tpu.memory_space<vmem>> -> memref<128xi32, #tpu.memory_space<vmem>>
        %dma_wait3A_404 = arith.constant 0 : i32
        %dma_wait3A_405 = arith.constant 0 : i32
        %dma_wait3A_406 = tpu.memref_slice %arg7[%dma_wait3A_404, %dma_wait3A_405] : memref<10000x32xf32, #tpu.memory_space<vmem_shared>> -> memref<10000x32xf32, #tpu.memory_space<vmem_shared>>
        tpu.wait_indirect_dma semaphore(%run_scoped3A_386 : memref<!tpu.dma_semaphore, #tpu.memory_space<semaphore_mem>>) src(%dma_wait3A_406 : memref<10000x32xf32, #tpu.memory_space<vmem_shared>>) dst(%dma_wait3A_400 : memref<128x32xf32, #tpu.memory_space<vmem>>)
        tpu.yield
      }) : () -> ()
      %dma_start3A = arith.constant 0 : i32
      %dma_start3A_167 = arith.constant 0 : i32
      %dma_start3A_168 = arith.constant 0 : i32
      %dma_start3A_169 = arith.constant 0 : i32
      %dma_start3A_170 = tpu.memref_slice %arg6[%dma_start3A, %dma_start3A_168, %dma_start3A_169] : memref<8x128x32xf32, #tpu.memory_space<vmem>> -> memref<1x128x32xf32, #tpu.memory_space<vmem>>
      %dma_start3A_171 = tpu.memref_squeeze %dma_start3A_170 : memref<1x128x32xf32, #tpu.memory_space<vmem>> -> memref<128x32xf32, #tpu.memory_space<vmem>>
      %dma_start3A_172 = arith.constant 0 : i32
      %dma_start3A_173 = tpu.memref_slice %arg4[%mul3A_164, %dma_start3A_172] : memref<163840x32xf32, #tpu.memory_space<hbm>> -> memref<128x32xf32, #tpu.memory_space<hbm>>
      %dma_start3A_174 = tpu.memref_slice %arg8[%dma_start3A_167] : memref<8x!tpu.dma_semaphore, #tpu.memory_space<semaphore_mem>> -> memref<1x!tpu.dma_semaphore, #tpu.memory_space<semaphore_mem>>
      %dma_start3A_175 = tpu.memref_squeeze %dma_start3A_174 : memref<1x!tpu.dma_semaphore, #tpu.memory_space<semaphore_mem>> -> memref<!tpu.dma_semaphore, #tpu.memory_space<semaphore_mem>>
      %dma_start3A_176 = arith.constant 0 : i32
      %dma_start3A_177 = tpu.memref_slice %arg4[%mul3A_164, %dma_start3A_176] : memref<163840x32xf32, #tpu.memory_space<hbm>> -> memref<128x32xf32, #tpu.memory_space<hbm>>
      %dma_start3A_178 = arith.constant 0 : i32
      %dma_start3A_179 = arith.constant 0 : i32
      %dma_start3A_180 = tpu.memref_slice %arg6[%dma_start3A, %dma_start3A_178, %dma_start3A_179] : memref<8x128x32xf32, #tpu.memory_space<vmem>> -> memref<1x128x32xf32, #tpu.memory_space<vmem>>
      %dma_start3A_181 = tpu.memref_squeeze %dma_start3A_180 : memref<1x128x32xf32, #tpu.memory_space<vmem>> -> memref<128x32xf32, #tpu.memory_space<vmem>>
      tpu.enqueue_dma source(%dma_start3A_181 : memref<128x32xf32, #tpu.memory_space<vmem>>) target(%dma_start3A_177 : memref<128x32xf32, #tpu.memory_space<hbm>>) target_semaphore(%dma_start3A_175 : memref<!tpu.dma_semaphore, #tpu.memory_space<semaphore_mem>>)
      %mul3A_182 = arith.constant 8 : i32
      %mul3A_183 = arith.muli %scan3A_156, %mul3A_182 : i32
      %add3A_184 = arith.constant 1 : i32
      %add3A_185 = arith.addi %mul3A_183, %add3A_184 : i32
      %add3A_186 = arith.addi %mul3A_2, %add3A_185 : i32
      %mul3A_187 = arith.constant 128 : i32
      %mul3A_188 = arith.muli %add3A_186, %mul3A_187 : i32
      %ge3A_189 = arith.constant 8 : i32
      %ge3A_190 = arith.cmpi sge, %add3A_185, %ge3A_189 : i32
      %convert_element_type3A_191 = arith.extui %ge3A_190 : i1 to i32
      %cond3A_192 = arith.constant 0 : i32
      %cond3A_193 = arith.cmpi ne, %convert_element_type3A_191, %cond3A_192 : i32
      scf.if %cond3A_193 {
        %dma_wait3A_386 = arith.constant 1 : i32
        %dma_wait3A_387 = arith.constant 1 : i32
        %dma_wait3A_388 = arith.constant 0 : i32
        %dma_wait3A_389 = arith.constant 0 : i32
        %dma_wait3A_390 = tpu.memref_slice %arg6[%dma_wait3A_386, %dma_wait3A_388, %dma_wait3A_389] : memref<8x128x32xf32, #tpu.memory_space<vmem>> -> memref<1x128x32xf32, #tpu.memory_space<vmem>>
        %dma_wait3A_391 = tpu.memref_squeeze %dma_wait3A_390 : memref<1x128x32xf32, #tpu.memory_space<vmem>> -> memref<128x32xf32, #tpu.memory_space<vmem>>
        %dma_wait3A_392 = arith.constant 0 : i32
        %dma_wait3A_393 = tpu.memref_slice %arg4[%mul3A_188, %dma_wait3A_392] : memref<163840x32xf32, #tpu.memory_space<hbm>> -> memref<128x32xf32, #tpu.memory_space<hbm>>
        %dma_wait3A_394 = tpu.memref_slice %arg8[%dma_wait3A_387] : memref<8x!tpu.dma_semaphore, #tpu.memory_space<semaphore_mem>> -> memref<1x!tpu.dma_semaphore, #tpu.memory_space<semaphore_mem>>
        %dma_wait3A_395 = tpu.memref_squeeze %dma_wait3A_394 : memref<1x!tpu.dma_semaphore, #tpu.memory_space<semaphore_mem>> -> memref<!tpu.dma_semaphore, #tpu.memory_space<semaphore_mem>>
        %dma_wait3A_396 = arith.constant 0 : i32
        %dma_wait3A_397 = tpu.memref_slice %arg4[%mul3A_188, %dma_wait3A_396] : memref<163840x32xf32, #tpu.memory_space<hbm>> -> memref<128x32xf32, #tpu.memory_space<hbm>>
        %dma_wait3A_398 = arith.constant 0 : i32
        %dma_wait3A_399 = arith.constant 0 : i32
        %dma_wait3A_400 = tpu.memref_slice %arg6[%dma_wait3A_386, %dma_wait3A_398, %dma_wait3A_399] : memref<8x128x32xf32, #tpu.memory_space<vmem>> -> memref<1x128x32xf32, #tpu.memory_space<vmem>>
        %dma_wait3A_401 = tpu.memref_squeeze %dma_wait3A_400 : memref<1x128x32xf32, #tpu.memory_space<vmem>> -> memref<128x32xf32, #tpu.memory_space<vmem>>
        tpu.wait_dma2 semaphore(%dma_wait3A_395 : memref<!tpu.dma_semaphore, #tpu.memory_space<semaphore_mem>>) src(%dma_wait3A_401 : memref<128x32xf32, #tpu.memory_space<vmem>>) dst(%dma_wait3A_397 : memref<128x32xf32, #tpu.memory_space<hbm>>)
      } else {
      }
      %run_scoped3A_194 = arith.constant 1 : i32
      "tpu.region"() ({
        %run_scoped3A_386 = tpu.sem_alloc : memref<!tpu.dma_semaphore, #tpu.memory_space<semaphore_mem>>
        %dma_start3A_387 = arith.constant 0 : i32
        %dma_start3A_388 = arith.constant 0 : i32
        %dma_start3A_389 = tpu.memref_slice %arg6[%run_scoped3A_194, %dma_start3A_387, %dma_start3A_388] : memref<8x128x32xf32, #tpu.memory_space<vmem>> -> memref<1x128x32xf32, #tpu.memory_space<vmem>>
        %dma_start3A_390 = tpu.memref_squeeze %dma_start3A_389 : memref<1x128x32xf32, #tpu.memory_space<vmem>> -> memref<128x32xf32, #tpu.memory_space<vmem>>
        %dma_start3A_391 = arith.constant 0 : i32
        %dma_start3A_392 = tpu.memref_slice %arg5[%add3A_185, %dma_start3A_391] : memref<40x128xi32, #tpu.memory_space<vmem>> -> memref<1x128xi32, #tpu.memory_space<vmem>>
        %dma_start3A_393 = tpu.memref_squeeze %dma_start3A_392 : memref<1x128xi32, #tpu.memory_space<vmem>> -> memref<128xi32, #tpu.memory_space<vmem>>
        %dma_start3A_394 = arith.constant 0 : i32
        %dma_start3A_395 = arith.constant 0 : i32
        %dma_start3A_396 = tpu.memref_slice %arg7[%dma_start3A_394, %dma_start3A_395] : memref<10000x32xf32, #tpu.memory_space<vmem_shared>> -> memref<10000x32xf32, #tpu.memory_space<vmem_shared>>
        tpu.enqueue_indirect_dma source(%dma_start3A_396 : memref<10000x32xf32, #tpu.memory_space<vmem_shared>>) target(%dma_start3A_390 : memref<128x32xf32, #tpu.memory_space<vmem>>) offsets(%dma_start3A_393 : memref<128xi32, #tpu.memory_space<vmem>>) semaphore(%run_scoped3A_386 : memref<!tpu.dma_semaphore, #tpu.memory_space<semaphore_mem>>)
        %dma_wait3A_397 = arith.constant 0 : i32
        %dma_wait3A_398 = arith.constant 0 : i32
        %dma_wait3A_399 = tpu.memref_slice %arg6[%run_scoped3A_194, %dma_wait3A_397, %dma_wait3A_398] : memref<8x128x32xf32, #tpu.memory_space<vmem>> -> memref<1x128x32xf32, #tpu.memory_space<vmem>>
        %dma_wait3A_400 = tpu.memref_squeeze %dma_wait3A_399 : memref<1x128x32xf32, #tpu.memory_space<vmem>> -> memref<128x32xf32, #tpu.memory_space<vmem>>
        %dma_wait3A_401 = arith.constant 0 : i32
        %dma_wait3A_402 = tpu.memref_slice %arg5[%add3A_185, %dma_wait3A_401] : memref<40x128xi32, #tpu.memory_space<vmem>> -> memref<1x128xi32, #tpu.memory_space<vmem>>
        %dma_wait3A_403 = tpu.memref_squeeze %dma_wait3A_402 : memref<1x128xi32, #tpu.memory_space<vmem>> -> memref<128xi32, #tpu.memory_space<vmem>>
        %dma_wait3A_404 = arith.constant 0 : i32
        %dma_wait3A_405 = arith.constant 0 : i32
        %dma_wait3A_406 = tpu.memref_slice %arg7[%dma_wait3A_404, %dma_wait3A_405] : memref<10000x32xf32, #tpu.memory_space<vmem_shared>> -> memref<10000x32xf32, #tpu.memory_space<vmem_shared>>
        tpu.wait_indirect_dma semaphore(%run_scoped3A_386 : memref<!tpu.dma_semaphore, #tpu.memory_space<semaphore_mem>>) src(%dma_wait3A_406 : memref<10000x32xf32, #tpu.memory_space<vmem_shared>>) dst(%dma_wait3A_400 : memref<128x32xf32, #tpu.memory_space<vmem>>)
        tpu.yield
      }) : () -> ()
      %dma_start3A_195 = arith.constant 1 : i32
      %dma_start3A_196 = arith.constant 1 : i32
      %dma_start3A_197 = arith.constant 0 : i32
      %dma_start3A_198 = arith.constant 0 : i32
      %dma_start3A_199 = tpu.memref_slice %arg6[%dma_start3A_195, %dma_start3A_197, %dma_start3A_198] : memref<8x128x32xf32, #tpu.memory_space<vmem>> -> memref<1x128x32xf32, #tpu.memory_space<vmem>>
      %dma_start3A_200 = tpu.memref_squeeze %dma_start3A_199 : memref<1x128x32xf32, #tpu.memory_space<vmem>> -> memref<128x32xf32, #tpu.memory_space<vmem>>
      %dma_start3A_201 = arith.constant 0 : i32
      %dma_start3A_202 = tpu.memref_slice %arg4[%mul3A_188, %dma_start3A_201] : memref<163840x32xf32, #tpu.memory_space<hbm>> -> memref<128x32xf32, #tpu.memory_space<hbm>>
      %dma_start3A_203 = tpu.memref_slice %arg8[%dma_start3A_196] : memref<8x!tpu.dma_semaphore, #tpu.memory_space<semaphore_mem>> -> memref<1x!tpu.dma_semaphore, #tpu.memory_space<semaphore_mem>>
      %dma_start3A_204 = tpu.memref_squeeze %dma_start3A_203 : memref<1x!tpu.dma_semaphore, #tpu.memory_space<semaphore_mem>> -> memref<!tpu.dma_semaphore, #tpu.memory_space<semaphore_mem>>
      %dma_start3A_205 = arith.constant 0 : i32
      %dma_start3A_206 = tpu.memref_slice %arg4[%mul3A_188, %dma_start3A_205] : memref<163840x32xf32, #tpu.memory_space<hbm>> -> memref<128x32xf32, #tpu.memory_space<hbm>>
      %dma_start3A_207 = arith.constant 0 : i32
      %dma_start3A_208 = arith.constant 0 : i32
      %dma_start3A_209 = tpu.memref_slice %arg6[%dma_start3A_195, %dma_start3A_207, %dma_start3A_208] : memref<8x128x32xf32, #tpu.memory_space<vmem>> -> memref<1x128x32xf32, #tpu.memory_space<vmem>>
      %dma_start3A_210 = tpu.memref_squeeze %dma_start3A_209 : memref<1x128x32xf32, #tpu.memory_space<vmem>> -> memref<128x32xf32, #tpu.memory_space<vmem>>
      tpu.enqueue_dma source(%dma_start3A_210 : memref<128x32xf32, #tpu.memory_space<vmem>>) target(%dma_start3A_206 : memref<128x32xf32, #tpu.memory_space<hbm>>) target_semaphore(%dma_start3A_204 : memref<!tpu.dma_semaphore, #tpu.memory_space<semaphore_mem>>)
      %mul3A_211 = arith.constant 8 : i32
      %mul3A_212 = arith.muli %scan3A_156, %mul3A_211 : i32
      %add3A_213 = arith.constant 2 : i32
      %add3A_214 = arith.addi %mul3A_212, %add3A_213 : i32
      %add3A_215 = arith.addi %mul3A_2, %add3A_214 : i32
      %mul3A_216 = arith.constant 128 : i32
      %mul3A_217 = arith.muli %add3A_215, %mul3A_216 : i32
      %ge3A_218 = arith.constant 8 : i32
      %ge3A_219 = arith.cmpi sge, %add3A_214, %ge3A_218 : i32
      %convert_element_type3A_220 = arith.extui %ge3A_219 : i1 to i32
      %cond3A_221 = arith.constant 0 : i32
      %cond3A_222 = arith.cmpi ne, %convert_element_type3A_220, %cond3A_221 : i32
      scf.if %cond3A_222 {
        %dma_wait3A_386 = arith.constant 2 : i32
        %dma_wait3A_387 = arith.constant 2 : i32
        %dma_wait3A_388 = arith.constant 0 : i32
        %dma_wait3A_389 = arith.constant 0 : i32
        %dma_wait3A_390 = tpu.memref_slice %arg6[%dma_wait3A_386, %dma_wait3A_388, %dma_wait3A_389] : memref<8x128x32xf32, #tpu.memory_space<vmem>> -> memref<1x128x32xf32, #tpu.memory_space<vmem>>
        %dma_wait3A_391 = tpu.memref_squeeze %dma_wait3A_390 : memref<1x128x32xf32, #tpu.memory_space<vmem>> -> memref<128x32xf32, #tpu.memory_space<vmem>>
        %dma_wait3A_392 = arith.constant 0 : i32
        %dma_wait3A_393 = tpu.memref_slice %arg4[%mul3A_217, %dma_wait3A_392] : memref<163840x32xf32, #tpu.memory_space<hbm>> -> memref<128x32xf32, #tpu.memory_space<hbm>>
        %dma_wait3A_394 = tpu.memref_slice %arg8[%dma_wait3A_387] : memref<8x!tpu.dma_semaphore, #tpu.memory_space<semaphore_mem>> -> memref<1x!tpu.dma_semaphore, #tpu.memory_space<semaphore_mem>>
        %dma_wait3A_395 = tpu.memref_squeeze %dma_wait3A_394 : memref<1x!tpu.dma_semaphore, #tpu.memory_space<semaphore_mem>> -> memref<!tpu.dma_semaphore, #tpu.memory_space<semaphore_mem>>
        %dma_wait3A_396 = arith.constant 0 : i32
        %dma_wait3A_397 = tpu.memref_slice %arg4[%mul3A_217, %dma_wait3A_396] : memref<163840x32xf32, #tpu.memory_space<hbm>> -> memref<128x32xf32, #tpu.memory_space<hbm>>
        %dma_wait3A_398 = arith.constant 0 : i32
        %dma_wait3A_399 = arith.constant 0 : i32
        %dma_wait3A_400 = tpu.memref_slice %arg6[%dma_wait3A_386, %dma_wait3A_398, %dma_wait3A_399] : memref<8x128x32xf32, #tpu.memory_space<vmem>> -> memref<1x128x32xf32, #tpu.memory_space<vmem>>
        %dma_wait3A_401 = tpu.memref_squeeze %dma_wait3A_400 : memref<1x128x32xf32, #tpu.memory_space<vmem>> -> memref<128x32xf32, #tpu.memory_space<vmem>>
        tpu.wait_dma2 semaphore(%dma_wait3A_395 : memref<!tpu.dma_semaphore, #tpu.memory_space<semaphore_mem>>) src(%dma_wait3A_401 : memref<128x32xf32, #tpu.memory_space<vmem>>) dst(%dma_wait3A_397 : memref<128x32xf32, #tpu.memory_space<hbm>>)
      } else {
      }
      %run_scoped3A_223 = arith.constant 2 : i32
      "tpu.region"() ({
        %run_scoped3A_386 = tpu.sem_alloc : memref<!tpu.dma_semaphore, #tpu.memory_space<semaphore_mem>>
        %dma_start3A_387 = arith.constant 0 : i32
        %dma_start3A_388 = arith.constant 0 : i32
        %dma_start3A_389 = tpu.memref_slice %arg6[%run_scoped3A_223, %dma_start3A_387, %dma_start3A_388] : memref<8x128x32xf32, #tpu.memory_space<vmem>> -> memref<1x128x32xf32, #tpu.memory_space<vmem>>
        %dma_start3A_390 = tpu.memref_squeeze %dma_start3A_389 : memref<1x128x32xf32, #tpu.memory_space<vmem>> -> memref<128x32xf32, #tpu.memory_space<vmem>>
        %dma_start3A_391 = arith.constant 0 : i32
        %dma_start3A_392 = tpu.memref_slice %arg5[%add3A_214, %dma_start3A_391] : memref<40x128xi32, #tpu.memory_space<vmem>> -> memref<1x128xi32, #tpu.memory_space<vmem>>
        %dma_start3A_393 = tpu.memref_squeeze %dma_start3A_392 : memref<1x128xi32, #tpu.memory_space<vmem>> -> memref<128xi32, #tpu.memory_space<vmem>>
        %dma_start3A_394 = arith.constant 0 : i32
        %dma_start3A_395 = arith.constant 0 : i32
        %dma_start3A_396 = tpu.memref_slice %arg7[%dma_start3A_394, %dma_start3A_395] : memref<10000x32xf32, #tpu.memory_space<vmem_shared>> -> memref<10000x32xf32, #tpu.memory_space<vmem_shared>>
        tpu.enqueue_indirect_dma source(%dma_start3A_396 : memref<10000x32xf32, #tpu.memory_space<vmem_shared>>) target(%dma_start3A_390 : memref<128x32xf32, #tpu.memory_space<vmem>>) offsets(%dma_start3A_393 : memref<128xi32, #tpu.memory_space<vmem>>) semaphore(%run_scoped3A_386 : memref<!tpu.dma_semaphore, #tpu.memory_space<semaphore_mem>>)
        %dma_wait3A_397 = arith.constant 0 : i32
        %dma_wait3A_398 = arith.constant 0 : i32
        %dma_wait3A_399 = tpu.memref_slice %arg6[%run_scoped3A_223, %dma_wait3A_397, %dma_wait3A_398] : memref<8x128x32xf32, #tpu.memory_space<vmem>> -> memref<1x128x32xf32, #tpu.memory_space<vmem>>
        %dma_wait3A_400 = tpu.memref_squeeze %dma_wait3A_399 : memref<1x128x32xf32, #tpu.memory_space<vmem>> -> memref<128x32xf32, #tpu.memory_space<vmem>>
        %dma_wait3A_401 = arith.constant 0 : i32
        %dma_wait3A_402 = tpu.memref_slice %arg5[%add3A_214, %dma_wait3A_401] : memref<40x128xi32, #tpu.memory_space<vmem>> -> memref<1x128xi32, #tpu.memory_space<vmem>>
        %dma_wait3A_403 = tpu.memref_squeeze %dma_wait3A_402 : memref<1x128xi32, #tpu.memory_space<vmem>> -> memref<128xi32, #tpu.memory_space<vmem>>
        %dma_wait3A_404 = arith.constant 0 : i32
        %dma_wait3A_405 = arith.constant 0 : i32
        %dma_wait3A_406 = tpu.memref_slice %arg7[%dma_wait3A_404, %dma_wait3A_405] : memref<10000x32xf32, #tpu.memory_space<vmem_shared>> -> memref<10000x32xf32, #tpu.memory_space<vmem_shared>>
        tpu.wait_indirect_dma semaphore(%run_scoped3A_386 : memref<!tpu.dma_semaphore, #tpu.memory_space<semaphore_mem>>) src(%dma_wait3A_406 : memref<10000x32xf32, #tpu.memory_space<vmem_shared>>) dst(%dma_wait3A_400 : memref<128x32xf32, #tpu.memory_space<vmem>>)
        tpu.yield
      }) : () -> ()
      %dma_start3A_224 = arith.constant 2 : i32
      %dma_start3A_225 = arith.constant 2 : i32
      %dma_start3A_226 = arith.constant 0 : i32
      %dma_start3A_227 = arith.constant 0 : i32
      %dma_start3A_228 = tpu.memref_slice %arg6[%dma_start3A_224, %dma_start3A_226, %dma_start3A_227] : memref<8x128x32xf32, #tpu.memory_space<vmem>> -> memref<1x128x32xf32, #tpu.memory_space<vmem>>
      %dma_start3A_229 = tpu.memref_squeeze %dma_start3A_228 : memref<1x128x32xf32, #tpu.memory_space<vmem>> -> memref<128x32xf32, #tpu.memory_space<vmem>>
      %dma_start3A_230 = arith.constant 0 : i32
      %dma_start3A_231 = tpu.memref_slice %arg4[%mul3A_217, %dma_start3A_230] : memref<163840x32xf32, #tpu.memory_space<hbm>> -> memref<128x32xf32, #tpu.memory_space<hbm>>
      %dma_start3A_232 = tpu.memref_slice %arg8[%dma_start3A_225] : memref<8x!tpu.dma_semaphore, #tpu.memory_space<semaphore_mem>> -> memref<1x!tpu.dma_semaphore, #tpu.memory_space<semaphore_mem>>
      %dma_start3A_233 = tpu.memref_squeeze %dma_start3A_232 : memref<1x!tpu.dma_semaphore, #tpu.memory_space<semaphore_mem>> -> memref<!tpu.dma_semaphore, #tpu.memory_space<semaphore_mem>>
      %dma_start3A_234 = arith.constant 0 : i32
      %dma_start3A_235 = tpu.memref_slice %arg4[%mul3A_217, %dma_start3A_234] : memref<163840x32xf32, #tpu.memory_space<hbm>> -> memref<128x32xf32, #tpu.memory_space<hbm>>
      %dma_start3A_236 = arith.constant 0 : i32
      %dma_start3A_237 = arith.constant 0 : i32
      %dma_start3A_238 = tpu.memref_slice %arg6[%dma_start3A_224, %dma_start3A_236, %dma_start3A_237] : memref<8x128x32xf32, #tpu.memory_space<vmem>> -> memref<1x128x32xf32, #tpu.memory_space<vmem>>
      %dma_start3A_239 = tpu.memref_squeeze %dma_start3A_238 : memref<1x128x32xf32, #tpu.memory_space<vmem>> -> memref<128x32xf32, #tpu.memory_space<vmem>>
      tpu.enqueue_dma source(%dma_start3A_239 : memref<128x32xf32, #tpu.memory_space<vmem>>) target(%dma_start3A_235 : memref<128x32xf32, #tpu.memory_space<hbm>>) target_semaphore(%dma_start3A_233 : memref<!tpu.dma_semaphore, #tpu.memory_space<semaphore_mem>>)
      %mul3A_240 = arith.constant 8 : i32
      %mul3A_241 = arith.muli %scan3A_156, %mul3A_240 : i32
      %add3A_242 = arith.constant 3 : i32
      %add3A_243 = arith.addi %mul3A_241, %add3A_242 : i32
      %add3A_244 = arith.addi %mul3A_2, %add3A_243 : i32
      %mul3A_245 = arith.constant 128 : i32
      %mul3A_246 = arith.muli %add3A_244, %mul3A_245 : i32
      %ge3A_247 = arith.constant 8 : i32
      %ge3A_248 = arith.cmpi sge, %add3A_243, %ge3A_247 : i32
      %convert_element_type3A_249 = arith.extui %ge3A_248 : i1 to i32
      %cond3A_250 = arith.constant 0 : i32
      %cond3A_251 = arith.cmpi ne, %convert_element_type3A_249, %cond3A_250 : i32
      scf.if %cond3A_251 {
        %dma_wait3A_386 = arith.constant 3 : i32
        %dma_wait3A_387 = arith.constant 3 : i32
        %dma_wait3A_388 = arith.constant 0 : i32
        %dma_wait3A_389 = arith.constant 0 : i32
        %dma_wait3A_390 = tpu.memref_slice %arg6[%dma_wait3A_386, %dma_wait3A_388, %dma_wait3A_389] : memref<8x128x32xf32, #tpu.memory_space<vmem>> -> memref<1x128x32xf32, #tpu.memory_space<vmem>>
        %dma_wait3A_391 = tpu.memref_squeeze %dma_wait3A_390 : memref<1x128x32xf32, #tpu.memory_space<vmem>> -> memref<128x32xf32, #tpu.memory_space<vmem>>
        %dma_wait3A_392 = arith.constant 0 : i32
        %dma_wait3A_393 = tpu.memref_slice %arg4[%mul3A_246, %dma_wait3A_392] : memref<163840x32xf32, #tpu.memory_space<hbm>> -> memref<128x32xf32, #tpu.memory_space<hbm>>
        %dma_wait3A_394 = tpu.memref_slice %arg8[%dma_wait3A_387] : memref<8x!tpu.dma_semaphore, #tpu.memory_space<semaphore_mem>> -> memref<1x!tpu.dma_semaphore, #tpu.memory_space<semaphore_mem>>
        %dma_wait3A_395 = tpu.memref_squeeze %dma_wait3A_394 : memref<1x!tpu.dma_semaphore, #tpu.memory_space<semaphore_mem>> -> memref<!tpu.dma_semaphore, #tpu.memory_space<semaphore_mem>>
        %dma_wait3A_396 = arith.constant 0 : i32
        %dma_wait3A_397 = tpu.memref_slice %arg4[%mul3A_246, %dma_wait3A_396] : memref<163840x32xf32, #tpu.memory_space<hbm>> -> memref<128x32xf32, #tpu.memory_space<hbm>>
        %dma_wait3A_398 = arith.constant 0 : i32
        %dma_wait3A_399 = arith.constant 0 : i32
        %dma_wait3A_400 = tpu.memref_slice %arg6[%dma_wait3A_386, %dma_wait3A_398, %dma_wait3A_399] : memref<8x128x32xf32, #tpu.memory_space<vmem>> -> memref<1x128x32xf32, #tpu.memory_space<vmem>>
        %dma_wait3A_401 = tpu.memref_squeeze %dma_wait3A_400 : memref<1x128x32xf32, #tpu.memory_space<vmem>> -> memref<128x32xf32, #tpu.memory_space<vmem>>
        tpu.wait_dma2 semaphore(%dma_wait3A_395 : memref<!tpu.dma_semaphore, #tpu.memory_space<semaphore_mem>>) src(%dma_wait3A_401 : memref<128x32xf32, #tpu.memory_space<vmem>>) dst(%dma_wait3A_397 : memref<128x32xf32, #tpu.memory_space<hbm>>)
      } else {
      }
      %run_scoped3A_252 = arith.constant 3 : i32
      "tpu.region"() ({
        %run_scoped3A_386 = tpu.sem_alloc : memref<!tpu.dma_semaphore, #tpu.memory_space<semaphore_mem>>
        %dma_start3A_387 = arith.constant 0 : i32
        %dma_start3A_388 = arith.constant 0 : i32
        %dma_start3A_389 = tpu.memref_slice %arg6[%run_scoped3A_252, %dma_start3A_387, %dma_start3A_388] : memref<8x128x32xf32, #tpu.memory_space<vmem>> -> memref<1x128x32xf32, #tpu.memory_space<vmem>>
        %dma_start3A_390 = tpu.memref_squeeze %dma_start3A_389 : memref<1x128x32xf32, #tpu.memory_space<vmem>> -> memref<128x32xf32, #tpu.memory_space<vmem>>
        %dma_start3A_391 = arith.constant 0 : i32
        %dma_start3A_392 = tpu.memref_slice %arg5[%add3A_243, %dma_start3A_391] : memref<40x128xi32, #tpu.memory_space<vmem>> -> memref<1x128xi32, #tpu.memory_space<vmem>>
        %dma_start3A_393 = tpu.memref_squeeze %dma_start3A_392 : memref<1x128xi32, #tpu.memory_space<vmem>> -> memref<128xi32, #tpu.memory_space<vmem>>
        %dma_start3A_394 = arith.constant 0 : i32
        %dma_start3A_395 = arith.constant 0 : i32
        %dma_start3A_396 = tpu.memref_slice %arg7[%dma_start3A_394, %dma_start3A_395] : memref<10000x32xf32, #tpu.memory_space<vmem_shared>> -> memref<10000x32xf32, #tpu.memory_space<vmem_shared>>
        tpu.enqueue_indirect_dma source(%dma_start3A_396 : memref<10000x32xf32, #tpu.memory_space<vmem_shared>>) target(%dma_start3A_390 : memref<128x32xf32, #tpu.memory_space<vmem>>) offsets(%dma_start3A_393 : memref<128xi32, #tpu.memory_space<vmem>>) semaphore(%run_scoped3A_386 : memref<!tpu.dma_semaphore, #tpu.memory_space<semaphore_mem>>)
        %dma_wait3A_397 = arith.constant 0 : i32
        %dma_wait3A_398 = arith.constant 0 : i32
        %dma_wait3A_399 = tpu.memref_slice %arg6[%run_scoped3A_252, %dma_wait3A_397, %dma_wait3A_398] : memref<8x128x32xf32, #tpu.memory_space<vmem>> -> memref<1x128x32xf32, #tpu.memory_space<vmem>>
        %dma_wait3A_400 = tpu.memref_squeeze %dma_wait3A_399 : memref<1x128x32xf32, #tpu.memory_space<vmem>> -> memref<128x32xf32, #tpu.memory_space<vmem>>
        %dma_wait3A_401 = arith.constant 0 : i32
        %dma_wait3A_402 = tpu.memref_slice %arg5[%add3A_243, %dma_wait3A_401] : memref<40x128xi32, #tpu.memory_space<vmem>> -> memref<1x128xi32, #tpu.memory_space<vmem>>
        %dma_wait3A_403 = tpu.memref_squeeze %dma_wait3A_402 : memref<1x128xi32, #tpu.memory_space<vmem>> -> memref<128xi32, #tpu.memory_space<vmem>>
        %dma_wait3A_404 = arith.constant 0 : i32
        %dma_wait3A_405 = arith.constant 0 : i32
        %dma_wait3A_406 = tpu.memref_slice %arg7[%dma_wait3A_404, %dma_wait3A_405] : memref<10000x32xf32, #tpu.memory_space<vmem_shared>> -> memref<10000x32xf32, #tpu.memory_space<vmem_shared>>
        tpu.wait_indirect_dma semaphore(%run_scoped3A_386 : memref<!tpu.dma_semaphore, #tpu.memory_space<semaphore_mem>>) src(%dma_wait3A_406 : memref<10000x32xf32, #tpu.memory_space<vmem_shared>>) dst(%dma_wait3A_400 : memref<128x32xf32, #tpu.memory_space<vmem>>)
        tpu.yield
      }) : () -> ()
      %dma_start3A_253 = arith.constant 3 : i32
      %dma_start3A_254 = arith.constant 3 : i32
      %dma_start3A_255 = arith.constant 0 : i32
      %dma_start3A_256 = arith.constant 0 : i32
      %dma_start3A_257 = tpu.memref_slice %arg6[%dma_start3A_253, %dma_start3A_255, %dma_start3A_256] : memref<8x128x32xf32, #tpu.memory_space<vmem>> -> memref<1x128x32xf32, #tpu.memory_space<vmem>>
      %dma_start3A_258 = tpu.memref_squeeze %dma_start3A_257 : memref<1x128x32xf32, #tpu.memory_space<vmem>> -> memref<128x32xf32, #tpu.memory_space<vmem>>
      %dma_start3A_259 = arith.constant 0 : i32
      %dma_start3A_260 = tpu.memref_slice %arg4[%mul3A_246, %dma_start3A_259] : memref<163840x32xf32, #tpu.memory_space<hbm>> -> memref<128x32xf32, #tpu.memory_space<hbm>>
      %dma_start3A_261 = tpu.memref_slice %arg8[%dma_start3A_254] : memref<8x!tpu.dma_semaphore, #tpu.memory_space<semaphore_mem>> -> memref<1x!tpu.dma_semaphore, #tpu.memory_space<semaphore_mem>>
      %dma_start3A_262 = tpu.memref_squeeze %dma_start3A_261 : memref<1x!tpu.dma_semaphore, #tpu.memory_space<semaphore_mem>> -> memref<!tpu.dma_semaphore, #tpu.memory_space<semaphore_mem>>
      %dma_start3A_263 = arith.constant 0 : i32
      %dma_start3A_264 = tpu.memref_slice %arg4[%mul3A_246, %dma_start3A_263] : memref<163840x32xf32, #tpu.memory_space<hbm>> -> memref<128x32xf32, #tpu.memory_space<hbm>>
      %dma_start3A_265 = arith.constant 0 : i32
      %dma_start3A_266 = arith.constant 0 : i32
      %dma_start3A_267 = tpu.memref_slice %arg6[%dma_start3A_253, %dma_start3A_265, %dma_start3A_266] : memref<8x128x32xf32, #tpu.memory_space<vmem>> -> memref<1x128x32xf32, #tpu.memory_space<vmem>>
      %dma_start3A_268 = tpu.memref_squeeze %dma_start3A_267 : memref<1x128x32xf32, #tpu.memory_space<vmem>> -> memref<128x32xf32, #tpu.memory_space<vmem>>
      tpu.enqueue_dma source(%dma_start3A_268 : memref<128x32xf32, #tpu.memory_space<vmem>>) target(%dma_start3A_264 : memref<128x32xf32, #tpu.memory_space<hbm>>) target_semaphore(%dma_start3A_262 : memref<!tpu.dma_semaphore, #tpu.memory_space<semaphore_mem>>)
      %mul3A_269 = arith.constant 8 : i32
      %mul3A_270 = arith.muli %scan3A_156, %mul3A_269 : i32
      %add3A_271 = arith.constant 4 : i32
      %add3A_272 = arith.addi %mul3A_270, %add3A_271 : i32
      %add3A_273 = arith.addi %mul3A_2, %add3A_272 : i32
      %mul3A_274 = arith.constant 128 : i32
      %mul3A_275 = arith.muli %add3A_273, %mul3A_274 : i32
      %ge3A_276 = arith.constant 8 : i32
      %ge3A_277 = arith.cmpi sge, %add3A_272, %ge3A_276 : i32
      %convert_element_type3A_278 = arith.extui %ge3A_277 : i1 to i32
      %cond3A_279 = arith.constant 0 : i32
      %cond3A_280 = arith.cmpi ne, %convert_element_type3A_278, %cond3A_279 : i32
      scf.if %cond3A_280 {
        %dma_wait3A_386 = arith.constant 4 : i32
        %dma_wait3A_387 = arith.constant 4 : i32
        %dma_wait3A_388 = arith.constant 0 : i32
        %dma_wait3A_389 = arith.constant 0 : i32
        %dma_wait3A_390 = tpu.memref_slice %arg6[%dma_wait3A_386, %dma_wait3A_388, %dma_wait3A_389] : memref<8x128x32xf32, #tpu.memory_space<vmem>> -> memref<1x128x32xf32, #tpu.memory_space<vmem>>
        %dma_wait3A_391 = tpu.memref_squeeze %dma_wait3A_390 : memref<1x128x32xf32, #tpu.memory_space<vmem>> -> memref<128x32xf32, #tpu.memory_space<vmem>>
        %dma_wait3A_392 = arith.constant 0 : i32
        %dma_wait3A_393 = tpu.memref_slice %arg4[%mul3A_275, %dma_wait3A_392] : memref<163840x32xf32, #tpu.memory_space<hbm>> -> memref<128x32xf32, #tpu.memory_space<hbm>>
        %dma_wait3A_394 = tpu.memref_slice %arg8[%dma_wait3A_387] : memref<8x!tpu.dma_semaphore, #tpu.memory_space<semaphore_mem>> -> memref<1x!tpu.dma_semaphore, #tpu.memory_space<semaphore_mem>>
        %dma_wait3A_395 = tpu.memref_squeeze %dma_wait3A_394 : memref<1x!tpu.dma_semaphore, #tpu.memory_space<semaphore_mem>> -> memref<!tpu.dma_semaphore, #tpu.memory_space<semaphore_mem>>
        %dma_wait3A_396 = arith.constant 0 : i32
        %dma_wait3A_397 = tpu.memref_slice %arg4[%mul3A_275, %dma_wait3A_396] : memref<163840x32xf32, #tpu.memory_space<hbm>> -> memref<128x32xf32, #tpu.memory_space<hbm>>
        %dma_wait3A_398 = arith.constant 0 : i32
        %dma_wait3A_399 = arith.constant 0 : i32
        %dma_wait3A_400 = tpu.memref_slice %arg6[%dma_wait3A_386, %dma_wait3A_398, %dma_wait3A_399] : memref<8x128x32xf32, #tpu.memory_space<vmem>> -> memref<1x128x32xf32, #tpu.memory_space<vmem>>
        %dma_wait3A_401 = tpu.memref_squeeze %dma_wait3A_400 : memref<1x128x32xf32, #tpu.memory_space<vmem>> -> memref<128x32xf32, #tpu.memory_space<vmem>>
        tpu.wait_dma2 semaphore(%dma_wait3A_395 : memref<!tpu.dma_semaphore, #tpu.memory_space<semaphore_mem>>) src(%dma_wait3A_401 : memref<128x32xf32, #tpu.memory_space<vmem>>) dst(%dma_wait3A_397 : memref<128x32xf32, #tpu.memory_space<hbm>>)
      } else {
      }
      %run_scoped3A_281 = arith.constant 4 : i32
      "tpu.region"() ({
        %run_scoped3A_386 = tpu.sem_alloc : memref<!tpu.dma_semaphore, #tpu.memory_space<semaphore_mem>>
        %dma_start3A_387 = arith.constant 0 : i32
        %dma_start3A_388 = arith.constant 0 : i32
        %dma_start3A_389 = tpu.memref_slice %arg6[%run_scoped3A_281, %dma_start3A_387, %dma_start3A_388] : memref<8x128x32xf32, #tpu.memory_space<vmem>> -> memref<1x128x32xf32, #tpu.memory_space<vmem>>
        %dma_start3A_390 = tpu.memref_squeeze %dma_start3A_389 : memref<1x128x32xf32, #tpu.memory_space<vmem>> -> memref<128x32xf32, #tpu.memory_space<vmem>>
        %dma_start3A_391 = arith.constant 0 : i32
        %dma_start3A_392 = tpu.memref_slice %arg5[%add3A_272, %dma_start3A_391] : memref<40x128xi32, #tpu.memory_space<vmem>> -> memref<1x128xi32, #tpu.memory_space<vmem>>
        %dma_start3A_393 = tpu.memref_squeeze %dma_start3A_392 : memref<1x128xi32, #tpu.memory_space<vmem>> -> memref<128xi32, #tpu.memory_space<vmem>>
        %dma_start3A_394 = arith.constant 0 : i32
        %dma_start3A_395 = arith.constant 0 : i32
        %dma_start3A_396 = tpu.memref_slice %arg7[%dma_start3A_394, %dma_start3A_395] : memref<10000x32xf32, #tpu.memory_space<vmem_shared>> -> memref<10000x32xf32, #tpu.memory_space<vmem_shared>>
        tpu.enqueue_indirect_dma source(%dma_start3A_396 : memref<10000x32xf32, #tpu.memory_space<vmem_shared>>) target(%dma_start3A_390 : memref<128x32xf32, #tpu.memory_space<vmem>>) offsets(%dma_start3A_393 : memref<128xi32, #tpu.memory_space<vmem>>) semaphore(%run_scoped3A_386 : memref<!tpu.dma_semaphore, #tpu.memory_space<semaphore_mem>>)
        %dma_wait3A_397 = arith.constant 0 : i32
        %dma_wait3A_398 = arith.constant 0 : i32
        %dma_wait3A_399 = tpu.memref_slice %arg6[%run_scoped3A_281, %dma_wait3A_397, %dma_wait3A_398] : memref<8x128x32xf32, #tpu.memory_space<vmem>> -> memref<1x128x32xf32, #tpu.memory_space<vmem>>
        %dma_wait3A_400 = tpu.memref_squeeze %dma_wait3A_399 : memref<1x128x32xf32, #tpu.memory_space<vmem>> -> memref<128x32xf32, #tpu.memory_space<vmem>>
        %dma_wait3A_401 = arith.constant 0 : i32
        %dma_wait3A_402 = tpu.memref_slice %arg5[%add3A_272, %dma_wait3A_401] : memref<40x128xi32, #tpu.memory_space<vmem>> -> memref<1x128xi32, #tpu.memory_space<vmem>>
        %dma_wait3A_403 = tpu.memref_squeeze %dma_wait3A_402 : memref<1x128xi32, #tpu.memory_space<vmem>> -> memref<128xi32, #tpu.memory_space<vmem>>
        %dma_wait3A_404 = arith.constant 0 : i32
        %dma_wait3A_405 = arith.constant 0 : i32
        %dma_wait3A_406 = tpu.memref_slice %arg7[%dma_wait3A_404, %dma_wait3A_405] : memref<10000x32xf32, #tpu.memory_space<vmem_shared>> -> memref<10000x32xf32, #tpu.memory_space<vmem_shared>>
        tpu.wait_indirect_dma semaphore(%run_scoped3A_386 : memref<!tpu.dma_semaphore, #tpu.memory_space<semaphore_mem>>) src(%dma_wait3A_406 : memref<10000x32xf32, #tpu.memory_space<vmem_shared>>) dst(%dma_wait3A_400 : memref<128x32xf32, #tpu.memory_space<vmem>>)
        tpu.yield
      }) : () -> ()
      %dma_start3A_282 = arith.constant 4 : i32
      %dma_start3A_283 = arith.constant 4 : i32
      %dma_start3A_284 = arith.constant 0 : i32
      %dma_start3A_285 = arith.constant 0 : i32
      %dma_start3A_286 = tpu.memref_slice %arg6[%dma_start3A_282, %dma_start3A_284, %dma_start3A_285] : memref<8x128x32xf32, #tpu.memory_space<vmem>> -> memref<1x128x32xf32, #tpu.memory_space<vmem>>
      %dma_start3A_287 = tpu.memref_squeeze %dma_start3A_286 : memref<1x128x32xf32, #tpu.memory_space<vmem>> -> memref<128x32xf32, #tpu.memory_space<vmem>>
      %dma_start3A_288 = arith.constant 0 : i32
      %dma_start3A_289 = tpu.memref_slice %arg4[%mul3A_275, %dma_start3A_288] : memref<163840x32xf32, #tpu.memory_space<hbm>> -> memref<128x32xf32, #tpu.memory_space<hbm>>
      %dma_start3A_290 = tpu.memref_slice %arg8[%dma_start3A_283] : memref<8x!tpu.dma_semaphore, #tpu.memory_space<semaphore_mem>> -> memref<1x!tpu.dma_semaphore, #tpu.memory_space<semaphore_mem>>
      %dma_start3A_291 = tpu.memref_squeeze %dma_start3A_290 : memref<1x!tpu.dma_semaphore, #tpu.memory_space<semaphore_mem>> -> memref<!tpu.dma_semaphore, #tpu.memory_space<semaphore_mem>>
      %dma_start3A_292 = arith.constant 0 : i32
      %dma_start3A_293 = tpu.memref_slice %arg4[%mul3A_275, %dma_start3A_292] : memref<163840x32xf32, #tpu.memory_space<hbm>> -> memref<128x32xf32, #tpu.memory_space<hbm>>
      %dma_start3A_294 = arith.constant 0 : i32
      %dma_start3A_295 = arith.constant 0 : i32
      %dma_start3A_296 = tpu.memref_slice %arg6[%dma_start3A_282, %dma_start3A_294, %dma_start3A_295] : memref<8x128x32xf32, #tpu.memory_space<vmem>> -> memref<1x128x32xf32, #tpu.memory_space<vmem>>
      %dma_start3A_297 = tpu.memref_squeeze %dma_start3A_296 : memref<1x128x32xf32, #tpu.memory_space<vmem>> -> memref<128x32xf32, #tpu.memory_space<vmem>>
      tpu.enqueue_dma source(%dma_start3A_297 : memref<128x32xf32, #tpu.memory_space<vmem>>) target(%dma_start3A_293 : memref<128x32xf32, #tpu.memory_space<hbm>>) target_semaphore(%dma_start3A_291 : memref<!tpu.dma_semaphore, #tpu.memory_space<semaphore_mem>>)
      %mul3A_298 = arith.constant 8 : i32
      %mul3A_299 = arith.muli %scan3A_156, %mul3A_298 : i32
      %add3A_300 = arith.constant 5 : i32
      %add3A_301 = arith.addi %mul3A_299, %add3A_300 : i32
      %add3A_302 = arith.addi %mul3A_2, %add3A_301 : i32
      %mul3A_303 = arith.constant 128 : i32
      %mul3A_304 = arith.muli %add3A_302, %mul3A_303 : i32
      %ge3A_305 = arith.constant 8 : i32
      %ge3A_306 = arith.cmpi sge, %add3A_301, %ge3A_305 : i32
      %convert_element_type3A_307 = arith.extui %ge3A_306 : i1 to i32
      %cond3A_308 = arith.constant 0 : i32
      %cond3A_309 = arith.cmpi ne, %convert_element_type3A_307, %cond3A_308 : i32
      scf.if %cond3A_309 {
        %dma_wait3A_386 = arith.constant 5 : i32
        %dma_wait3A_387 = arith.constant 5 : i32
        %dma_wait3A_388 = arith.constant 0 : i32
        %dma_wait3A_389 = arith.constant 0 : i32
        %dma_wait3A_390 = tpu.memref_slice %arg6[%dma_wait3A_386, %dma_wait3A_388, %dma_wait3A_389] : memref<8x128x32xf32, #tpu.memory_space<vmem>> -> memref<1x128x32xf32, #tpu.memory_space<vmem>>
        %dma_wait3A_391 = tpu.memref_squeeze %dma_wait3A_390 : memref<1x128x32xf32, #tpu.memory_space<vmem>> -> memref<128x32xf32, #tpu.memory_space<vmem>>
        %dma_wait3A_392 = arith.constant 0 : i32
        %dma_wait3A_393 = tpu.memref_slice %arg4[%mul3A_304, %dma_wait3A_392] : memref<163840x32xf32, #tpu.memory_space<hbm>> -> memref<128x32xf32, #tpu.memory_space<hbm>>
        %dma_wait3A_394 = tpu.memref_slice %arg8[%dma_wait3A_387] : memref<8x!tpu.dma_semaphore, #tpu.memory_space<semaphore_mem>> -> memref<1x!tpu.dma_semaphore, #tpu.memory_space<semaphore_mem>>
        %dma_wait3A_395 = tpu.memref_squeeze %dma_wait3A_394 : memref<1x!tpu.dma_semaphore, #tpu.memory_space<semaphore_mem>> -> memref<!tpu.dma_semaphore, #tpu.memory_space<semaphore_mem>>
        %dma_wait3A_396 = arith.constant 0 : i32
        %dma_wait3A_397 = tpu.memref_slice %arg4[%mul3A_304, %dma_wait3A_396] : memref<163840x32xf32, #tpu.memory_space<hbm>> -> memref<128x32xf32, #tpu.memory_space<hbm>>
        %dma_wait3A_398 = arith.constant 0 : i32
        %dma_wait3A_399 = arith.constant 0 : i32
        %dma_wait3A_400 = tpu.memref_slice %arg6[%dma_wait3A_386, %dma_wait3A_398, %dma_wait3A_399] : memref<8x128x32xf32, #tpu.memory_space<vmem>> -> memref<1x128x32xf32, #tpu.memory_space<vmem>>
        %dma_wait3A_401 = tpu.memref_squeeze %dma_wait3A_400 : memref<1x128x32xf32, #tpu.memory_space<vmem>> -> memref<128x32xf32, #tpu.memory_space<vmem>>
        tpu.wait_dma2 semaphore(%dma_wait3A_395 : memref<!tpu.dma_semaphore, #tpu.memory_space<semaphore_mem>>) src(%dma_wait3A_401 : memref<128x32xf32, #tpu.memory_space<vmem>>) dst(%dma_wait3A_397 : memref<128x32xf32, #tpu.memory_space<hbm>>)
      } else {
      }
      %run_scoped3A_310 = arith.constant 5 : i32
      "tpu.region"() ({
        %run_scoped3A_386 = tpu.sem_alloc : memref<!tpu.dma_semaphore, #tpu.memory_space<semaphore_mem>>
        %dma_start3A_387 = arith.constant 0 : i32
        %dma_start3A_388 = arith.constant 0 : i32
        %dma_start3A_389 = tpu.memref_slice %arg6[%run_scoped3A_310, %dma_start3A_387, %dma_start3A_388] : memref<8x128x32xf32, #tpu.memory_space<vmem>> -> memref<1x128x32xf32, #tpu.memory_space<vmem>>
        %dma_start3A_390 = tpu.memref_squeeze %dma_start3A_389 : memref<1x128x32xf32, #tpu.memory_space<vmem>> -> memref<128x32xf32, #tpu.memory_space<vmem>>
        %dma_start3A_391 = arith.constant 0 : i32
        %dma_start3A_392 = tpu.memref_slice %arg5[%add3A_301, %dma_start3A_391] : memref<40x128xi32, #tpu.memory_space<vmem>> -> memref<1x128xi32, #tpu.memory_space<vmem>>
        %dma_start3A_393 = tpu.memref_squeeze %dma_start3A_392 : memref<1x128xi32, #tpu.memory_space<vmem>> -> memref<128xi32, #tpu.memory_space<vmem>>
        %dma_start3A_394 = arith.constant 0 : i32
        %dma_start3A_395 = arith.constant 0 : i32
        %dma_start3A_396 = tpu.memref_slice %arg7[%dma_start3A_394, %dma_start3A_395] : memref<10000x32xf32, #tpu.memory_space<vmem_shared>> -> memref<10000x32xf32, #tpu.memory_space<vmem_shared>>
        tpu.enqueue_indirect_dma source(%dma_start3A_396 : memref<10000x32xf32, #tpu.memory_space<vmem_shared>>) target(%dma_start3A_390 : memref<128x32xf32, #tpu.memory_space<vmem>>) offsets(%dma_start3A_393 : memref<128xi32, #tpu.memory_space<vmem>>) semaphore(%run_scoped3A_386 : memref<!tpu.dma_semaphore, #tpu.memory_space<semaphore_mem>>)
        %dma_wait3A_397 = arith.constant 0 : i32
        %dma_wait3A_398 = arith.constant 0 : i32
        %dma_wait3A_399 = tpu.memref_slice %arg6[%run_scoped3A_310, %dma_wait3A_397, %dma_wait3A_398] : memref<8x128x32xf32, #tpu.memory_space<vmem>> -> memref<1x128x32xf32, #tpu.memory_space<vmem>>
        %dma_wait3A_400 = tpu.memref_squeeze %dma_wait3A_399 : memref<1x128x32xf32, #tpu.memory_space<vmem>> -> memref<128x32xf32, #tpu.memory_space<vmem>>
        %dma_wait3A_401 = arith.constant 0 : i32
        %dma_wait3A_402 = tpu.memref_slice %arg5[%add3A_301, %dma_wait3A_401] : memref<40x128xi32, #tpu.memory_space<vmem>> -> memref<1x128xi32, #tpu.memory_space<vmem>>
        %dma_wait3A_403 = tpu.memref_squeeze %dma_wait3A_402 : memref<1x128xi32, #tpu.memory_space<vmem>> -> memref<128xi32, #tpu.memory_space<vmem>>
        %dma_wait3A_404 = arith.constant 0 : i32
        %dma_wait3A_405 = arith.constant 0 : i32
        %dma_wait3A_406 = tpu.memref_slice %arg7[%dma_wait3A_404, %dma_wait3A_405] : memref<10000x32xf32, #tpu.memory_space<vmem_shared>> -> memref<10000x32xf32, #tpu.memory_space<vmem_shared>>
        tpu.wait_indirect_dma semaphore(%run_scoped3A_386 : memref<!tpu.dma_semaphore, #tpu.memory_space<semaphore_mem>>) src(%dma_wait3A_406 : memref<10000x32xf32, #tpu.memory_space<vmem_shared>>) dst(%dma_wait3A_400 : memref<128x32xf32, #tpu.memory_space<vmem>>)
        tpu.yield
      }) : () -> ()
      %dma_start3A_311 = arith.constant 5 : i32
      %dma_start3A_312 = arith.constant 5 : i32
      %dma_start3A_313 = arith.constant 0 : i32
      %dma_start3A_314 = arith.constant 0 : i32
      %dma_start3A_315 = tpu.memref_slice %arg6[%dma_start3A_311, %dma_start3A_313, %dma_start3A_314] : memref<8x128x32xf32, #tpu.memory_space<vmem>> -> memref<1x128x32xf32, #tpu.memory_space<vmem>>
      %dma_start3A_316 = tpu.memref_squeeze %dma_start3A_315 : memref<1x128x32xf32, #tpu.memory_space<vmem>> -> memref<128x32xf32, #tpu.memory_space<vmem>>
      %dma_start3A_317 = arith.constant 0 : i32
      %dma_start3A_318 = tpu.memref_slice %arg4[%mul3A_304, %dma_start3A_317] : memref<163840x32xf32, #tpu.memory_space<hbm>> -> memref<128x32xf32, #tpu.memory_space<hbm>>
      %dma_start3A_319 = tpu.memref_slice %arg8[%dma_start3A_312] : memref<8x!tpu.dma_semaphore, #tpu.memory_space<semaphore_mem>> -> memref<1x!tpu.dma_semaphore, #tpu.memory_space<semaphore_mem>>
      %dma_start3A_320 = tpu.memref_squeeze %dma_start3A_319 : memref<1x!tpu.dma_semaphore, #tpu.memory_space<semaphore_mem>> -> memref<!tpu.dma_semaphore, #tpu.memory_space<semaphore_mem>>
      %dma_start3A_321 = arith.constant 0 : i32
      %dma_start3A_322 = tpu.memref_slice %arg4[%mul3A_304, %dma_start3A_321] : memref<163840x32xf32, #tpu.memory_space<hbm>> -> memref<128x32xf32, #tpu.memory_space<hbm>>
      %dma_start3A_323 = arith.constant 0 : i32
      %dma_start3A_324 = arith.constant 0 : i32
      %dma_start3A_325 = tpu.memref_slice %arg6[%dma_start3A_311, %dma_start3A_323, %dma_start3A_324] : memref<8x128x32xf32, #tpu.memory_space<vmem>> -> memref<1x128x32xf32, #tpu.memory_space<vmem>>
      %dma_start3A_326 = tpu.memref_squeeze %dma_start3A_325 : memref<1x128x32xf32, #tpu.memory_space<vmem>> -> memref<128x32xf32, #tpu.memory_space<vmem>>
      tpu.enqueue_dma source(%dma_start3A_326 : memref<128x32xf32, #tpu.memory_space<vmem>>) target(%dma_start3A_322 : memref<128x32xf32, #tpu.memory_space<hbm>>) target_semaphore(%dma_start3A_320 : memref<!tpu.dma_semaphore, #tpu.memory_space<semaphore_mem>>)
      %mul3A_327 = arith.constant 8 : i32
      %mul3A_328 = arith.muli %scan3A_156, %mul3A_327 : i32
      %add3A_329 = arith.constant 6 : i32
      %add3A_330 = arith.addi %mul3A_328, %add3A_329 : i32
      %add3A_331 = arith.addi %mul3A_2, %add3A_330 : i32
      %mul3A_332 = arith.constant 128 : i32
      %mul3A_333 = arith.muli %add3A_331, %mul3A_332 : i32
      %ge3A_334 = arith.constant 8 : i32
      %ge3A_335 = arith.cmpi sge, %add3A_330, %ge3A_334 : i32
      %convert_element_type3A_336 = arith.extui %ge3A_335 : i1 to i32
      %cond3A_337 = arith.constant 0 : i32
      %cond3A_338 = arith.cmpi ne, %convert_element_type3A_336, %cond3A_337 : i32
      scf.if %cond3A_338 {
        %dma_wait3A_386 = arith.constant 6 : i32
        %dma_wait3A_387 = arith.constant 6 : i32
        %dma_wait3A_388 = arith.constant 0 : i32
        %dma_wait3A_389 = arith.constant 0 : i32
        %dma_wait3A_390 = tpu.memref_slice %arg6[%dma_wait3A_386, %dma_wait3A_388, %dma_wait3A_389] : memref<8x128x32xf32, #tpu.memory_space<vmem>> -> memref<1x128x32xf32, #tpu.memory_space<vmem>>
        %dma_wait3A_391 = tpu.memref_squeeze %dma_wait3A_390 : memref<1x128x32xf32, #tpu.memory_space<vmem>> -> memref<128x32xf32, #tpu.memory_space<vmem>>
        %dma_wait3A_392 = arith.constant 0 : i32
        %dma_wait3A_393 = tpu.memref_slice %arg4[%mul3A_333, %dma_wait3A_392] : memref<163840x32xf32, #tpu.memory_space<hbm>> -> memref<128x32xf32, #tpu.memory_space<hbm>>
        %dma_wait3A_394 = tpu.memref_slice %arg8[%dma_wait3A_387] : memref<8x!tpu.dma_semaphore, #tpu.memory_space<semaphore_mem>> -> memref<1x!tpu.dma_semaphore, #tpu.memory_space<semaphore_mem>>
        %dma_wait3A_395 = tpu.memref_squeeze %dma_wait3A_394 : memref<1x!tpu.dma_semaphore, #tpu.memory_space<semaphore_mem>> -> memref<!tpu.dma_semaphore, #tpu.memory_space<semaphore_mem>>
        %dma_wait3A_396 = arith.constant 0 : i32
        %dma_wait3A_397 = tpu.memref_slice %arg4[%mul3A_333, %dma_wait3A_396] : memref<163840x32xf32, #tpu.memory_space<hbm>> -> memref<128x32xf32, #tpu.memory_space<hbm>>
        %dma_wait3A_398 = arith.constant 0 : i32
        %dma_wait3A_399 = arith.constant 0 : i32
        %dma_wait3A_400 = tpu.memref_slice %arg6[%dma_wait3A_386, %dma_wait3A_398, %dma_wait3A_399] : memref<8x128x32xf32, #tpu.memory_space<vmem>> -> memref<1x128x32xf32, #tpu.memory_space<vmem>>
        %dma_wait3A_401 = tpu.memref_squeeze %dma_wait3A_400 : memref<1x128x32xf32, #tpu.memory_space<vmem>> -> memref<128x32xf32, #tpu.memory_space<vmem>>
        tpu.wait_dma2 semaphore(%dma_wait3A_395 : memref<!tpu.dma_semaphore, #tpu.memory_space<semaphore_mem>>) src(%dma_wait3A_401 : memref<128x32xf32, #tpu.memory_space<vmem>>) dst(%dma_wait3A_397 : memref<128x32xf32, #tpu.memory_space<hbm>>)
      } else {
      }
      %run_scoped3A_339 = arith.constant 6 : i32
      "tpu.region"() ({
        %run_scoped3A_386 = tpu.sem_alloc : memref<!tpu.dma_semaphore, #tpu.memory_space<semaphore_mem>>
        %dma_start3A_387 = arith.constant 0 : i32
        %dma_start3A_388 = arith.constant 0 : i32
        %dma_start3A_389 = tpu.memref_slice %arg6[%run_scoped3A_339, %dma_start3A_387, %dma_start3A_388] : memref<8x128x32xf32, #tpu.memory_space<vmem>> -> memref<1x128x32xf32, #tpu.memory_space<vmem>>
        %dma_start3A_390 = tpu.memref_squeeze %dma_start3A_389 : memref<1x128x32xf32, #tpu.memory_space<vmem>> -> memref<128x32xf32, #tpu.memory_space<vmem>>
        %dma_start3A_391 = arith.constant 0 : i32
        %dma_start3A_392 = tpu.memref_slice %arg5[%add3A_330, %dma_start3A_391] : memref<40x128xi32, #tpu.memory_space<vmem>> -> memref<1x128xi32, #tpu.memory_space<vmem>>
        %dma_start3A_393 = tpu.memref_squeeze %dma_start3A_392 : memref<1x128xi32, #tpu.memory_space<vmem>> -> memref<128xi32, #tpu.memory_space<vmem>>
        %dma_start3A_394 = arith.constant 0 : i32
        %dma_start3A_395 = arith.constant 0 : i32
        %dma_start3A_396 = tpu.memref_slice %arg7[%dma_start3A_394, %dma_start3A_395] : memref<10000x32xf32, #tpu.memory_space<vmem_shared>> -> memref<10000x32xf32, #tpu.memory_space<vmem_shared>>
        tpu.enqueue_indirect_dma source(%dma_start3A_396 : memref<10000x32xf32, #tpu.memory_space<vmem_shared>>) target(%dma_start3A_390 : memref<128x32xf32, #tpu.memory_space<vmem>>) offsets(%dma_start3A_393 : memref<128xi32, #tpu.memory_space<vmem>>) semaphore(%run_scoped3A_386 : memref<!tpu.dma_semaphore, #tpu.memory_space<semaphore_mem>>)
        %dma_wait3A_397 = arith.constant 0 : i32
        %dma_wait3A_398 = arith.constant 0 : i32
        %dma_wait3A_399 = tpu.memref_slice %arg6[%run_scoped3A_339, %dma_wait3A_397, %dma_wait3A_398] : memref<8x128x32xf32, #tpu.memory_space<vmem>> -> memref<1x128x32xf32, #tpu.memory_space<vmem>>
        %dma_wait3A_400 = tpu.memref_squeeze %dma_wait3A_399 : memref<1x128x32xf32, #tpu.memory_space<vmem>> -> memref<128x32xf32, #tpu.memory_space<vmem>>
        %dma_wait3A_401 = arith.constant 0 : i32
        %dma_wait3A_402 = tpu.memref_slice %arg5[%add3A_330, %dma_wait3A_401] : memref<40x128xi32, #tpu.memory_space<vmem>> -> memref<1x128xi32, #tpu.memory_space<vmem>>
        %dma_wait3A_403 = tpu.memref_squeeze %dma_wait3A_402 : memref<1x128xi32, #tpu.memory_space<vmem>> -> memref<128xi32, #tpu.memory_space<vmem>>
        %dma_wait3A_404 = arith.constant 0 : i32
        %dma_wait3A_405 = arith.constant 0 : i32
        %dma_wait3A_406 = tpu.memref_slice %arg7[%dma_wait3A_404, %dma_wait3A_405] : memref<10000x32xf32, #tpu.memory_space<vmem_shared>> -> memref<10000x32xf32, #tpu.memory_space<vmem_shared>>
        tpu.wait_indirect_dma semaphore(%run_scoped3A_386 : memref<!tpu.dma_semaphore, #tpu.memory_space<semaphore_mem>>) src(%dma_wait3A_406 : memref<10000x32xf32, #tpu.memory_space<vmem_shared>>) dst(%dma_wait3A_400 : memref<128x32xf32, #tpu.memory_space<vmem>>)
        tpu.yield
      }) : () -> ()
      %dma_start3A_340 = arith.constant 6 : i32
      %dma_start3A_341 = arith.constant 6 : i32
      %dma_start3A_342 = arith.constant 0 : i32
      %dma_start3A_343 = arith.constant 0 : i32
      %dma_start3A_344 = tpu.memref_slice %arg6[%dma_start3A_340, %dma_start3A_342, %dma_start3A_343] : memref<8x128x32xf32, #tpu.memory_space<vmem>> -> memref<1x128x32xf32, #tpu.memory_space<vmem>>
      %dma_start3A_345 = tpu.memref_squeeze %dma_start3A_344 : memref<1x128x32xf32, #tpu.memory_space<vmem>> -> memref<128x32xf32, #tpu.memory_space<vmem>>
      %dma_start3A_346 = arith.constant 0 : i32
      %dma_start3A_347 = tpu.memref_slice %arg4[%mul3A_333, %dma_start3A_346] : memref<163840x32xf32, #tpu.memory_space<hbm>> -> memref<128x32xf32, #tpu.memory_space<hbm>>
      %dma_start3A_348 = tpu.memref_slice %arg8[%dma_start3A_341] : memref<8x!tpu.dma_semaphore, #tpu.memory_space<semaphore_mem>> -> memref<1x!tpu.dma_semaphore, #tpu.memory_space<semaphore_mem>>
      %dma_start3A_349 = tpu.memref_squeeze %dma_start3A_348 : memref<1x!tpu.dma_semaphore, #tpu.memory_space<semaphore_mem>> -> memref<!tpu.dma_semaphore, #tpu.memory_space<semaphore_mem>>
      %dma_start3A_350 = arith.constant 0 : i32
      %dma_start3A_351 = tpu.memref_slice %arg4[%mul3A_333, %dma_start3A_350] : memref<163840x32xf32, #tpu.memory_space<hbm>> -> memref<128x32xf32, #tpu.memory_space<hbm>>
      %dma_start3A_352 = arith.constant 0 : i32
      %dma_start3A_353 = arith.constant 0 : i32
      %dma_start3A_354 = tpu.memref_slice %arg6[%dma_start3A_340, %dma_start3A_352, %dma_start3A_353] : memref<8x128x32xf32, #tpu.memory_space<vmem>> -> memref<1x128x32xf32, #tpu.memory_space<vmem>>
      %dma_start3A_355 = tpu.memref_squeeze %dma_start3A_354 : memref<1x128x32xf32, #tpu.memory_space<vmem>> -> memref<128x32xf32, #tpu.memory_space<vmem>>
      tpu.enqueue_dma source(%dma_start3A_355 : memref<128x32xf32, #tpu.memory_space<vmem>>) target(%dma_start3A_351 : memref<128x32xf32, #tpu.memory_space<hbm>>) target_semaphore(%dma_start3A_349 : memref<!tpu.dma_semaphore, #tpu.memory_space<semaphore_mem>>)
      %mul3A_356 = arith.constant 8 : i32
      %mul3A_357 = arith.muli %scan3A_156, %mul3A_356 : i32
      %add3A_358 = arith.constant 7 : i32
      %add3A_359 = arith.addi %mul3A_357, %add3A_358 : i32
      %add3A_360 = arith.addi %mul3A_2, %add3A_359 : i32
      %mul3A_361 = arith.constant 128 : i32
      %mul3A_362 = arith.muli %add3A_360, %mul3A_361 : i32
      %ge3A_363 = arith.constant 8 : i32
      %ge3A_364 = arith.cmpi sge, %add3A_359, %ge3A_363 : i32
      %convert_element_type3A_365 = arith.extui %ge3A_364 : i1 to i32
      %cond3A_366 = arith.constant 0 : i32
      %cond3A_367 = arith.cmpi ne, %convert_element_type3A_365, %cond3A_366 : i32
      scf.if %cond3A_367 {
        %dma_wait3A_386 = arith.constant 7 : i32
        %dma_wait3A_387 = arith.constant 7 : i32
        %dma_wait3A_388 = arith.constant 0 : i32
        %dma_wait3A_389 = arith.constant 0 : i32
        %dma_wait3A_390 = tpu.memref_slice %arg6[%dma_wait3A_386, %dma_wait3A_388, %dma_wait3A_389] : memref<8x128x32xf32, #tpu.memory_space<vmem>> -> memref<1x128x32xf32, #tpu.memory_space<vmem>>
        %dma_wait3A_391 = tpu.memref_squeeze %dma_wait3A_390 : memref<1x128x32xf32, #tpu.memory_space<vmem>> -> memref<128x32xf32, #tpu.memory_space<vmem>>
        %dma_wait3A_392 = arith.constant 0 : i32
        %dma_wait3A_393 = tpu.memref_slice %arg4[%mul3A_362, %dma_wait3A_392] : memref<163840x32xf32, #tpu.memory_space<hbm>> -> memref<128x32xf32, #tpu.memory_space<hbm>>
        %dma_wait3A_394 = tpu.memref_slice %arg8[%dma_wait3A_387] : memref<8x!tpu.dma_semaphore, #tpu.memory_space<semaphore_mem>> -> memref<1x!tpu.dma_semaphore, #tpu.memory_space<semaphore_mem>>
        %dma_wait3A_395 = tpu.memref_squeeze %dma_wait3A_394 : memref<1x!tpu.dma_semaphore, #tpu.memory_space<semaphore_mem>> -> memref<!tpu.dma_semaphore, #tpu.memory_space<semaphore_mem>>
        %dma_wait3A_396 = arith.constant 0 : i32
        %dma_wait3A_397 = tpu.memref_slice %arg4[%mul3A_362, %dma_wait3A_396] : memref<163840x32xf32, #tpu.memory_space<hbm>> -> memref<128x32xf32, #tpu.memory_space<hbm>>
        %dma_wait3A_398 = arith.constant 0 : i32
        %dma_wait3A_399 = arith.constant 0 : i32
        %dma_wait3A_400 = tpu.memref_slice %arg6[%dma_wait3A_386, %dma_wait3A_398, %dma_wait3A_399] : memref<8x128x32xf32, #tpu.memory_space<vmem>> -> memref<1x128x32xf32, #tpu.memory_space<vmem>>
        %dma_wait3A_401 = tpu.memref_squeeze %dma_wait3A_400 : memref<1x128x32xf32, #tpu.memory_space<vmem>> -> memref<128x32xf32, #tpu.memory_space<vmem>>
        tpu.wait_dma2 semaphore(%dma_wait3A_395 : memref<!tpu.dma_semaphore, #tpu.memory_space<semaphore_mem>>) src(%dma_wait3A_401 : memref<128x32xf32, #tpu.memory_space<vmem>>) dst(%dma_wait3A_397 : memref<128x32xf32, #tpu.memory_space<hbm>>)
      } else {
      }
      %run_scoped3A_368 = arith.constant 7 : i32
      "tpu.region"() ({
        %run_scoped3A_386 = tpu.sem_alloc : memref<!tpu.dma_semaphore, #tpu.memory_space<semaphore_mem>>
        %dma_start3A_387 = arith.constant 0 : i32
        %dma_start3A_388 = arith.constant 0 : i32
        %dma_start3A_389 = tpu.memref_slice %arg6[%run_scoped3A_368, %dma_start3A_387, %dma_start3A_388] : memref<8x128x32xf32, #tpu.memory_space<vmem>> -> memref<1x128x32xf32, #tpu.memory_space<vmem>>
        %dma_start3A_390 = tpu.memref_squeeze %dma_start3A_389 : memref<1x128x32xf32, #tpu.memory_space<vmem>> -> memref<128x32xf32, #tpu.memory_space<vmem>>
        %dma_start3A_391 = arith.constant 0 : i32
        %dma_start3A_392 = tpu.memref_slice %arg5[%add3A_359, %dma_start3A_391] : memref<40x128xi32, #tpu.memory_space<vmem>> -> memref<1x128xi32, #tpu.memory_space<vmem>>
        %dma_start3A_393 = tpu.memref_squeeze %dma_start3A_392 : memref<1x128xi32, #tpu.memory_space<vmem>> -> memref<128xi32, #tpu.memory_space<vmem>>
        %dma_start3A_394 = arith.constant 0 : i32
        %dma_start3A_395 = arith.constant 0 : i32
        %dma_start3A_396 = tpu.memref_slice %arg7[%dma_start3A_394, %dma_start3A_395] : memref<10000x32xf32, #tpu.memory_space<vmem_shared>> -> memref<10000x32xf32, #tpu.memory_space<vmem_shared>>
        tpu.enqueue_indirect_dma source(%dma_start3A_396 : memref<10000x32xf32, #tpu.memory_space<vmem_shared>>) target(%dma_start3A_390 : memref<128x32xf32, #tpu.memory_space<vmem>>) offsets(%dma_start3A_393 : memref<128xi32, #tpu.memory_space<vmem>>) semaphore(%run_scoped3A_386 : memref<!tpu.dma_semaphore, #tpu.memory_space<semaphore_mem>>)
        %dma_wait3A_397 = arith.constant 0 : i32
        %dma_wait3A_398 = arith.constant 0 : i32
        %dma_wait3A_399 = tpu.memref_slice %arg6[%run_scoped3A_368, %dma_wait3A_397, %dma_wait3A_398] : memref<8x128x32xf32, #tpu.memory_space<vmem>> -> memref<1x128x32xf32, #tpu.memory_space<vmem>>
        %dma_wait3A_400 = tpu.memref_squeeze %dma_wait3A_399 : memref<1x128x32xf32, #tpu.memory_space<vmem>> -> memref<128x32xf32, #tpu.memory_space<vmem>>
        %dma_wait3A_401 = arith.constant 0 : i32
        %dma_wait3A_402 = tpu.memref_slice %arg5[%add3A_359, %dma_wait3A_401] : memref<40x128xi32, #tpu.memory_space<vmem>> -> memref<1x128xi32, #tpu.memory_space<vmem>>
        %dma_wait3A_403 = tpu.memref_squeeze %dma_wait3A_402 : memref<1x128xi32, #tpu.memory_space<vmem>> -> memref<128xi32, #tpu.memory_space<vmem>>
        %dma_wait3A_404 = arith.constant 0 : i32
        %dma_wait3A_405 = arith.constant 0 : i32
        %dma_wait3A_406 = tpu.memref_slice %arg7[%dma_wait3A_404, %dma_wait3A_405] : memref<10000x32xf32, #tpu.memory_space<vmem_shared>> -> memref<10000x32xf32, #tpu.memory_space<vmem_shared>>
        tpu.wait_indirect_dma semaphore(%run_scoped3A_386 : memref<!tpu.dma_semaphore, #tpu.memory_space<semaphore_mem>>) src(%dma_wait3A_406 : memref<10000x32xf32, #tpu.memory_space<vmem_shared>>) dst(%dma_wait3A_400 : memref<128x32xf32, #tpu.memory_space<vmem>>)
        tpu.yield
      }) : () -> ()
      %dma_start3A_369 = arith.constant 7 : i32
      %dma_start3A_370 = arith.constant 7 : i32
      %dma_start3A_371 = arith.constant 0 : i32
      %dma_start3A_372 = arith.constant 0 : i32
      %dma_start3A_373 = tpu.memref_slice %arg6[%dma_start3A_369, %dma_start3A_371, %dma_start3A_372] : memref<8x128x32xf32, #tpu.memory_space<vmem>> -> memref<1x128x32xf32, #tpu.memory_space<vmem>>
      %dma_start3A_374 = tpu.memref_squeeze %dma_start3A_373 : memref<1x128x32xf32, #tpu.memory_space<vmem>> -> memref<128x32xf32, #tpu.memory_space<vmem>>
      %dma_start3A_375 = arith.constant 0 : i32
      %dma_start3A_376 = tpu.memref_slice %arg4[%mul3A_362, %dma_start3A_375] : memref<163840x32xf32, #tpu.memory_space<hbm>> -> memref<128x32xf32, #tpu.memory_space<hbm>>
      %dma_start3A_377 = tpu.memref_slice %arg8[%dma_start3A_370] : memref<8x!tpu.dma_semaphore, #tpu.memory_space<semaphore_mem>> -> memref<1x!tpu.dma_semaphore, #tpu.memory_space<semaphore_mem>>
      %dma_start3A_378 = tpu.memref_squeeze %dma_start3A_377 : memref<1x!tpu.dma_semaphore, #tpu.memory_space<semaphore_mem>> -> memref<!tpu.dma_semaphore, #tpu.memory_space<semaphore_mem>>
      %dma_start3A_379 = arith.constant 0 : i32
      %dma_start3A_380 = tpu.memref_slice %arg4[%mul3A_362, %dma_start3A_379] : memref<163840x32xf32, #tpu.memory_space<hbm>> -> memref<128x32xf32, #tpu.memory_space<hbm>>
      %dma_start3A_381 = arith.constant 0 : i32
      %dma_start3A_382 = arith.constant 0 : i32
      %dma_start3A_383 = tpu.memref_slice %arg6[%dma_start3A_369, %dma_start3A_381, %dma_start3A_382] : memref<8x128x32xf32, #tpu.memory_space<vmem>> -> memref<1x128x32xf32, #tpu.memory_space<vmem>>
      %dma_start3A_384 = tpu.memref_squeeze %dma_start3A_383 : memref<1x128x32xf32, #tpu.memory_space<vmem>> -> memref<128x32xf32, #tpu.memory_space<vmem>>
      tpu.enqueue_dma source(%dma_start3A_384 : memref<128x32xf32, #tpu.memory_space<vmem>>) target(%dma_start3A_380 : memref<128x32xf32, #tpu.memory_space<hbm>>) target_semaphore(%dma_start3A_378 : memref<!tpu.dma_semaphore, #tpu.memory_space<semaphore_mem>>)
      %scan3A_385 = arith.constant 0 : i32
      scf.yield %scan3A_385 : i32
    }
    %scan3A_12 = arith.constant 5 : i32
    %mul3A_13 = arith.constant 128 : i32
    %mul3A_14 = arith.muli %mul3A_2, %mul3A_13 : i32
    %dma_wait3A = arith.constant 0 : i32
    %dma_wait3A_15 = arith.constant 0 : i32
    %dma_wait3A_16 = arith.constant 0 : i32
    %dma_wait3A_17 = arith.constant 0 : i32
    %dma_wait3A_18 = tpu.memref_slice %arg6[%dma_wait3A, %dma_wait3A_16, %dma_wait3A_17] : memref<8x128x32xf32, #tpu.memory_space<vmem>> -> memref<1x128x32xf32, #tpu.memory_space<vmem>>
    %dma_wait3A_19 = tpu.memref_squeeze %dma_wait3A_18 : memref<1x128x32xf32, #tpu.memory_space<vmem>> -> memref<128x32xf32, #tpu.memory_space<vmem>>
    %dma_wait3A_20 = arith.constant 0 : i32
    %dma_wait3A_21 = tpu.memref_slice %arg4[%mul3A_14, %dma_wait3A_20] : memref<163840x32xf32, #tpu.memory_space<hbm>> -> memref<128x32xf32, #tpu.memory_space<hbm>>
    %dma_wait3A_22 = tpu.memref_slice %arg8[%dma_wait3A_15] : memref<8x!tpu.dma_semaphore, #tpu.memory_space<semaphore_mem>> -> memref<1x!tpu.dma_semaphore, #tpu.memory_space<semaphore_mem>>
    %dma_wait3A_23 = tpu.memref_squeeze %dma_wait3A_22 : memref<1x!tpu.dma_semaphore, #tpu.memory_space<semaphore_mem>> -> memref<!tpu.dma_semaphore, #tpu.memory_space<semaphore_mem>>
    %dma_wait3A_24 = arith.constant 0 : i32
    %dma_wait3A_25 = tpu.memref_slice %arg4[%mul3A_14, %dma_wait3A_24] : memref<163840x32xf32, #tpu.memory_space<hbm>> -> memref<128x32xf32, #tpu.memory_space<hbm>>
    %dma_wait3A_26 = arith.constant 0 : i32
    %dma_wait3A_27 = arith.constant 0 : i32
    %dma_wait3A_28 = tpu.memref_slice %arg6[%dma_wait3A, %dma_wait3A_26, %dma_wait3A_27] : memref<8x128x32xf32, #tpu.memory_space<vmem>> -> memref<1x128x32xf32, #tpu.memory_space<vmem>>
    %dma_wait3A_29 = tpu.memref_squeeze %dma_wait3A_28 : memref<1x128x32xf32, #tpu.memory_space<vmem>> -> memref<128x32xf32, #tpu.memory_space<vmem>>
    tpu.wait_dma2 semaphore(%dma_wait3A_23 : memref<!tpu.dma_semaphore, #tpu.memory_space<semaphore_mem>>) src(%dma_wait3A_29 : memref<128x32xf32, #tpu.memory_space<vmem>>) dst(%dma_wait3A_25 : memref<128x32xf32, #tpu.memory_space<hbm>>)
    %mul3A_30 = arith.constant 128 : i32
    %mul3A_31 = arith.muli %mul3A_2, %mul3A_30 : i32
    %dma_wait3A_32 = arith.constant 1 : i32
    %dma_wait3A_33 = arith.constant 1 : i32
    %dma_wait3A_34 = arith.constant 0 : i32
    %dma_wait3A_35 = arith.constant 0 : i32
    %dma_wait3A_36 = tpu.memref_slice %arg6[%dma_wait3A_32, %dma_wait3A_34, %dma_wait3A_35] : memref<8x128x32xf32, #tpu.memory_space<vmem>> -> memref<1x128x32xf32, #tpu.memory_space<vmem>>
    %dma_wait3A_37 = tpu.memref_squeeze %dma_wait3A_36 : memref<1x128x32xf32, #tpu.memory_space<vmem>> -> memref<128x32xf32, #tpu.memory_space<vmem>>
    %dma_wait3A_38 = arith.constant 0 : i32
    %dma_wait3A_39 = tpu.memref_slice %arg4[%mul3A_31, %dma_wait3A_38] : memref<163840x32xf32, #tpu.memory_space<hbm>> -> memref<128x32xf32, #tpu.memory_space<hbm>>
    %dma_wait3A_40 = tpu.memref_slice %arg8[%dma_wait3A_33] : memref<8x!tpu.dma_semaphore, #tpu.memory_space<semaphore_mem>> -> memref<1x!tpu.dma_semaphore, #tpu.memory_space<semaphore_mem>>
    %dma_wait3A_41 = tpu.memref_squeeze %dma_wait3A_40 : memref<1x!tpu.dma_semaphore, #tpu.memory_space<semaphore_mem>> -> memref<!tpu.dma_semaphore, #tpu.memory_space<semaphore_mem>>
    %dma_wait3A_42 = arith.constant 0 : i32
    %dma_wait3A_43 = tpu.memref_slice %arg4[%mul3A_31, %dma_wait3A_42] : memref<163840x32xf32, #tpu.memory_space<hbm>> -> memref<128x32xf32, #tpu.memory_space<hbm>>
    %dma_wait3A_44 = arith.constant 0 : i32
    %dma_wait3A_45 = arith.constant 0 : i32
    %dma_wait3A_46 = tpu.memref_slice %arg6[%dma_wait3A_32, %dma_wait3A_44, %dma_wait3A_45] : memref<8x128x32xf32, #tpu.memory_space<vmem>> -> memref<1x128x32xf32, #tpu.memory_space<vmem>>
    %dma_wait3A_47 = tpu.memref_squeeze %dma_wait3A_46 : memref<1x128x32xf32, #tpu.memory_space<vmem>> -> memref<128x32xf32, #tpu.memory_space<vmem>>
    tpu.wait_dma2 semaphore(%dma_wait3A_41 : memref<!tpu.dma_semaphore, #tpu.memory_space<semaphore_mem>>) src(%dma_wait3A_47 : memref<128x32xf32, #tpu.memory_space<vmem>>) dst(%dma_wait3A_43 : memref<128x32xf32, #tpu.memory_space<hbm>>)
    %mul3A_48 = arith.constant 128 : i32
    %mul3A_49 = arith.muli %mul3A_2, %mul3A_48 : i32
    %dma_wait3A_50 = arith.constant 2 : i32
    %dma_wait3A_51 = arith.constant 2 : i32
    %dma_wait3A_52 = arith.constant 0 : i32
    %dma_wait3A_53 = arith.constant 0 : i32
    %dma_wait3A_54 = tpu.memref_slice %arg6[%dma_wait3A_50, %dma_wait3A_52, %dma_wait3A_53] : memref<8x128x32xf32, #tpu.memory_space<vmem>> -> memref<1x128x32xf32, #tpu.memory_space<vmem>>
    %dma_wait3A_55 = tpu.memref_squeeze %dma_wait3A_54 : memref<1x128x32xf32, #tpu.memory_space<vmem>> -> memref<128x32xf32, #tpu.memory_space<vmem>>
    %dma_wait3A_56 = arith.constant 0 : i32
    %dma_wait3A_57 = tpu.memref_slice %arg4[%mul3A_49, %dma_wait3A_56] : memref<163840x32xf32, #tpu.memory_space<hbm>> -> memref<128x32xf32, #tpu.memory_space<hbm>>
    %dma_wait3A_58 = tpu.memref_slice %arg8[%dma_wait3A_51] : memref<8x!tpu.dma_semaphore, #tpu.memory_space<semaphore_mem>> -> memref<1x!tpu.dma_semaphore, #tpu.memory_space<semaphore_mem>>
    %dma_wait3A_59 = tpu.memref_squeeze %dma_wait3A_58 : memref<1x!tpu.dma_semaphore, #tpu.memory_space<semaphore_mem>> -> memref<!tpu.dma_semaphore, #tpu.memory_space<semaphore_mem>>
    %dma_wait3A_60 = arith.constant 0 : i32
    %dma_wait3A_61 = tpu.memref_slice %arg4[%mul3A_49, %dma_wait3A_60] : memref<163840x32xf32, #tpu.memory_space<hbm>> -> memref<128x32xf32, #tpu.memory_space<hbm>>
    %dma_wait3A_62 = arith.constant 0 : i32
    %dma_wait3A_63 = arith.constant 0 : i32
    %dma_wait3A_64 = tpu.memref_slice %arg6[%dma_wait3A_50, %dma_wait3A_62, %dma_wait3A_63] : memref<8x128x32xf32, #tpu.memory_space<vmem>> -> memref<1x128x32xf32, #tpu.memory_space<vmem>>
    %dma_wait3A_65 = tpu.memref_squeeze %dma_wait3A_64 : memref<1x128x32xf32, #tpu.memory_space<vmem>> -> memref<128x32xf32, #tpu.memory_space<vmem>>
    tpu.wait_dma2 semaphore(%dma_wait3A_59 : memref<!tpu.dma_semaphore, #tpu.memory_space<semaphore_mem>>) src(%dma_wait3A_65 : memref<128x32xf32, #tpu.memory_space<vmem>>) dst(%dma_wait3A_61 : memref<128x32xf32, #tpu.memory_space<hbm>>)
    %mul3A_66 = arith.constant 128 : i32
    %mul3A_67 = arith.muli %mul3A_2, %mul3A_66 : i32
    %dma_wait3A_68 = arith.constant 3 : i32
    %dma_wait3A_69 = arith.constant 3 : i32
    %dma_wait3A_70 = arith.constant 0 : i32
    %dma_wait3A_71 = arith.constant 0 : i32
    %dma_wait3A_72 = tpu.memref_slice %arg6[%dma_wait3A_68, %dma_wait3A_70, %dma_wait3A_71] : memref<8x128x32xf32, #tpu.memory_space<vmem>> -> memref<1x128x32xf32, #tpu.memory_space<vmem>>
    %dma_wait3A_73 = tpu.memref_squeeze %dma_wait3A_72 : memref<1x128x32xf32, #tpu.memory_space<vmem>> -> memref<128x32xf32, #tpu.memory_space<vmem>>
    %dma_wait3A_74 = arith.constant 0 : i32
    %dma_wait3A_75 = tpu.memref_slice %arg4[%mul3A_67, %dma_wait3A_74] : memref<163840x32xf32, #tpu.memory_space<hbm>> -> memref<128x32xf32, #tpu.memory_space<hbm>>
    %dma_wait3A_76 = tpu.memref_slice %arg8[%dma_wait3A_69] : memref<8x!tpu.dma_semaphore, #tpu.memory_space<semaphore_mem>> -> memref<1x!tpu.dma_semaphore, #tpu.memory_space<semaphore_mem>>
    %dma_wait3A_77 = tpu.memref_squeeze %dma_wait3A_76 : memref<1x!tpu.dma_semaphore, #tpu.memory_space<semaphore_mem>> -> memref<!tpu.dma_semaphore, #tpu.memory_space<semaphore_mem>>
    %dma_wait3A_78 = arith.constant 0 : i32
    %dma_wait3A_79 = tpu.memref_slice %arg4[%mul3A_67, %dma_wait3A_78] : memref<163840x32xf32, #tpu.memory_space<hbm>> -> memref<128x32xf32, #tpu.memory_space<hbm>>
    %dma_wait3A_80 = arith.constant 0 : i32
    %dma_wait3A_81 = arith.constant 0 : i32
    %dma_wait3A_82 = tpu.memref_slice %arg6[%dma_wait3A_68, %dma_wait3A_80, %dma_wait3A_81] : memref<8x128x32xf32, #tpu.memory_space<vmem>> -> memref<1x128x32xf32, #tpu.memory_space<vmem>>
    %dma_wait3A_83 = tpu.memref_squeeze %dma_wait3A_82 : memref<1x128x32xf32, #tpu.memory_space<vmem>> -> memref<128x32xf32, #tpu.memory_space<vmem>>
    tpu.wait_dma2 semaphore(%dma_wait3A_77 : memref<!tpu.dma_semaphore, #tpu.memory_space<semaphore_mem>>) src(%dma_wait3A_83 : memref<128x32xf32, #tpu.memory_space<vmem>>) dst(%dma_wait3A_79 : memref<128x32xf32, #tpu.memory_space<hbm>>)
    %mul3A_84 = arith.constant 128 : i32
    %mul3A_85 = arith.muli %mul3A_2, %mul3A_84 : i32
    %dma_wait3A_86 = arith.constant 4 : i32
    %dma_wait3A_87 = arith.constant 4 : i32
    %dma_wait3A_88 = arith.constant 0 : i32
    %dma_wait3A_89 = arith.constant 0 : i32
    %dma_wait3A_90 = tpu.memref_slice %arg6[%dma_wait3A_86, %dma_wait3A_88, %dma_wait3A_89] : memref<8x128x32xf32, #tpu.memory_space<vmem>> -> memref<1x128x32xf32, #tpu.memory_space<vmem>>
    %dma_wait3A_91 = tpu.memref_squeeze %dma_wait3A_90 : memref<1x128x32xf32, #tpu.memory_space<vmem>> -> memref<128x32xf32, #tpu.memory_space<vmem>>
    %dma_wait3A_92 = arith.constant 0 : i32
    %dma_wait3A_93 = tpu.memref_slice %arg4[%mul3A_85, %dma_wait3A_92] : memref<163840x32xf32, #tpu.memory_space<hbm>> -> memref<128x32xf32, #tpu.memory_space<hbm>>
    %dma_wait3A_94 = tpu.memref_slice %arg8[%dma_wait3A_87] : memref<8x!tpu.dma_semaphore, #tpu.memory_space<semaphore_mem>> -> memref<1x!tpu.dma_semaphore, #tpu.memory_space<semaphore_mem>>
    %dma_wait3A_95 = tpu.memref_squeeze %dma_wait3A_94 : memref<1x!tpu.dma_semaphore, #tpu.memory_space<semaphore_mem>> -> memref<!tpu.dma_semaphore, #tpu.memory_space<semaphore_mem>>
    %dma_wait3A_96 = arith.constant 0 : i32
    %dma_wait3A_97 = tpu.memref_slice %arg4[%mul3A_85, %dma_wait3A_96] : memref<163840x32xf32, #tpu.memory_space<hbm>> -> memref<128x32xf32, #tpu.memory_space<hbm>>
    %dma_wait3A_98 = arith.constant 0 : i32
    %dma_wait3A_99 = arith.constant 0 : i32
    %dma_wait3A_100 = tpu.memref_slice %arg6[%dma_wait3A_86, %dma_wait3A_98, %dma_wait3A_99] : memref<8x128x32xf32, #tpu.memory_space<vmem>> -> memref<1x128x32xf32, #tpu.memory_space<vmem>>
    %dma_wait3A_101 = tpu.memref_squeeze %dma_wait3A_100 : memref<1x128x32xf32, #tpu.memory_space<vmem>> -> memref<128x32xf32, #tpu.memory_space<vmem>>
    tpu.wait_dma2 semaphore(%dma_wait3A_95 : memref<!tpu.dma_semaphore, #tpu.memory_space<semaphore_mem>>) src(%dma_wait3A_101 : memref<128x32xf32, #tpu.memory_space<vmem>>) dst(%dma_wait3A_97 : memref<128x32xf32, #tpu.memory_space<hbm>>)
    %mul3A_102 = arith.constant 128 : i32
    %mul3A_103 = arith.muli %mul3A_2, %mul3A_102 : i32
    %dma_wait3A_104 = arith.constant 5 : i32
    %dma_wait3A_105 = arith.constant 5 : i32
    %dma_wait3A_106 = arith.constant 0 : i32
    %dma_wait3A_107 = arith.constant 0 : i32
    %dma_wait3A_108 = tpu.memref_slice %arg6[%dma_wait3A_104, %dma_wait3A_106, %dma_wait3A_107] : memref<8x128x32xf32, #tpu.memory_space<vmem>> -> memref<1x128x32xf32, #tpu.memory_space<vmem>>
    %dma_wait3A_109 = tpu.memref_squeeze %dma_wait3A_108 : memref<1x128x32xf32, #tpu.memory_space<vmem>> -> memref<128x32xf32, #tpu.memory_space<vmem>>
    %dma_wait3A_110 = arith.constant 0 : i32
    %dma_wait3A_111 = tpu.memref_slice %arg4[%mul3A_103, %dma_wait3A_110] : memref<163840x32xf32, #tpu.memory_space<hbm>> -> memref<128x32xf32, #tpu.memory_space<hbm>>
    %dma_wait3A_112 = tpu.memref_slice %arg8[%dma_wait3A_105] : memref<8x!tpu.dma_semaphore, #tpu.memory_space<semaphore_mem>> -> memref<1x!tpu.dma_semaphore, #tpu.memory_space<semaphore_mem>>
    %dma_wait3A_113 = tpu.memref_squeeze %dma_wait3A_112 : memref<1x!tpu.dma_semaphore, #tpu.memory_space<semaphore_mem>> -> memref<!tpu.dma_semaphore, #tpu.memory_space<semaphore_mem>>
    %dma_wait3A_114 = arith.constant 0 : i32
    %dma_wait3A_115 = tpu.memref_slice %arg4[%mul3A_103, %dma_wait3A_114] : memref<163840x32xf32, #tpu.memory_space<hbm>> -> memref<128x32xf32, #tpu.memory_space<hbm>>
    %dma_wait3A_116 = arith.constant 0 : i32
    %dma_wait3A_117 = arith.constant 0 : i32
    %dma_wait3A_118 = tpu.memref_slice %arg6[%dma_wait3A_104, %dma_wait3A_116, %dma_wait3A_117] : memref<8x128x32xf32, #tpu.memory_space<vmem>> -> memref<1x128x32xf32, #tpu.memory_space<vmem>>
    %dma_wait3A_119 = tpu.memref_squeeze %dma_wait3A_118 : memref<1x128x32xf32, #tpu.memory_space<vmem>> -> memref<128x32xf32, #tpu.memory_space<vmem>>
    tpu.wait_dma2 semaphore(%dma_wait3A_113 : memref<!tpu.dma_semaphore, #tpu.memory_space<semaphore_mem>>) src(%dma_wait3A_119 : memref<128x32xf32, #tpu.memory_space<vmem>>) dst(%dma_wait3A_115 : memref<128x32xf32, #tpu.memory_space<hbm>>)
    %mul3A_120 = arith.constant 128 : i32
    %mul3A_121 = arith.muli %mul3A_2, %mul3A_120 : i32
    %dma_wait3A_122 = arith.constant 6 : i32
    %dma_wait3A_123 = arith.constant 6 : i32
    %dma_wait3A_124 = arith.constant 0 : i32
    %dma_wait3A_125 = arith.constant 0 : i32
    %dma_wait3A_126 = tpu.memref_slice %arg6[%dma_wait3A_122, %dma_wait3A_124, %dma_wait3A_125] : memref<8x128x32xf32, #tpu.memory_space<vmem>> -> memref<1x128x32xf32, #tpu.memory_space<vmem>>
    %dma_wait3A_127 = tpu.memref_squeeze %dma_wait3A_126 : memref<1x128x32xf32, #tpu.memory_space<vmem>> -> memref<128x32xf32, #tpu.memory_space<vmem>>
    %dma_wait3A_128 = arith.constant 0 : i32
    %dma_wait3A_129 = tpu.memref_slice %arg4[%mul3A_121, %dma_wait3A_128] : memref<163840x32xf32, #tpu.memory_space<hbm>> -> memref<128x32xf32, #tpu.memory_space<hbm>>
    %dma_wait3A_130 = tpu.memref_slice %arg8[%dma_wait3A_123] : memref<8x!tpu.dma_semaphore, #tpu.memory_space<semaphore_mem>> -> memref<1x!tpu.dma_semaphore, #tpu.memory_space<semaphore_mem>>
    %dma_wait3A_131 = tpu.memref_squeeze %dma_wait3A_130 : memref<1x!tpu.dma_semaphore, #tpu.memory_space<semaphore_mem>> -> memref<!tpu.dma_semaphore, #tpu.memory_space<semaphore_mem>>
    %dma_wait3A_132 = arith.constant 0 : i32
    %dma_wait3A_133 = tpu.memref_slice %arg4[%mul3A_121, %dma_wait3A_132] : memref<163840x32xf32, #tpu.memory_space<hbm>> -> memref<128x32xf32, #tpu.memory_space<hbm>>
    %dma_wait3A_134 = arith.constant 0 : i32
    %dma_wait3A_135 = arith.constant 0 : i32
    %dma_wait3A_136 = tpu.memref_slice %arg6[%dma_wait3A_122, %dma_wait3A_134, %dma_wait3A_135] : memref<8x128x32xf32, #tpu.memory_space<vmem>> -> memref<1x128x32xf32, #tpu.memory_space<vmem>>
    %dma_wait3A_137 = tpu.memref_squeeze %dma_wait3A_136 : memref<1x128x32xf32, #tpu.memory_space<vmem>> -> memref<128x32xf32, #tpu.memory_space<vmem>>
    tpu.wait_dma2 semaphore(%dma_wait3A_131 : memref<!tpu.dma_semaphore, #tpu.memory_space<semaphore_mem>>) src(%dma_wait3A_137 : memref<128x32xf32, #tpu.memory_space<vmem>>) dst(%dma_wait3A_133 : memref<128x32xf32, #tpu.memory_space<hbm>>)
    %mul3A_138 = arith.constant 128 : i32
    %mul3A_139 = arith.muli %mul3A_2, %mul3A_138 : i32
    %dma_wait3A_140 = arith.constant 7 : i32
    %dma_wait3A_141 = arith.constant 7 : i32
    %dma_wait3A_142 = arith.constant 0 : i32
    %dma_wait3A_143 = arith.constant 0 : i32
    %dma_wait3A_144 = tpu.memref_slice %arg6[%dma_wait3A_140, %dma_wait3A_142, %dma_wait3A_143] : memref<8x128x32xf32, #tpu.memory_space<vmem>> -> memref<1x128x32xf32, #tpu.memory_space<vmem>>
    %dma_wait3A_145 = tpu.memref_squeeze %dma_wait3A_144 : memref<1x128x32xf32, #tpu.memory_space<vmem>> -> memref<128x32xf32, #tpu.memory_space<vmem>>
    %dma_wait3A_146 = arith.constant 0 : i32
    %dma_wait3A_147 = tpu.memref_slice %arg4[%mul3A_139, %dma_wait3A_146] : memref<163840x32xf32, #tpu.memory_space<hbm>> -> memref<128x32xf32, #tpu.memory_space<hbm>>
    %dma_wait3A_148 = tpu.memref_slice %arg8[%dma_wait3A_141] : memref<8x!tpu.dma_semaphore, #tpu.memory_space<semaphore_mem>> -> memref<1x!tpu.dma_semaphore, #tpu.memory_space<semaphore_mem>>
    %dma_wait3A_149 = tpu.memref_squeeze %dma_wait3A_148 : memref<1x!tpu.dma_semaphore, #tpu.memory_space<semaphore_mem>> -> memref<!tpu.dma_semaphore, #tpu.memory_space<semaphore_mem>>
    %dma_wait3A_150 = arith.constant 0 : i32
    %dma_wait3A_151 = tpu.memref_slice %arg4[%mul3A_139, %dma_wait3A_150] : memref<163840x32xf32, #tpu.memory_space<hbm>> -> memref<128x32xf32, #tpu.memory_space<hbm>>
    %dma_wait3A_152 = arith.constant 0 : i32
    %dma_wait3A_153 = arith.constant 0 : i32
    %dma_wait3A_154 = tpu.memref_slice %arg6[%dma_wait3A_140, %dma_wait3A_152, %dma_wait3A_153] : memref<8x128x32xf32, #tpu.memory_space<vmem>> -> memref<1x128x32xf32, #tpu.memory_space<vmem>>
    %dma_wait3A_155 = tpu.memref_squeeze %dma_wait3A_154 : memref<1x128x32xf32, #tpu.memory_space<vmem>> -> memref<128x32xf32, #tpu.memory_space<vmem>>
    tpu.wait_dma2 semaphore(%dma_wait3A_149 : memref<!tpu.dma_semaphore, #tpu.memory_space<semaphore_mem>>) src(%dma_wait3A_155 : memref<128x32xf32, #tpu.memory_space<vmem>>) dst(%dma_wait3A_151 : memref<128x32xf32, #tpu.memory_space<hbm>>)
    return
  }
}

#map = affine_map<(d0, d1) -> (0, 0)>
#map1 = affine_map<(d0, d1) -> (0)>
module attributes {stable_mosaic.version = 14 : i64} {
  func.func @_scatter_kernel(%arg0: i32, %arg1: i32, %arg2: memref<163840x32xf32, #tpu.memory_space<hbm>>, %arg3: memref<1280x128xi32, #tpu.memory_space<hbm>>, %arg4: memref<10000x32xf32, #tpu.memory_space<hbm>>, %arg5: memref<32xf32, #tpu.memory_space<hbm>>, %arg6: memref<10000x32xf32, #tpu.memory_space<hbm>>, %arg7: memref<80x128xi32, #tpu.memory_space<vmem>>, %arg8: memref<8x128x32xf32, #tpu.memory_space<vmem>>, %arg9: memref<626x32xf32, #tpu.memory_space<vmem>>, %arg10: memref<625x32xf32, #tpu.memory_space<vmem>>, %arg11: memref<32xf32, #tpu.memory_space<vmem>>, %arg12: memref<10016x32xf32, #tpu.memory_space<vmem_shared>>, %arg13: memref<8x!tpu.dma_semaphore, #tpu.memory_space<semaphore_mem>>) attributes {dimension_semantics = [#tpu.dimension_semantics<core_parallel>, #tpu.dimension_semantics<subcore_parallel>], iteration_bounds = array<i64: 1, 16>, scalar_prefetch = 0 : i64, scratch_operands = 7 : i64, tpu.core_type = #tpu.core_type<sc_vector_subcore>, window_params = [{transform_indices = #map}, {transform_indices = #map}, {transform_indices = #map}, {transform_indices = #map1}, {transform_indices = #map}]} {
    %mul3A = arith.constant 80 : i32
    %mul3A_0 = arith.muli %arg1, %mul3A : i32
    "tpu.region"() ({
      %run_scoped3A = tpu.sem_alloc : memref<!tpu.dma_semaphore, #tpu.memory_space<semaphore_mem>>
      %dma_start3A_210 = arith.constant 0 : i32
      %dma_start3A_211 = tpu.memref_slice %arg3[%mul3A_0, %dma_start3A_210] : memref<1280x128xi32, #tpu.memory_space<hbm>> -> memref<80x128xi32, #tpu.memory_space<hbm>>
      %dma_start3A_212 = arith.constant 0 : i32
      %dma_start3A_213 = tpu.memref_slice %arg3[%mul3A_0, %dma_start3A_212] : memref<1280x128xi32, #tpu.memory_space<hbm>> -> memref<80x128xi32, #tpu.memory_space<hbm>>
      tpu.enqueue_dma source(%dma_start3A_213 : memref<80x128xi32, #tpu.memory_space<hbm>>) target(%arg7 : memref<80x128xi32, #tpu.memory_space<vmem>>) target_semaphore(%run_scoped3A : memref<!tpu.dma_semaphore, #tpu.memory_space<semaphore_mem>>)
      %dma_wait3A = arith.constant 0 : i32
      %dma_wait3A_214 = tpu.memref_slice %arg3[%mul3A_0, %dma_wait3A] : memref<1280x128xi32, #tpu.memory_space<hbm>> -> memref<80x128xi32, #tpu.memory_space<hbm>>
      %dma_wait3A_215 = arith.constant 0 : i32
      %dma_wait3A_216 = tpu.memref_slice %arg3[%mul3A_0, %dma_wait3A_215] : memref<1280x128xi32, #tpu.memory_space<hbm>> -> memref<80x128xi32, #tpu.memory_space<hbm>>
      tpu.wait_dma2 semaphore(%run_scoped3A : memref<!tpu.dma_semaphore, #tpu.memory_space<semaphore_mem>>) src(%dma_wait3A_216 : memref<80x128xi32, #tpu.memory_space<hbm>>) dst(%arg7 : memref<80x128xi32, #tpu.memory_space<vmem>>)
      tpu.yield
    }) : () -> ()
    %broadcast_in_dim3A = arith.constant 0.000000e+00 : f32
    %broadcast_in_dim3A_1 = vector.broadcast %broadcast_in_dim3A : f32 to vector<16xf32>
    %scan3A = arith.constant 0 : i32
    %scan3A_2 = arith.constant 0 : i32
    %scan3A_3 = arith.constant 626 : i32
    %scan3A_4 = arith.addi %scan3A_2, %scan3A_3 : i32
    %scan3A_5 = arith.constant 1 : i32
    %scan3A_6 = scf.for %scan3A_210 = %scan3A_2 to %scan3A_4 step %scan3A_5 iter_args(%scan3A_211 = %scan3A) -> (i32)  : i32 {
      %swap3A = arith.index_cast %scan3A_210 : i32 to index
      %swap3A_212 = arith.constant 0 : index
      %swap3A_213 = tpu.vector_load %arg9[%swap3A, %swap3A_212] {strides = array<i32>} : memref<626x32xf32, #tpu.memory_space<vmem>>, vector<1x16xf32>,
      %swap3A_214 = vector.shape_cast %swap3A_213 : vector<1x16xf32> to vector<16xf32>
      %swap3A_215 = vector.shape_cast %broadcast_in_dim3A_1 : vector<16xf32> to vector<1x16xf32>
      tpu.vector_store %arg9[%swap3A, %swap3A_212], %swap3A_215 {strides = array<i32>} : memref<626x32xf32, #tpu.memory_space<vmem>>, vector<1x16xf32>,
      %swap3A_216 = arith.index_cast %scan3A_210 : i32 to index
      %swap3A_217 = arith.constant 16 : index
      %swap3A_218 = tpu.vector_load %arg9[%swap3A_216, %swap3A_217] {strides = array<i32>} : memref<626x32xf32, #tpu.memory_space<vmem>>, vector<1x16xf32>,
      %swap3A_219 = vector.shape_cast %swap3A_218 : vector<1x16xf32> to vector<16xf32>
      %swap3A_220 = vector.shape_cast %broadcast_in_dim3A_1 : vector<16xf32> to vector<1x16xf32>
      tpu.vector_store %arg9[%swap3A_216, %swap3A_217], %swap3A_220 {strides = array<i32>} : memref<626x32xf32, #tpu.memory_space<vmem>>, vector<1x16xf32>,
      %scan3A_221 = arith.constant 0 : i32
      scf.yield %scan3A_221 : i32
    }
    %scan3A_7 = arith.constant 626 : i32
    %mul3A_8 = arith.constant 626 : i32
    %mul3A_9 = arith.muli %arg1, %mul3A_8 : i32
    "tpu.region"() ({
      %run_scoped3A = tpu.sem_alloc : memref<!tpu.dma_semaphore, #tpu.memory_space<semaphore_mem>>
      %dma_start3A_210 = arith.constant 0 : i32
      %dma_start3A_211 = tpu.memref_slice %arg12[%mul3A_9, %dma_start3A_210] : memref<10016x32xf32, #tpu.memory_space<vmem_shared>> -> memref<626x32xf32, #tpu.memory_space<vmem_shared>>
      %dma_start3A_212 = arith.constant 0 : i32
      %dma_start3A_213 = tpu.memref_slice %arg12[%mul3A_9, %dma_start3A_212] : memref<10016x32xf32, #tpu.memory_space<vmem_shared>> -> memref<626x32xf32, #tpu.memory_space<vmem_shared>>
      tpu.enqueue_dma source(%arg9 : memref<626x32xf32, #tpu.memory_space<vmem>>) target(%dma_start3A_213 : memref<626x32xf32, #tpu.memory_space<vmem_shared>>) target_semaphore(%run_scoped3A : memref<!tpu.dma_semaphore, #tpu.memory_space<semaphore_mem>>)
      %dma_wait3A = arith.constant 0 : i32
      %dma_wait3A_214 = tpu.memref_slice %arg12[%mul3A_9, %dma_wait3A] : memref<10016x32xf32, #tpu.memory_space<vmem_shared>> -> memref<626x32xf32, #tpu.memory_space<vmem_shared>>
      %dma_wait3A_215 = arith.constant 0 : i32
      %dma_wait3A_216 = tpu.memref_slice %arg12[%mul3A_9, %dma_wait3A_215] : memref<10016x32xf32, #tpu.memory_space<vmem_shared>> -> memref<626x32xf32, #tpu.memory_space<vmem_shared>>
      tpu.wait_dma2 semaphore(%run_scoped3A : memref<!tpu.dma_semaphore, #tpu.memory_space<semaphore_mem>>) src(%arg9 : memref<626x32xf32, #tpu.memory_space<vmem>>) dst(%dma_wait3A_216 : memref<626x32xf32, #tpu.memory_space<vmem_shared>>)
      tpu.yield
    }) : () -> ()
    %barrier3A = arith.constant 0 : index
    tpu.barrier barrier_id(%barrier3A)
    %mul3A_10 = arith.constant 80 : i32
    %mul3A_11 = arith.muli %arg1, %mul3A_10 : i32
    %add3A = arith.constant 0 : i32
    %add3A_12 = arith.addi %mul3A_11, %add3A : i32
    %mul3A_13 = arith.constant 128 : i32
    %mul3A_14 = arith.muli %add3A_12, %mul3A_13 : i32
    %dma_start3A = arith.constant 0 : i32
    %dma_start3A_15 = arith.constant 0 : i32
    %dma_start3A_16 = arith.constant 0 : i32
    %dma_start3A_17 = arith.constant 0 : i32
    %dma_start3A_18 = tpu.memref_slice %arg8[%dma_start3A, %dma_start3A_16, %dma_start3A_17] : memref<8x128x32xf32, #tpu.memory_space<vmem>> -> memref<1x128x32xf32, #tpu.memory_space<vmem>>
    %dma_start3A_19 = tpu.memref_squeeze %dma_start3A_18 : memref<1x128x32xf32, #tpu.memory_space<vmem>> -> memref<128x32xf32, #tpu.memory_space<vmem>>
    %dma_start3A_20 = arith.constant 0 : i32
    %dma_start3A_21 = tpu.memref_slice %arg2[%mul3A_14, %dma_start3A_20] : memref<163840x32xf32, #tpu.memory_space<hbm>> -> memref<128x32xf32, #tpu.memory_space<hbm>>
    %dma_start3A_22 = tpu.memref_slice %arg13[%dma_start3A_15] : memref<8x!tpu.dma_semaphore, #tpu.memory_space<semaphore_mem>> -> memref<1x!tpu.dma_semaphore, #tpu.memory_space<semaphore_mem>>
    %dma_start3A_23 = tpu.memref_squeeze %dma_start3A_22 : memref<1x!tpu.dma_semaphore, #tpu.memory_space<semaphore_mem>> -> memref<!tpu.dma_semaphore, #tpu.memory_space<semaphore_mem>>
    %dma_start3A_24 = arith.constant 0 : i32
    %dma_start3A_25 = arith.constant 0 : i32
    %dma_start3A_26 = tpu.memref_slice %arg8[%dma_start3A, %dma_start3A_24, %dma_start3A_25] : memref<8x128x32xf32, #tpu.memory_space<vmem>> -> memref<1x128x32xf32, #tpu.memory_space<vmem>>
    %dma_start3A_27 = tpu.memref_squeeze %dma_start3A_26 : memref<1x128x32xf32, #tpu.memory_space<vmem>> -> memref<128x32xf32, #tpu.memory_space<vmem>>
    %dma_start3A_28 = arith.constant 0 : i32
    %dma_start3A_29 = tpu.memref_slice %arg2[%mul3A_14, %dma_start3A_28] : memref<163840x32xf32, #tpu.memory_space<hbm>> -> memref<128x32xf32, #tpu.memory_space<hbm>>
    tpu.enqueue_dma source(%dma_start3A_29 : memref<128x32xf32, #tpu.memory_space<hbm>>) target(%dma_start3A_27 : memref<128x32xf32, #tpu.memory_space<vmem>>) target_semaphore(%dma_start3A_23 : memref<!tpu.dma_semaphore, #tpu.memory_space<semaphore_mem>>)
    %mul3A_30 = arith.constant 80 : i32
    %mul3A_31 = arith.muli %arg1, %mul3A_30 : i32
    %add3A_32 = arith.constant 1 : i32
    %add3A_33 = arith.addi %mul3A_31, %add3A_32 : i32
    %mul3A_34 = arith.constant 128 : i32
    %mul3A_35 = arith.muli %add3A_33, %mul3A_34 : i32
    %dma_start3A_36 = arith.constant 1 : i32
    %dma_start3A_37 = arith.constant 1 : i32
    %dma_start3A_38 = arith.constant 0 : i32
    %dma_start3A_39 = arith.constant 0 : i32
    %dma_start3A_40 = tpu.memref_slice %arg8[%dma_start3A_36, %dma_start3A_38, %dma_start3A_39] : memref<8x128x32xf32, #tpu.memory_space<vmem>> -> memref<1x128x32xf32, #tpu.memory_space<vmem>>
    %dma_start3A_41 = tpu.memref_squeeze %dma_start3A_40 : memref<1x128x32xf32, #tpu.memory_space<vmem>> -> memref<128x32xf32, #tpu.memory_space<vmem>>
    %dma_start3A_42 = arith.constant 0 : i32
    %dma_start3A_43 = tpu.memref_slice %arg2[%mul3A_35, %dma_start3A_42] : memref<163840x32xf32, #tpu.memory_space<hbm>> -> memref<128x32xf32, #tpu.memory_space<hbm>>
    %dma_start3A_44 = tpu.memref_slice %arg13[%dma_start3A_37] : memref<8x!tpu.dma_semaphore, #tpu.memory_space<semaphore_mem>> -> memref<1x!tpu.dma_semaphore, #tpu.memory_space<semaphore_mem>>
    %dma_start3A_45 = tpu.memref_squeeze %dma_start3A_44 : memref<1x!tpu.dma_semaphore, #tpu.memory_space<semaphore_mem>> -> memref<!tpu.dma_semaphore, #tpu.memory_space<semaphore_mem>>
    %dma_start3A_46 = arith.constant 0 : i32
    %dma_start3A_47 = arith.constant 0 : i32
    %dma_start3A_48 = tpu.memref_slice %arg8[%dma_start3A_36, %dma_start3A_46, %dma_start3A_47] : memref<8x128x32xf32, #tpu.memory_space<vmem>> -> memref<1x128x32xf32, #tpu.memory_space<vmem>>
    %dma_start3A_49 = tpu.memref_squeeze %dma_start3A_48 : memref<1x128x32xf32, #tpu.memory_space<vmem>> -> memref<128x32xf32, #tpu.memory_space<vmem>>
    %dma_start3A_50 = arith.constant 0 : i32
    %dma_start3A_51 = tpu.memref_slice %arg2[%mul3A_35, %dma_start3A_50] : memref<163840x32xf32, #tpu.memory_space<hbm>> -> memref<128x32xf32, #tpu.memory_space<hbm>>
    tpu.enqueue_dma source(%dma_start3A_51 : memref<128x32xf32, #tpu.memory_space<hbm>>) target(%dma_start3A_49 : memref<128x32xf32, #tpu.memory_space<vmem>>) target_semaphore(%dma_start3A_45 : memref<!tpu.dma_semaphore, #tpu.memory_space<semaphore_mem>>)
    %mul3A_52 = arith.constant 80 : i32
    %mul3A_53 = arith.muli %arg1, %mul3A_52 : i32
    %add3A_54 = arith.constant 2 : i32
    %add3A_55 = arith.addi %mul3A_53, %add3A_54 : i32
    %mul3A_56 = arith.constant 128 : i32
    %mul3A_57 = arith.muli %add3A_55, %mul3A_56 : i32
    %dma_start3A_58 = arith.constant 2 : i32
    %dma_start3A_59 = arith.constant 2 : i32
    %dma_start3A_60 = arith.constant 0 : i32
    %dma_start3A_61 = arith.constant 0 : i32
    %dma_start3A_62 = tpu.memref_slice %arg8[%dma_start3A_58, %dma_start3A_60, %dma_start3A_61] : memref<8x128x32xf32, #tpu.memory_space<vmem>> -> memref<1x128x32xf32, #tpu.memory_space<vmem>>
    %dma_start3A_63 = tpu.memref_squeeze %dma_start3A_62 : memref<1x128x32xf32, #tpu.memory_space<vmem>> -> memref<128x32xf32, #tpu.memory_space<vmem>>
    %dma_start3A_64 = arith.constant 0 : i32
    %dma_start3A_65 = tpu.memref_slice %arg2[%mul3A_57, %dma_start3A_64] : memref<163840x32xf32, #tpu.memory_space<hbm>> -> memref<128x32xf32, #tpu.memory_space<hbm>>
    %dma_start3A_66 = tpu.memref_slice %arg13[%dma_start3A_59] : memref<8x!tpu.dma_semaphore, #tpu.memory_space<semaphore_mem>> -> memref<1x!tpu.dma_semaphore, #tpu.memory_space<semaphore_mem>>
    %dma_start3A_67 = tpu.memref_squeeze %dma_start3A_66 : memref<1x!tpu.dma_semaphore, #tpu.memory_space<semaphore_mem>> -> memref<!tpu.dma_semaphore, #tpu.memory_space<semaphore_mem>>
    %dma_start3A_68 = arith.constant 0 : i32
    %dma_start3A_69 = arith.constant 0 : i32
    %dma_start3A_70 = tpu.memref_slice %arg8[%dma_start3A_58, %dma_start3A_68, %dma_start3A_69] : memref<8x128x32xf32, #tpu.memory_space<vmem>> -> memref<1x128x32xf32, #tpu.memory_space<vmem>>
    %dma_start3A_71 = tpu.memref_squeeze %dma_start3A_70 : memref<1x128x32xf32, #tpu.memory_space<vmem>> -> memref<128x32xf32, #tpu.memory_space<vmem>>
    %dma_start3A_72 = arith.constant 0 : i32
    %dma_start3A_73 = tpu.memref_slice %arg2[%mul3A_57, %dma_start3A_72] : memref<163840x32xf32, #tpu.memory_space<hbm>> -> memref<128x32xf32, #tpu.memory_space<hbm>>
    tpu.enqueue_dma source(%dma_start3A_73 : memref<128x32xf32, #tpu.memory_space<hbm>>) target(%dma_start3A_71 : memref<128x32xf32, #tpu.memory_space<vmem>>) target_semaphore(%dma_start3A_67 : memref<!tpu.dma_semaphore, #tpu.memory_space<semaphore_mem>>)
    %mul3A_74 = arith.constant 80 : i32
    %mul3A_75 = arith.muli %arg1, %mul3A_74 : i32
    %add3A_76 = arith.constant 3 : i32
    %add3A_77 = arith.addi %mul3A_75, %add3A_76 : i32
    %mul3A_78 = arith.constant 128 : i32
    %mul3A_79 = arith.muli %add3A_77, %mul3A_78 : i32
    %dma_start3A_80 = arith.constant 3 : i32
    %dma_start3A_81 = arith.constant 3 : i32
    %dma_start3A_82 = arith.constant 0 : i32
    %dma_start3A_83 = arith.constant 0 : i32
    %dma_start3A_84 = tpu.memref_slice %arg8[%dma_start3A_80, %dma_start3A_82, %dma_start3A_83] : memref<8x128x32xf32, #tpu.memory_space<vmem>> -> memref<1x128x32xf32, #tpu.memory_space<vmem>>
    %dma_start3A_85 = tpu.memref_squeeze %dma_start3A_84 : memref<1x128x32xf32, #tpu.memory_space<vmem>> -> memref<128x32xf32, #tpu.memory_space<vmem>>
    %dma_start3A_86 = arith.constant 0 : i32
    %dma_start3A_87 = tpu.memref_slice %arg2[%mul3A_79, %dma_start3A_86] : memref<163840x32xf32, #tpu.memory_space<hbm>> -> memref<128x32xf32, #tpu.memory_space<hbm>>
    %dma_start3A_88 = tpu.memref_slice %arg13[%dma_start3A_81] : memref<8x!tpu.dma_semaphore, #tpu.memory_space<semaphore_mem>> -> memref<1x!tpu.dma_semaphore, #tpu.memory_space<semaphore_mem>>
    %dma_start3A_89 = tpu.memref_squeeze %dma_start3A_88 : memref<1x!tpu.dma_semaphore, #tpu.memory_space<semaphore_mem>> -> memref<!tpu.dma_semaphore, #tpu.memory_space<semaphore_mem>>
    %dma_start3A_90 = arith.constant 0 : i32
    %dma_start3A_91 = arith.constant 0 : i32
    %dma_start3A_92 = tpu.memref_slice %arg8[%dma_start3A_80, %dma_start3A_90, %dma_start3A_91] : memref<8x128x32xf32, #tpu.memory_space<vmem>> -> memref<1x128x32xf32, #tpu.memory_space<vmem>>
    %dma_start3A_93 = tpu.memref_squeeze %dma_start3A_92 : memref<1x128x32xf32, #tpu.memory_space<vmem>> -> memref<128x32xf32, #tpu.memory_space<vmem>>
    %dma_start3A_94 = arith.constant 0 : i32
    %dma_start3A_95 = tpu.memref_slice %arg2[%mul3A_79, %dma_start3A_94] : memref<163840x32xf32, #tpu.memory_space<hbm>> -> memref<128x32xf32, #tpu.memory_space<hbm>>
    tpu.enqueue_dma source(%dma_start3A_95 : memref<128x32xf32, #tpu.memory_space<hbm>>) target(%dma_start3A_93 : memref<128x32xf32, #tpu.memory_space<vmem>>) target_semaphore(%dma_start3A_89 : memref<!tpu.dma_semaphore, #tpu.memory_space<semaphore_mem>>)
    %mul3A_96 = arith.constant 80 : i32
    %mul3A_97 = arith.muli %arg1, %mul3A_96 : i32
    %add3A_98 = arith.constant 4 : i32
    %add3A_99 = arith.addi %mul3A_97, %add3A_98 : i32
    %mul3A_100 = arith.constant 128 : i32
    %mul3A_101 = arith.muli %add3A_99, %mul3A_100 : i32
    %dma_start3A_102 = arith.constant 4 : i32
    %dma_start3A_103 = arith.constant 4 : i32
    %dma_start3A_104 = arith.constant 0 : i32
    %dma_start3A_105 = arith.constant 0 : i32
    %dma_start3A_106 = tpu.memref_slice %arg8[%dma_start3A_102, %dma_start3A_104, %dma_start3A_105] : memref<8x128x32xf32, #tpu.memory_space<vmem>> -> memref<1x128x32xf32, #tpu.memory_space<vmem>>
    %dma_start3A_107 = tpu.memref_squeeze %dma_start3A_106 : memref<1x128x32xf32, #tpu.memory_space<vmem>> -> memref<128x32xf32, #tpu.memory_space<vmem>>
    %dma_start3A_108 = arith.constant 0 : i32
    %dma_start3A_109 = tpu.memref_slice %arg2[%mul3A_101, %dma_start3A_108] : memref<163840x32xf32, #tpu.memory_space<hbm>> -> memref<128x32xf32, #tpu.memory_space<hbm>>
    %dma_start3A_110 = tpu.memref_slice %arg13[%dma_start3A_103] : memref<8x!tpu.dma_semaphore, #tpu.memory_space<semaphore_mem>> -> memref<1x!tpu.dma_semaphore, #tpu.memory_space<semaphore_mem>>
    %dma_start3A_111 = tpu.memref_squeeze %dma_start3A_110 : memref<1x!tpu.dma_semaphore, #tpu.memory_space<semaphore_mem>> -> memref<!tpu.dma_semaphore, #tpu.memory_space<semaphore_mem>>
    %dma_start3A_112 = arith.constant 0 : i32
    %dma_start3A_113 = arith.constant 0 : i32
    %dma_start3A_114 = tpu.memref_slice %arg8[%dma_start3A_102, %dma_start3A_112, %dma_start3A_113] : memref<8x128x32xf32, #tpu.memory_space<vmem>> -> memref<1x128x32xf32, #tpu.memory_space<vmem>>
    %dma_start3A_115 = tpu.memref_squeeze %dma_start3A_114 : memref<1x128x32xf32, #tpu.memory_space<vmem>> -> memref<128x32xf32, #tpu.memory_space<vmem>>
    %dma_start3A_116 = arith.constant 0 : i32
    %dma_start3A_117 = tpu.memref_slice %arg2[%mul3A_101, %dma_start3A_116] : memref<163840x32xf32, #tpu.memory_space<hbm>> -> memref<128x32xf32, #tpu.memory_space<hbm>>
    tpu.enqueue_dma source(%dma_start3A_117 : memref<128x32xf32, #tpu.memory_space<hbm>>) target(%dma_start3A_115 : memref<128x32xf32, #tpu.memory_space<vmem>>) target_semaphore(%dma_start3A_111 : memref<!tpu.dma_semaphore, #tpu.memory_space<semaphore_mem>>)
    %mul3A_118 = arith.constant 80 : i32
    %mul3A_119 = arith.muli %arg1, %mul3A_118 : i32
    %add3A_120 = arith.constant 5 : i32
    %add3A_121 = arith.addi %mul3A_119, %add3A_120 : i32
    %mul3A_122 = arith.constant 128 : i32
    %mul3A_123 = arith.muli %add3A_121, %mul3A_122 : i32
    %dma_start3A_124 = arith.constant 5 : i32
    %dma_start3A_125 = arith.constant 5 : i32
    %dma_start3A_126 = arith.constant 0 : i32
    %dma_start3A_127 = arith.constant 0 : i32
    %dma_start3A_128 = tpu.memref_slice %arg8[%dma_start3A_124, %dma_start3A_126, %dma_start3A_127] : memref<8x128x32xf32, #tpu.memory_space<vmem>> -> memref<1x128x32xf32, #tpu.memory_space<vmem>>
    %dma_start3A_129 = tpu.memref_squeeze %dma_start3A_128 : memref<1x128x32xf32, #tpu.memory_space<vmem>> -> memref<128x32xf32, #tpu.memory_space<vmem>>
    %dma_start3A_130 = arith.constant 0 : i32
    %dma_start3A_131 = tpu.memref_slice %arg2[%mul3A_123, %dma_start3A_130] : memref<163840x32xf32, #tpu.memory_space<hbm>> -> memref<128x32xf32, #tpu.memory_space<hbm>>
    %dma_start3A_132 = tpu.memref_slice %arg13[%dma_start3A_125] : memref<8x!tpu.dma_semaphore, #tpu.memory_space<semaphore_mem>> -> memref<1x!tpu.dma_semaphore, #tpu.memory_space<semaphore_mem>>
    %dma_start3A_133 = tpu.memref_squeeze %dma_start3A_132 : memref<1x!tpu.dma_semaphore, #tpu.memory_space<semaphore_mem>> -> memref<!tpu.dma_semaphore, #tpu.memory_space<semaphore_mem>>
    %dma_start3A_134 = arith.constant 0 : i32
    %dma_start3A_135 = arith.constant 0 : i32
    %dma_start3A_136 = tpu.memref_slice %arg8[%dma_start3A_124, %dma_start3A_134, %dma_start3A_135] : memref<8x128x32xf32, #tpu.memory_space<vmem>> -> memref<1x128x32xf32, #tpu.memory_space<vmem>>
    %dma_start3A_137 = tpu.memref_squeeze %dma_start3A_136 : memref<1x128x32xf32, #tpu.memory_space<vmem>> -> memref<128x32xf32, #tpu.memory_space<vmem>>
    %dma_start3A_138 = arith.constant 0 : i32
    %dma_start3A_139 = tpu.memref_slice %arg2[%mul3A_123, %dma_start3A_138] : memref<163840x32xf32, #tpu.memory_space<hbm>> -> memref<128x32xf32, #tpu.memory_space<hbm>>
    tpu.enqueue_dma source(%dma_start3A_139 : memref<128x32xf32, #tpu.memory_space<hbm>>) target(%dma_start3A_137 : memref<128x32xf32, #tpu.memory_space<vmem>>) target_semaphore(%dma_start3A_133 : memref<!tpu.dma_semaphore, #tpu.memory_space<semaphore_mem>>)
    %mul3A_140 = arith.constant 80 : i32
    %mul3A_141 = arith.muli %arg1, %mul3A_140 : i32
    %add3A_142 = arith.constant 6 : i32
    %add3A_143 = arith.addi %mul3A_141, %add3A_142 : i32
    %mul3A_144 = arith.constant 128 : i32
    %mul3A_145 = arith.muli %add3A_143, %mul3A_144 : i32
    %dma_start3A_146 = arith.constant 6 : i32
    %dma_start3A_147 = arith.constant 6 : i32
    %dma_start3A_148 = arith.constant 0 : i32
    %dma_start3A_149 = arith.constant 0 : i32
    %dma_start3A_150 = tpu.memref_slice %arg8[%dma_start3A_146, %dma_start3A_148, %dma_start3A_149] : memref<8x128x32xf32, #tpu.memory_space<vmem>> -> memref<1x128x32xf32, #tpu.memory_space<vmem>>
    %dma_start3A_151 = tpu.memref_squeeze %dma_start3A_150 : memref<1x128x32xf32, #tpu.memory_space<vmem>> -> memref<128x32xf32, #tpu.memory_space<vmem>>
    %dma_start3A_152 = arith.constant 0 : i32
    %dma_start3A_153 = tpu.memref_slice %arg2[%mul3A_145, %dma_start3A_152] : memref<163840x32xf32, #tpu.memory_space<hbm>> -> memref<128x32xf32, #tpu.memory_space<hbm>>
    %dma_start3A_154 = tpu.memref_slice %arg13[%dma_start3A_147] : memref<8x!tpu.dma_semaphore, #tpu.memory_space<semaphore_mem>> -> memref<1x!tpu.dma_semaphore, #tpu.memory_space<semaphore_mem>>
    %dma_start3A_155 = tpu.memref_squeeze %dma_start3A_154 : memref<1x!tpu.dma_semaphore, #tpu.memory_space<semaphore_mem>> -> memref<!tpu.dma_semaphore, #tpu.memory_space<semaphore_mem>>
    %dma_start3A_156 = arith.constant 0 : i32
    %dma_start3A_157 = arith.constant 0 : i32
    %dma_start3A_158 = tpu.memref_slice %arg8[%dma_start3A_146, %dma_start3A_156, %dma_start3A_157] : memref<8x128x32xf32, #tpu.memory_space<vmem>> -> memref<1x128x32xf32, #tpu.memory_space<vmem>>
    %dma_start3A_159 = tpu.memref_squeeze %dma_start3A_158 : memref<1x128x32xf32, #tpu.memory_space<vmem>> -> memref<128x32xf32, #tpu.memory_space<vmem>>
    %dma_start3A_160 = arith.constant 0 : i32
    %dma_start3A_161 = tpu.memref_slice %arg2[%mul3A_145, %dma_start3A_160] : memref<163840x32xf32, #tpu.memory_space<hbm>> -> memref<128x32xf32, #tpu.memory_space<hbm>>
    tpu.enqueue_dma source(%dma_start3A_161 : memref<128x32xf32, #tpu.memory_space<hbm>>) target(%dma_start3A_159 : memref<128x32xf32, #tpu.memory_space<vmem>>) target_semaphore(%dma_start3A_155 : memref<!tpu.dma_semaphore, #tpu.memory_space<semaphore_mem>>)
    %mul3A_162 = arith.constant 80 : i32
    %mul3A_163 = arith.muli %arg1, %mul3A_162 : i32
    %add3A_164 = arith.constant 7 : i32
    %add3A_165 = arith.addi %mul3A_163, %add3A_164 : i32
    %mul3A_166 = arith.constant 128 : i32
    %mul3A_167 = arith.muli %add3A_165, %mul3A_166 : i32
    %dma_start3A_168 = arith.constant 7 : i32
    %dma_start3A_169 = arith.constant 7 : i32
    %dma_start3A_170 = arith.constant 0 : i32
    %dma_start3A_171 = arith.constant 0 : i32
    %dma_start3A_172 = tpu.memref_slice %arg8[%dma_start3A_168, %dma_start3A_170, %dma_start3A_171] : memref<8x128x32xf32, #tpu.memory_space<vmem>> -> memref<1x128x32xf32, #tpu.memory_space<vmem>>
    %dma_start3A_173 = tpu.memref_squeeze %dma_start3A_172 : memref<1x128x32xf32, #tpu.memory_space<vmem>> -> memref<128x32xf32, #tpu.memory_space<vmem>>
    %dma_start3A_174 = arith.constant 0 : i32
    %dma_start3A_175 = tpu.memref_slice %arg2[%mul3A_167, %dma_start3A_174] : memref<163840x32xf32, #tpu.memory_space<hbm>> -> memref<128x32xf32, #tpu.memory_space<hbm>>
    %dma_start3A_176 = tpu.memref_slice %arg13[%dma_start3A_169] : memref<8x!tpu.dma_semaphore, #tpu.memory_space<semaphore_mem>> -> memref<1x!tpu.dma_semaphore, #tpu.memory_space<semaphore_mem>>
    %dma_start3A_177 = tpu.memref_squeeze %dma_start3A_176 : memref<1x!tpu.dma_semaphore, #tpu.memory_space<semaphore_mem>> -> memref<!tpu.dma_semaphore, #tpu.memory_space<semaphore_mem>>
    %dma_start3A_178 = arith.constant 0 : i32
    %dma_start3A_179 = arith.constant 0 : i32
    %dma_start3A_180 = tpu.memref_slice %arg8[%dma_start3A_168, %dma_start3A_178, %dma_start3A_179] : memref<8x128x32xf32, #tpu.memory_space<vmem>> -> memref<1x128x32xf32, #tpu.memory_space<vmem>>
    %dma_start3A_181 = tpu.memref_squeeze %dma_start3A_180 : memref<1x128x32xf32, #tpu.memory_space<vmem>> -> memref<128x32xf32, #tpu.memory_space<vmem>>
    %dma_start3A_182 = arith.constant 0 : i32
    %dma_start3A_183 = tpu.memref_slice %arg2[%mul3A_167, %dma_start3A_182] : memref<163840x32xf32, #tpu.memory_space<hbm>> -> memref<128x32xf32, #tpu.memory_space<hbm>>
    tpu.enqueue_dma source(%dma_start3A_183 : memref<128x32xf32, #tpu.memory_space<hbm>>) target(%dma_start3A_181 : memref<128x32xf32, #tpu.memory_space<vmem>>) target_semaphore(%dma_start3A_177 : memref<!tpu.dma_semaphore, #tpu.memory_space<semaphore_mem>>)
    %scan3A_184 = arith.constant 0 : i32
    %scan3A_185 = arith.constant 0 : i32
    %scan3A_186 = arith.constant 10 : i32
    %scan3A_187 = arith.addi %scan3A_185, %scan3A_186 : i32
    %scan3A_188 = arith.constant 1 : i32
    %scan3A_189 = scf.for %scan3A_210 = %scan3A_185 to %scan3A_187 step %scan3A_188 iter_args(%scan3A_211 = %scan3A_184) -> (i32)  : i32 {
      %mul3A_212 = arith.constant 8 : i32
      %mul3A_213 = arith.muli %scan3A_210, %mul3A_212 : i32
      %add3A_214 = arith.constant 0 : i32
      %add3A_215 = arith.addi %mul3A_213, %add3A_214 : i32
      %mul3A_216 = arith.constant 80 : i32
      %mul3A_217 = arith.muli %arg1, %mul3A_216 : i32
      %add3A_218 = arith.addi %mul3A_217, %add3A_215 : i32
      %mul3A_219 = arith.constant 128 : i32
      %mul3A_220 = arith.muli %add3A_218, %mul3A_219 : i32
      %dma_wait3A = arith.constant 0 : i32
      %dma_wait3A_221 = arith.constant 0 : i32
      %dma_wait3A_222 = arith.constant 0 : i32
      %dma_wait3A_223 = arith.constant 0 : i32
      %dma_wait3A_224 = tpu.memref_slice %arg8[%dma_wait3A, %dma_wait3A_222, %dma_wait3A_223] : memref<8x128x32xf32, #tpu.memory_space<vmem>> -> memref<1x128x32xf32, #tpu.memory_space<vmem>>
      %dma_wait3A_225 = tpu.memref_squeeze %dma_wait3A_224 : memref<1x128x32xf32, #tpu.memory_space<vmem>> -> memref<128x32xf32, #tpu.memory_space<vmem>>
      %dma_wait3A_226 = arith.constant 0 : i32
      %dma_wait3A_227 = tpu.memref_slice %arg2[%mul3A_220, %dma_wait3A_226] : memref<163840x32xf32, #tpu.memory_space<hbm>> -> memref<128x32xf32, #tpu.memory_space<hbm>>
      %dma_wait3A_228 = tpu.memref_slice %arg13[%dma_wait3A_221] : memref<8x!tpu.dma_semaphore, #tpu.memory_space<semaphore_mem>> -> memref<1x!tpu.dma_semaphore, #tpu.memory_space<semaphore_mem>>
      %dma_wait3A_229 = tpu.memref_squeeze %dma_wait3A_228 : memref<1x!tpu.dma_semaphore, #tpu.memory_space<semaphore_mem>> -> memref<!tpu.dma_semaphore, #tpu.memory_space<semaphore_mem>>
      %dma_wait3A_230 = arith.constant 0 : i32
      %dma_wait3A_231 = arith.constant 0 : i32
      %dma_wait3A_232 = tpu.memref_slice %arg8[%dma_wait3A, %dma_wait3A_230, %dma_wait3A_231] : memref<8x128x32xf32, #tpu.memory_space<vmem>> -> memref<1x128x32xf32, #tpu.memory_space<vmem>>
      %dma_wait3A_233 = tpu.memref_squeeze %dma_wait3A_232 : memref<1x128x32xf32, #tpu.memory_space<vmem>> -> memref<128x32xf32, #tpu.memory_space<vmem>>
      %dma_wait3A_234 = arith.constant 0 : i32
      %dma_wait3A_235 = tpu.memref_slice %arg2[%mul3A_220, %dma_wait3A_234] : memref<163840x32xf32, #tpu.memory_space<hbm>> -> memref<128x32xf32, #tpu.memory_space<hbm>>
      tpu.wait_dma2 semaphore(%dma_wait3A_229 : memref<!tpu.dma_semaphore, #tpu.memory_space<semaphore_mem>>) src(%dma_wait3A_235 : memref<128x32xf32, #tpu.memory_space<hbm>>) dst(%dma_wait3A_233 : memref<128x32xf32, #tpu.memory_space<vmem>>)
      %run_scoped3A = arith.constant 0 : i32
      "tpu.region"() ({
        %run_scoped3A_472 = tpu.sem_alloc : memref<!tpu.dma_semaphore, #tpu.memory_space<semaphore_mem>>
        %dma_start3A_473 = arith.constant 0 : i32
        %dma_start3A_474 = arith.constant 0 : i32
        %dma_start3A_475 = tpu.memref_slice %arg8[%run_scoped3A, %dma_start3A_473, %dma_start3A_474] : memref<8x128x32xf32, #tpu.memory_space<vmem>> -> memref<1x128x32xf32, #tpu.memory_space<vmem>>
        %dma_start3A_476 = tpu.memref_squeeze %dma_start3A_475 : memref<1x128x32xf32, #tpu.memory_space<vmem>> -> memref<128x32xf32, #tpu.memory_space<vmem>>
        %dma_start3A_477 = arith.constant 0 : i32
        %dma_start3A_478 = tpu.memref_slice %arg7[%add3A_215, %dma_start3A_477] : memref<80x128xi32, #tpu.memory_space<vmem>> -> memref<1x128xi32, #tpu.memory_space<vmem>>
        %dma_start3A_479 = tpu.memref_squeeze %dma_start3A_478 : memref<1x128xi32, #tpu.memory_space<vmem>> -> memref<128xi32, #tpu.memory_space<vmem>>
        %dma_start3A_480 = arith.constant 0 : i32
        %dma_start3A_481 = arith.constant 0 : i32
        %dma_start3A_482 = tpu.memref_slice %arg12[%dma_start3A_480, %dma_start3A_481] : memref<10016x32xf32, #tpu.memory_space<vmem_shared>> -> memref<10016x32xf32, #tpu.memory_space<vmem_shared>>
        tpu.enqueue_indirect_dma source(%dma_start3A_476 : memref<128x32xf32, #tpu.memory_space<vmem>>) target(%dma_start3A_482 : memref<10016x32xf32, #tpu.memory_space<vmem_shared>>) offsets(%dma_start3A_479 : memref<128xi32, #tpu.memory_space<vmem>>) semaphore(%run_scoped3A_472 : memref<!tpu.dma_semaphore, #tpu.memory_space<semaphore_mem>>) {add = true}
        %dma_wait3A_483 = arith.constant 0 : i32
        %dma_wait3A_484 = arith.constant 0 : i32
        %dma_wait3A_485 = tpu.memref_slice %arg8[%run_scoped3A, %dma_wait3A_483, %dma_wait3A_484] : memref<8x128x32xf32, #tpu.memory_space<vmem>> -> memref<1x128x32xf32, #tpu.memory_space<vmem>>
        %dma_wait3A_486 = tpu.memref_squeeze %dma_wait3A_485 : memref<1x128x32xf32, #tpu.memory_space<vmem>> -> memref<128x32xf32, #tpu.memory_space<vmem>>
        %dma_wait3A_487 = arith.constant 0 : i32
        %dma_wait3A_488 = tpu.memref_slice %arg7[%add3A_215, %dma_wait3A_487] : memref<80x128xi32, #tpu.memory_space<vmem>> -> memref<1x128xi32, #tpu.memory_space<vmem>>
        %dma_wait3A_489 = tpu.memref_squeeze %dma_wait3A_488 : memref<1x128xi32, #tpu.memory_space<vmem>> -> memref<128xi32, #tpu.memory_space<vmem>>
        %dma_wait3A_490 = arith.constant 0 : i32
        %dma_wait3A_491 = arith.constant 0 : i32
        %dma_wait3A_492 = tpu.memref_slice %arg12[%dma_wait3A_490, %dma_wait3A_491] : memref<10016x32xf32, #tpu.memory_space<vmem_shared>> -> memref<10016x32xf32, #tpu.memory_space<vmem_shared>>
        tpu.wait_indirect_dma semaphore(%run_scoped3A_472 : memref<!tpu.dma_semaphore, #tpu.memory_space<semaphore_mem>>) src(%dma_wait3A_486 : memref<128x32xf32, #tpu.memory_space<vmem>>) dst(%dma_wait3A_492 : memref<10016x32xf32, #tpu.memory_space<vmem_shared>>)
        tpu.yield
      }) : () -> ()
      %add3A_236 = arith.constant 8 : i32
      %add3A_237 = arith.addi %add3A_215, %add3A_236 : i32
      %lt3A = arith.constant 80 : i32
      %lt3A_238 = arith.cmpi slt, %add3A_237, %lt3A : i32
      %convert_element_type3A = arith.extui %lt3A_238 : i1 to i32
      %cond3A = arith.constant 0 : i32
      %cond3A_239 = arith.cmpi ne, %convert_element_type3A, %cond3A : i32
      scf.if %cond3A_239 {
        %mul3A_472 = arith.constant 80 : i32
        %mul3A_473 = arith.muli %arg1, %mul3A_472 : i32
        %add3A_474 = arith.addi %mul3A_473, %add3A_215 : i32
        %add3A_475 = arith.constant 8 : i32
        %add3A_476 = arith.addi %add3A_474, %add3A_475 : i32
        %mul3A_477 = arith.constant 128 : i32
        %mul3A_478 = arith.muli %add3A_476, %mul3A_477 : i32
        %dma_start3A_479 = arith.constant 0 : i32
        %dma_start3A_480 = arith.constant 0 : i32
        %dma_start3A_481 = arith.constant 0 : i32
        %dma_start3A_482 = arith.constant 0 : i32
        %dma_start3A_483 = tpu.memref_slice %arg8[%dma_start3A_479, %dma_start3A_481, %dma_start3A_482] : memref<8x128x32xf32, #tpu.memory_space<vmem>> -> memref<1x128x32xf32, #tpu.memory_space<vmem>>
        %dma_start3A_484 = tpu.memref_squeeze %dma_start3A_483 : memref<1x128x32xf32, #tpu.memory_space<vmem>> -> memref<128x32xf32, #tpu.memory_space<vmem>>
        %dma_start3A_485 = arith.constant 0 : i32
        %dma_start3A_486 = tpu.memref_slice %arg2[%mul3A_478, %dma_start3A_485] : memref<163840x32xf32, #tpu.memory_space<hbm>> -> memref<128x32xf32, #tpu.memory_space<hbm>>
        %dma_start3A_487 = tpu.memref_slice %arg13[%dma_start3A_480] : memref<8x!tpu.dma_semaphore, #tpu.memory_space<semaphore_mem>> -> memref<1x!tpu.dma_semaphore, #tpu.memory_space<semaphore_mem>>
        %dma_start3A_488 = tpu.memref_squeeze %dma_start3A_487 : memref<1x!tpu.dma_semaphore, #tpu.memory_space<semaphore_mem>> -> memref<!tpu.dma_semaphore, #tpu.memory_space<semaphore_mem>>
        %dma_start3A_489 = arith.constant 0 : i32
        %dma_start3A_490 = arith.constant 0 : i32
        %dma_start3A_491 = tpu.memref_slice %arg8[%dma_start3A_479, %dma_start3A_489, %dma_start3A_490] : memref<8x128x32xf32, #tpu.memory_space<vmem>> -> memref<1x128x32xf32, #tpu.memory_space<vmem>>
        %dma_start3A_492 = tpu.memref_squeeze %dma_start3A_491 : memref<1x128x32xf32, #tpu.memory_space<vmem>> -> memref<128x32xf32, #tpu.memory_space<vmem>>
        %dma_start3A_493 = arith.constant 0 : i32
        %dma_start3A_494 = tpu.memref_slice %arg2[%mul3A_478, %dma_start3A_493] : memref<163840x32xf32, #tpu.memory_space<hbm>> -> memref<128x32xf32, #tpu.memory_space<hbm>>
        tpu.enqueue_dma source(%dma_start3A_494 : memref<128x32xf32, #tpu.memory_space<hbm>>) target(%dma_start3A_492 : memref<128x32xf32, #tpu.memory_space<vmem>>) target_semaphore(%dma_start3A_488 : memref<!tpu.dma_semaphore, #tpu.memory_space<semaphore_mem>>)
      } else {
      }
      %mul3A_240 = arith.constant 8 : i32
      %mul3A_241 = arith.muli %scan3A_210, %mul3A_240 : i32
      %add3A_242 = arith.constant 1 : i32
      %add3A_243 = arith.addi %mul3A_241, %add3A_242 : i32
      %mul3A_244 = arith.constant 80 : i32
      %mul3A_245 = arith.muli %arg1, %mul3A_244 : i32
      %add3A_246 = arith.addi %mul3A_245, %add3A_243 : i32
      %mul3A_247 = arith.constant 128 : i32
      %mul3A_248 = arith.muli %add3A_246, %mul3A_247 : i32
      %dma_wait3A_249 = arith.constant 1 : i32
      %dma_wait3A_250 = arith.constant 1 : i32
      %dma_wait3A_251 = arith.constant 0 : i32
      %dma_wait3A_252 = arith.constant 0 : i32
      %dma_wait3A_253 = tpu.memref_slice %arg8[%dma_wait3A_249, %dma_wait3A_251, %dma_wait3A_252] : memref<8x128x32xf32, #tpu.memory_space<vmem>> -> memref<1x128x32xf32, #tpu.memory_space<vmem>>
      %dma_wait3A_254 = tpu.memref_squeeze %dma_wait3A_253 : memref<1x128x32xf32, #tpu.memory_space<vmem>> -> memref<128x32xf32, #tpu.memory_space<vmem>>
      %dma_wait3A_255 = arith.constant 0 : i32
      %dma_wait3A_256 = tpu.memref_slice %arg2[%mul3A_248, %dma_wait3A_255] : memref<163840x32xf32, #tpu.memory_space<hbm>> -> memref<128x32xf32, #tpu.memory_space<hbm>>
      %dma_wait3A_257 = tpu.memref_slice %arg13[%dma_wait3A_250] : memref<8x!tpu.dma_semaphore, #tpu.memory_space<semaphore_mem>> -> memref<1x!tpu.dma_semaphore, #tpu.memory_space<semaphore_mem>>
      %dma_wait3A_258 = tpu.memref_squeeze %dma_wait3A_257 : memref<1x!tpu.dma_semaphore, #tpu.memory_space<semaphore_mem>> -> memref<!tpu.dma_semaphore, #tpu.memory_space<semaphore_mem>>
      %dma_wait3A_259 = arith.constant 0 : i32
      %dma_wait3A_260 = arith.constant 0 : i32
      %dma_wait3A_261 = tpu.memref_slice %arg8[%dma_wait3A_249, %dma_wait3A_259, %dma_wait3A_260] : memref<8x128x32xf32, #tpu.memory_space<vmem>> -> memref<1x128x32xf32, #tpu.memory_space<vmem>>
      %dma_wait3A_262 = tpu.memref_squeeze %dma_wait3A_261 : memref<1x128x32xf32, #tpu.memory_space<vmem>> -> memref<128x32xf32, #tpu.memory_space<vmem>>
      %dma_wait3A_263 = arith.constant 0 : i32
      %dma_wait3A_264 = tpu.memref_slice %arg2[%mul3A_248, %dma_wait3A_263] : memref<163840x32xf32, #tpu.memory_space<hbm>> -> memref<128x32xf32, #tpu.memory_space<hbm>>
      tpu.wait_dma2 semaphore(%dma_wait3A_258 : memref<!tpu.dma_semaphore, #tpu.memory_space<semaphore_mem>>) src(%dma_wait3A_264 : memref<128x32xf32, #tpu.memory_space<hbm>>) dst(%dma_wait3A_262 : memref<128x32xf32, #tpu.memory_space<vmem>>)
      %run_scoped3A_265 = arith.constant 1 : i32
      "tpu.region"() ({
        %run_scoped3A_472 = tpu.sem_alloc : memref<!tpu.dma_semaphore, #tpu.memory_space<semaphore_mem>>
        %dma_start3A_473 = arith.constant 0 : i32
        %dma_start3A_474 = arith.constant 0 : i32
        %dma_start3A_475 = tpu.memref_slice %arg8[%run_scoped3A_265, %dma_start3A_473, %dma_start3A_474] : memref<8x128x32xf32, #tpu.memory_space<vmem>> -> memref<1x128x32xf32, #tpu.memory_space<vmem>>
        %dma_start3A_476 = tpu.memref_squeeze %dma_start3A_475 : memref<1x128x32xf32, #tpu.memory_space<vmem>> -> memref<128x32xf32, #tpu.memory_space<vmem>>
        %dma_start3A_477 = arith.constant 0 : i32
        %dma_start3A_478 = tpu.memref_slice %arg7[%add3A_243, %dma_start3A_477] : memref<80x128xi32, #tpu.memory_space<vmem>> -> memref<1x128xi32, #tpu.memory_space<vmem>>
        %dma_start3A_479 = tpu.memref_squeeze %dma_start3A_478 : memref<1x128xi32, #tpu.memory_space<vmem>> -> memref<128xi32, #tpu.memory_space<vmem>>
        %dma_start3A_480 = arith.constant 0 : i32
        %dma_start3A_481 = arith.constant 0 : i32
        %dma_start3A_482 = tpu.memref_slice %arg12[%dma_start3A_480, %dma_start3A_481] : memref<10016x32xf32, #tpu.memory_space<vmem_shared>> -> memref<10016x32xf32, #tpu.memory_space<vmem_shared>>
        tpu.enqueue_indirect_dma source(%dma_start3A_476 : memref<128x32xf32, #tpu.memory_space<vmem>>) target(%dma_start3A_482 : memref<10016x32xf32, #tpu.memory_space<vmem_shared>>) offsets(%dma_start3A_479 : memref<128xi32, #tpu.memory_space<vmem>>) semaphore(%run_scoped3A_472 : memref<!tpu.dma_semaphore, #tpu.memory_space<semaphore_mem>>) {add = true}
        %dma_wait3A_483 = arith.constant 0 : i32
        %dma_wait3A_484 = arith.constant 0 : i32
        %dma_wait3A_485 = tpu.memref_slice %arg8[%run_scoped3A_265, %dma_wait3A_483, %dma_wait3A_484] : memref<8x128x32xf32, #tpu.memory_space<vmem>> -> memref<1x128x32xf32, #tpu.memory_space<vmem>>
        %dma_wait3A_486 = tpu.memref_squeeze %dma_wait3A_485 : memref<1x128x32xf32, #tpu.memory_space<vmem>> -> memref<128x32xf32, #tpu.memory_space<vmem>>
        %dma_wait3A_487 = arith.constant 0 : i32
        %dma_wait3A_488 = tpu.memref_slice %arg7[%add3A_243, %dma_wait3A_487] : memref<80x128xi32, #tpu.memory_space<vmem>> -> memref<1x128xi32, #tpu.memory_space<vmem>>
        %dma_wait3A_489 = tpu.memref_squeeze %dma_wait3A_488 : memref<1x128xi32, #tpu.memory_space<vmem>> -> memref<128xi32, #tpu.memory_space<vmem>>
        %dma_wait3A_490 = arith.constant 0 : i32
        %dma_wait3A_491 = arith.constant 0 : i32
        %dma_wait3A_492 = tpu.memref_slice %arg12[%dma_wait3A_490, %dma_wait3A_491] : memref<10016x32xf32, #tpu.memory_space<vmem_shared>> -> memref<10016x32xf32, #tpu.memory_space<vmem_shared>>
        tpu.wait_indirect_dma semaphore(%run_scoped3A_472 : memref<!tpu.dma_semaphore, #tpu.memory_space<semaphore_mem>>) src(%dma_wait3A_486 : memref<128x32xf32, #tpu.memory_space<vmem>>) dst(%dma_wait3A_492 : memref<10016x32xf32, #tpu.memory_space<vmem_shared>>)
        tpu.yield
      }) : () -> ()
      %add3A_266 = arith.constant 8 : i32
      %add3A_267 = arith.addi %add3A_243, %add3A_266 : i32
      %lt3A_268 = arith.constant 80 : i32
      %lt3A_269 = arith.cmpi slt, %add3A_267, %lt3A_268 : i32
      %convert_element_type3A_270 = arith.extui %lt3A_269 : i1 to i32
      %cond3A_271 = arith.constant 0 : i32
      %cond3A_272 = arith.cmpi ne, %convert_element_type3A_270, %cond3A_271 : i32
      scf.if %cond3A_272 {
        %mul3A_472 = arith.constant 80 : i32
        %mul3A_473 = arith.muli %arg1, %mul3A_472 : i32
        %add3A_474 = arith.addi %mul3A_473, %add3A_243 : i32
        %add3A_475 = arith.constant 8 : i32
        %add3A_476 = arith.addi %add3A_474, %add3A_475 : i32
        %mul3A_477 = arith.constant 128 : i32
        %mul3A_478 = arith.muli %add3A_476, %mul3A_477 : i32
        %dma_start3A_479 = arith.constant 1 : i32
        %dma_start3A_480 = arith.constant 1 : i32
        %dma_start3A_481 = arith.constant 0 : i32
        %dma_start3A_482 = arith.constant 0 : i32
        %dma_start3A_483 = tpu.memref_slice %arg8[%dma_start3A_479, %dma_start3A_481, %dma_start3A_482] : memref<8x128x32xf32, #tpu.memory_space<vmem>> -> memref<1x128x32xf32, #tpu.memory_space<vmem>>
        %dma_start3A_484 = tpu.memref_squeeze %dma_start3A_483 : memref<1x128x32xf32, #tpu.memory_space<vmem>> -> memref<128x32xf32, #tpu.memory_space<vmem>>
        %dma_start3A_485 = arith.constant 0 : i32
        %dma_start3A_486 = tpu.memref_slice %arg2[%mul3A_478, %dma_start3A_485] : memref<163840x32xf32, #tpu.memory_space<hbm>> -> memref<128x32xf32, #tpu.memory_space<hbm>>
        %dma_start3A_487 = tpu.memref_slice %arg13[%dma_start3A_480] : memref<8x!tpu.dma_semaphore, #tpu.memory_space<semaphore_mem>> -> memref<1x!tpu.dma_semaphore, #tpu.memory_space<semaphore_mem>>
        %dma_start3A_488 = tpu.memref_squeeze %dma_start3A_487 : memref<1x!tpu.dma_semaphore, #tpu.memory_space<semaphore_mem>> -> memref<!tpu.dma_semaphore, #tpu.memory_space<semaphore_mem>>
        %dma_start3A_489 = arith.constant 0 : i32
        %dma_start3A_490 = arith.constant 0 : i32
        %dma_start3A_491 = tpu.memref_slice %arg8[%dma_start3A_479, %dma_start3A_489, %dma_start3A_490] : memref<8x128x32xf32, #tpu.memory_space<vmem>> -> memref<1x128x32xf32, #tpu.memory_space<vmem>>
        %dma_start3A_492 = tpu.memref_squeeze %dma_start3A_491 : memref<1x128x32xf32, #tpu.memory_space<vmem>> -> memref<128x32xf32, #tpu.memory_space<vmem>>
        %dma_start3A_493 = arith.constant 0 : i32
        %dma_start3A_494 = tpu.memref_slice %arg2[%mul3A_478, %dma_start3A_493] : memref<163840x32xf32, #tpu.memory_space<hbm>> -> memref<128x32xf32, #tpu.memory_space<hbm>>
        tpu.enqueue_dma source(%dma_start3A_494 : memref<128x32xf32, #tpu.memory_space<hbm>>) target(%dma_start3A_492 : memref<128x32xf32, #tpu.memory_space<vmem>>) target_semaphore(%dma_start3A_488 : memref<!tpu.dma_semaphore, #tpu.memory_space<semaphore_mem>>)
      } else {
      }
      %mul3A_273 = arith.constant 8 : i32
      %mul3A_274 = arith.muli %scan3A_210, %mul3A_273 : i32
      %add3A_275 = arith.constant 2 : i32
      %add3A_276 = arith.addi %mul3A_274, %add3A_275 : i32
      %mul3A_277 = arith.constant 80 : i32
      %mul3A_278 = arith.muli %arg1, %mul3A_277 : i32
      %add3A_279 = arith.addi %mul3A_278, %add3A_276 : i32
      %mul3A_280 = arith.constant 128 : i32
      %mul3A_281 = arith.muli %add3A_279, %mul3A_280 : i32
      %dma_wait3A_282 = arith.constant 2 : i32
      %dma_wait3A_283 = arith.constant 2 : i32
      %dma_wait3A_284 = arith.constant 0 : i32
      %dma_wait3A_285 = arith.constant 0 : i32
      %dma_wait3A_286 = tpu.memref_slice %arg8[%dma_wait3A_282, %dma_wait3A_284, %dma_wait3A_285] : memref<8x128x32xf32, #tpu.memory_space<vmem>> -> memref<1x128x32xf32, #tpu.memory_space<vmem>>
      %dma_wait3A_287 = tpu.memref_squeeze %dma_wait3A_286 : memref<1x128x32xf32, #tpu.memory_space<vmem>> -> memref<128x32xf32, #tpu.memory_space<vmem>>
      %dma_wait3A_288 = arith.constant 0 : i32
      %dma_wait3A_289 = tpu.memref_slice %arg2[%mul3A_281, %dma_wait3A_288] : memref<163840x32xf32, #tpu.memory_space<hbm>> -> memref<128x32xf32, #tpu.memory_space<hbm>>
      %dma_wait3A_290 = tpu.memref_slice %arg13[%dma_wait3A_283] : memref<8x!tpu.dma_semaphore, #tpu.memory_space<semaphore_mem>> -> memref<1x!tpu.dma_semaphore, #tpu.memory_space<semaphore_mem>>
      %dma_wait3A_291 = tpu.memref_squeeze %dma_wait3A_290 : memref<1x!tpu.dma_semaphore, #tpu.memory_space<semaphore_mem>> -> memref<!tpu.dma_semaphore, #tpu.memory_space<semaphore_mem>>
      %dma_wait3A_292 = arith.constant 0 : i32
      %dma_wait3A_293 = arith.constant 0 : i32
      %dma_wait3A_294 = tpu.memref_slice %arg8[%dma_wait3A_282, %dma_wait3A_292, %dma_wait3A_293] : memref<8x128x32xf32, #tpu.memory_space<vmem>> -> memref<1x128x32xf32, #tpu.memory_space<vmem>>
      %dma_wait3A_295 = tpu.memref_squeeze %dma_wait3A_294 : memref<1x128x32xf32, #tpu.memory_space<vmem>> -> memref<128x32xf32, #tpu.memory_space<vmem>>
      %dma_wait3A_296 = arith.constant 0 : i32
      %dma_wait3A_297 = tpu.memref_slice %arg2[%mul3A_281, %dma_wait3A_296] : memref<163840x32xf32, #tpu.memory_space<hbm>> -> memref<128x32xf32, #tpu.memory_space<hbm>>
      tpu.wait_dma2 semaphore(%dma_wait3A_291 : memref<!tpu.dma_semaphore, #tpu.memory_space<semaphore_mem>>) src(%dma_wait3A_297 : memref<128x32xf32, #tpu.memory_space<hbm>>) dst(%dma_wait3A_295 : memref<128x32xf32, #tpu.memory_space<vmem>>)
      %run_scoped3A_298 = arith.constant 2 : i32
      "tpu.region"() ({
        %run_scoped3A_472 = tpu.sem_alloc : memref<!tpu.dma_semaphore, #tpu.memory_space<semaphore_mem>>
        %dma_start3A_473 = arith.constant 0 : i32
        %dma_start3A_474 = arith.constant 0 : i32
        %dma_start3A_475 = tpu.memref_slice %arg8[%run_scoped3A_298, %dma_start3A_473, %dma_start3A_474] : memref<8x128x32xf32, #tpu.memory_space<vmem>> -> memref<1x128x32xf32, #tpu.memory_space<vmem>>
        %dma_start3A_476 = tpu.memref_squeeze %dma_start3A_475 : memref<1x128x32xf32, #tpu.memory_space<vmem>> -> memref<128x32xf32, #tpu.memory_space<vmem>>
        %dma_start3A_477 = arith.constant 0 : i32
        %dma_start3A_478 = tpu.memref_slice %arg7[%add3A_276, %dma_start3A_477] : memref<80x128xi32, #tpu.memory_space<vmem>> -> memref<1x128xi32, #tpu.memory_space<vmem>>
        %dma_start3A_479 = tpu.memref_squeeze %dma_start3A_478 : memref<1x128xi32, #tpu.memory_space<vmem>> -> memref<128xi32, #tpu.memory_space<vmem>>
        %dma_start3A_480 = arith.constant 0 : i32
        %dma_start3A_481 = arith.constant 0 : i32
        %dma_start3A_482 = tpu.memref_slice %arg12[%dma_start3A_480, %dma_start3A_481] : memref<10016x32xf32, #tpu.memory_space<vmem_shared>> -> memref<10016x32xf32, #tpu.memory_space<vmem_shared>>
        tpu.enqueue_indirect_dma source(%dma_start3A_476 : memref<128x32xf32, #tpu.memory_space<vmem>>) target(%dma_start3A_482 : memref<10016x32xf32, #tpu.memory_space<vmem_shared>>) offsets(%dma_start3A_479 : memref<128xi32, #tpu.memory_space<vmem>>) semaphore(%run_scoped3A_472 : memref<!tpu.dma_semaphore, #tpu.memory_space<semaphore_mem>>) {add = true}
        %dma_wait3A_483 = arith.constant 0 : i32
        %dma_wait3A_484 = arith.constant 0 : i32
        %dma_wait3A_485 = tpu.memref_slice %arg8[%run_scoped3A_298, %dma_wait3A_483, %dma_wait3A_484] : memref<8x128x32xf32, #tpu.memory_space<vmem>> -> memref<1x128x32xf32, #tpu.memory_space<vmem>>
        %dma_wait3A_486 = tpu.memref_squeeze %dma_wait3A_485 : memref<1x128x32xf32, #tpu.memory_space<vmem>> -> memref<128x32xf32, #tpu.memory_space<vmem>>
        %dma_wait3A_487 = arith.constant 0 : i32
        %dma_wait3A_488 = tpu.memref_slice %arg7[%add3A_276, %dma_wait3A_487] : memref<80x128xi32, #tpu.memory_space<vmem>> -> memref<1x128xi32, #tpu.memory_space<vmem>>
        %dma_wait3A_489 = tpu.memref_squeeze %dma_wait3A_488 : memref<1x128xi32, #tpu.memory_space<vmem>> -> memref<128xi32, #tpu.memory_space<vmem>>
        %dma_wait3A_490 = arith.constant 0 : i32
        %dma_wait3A_491 = arith.constant 0 : i32
        %dma_wait3A_492 = tpu.memref_slice %arg12[%dma_wait3A_490, %dma_wait3A_491] : memref<10016x32xf32, #tpu.memory_space<vmem_shared>> -> memref<10016x32xf32, #tpu.memory_space<vmem_shared>>
        tpu.wait_indirect_dma semaphore(%run_scoped3A_472 : memref<!tpu.dma_semaphore, #tpu.memory_space<semaphore_mem>>) src(%dma_wait3A_486 : memref<128x32xf32, #tpu.memory_space<vmem>>) dst(%dma_wait3A_492 : memref<10016x32xf32, #tpu.memory_space<vmem_shared>>)
        tpu.yield
      }) : () -> ()
      %add3A_299 = arith.constant 8 : i32
      %add3A_300 = arith.addi %add3A_276, %add3A_299 : i32
      %lt3A_301 = arith.constant 80 : i32
      %lt3A_302 = arith.cmpi slt, %add3A_300, %lt3A_301 : i32
      %convert_element_type3A_303 = arith.extui %lt3A_302 : i1 to i32
      %cond3A_304 = arith.constant 0 : i32
      %cond3A_305 = arith.cmpi ne, %convert_element_type3A_303, %cond3A_304 : i32
      scf.if %cond3A_305 {
        %mul3A_472 = arith.constant 80 : i32
        %mul3A_473 = arith.muli %arg1, %mul3A_472 : i32
        %add3A_474 = arith.addi %mul3A_473, %add3A_276 : i32
        %add3A_475 = arith.constant 8 : i32
        %add3A_476 = arith.addi %add3A_474, %add3A_475 : i32
        %mul3A_477 = arith.constant 128 : i32
        %mul3A_478 = arith.muli %add3A_476, %mul3A_477 : i32
        %dma_start3A_479 = arith.constant 2 : i32
        %dma_start3A_480 = arith.constant 2 : i32
        %dma_start3A_481 = arith.constant 0 : i32
        %dma_start3A_482 = arith.constant 0 : i32
        %dma_start3A_483 = tpu.memref_slice %arg8[%dma_start3A_479, %dma_start3A_481, %dma_start3A_482] : memref<8x128x32xf32, #tpu.memory_space<vmem>> -> memref<1x128x32xf32, #tpu.memory_space<vmem>>
        %dma_start3A_484 = tpu.memref_squeeze %dma_start3A_483 : memref<1x128x32xf32, #tpu.memory_space<vmem>> -> memref<128x32xf32, #tpu.memory_space<vmem>>
        %dma_start3A_485 = arith.constant 0 : i32
        %dma_start3A_486 = tpu.memref_slice %arg2[%mul3A_478, %dma_start3A_485] : memref<163840x32xf32, #tpu.memory_space<hbm>> -> memref<128x32xf32, #tpu.memory_space<hbm>>
        %dma_start3A_487 = tpu.memref_slice %arg13[%dma_start3A_480] : memref<8x!tpu.dma_semaphore, #tpu.memory_space<semaphore_mem>> -> memref<1x!tpu.dma_semaphore, #tpu.memory_space<semaphore_mem>>
        %dma_start3A_488 = tpu.memref_squeeze %dma_start3A_487 : memref<1x!tpu.dma_semaphore, #tpu.memory_space<semaphore_mem>> -> memref<!tpu.dma_semaphore, #tpu.memory_space<semaphore_mem>>
        %dma_start3A_489 = arith.constant 0 : i32
        %dma_start3A_490 = arith.constant 0 : i32
        %dma_start3A_491 = tpu.memref_slice %arg8[%dma_start3A_479, %dma_start3A_489, %dma_start3A_490] : memref<8x128x32xf32, #tpu.memory_space<vmem>> -> memref<1x128x32xf32, #tpu.memory_space<vmem>>
        %dma_start3A_492 = tpu.memref_squeeze %dma_start3A_491 : memref<1x128x32xf32, #tpu.memory_space<vmem>> -> memref<128x32xf32, #tpu.memory_space<vmem>>
        %dma_start3A_493 = arith.constant 0 : i32
        %dma_start3A_494 = tpu.memref_slice %arg2[%mul3A_478, %dma_start3A_493] : memref<163840x32xf32, #tpu.memory_space<hbm>> -> memref<128x32xf32, #tpu.memory_space<hbm>>
        tpu.enqueue_dma source(%dma_start3A_494 : memref<128x32xf32, #tpu.memory_space<hbm>>) target(%dma_start3A_492 : memref<128x32xf32, #tpu.memory_space<vmem>>) target_semaphore(%dma_start3A_488 : memref<!tpu.dma_semaphore, #tpu.memory_space<semaphore_mem>>)
      } else {
      }
      %mul3A_306 = arith.constant 8 : i32
      %mul3A_307 = arith.muli %scan3A_210, %mul3A_306 : i32
      %add3A_308 = arith.constant 3 : i32
      %add3A_309 = arith.addi %mul3A_307, %add3A_308 : i32
      %mul3A_310 = arith.constant 80 : i32
      %mul3A_311 = arith.muli %arg1, %mul3A_310 : i32
      %add3A_312 = arith.addi %mul3A_311, %add3A_309 : i32
      %mul3A_313 = arith.constant 128 : i32
      %mul3A_314 = arith.muli %add3A_312, %mul3A_313 : i32
      %dma_wait3A_315 = arith.constant 3 : i32
      %dma_wait3A_316 = arith.constant 3 : i32
      %dma_wait3A_317 = arith.constant 0 : i32
      %dma_wait3A_318 = arith.constant 0 : i32
      %dma_wait3A_319 = tpu.memref_slice %arg8[%dma_wait3A_315, %dma_wait3A_317, %dma_wait3A_318] : memref<8x128x32xf32, #tpu.memory_space<vmem>> -> memref<1x128x32xf32, #tpu.memory_space<vmem>>
      %dma_wait3A_320 = tpu.memref_squeeze %dma_wait3A_319 : memref<1x128x32xf32, #tpu.memory_space<vmem>> -> memref<128x32xf32, #tpu.memory_space<vmem>>
      %dma_wait3A_321 = arith.constant 0 : i32
      %dma_wait3A_322 = tpu.memref_slice %arg2[%mul3A_314, %dma_wait3A_321] : memref<163840x32xf32, #tpu.memory_space<hbm>> -> memref<128x32xf32, #tpu.memory_space<hbm>>
      %dma_wait3A_323 = tpu.memref_slice %arg13[%dma_wait3A_316] : memref<8x!tpu.dma_semaphore, #tpu.memory_space<semaphore_mem>> -> memref<1x!tpu.dma_semaphore, #tpu.memory_space<semaphore_mem>>
      %dma_wait3A_324 = tpu.memref_squeeze %dma_wait3A_323 : memref<1x!tpu.dma_semaphore, #tpu.memory_space<semaphore_mem>> -> memref<!tpu.dma_semaphore, #tpu.memory_space<semaphore_mem>>
      %dma_wait3A_325 = arith.constant 0 : i32
      %dma_wait3A_326 = arith.constant 0 : i32
      %dma_wait3A_327 = tpu.memref_slice %arg8[%dma_wait3A_315, %dma_wait3A_325, %dma_wait3A_326] : memref<8x128x32xf32, #tpu.memory_space<vmem>> -> memref<1x128x32xf32, #tpu.memory_space<vmem>>
      %dma_wait3A_328 = tpu.memref_squeeze %dma_wait3A_327 : memref<1x128x32xf32, #tpu.memory_space<vmem>> -> memref<128x32xf32, #tpu.memory_space<vmem>>
      %dma_wait3A_329 = arith.constant 0 : i32
      %dma_wait3A_330 = tpu.memref_slice %arg2[%mul3A_314, %dma_wait3A_329] : memref<163840x32xf32, #tpu.memory_space<hbm>> -> memref<128x32xf32, #tpu.memory_space<hbm>>
      tpu.wait_dma2 semaphore(%dma_wait3A_324 : memref<!tpu.dma_semaphore, #tpu.memory_space<semaphore_mem>>) src(%dma_wait3A_330 : memref<128x32xf32, #tpu.memory_space<hbm>>) dst(%dma_wait3A_328 : memref<128x32xf32, #tpu.memory_space<vmem>>)
      %run_scoped3A_331 = arith.constant 3 : i32
      "tpu.region"() ({
        %run_scoped3A_472 = tpu.sem_alloc : memref<!tpu.dma_semaphore, #tpu.memory_space<semaphore_mem>>
        %dma_start3A_473 = arith.constant 0 : i32
        %dma_start3A_474 = arith.constant 0 : i32
        %dma_start3A_475 = tpu.memref_slice %arg8[%run_scoped3A_331, %dma_start3A_473, %dma_start3A_474] : memref<8x128x32xf32, #tpu.memory_space<vmem>> -> memref<1x128x32xf32, #tpu.memory_space<vmem>>
        %dma_start3A_476 = tpu.memref_squeeze %dma_start3A_475 : memref<1x128x32xf32, #tpu.memory_space<vmem>> -> memref<128x32xf32, #tpu.memory_space<vmem>>
        %dma_start3A_477 = arith.constant 0 : i32
        %dma_start3A_478 = tpu.memref_slice %arg7[%add3A_309, %dma_start3A_477] : memref<80x128xi32, #tpu.memory_space<vmem>> -> memref<1x128xi32, #tpu.memory_space<vmem>>
        %dma_start3A_479 = tpu.memref_squeeze %dma_start3A_478 : memref<1x128xi32, #tpu.memory_space<vmem>> -> memref<128xi32, #tpu.memory_space<vmem>>
        %dma_start3A_480 = arith.constant 0 : i32
        %dma_start3A_481 = arith.constant 0 : i32
        %dma_start3A_482 = tpu.memref_slice %arg12[%dma_start3A_480, %dma_start3A_481] : memref<10016x32xf32, #tpu.memory_space<vmem_shared>> -> memref<10016x32xf32, #tpu.memory_space<vmem_shared>>
        tpu.enqueue_indirect_dma source(%dma_start3A_476 : memref<128x32xf32, #tpu.memory_space<vmem>>) target(%dma_start3A_482 : memref<10016x32xf32, #tpu.memory_space<vmem_shared>>) offsets(%dma_start3A_479 : memref<128xi32, #tpu.memory_space<vmem>>) semaphore(%run_scoped3A_472 : memref<!tpu.dma_semaphore, #tpu.memory_space<semaphore_mem>>) {add = true}
        %dma_wait3A_483 = arith.constant 0 : i32
        %dma_wait3A_484 = arith.constant 0 : i32
        %dma_wait3A_485 = tpu.memref_slice %arg8[%run_scoped3A_331, %dma_wait3A_483, %dma_wait3A_484] : memref<8x128x32xf32, #tpu.memory_space<vmem>> -> memref<1x128x32xf32, #tpu.memory_space<vmem>>
        %dma_wait3A_486 = tpu.memref_squeeze %dma_wait3A_485 : memref<1x128x32xf32, #tpu.memory_space<vmem>> -> memref<128x32xf32, #tpu.memory_space<vmem>>
        %dma_wait3A_487 = arith.constant 0 : i32
        %dma_wait3A_488 = tpu.memref_slice %arg7[%add3A_309, %dma_wait3A_487] : memref<80x128xi32, #tpu.memory_space<vmem>> -> memref<1x128xi32, #tpu.memory_space<vmem>>
        %dma_wait3A_489 = tpu.memref_squeeze %dma_wait3A_488 : memref<1x128xi32, #tpu.memory_space<vmem>> -> memref<128xi32, #tpu.memory_space<vmem>>
        %dma_wait3A_490 = arith.constant 0 : i32
        %dma_wait3A_491 = arith.constant 0 : i32
        %dma_wait3A_492 = tpu.memref_slice %arg12[%dma_wait3A_490, %dma_wait3A_491] : memref<10016x32xf32, #tpu.memory_space<vmem_shared>> -> memref<10016x32xf32, #tpu.memory_space<vmem_shared>>
        tpu.wait_indirect_dma semaphore(%run_scoped3A_472 : memref<!tpu.dma_semaphore, #tpu.memory_space<semaphore_mem>>) src(%dma_wait3A_486 : memref<128x32xf32, #tpu.memory_space<vmem>>) dst(%dma_wait3A_492 : memref<10016x32xf32, #tpu.memory_space<vmem_shared>>)
        tpu.yield
      }) : () -> ()
      %add3A_332 = arith.constant 8 : i32
      %add3A_333 = arith.addi %add3A_309, %add3A_332 : i32
      %lt3A_334 = arith.constant 80 : i32
      %lt3A_335 = arith.cmpi slt, %add3A_333, %lt3A_334 : i32
      %convert_element_type3A_336 = arith.extui %lt3A_335 : i1 to i32
      %cond3A_337 = arith.constant 0 : i32
      %cond3A_338 = arith.cmpi ne, %convert_element_type3A_336, %cond3A_337 : i32
      scf.if %cond3A_338 {
        %mul3A_472 = arith.constant 80 : i32
        %mul3A_473 = arith.muli %arg1, %mul3A_472 : i32
        %add3A_474 = arith.addi %mul3A_473, %add3A_309 : i32
        %add3A_475 = arith.constant 8 : i32
        %add3A_476 = arith.addi %add3A_474, %add3A_475 : i32
        %mul3A_477 = arith.constant 128 : i32
        %mul3A_478 = arith.muli %add3A_476, %mul3A_477 : i32
        %dma_start3A_479 = arith.constant 3 : i32
        %dma_start3A_480 = arith.constant 3 : i32
        %dma_start3A_481 = arith.constant 0 : i32
        %dma_start3A_482 = arith.constant 0 : i32
        %dma_start3A_483 = tpu.memref_slice %arg8[%dma_start3A_479, %dma_start3A_481, %dma_start3A_482] : memref<8x128x32xf32, #tpu.memory_space<vmem>> -> memref<1x128x32xf32, #tpu.memory_space<vmem>>
        %dma_start3A_484 = tpu.memref_squeeze %dma_start3A_483 : memref<1x128x32xf32, #tpu.memory_space<vmem>> -> memref<128x32xf32, #tpu.memory_space<vmem>>
        %dma_start3A_485 = arith.constant 0 : i32
        %dma_start3A_486 = tpu.memref_slice %arg2[%mul3A_478, %dma_start3A_485] : memref<163840x32xf32, #tpu.memory_space<hbm>> -> memref<128x32xf32, #tpu.memory_space<hbm>>
        %dma_start3A_487 = tpu.memref_slice %arg13[%dma_start3A_480] : memref<8x!tpu.dma_semaphore, #tpu.memory_space<semaphore_mem>> -> memref<1x!tpu.dma_semaphore, #tpu.memory_space<semaphore_mem>>
        %dma_start3A_488 = tpu.memref_squeeze %dma_start3A_487 : memref<1x!tpu.dma_semaphore, #tpu.memory_space<semaphore_mem>> -> memref<!tpu.dma_semaphore, #tpu.memory_space<semaphore_mem>>
        %dma_start3A_489 = arith.constant 0 : i32
        %dma_start3A_490 = arith.constant 0 : i32
        %dma_start3A_491 = tpu.memref_slice %arg8[%dma_start3A_479, %dma_start3A_489, %dma_start3A_490] : memref<8x128x32xf32, #tpu.memory_space<vmem>> -> memref<1x128x32xf32, #tpu.memory_space<vmem>>
        %dma_start3A_492 = tpu.memref_squeeze %dma_start3A_491 : memref<1x128x32xf32, #tpu.memory_space<vmem>> -> memref<128x32xf32, #tpu.memory_space<vmem>>
        %dma_start3A_493 = arith.constant 0 : i32
        %dma_start3A_494 = tpu.memref_slice %arg2[%mul3A_478, %dma_start3A_493] : memref<163840x32xf32, #tpu.memory_space<hbm>> -> memref<128x32xf32, #tpu.memory_space<hbm>>
        tpu.enqueue_dma source(%dma_start3A_494 : memref<128x32xf32, #tpu.memory_space<hbm>>) target(%dma_start3A_492 : memref<128x32xf32, #tpu.memory_space<vmem>>) target_semaphore(%dma_start3A_488 : memref<!tpu.dma_semaphore, #tpu.memory_space<semaphore_mem>>)
      } else {
      }
      %mul3A_339 = arith.constant 8 : i32
      %mul3A_340 = arith.muli %scan3A_210, %mul3A_339 : i32
      %add3A_341 = arith.constant 4 : i32
      %add3A_342 = arith.addi %mul3A_340, %add3A_341 : i32
      %mul3A_343 = arith.constant 80 : i32
      %mul3A_344 = arith.muli %arg1, %mul3A_343 : i32
      %add3A_345 = arith.addi %mul3A_344, %add3A_342 : i32
      %mul3A_346 = arith.constant 128 : i32
      %mul3A_347 = arith.muli %add3A_345, %mul3A_346 : i32
      %dma_wait3A_348 = arith.constant 4 : i32
      %dma_wait3A_349 = arith.constant 4 : i32
      %dma_wait3A_350 = arith.constant 0 : i32
      %dma_wait3A_351 = arith.constant 0 : i32
      %dma_wait3A_352 = tpu.memref_slice %arg8[%dma_wait3A_348, %dma_wait3A_350, %dma_wait3A_351] : memref<8x128x32xf32, #tpu.memory_space<vmem>> -> memref<1x128x32xf32, #tpu.memory_space<vmem>>
      %dma_wait3A_353 = tpu.memref_squeeze %dma_wait3A_352 : memref<1x128x32xf32, #tpu.memory_space<vmem>> -> memref<128x32xf32, #tpu.memory_space<vmem>>
      %dma_wait3A_354 = arith.constant 0 : i32
      %dma_wait3A_355 = tpu.memref_slice %arg2[%mul3A_347, %dma_wait3A_354] : memref<163840x32xf32, #tpu.memory_space<hbm>> -> memref<128x32xf32, #tpu.memory_space<hbm>>
      %dma_wait3A_356 = tpu.memref_slice %arg13[%dma_wait3A_349] : memref<8x!tpu.dma_semaphore, #tpu.memory_space<semaphore_mem>> -> memref<1x!tpu.dma_semaphore, #tpu.memory_space<semaphore_mem>>
      %dma_wait3A_357 = tpu.memref_squeeze %dma_wait3A_356 : memref<1x!tpu.dma_semaphore, #tpu.memory_space<semaphore_mem>> -> memref<!tpu.dma_semaphore, #tpu.memory_space<semaphore_mem>>
      %dma_wait3A_358 = arith.constant 0 : i32
      %dma_wait3A_359 = arith.constant 0 : i32
      %dma_wait3A_360 = tpu.memref_slice %arg8[%dma_wait3A_348, %dma_wait3A_358, %dma_wait3A_359] : memref<8x128x32xf32, #tpu.memory_space<vmem>> -> memref<1x128x32xf32, #tpu.memory_space<vmem>>
      %dma_wait3A_361 = tpu.memref_squeeze %dma_wait3A_360 : memref<1x128x32xf32, #tpu.memory_space<vmem>> -> memref<128x32xf32, #tpu.memory_space<vmem>>
      %dma_wait3A_362 = arith.constant 0 : i32
      %dma_wait3A_363 = tpu.memref_slice %arg2[%mul3A_347, %dma_wait3A_362] : memref<163840x32xf32, #tpu.memory_space<hbm>> -> memref<128x32xf32, #tpu.memory_space<hbm>>
      tpu.wait_dma2 semaphore(%dma_wait3A_357 : memref<!tpu.dma_semaphore, #tpu.memory_space<semaphore_mem>>) src(%dma_wait3A_363 : memref<128x32xf32, #tpu.memory_space<hbm>>) dst(%dma_wait3A_361 : memref<128x32xf32, #tpu.memory_space<vmem>>)
      %run_scoped3A_364 = arith.constant 4 : i32
      "tpu.region"() ({
        %run_scoped3A_472 = tpu.sem_alloc : memref<!tpu.dma_semaphore, #tpu.memory_space<semaphore_mem>>
        %dma_start3A_473 = arith.constant 0 : i32
        %dma_start3A_474 = arith.constant 0 : i32
        %dma_start3A_475 = tpu.memref_slice %arg8[%run_scoped3A_364, %dma_start3A_473, %dma_start3A_474] : memref<8x128x32xf32, #tpu.memory_space<vmem>> -> memref<1x128x32xf32, #tpu.memory_space<vmem>>
        %dma_start3A_476 = tpu.memref_squeeze %dma_start3A_475 : memref<1x128x32xf32, #tpu.memory_space<vmem>> -> memref<128x32xf32, #tpu.memory_space<vmem>>
        %dma_start3A_477 = arith.constant 0 : i32
        %dma_start3A_478 = tpu.memref_slice %arg7[%add3A_342, %dma_start3A_477] : memref<80x128xi32, #tpu.memory_space<vmem>> -> memref<1x128xi32, #tpu.memory_space<vmem>>
        %dma_start3A_479 = tpu.memref_squeeze %dma_start3A_478 : memref<1x128xi32, #tpu.memory_space<vmem>> -> memref<128xi32, #tpu.memory_space<vmem>>
        %dma_start3A_480 = arith.constant 0 : i32
        %dma_start3A_481 = arith.constant 0 : i32
        %dma_start3A_482 = tpu.memref_slice %arg12[%dma_start3A_480, %dma_start3A_481] : memref<10016x32xf32, #tpu.memory_space<vmem_shared>> -> memref<10016x32xf32, #tpu.memory_space<vmem_shared>>
        tpu.enqueue_indirect_dma source(%dma_start3A_476 : memref<128x32xf32, #tpu.memory_space<vmem>>) target(%dma_start3A_482 : memref<10016x32xf32, #tpu.memory_space<vmem_shared>>) offsets(%dma_start3A_479 : memref<128xi32, #tpu.memory_space<vmem>>) semaphore(%run_scoped3A_472 : memref<!tpu.dma_semaphore, #tpu.memory_space<semaphore_mem>>) {add = true}
        %dma_wait3A_483 = arith.constant 0 : i32
        %dma_wait3A_484 = arith.constant 0 : i32
        %dma_wait3A_485 = tpu.memref_slice %arg8[%run_scoped3A_364, %dma_wait3A_483, %dma_wait3A_484] : memref<8x128x32xf32, #tpu.memory_space<vmem>> -> memref<1x128x32xf32, #tpu.memory_space<vmem>>
        %dma_wait3A_486 = tpu.memref_squeeze %dma_wait3A_485 : memref<1x128x32xf32, #tpu.memory_space<vmem>> -> memref<128x32xf32, #tpu.memory_space<vmem>>
        %dma_wait3A_487 = arith.constant 0 : i32
        %dma_wait3A_488 = tpu.memref_slice %arg7[%add3A_342, %dma_wait3A_487] : memref<80x128xi32, #tpu.memory_space<vmem>> -> memref<1x128xi32, #tpu.memory_space<vmem>>
        %dma_wait3A_489 = tpu.memref_squeeze %dma_wait3A_488 : memref<1x128xi32, #tpu.memory_space<vmem>> -> memref<128xi32, #tpu.memory_space<vmem>>
        %dma_wait3A_490 = arith.constant 0 : i32
        %dma_wait3A_491 = arith.constant 0 : i32
        %dma_wait3A_492 = tpu.memref_slice %arg12[%dma_wait3A_490, %dma_wait3A_491] : memref<10016x32xf32, #tpu.memory_space<vmem_shared>> -> memref<10016x32xf32, #tpu.memory_space<vmem_shared>>
        tpu.wait_indirect_dma semaphore(%run_scoped3A_472 : memref<!tpu.dma_semaphore, #tpu.memory_space<semaphore_mem>>) src(%dma_wait3A_486 : memref<128x32xf32, #tpu.memory_space<vmem>>) dst(%dma_wait3A_492 : memref<10016x32xf32, #tpu.memory_space<vmem_shared>>)
        tpu.yield
      }) : () -> ()
      %add3A_365 = arith.constant 8 : i32
      %add3A_366 = arith.addi %add3A_342, %add3A_365 : i32
      %lt3A_367 = arith.constant 80 : i32
      %lt3A_368 = arith.cmpi slt, %add3A_366, %lt3A_367 : i32
      %convert_element_type3A_369 = arith.extui %lt3A_368 : i1 to i32
      %cond3A_370 = arith.constant 0 : i32
      %cond3A_371 = arith.cmpi ne, %convert_element_type3A_369, %cond3A_370 : i32
      scf.if %cond3A_371 {
        %mul3A_472 = arith.constant 80 : i32
        %mul3A_473 = arith.muli %arg1, %mul3A_472 : i32
        %add3A_474 = arith.addi %mul3A_473, %add3A_342 : i32
        %add3A_475 = arith.constant 8 : i32
        %add3A_476 = arith.addi %add3A_474, %add3A_475 : i32
        %mul3A_477 = arith.constant 128 : i32
        %mul3A_478 = arith.muli %add3A_476, %mul3A_477 : i32
        %dma_start3A_479 = arith.constant 4 : i32
        %dma_start3A_480 = arith.constant 4 : i32
        %dma_start3A_481 = arith.constant 0 : i32
        %dma_start3A_482 = arith.constant 0 : i32
        %dma_start3A_483 = tpu.memref_slice %arg8[%dma_start3A_479, %dma_start3A_481, %dma_start3A_482] : memref<8x128x32xf32, #tpu.memory_space<vmem>> -> memref<1x128x32xf32, #tpu.memory_space<vmem>>
        %dma_start3A_484 = tpu.memref_squeeze %dma_start3A_483 : memref<1x128x32xf32, #tpu.memory_space<vmem>> -> memref<128x32xf32, #tpu.memory_space<vmem>>
        %dma_start3A_485 = arith.constant 0 : i32
        %dma_start3A_486 = tpu.memref_slice %arg2[%mul3A_478, %dma_start3A_485] : memref<163840x32xf32, #tpu.memory_space<hbm>> -> memref<128x32xf32, #tpu.memory_space<hbm>>
        %dma_start3A_487 = tpu.memref_slice %arg13[%dma_start3A_480] : memref<8x!tpu.dma_semaphore, #tpu.memory_space<semaphore_mem>> -> memref<1x!tpu.dma_semaphore, #tpu.memory_space<semaphore_mem>>
        %dma_start3A_488 = tpu.memref_squeeze %dma_start3A_487 : memref<1x!tpu.dma_semaphore, #tpu.memory_space<semaphore_mem>> -> memref<!tpu.dma_semaphore, #tpu.memory_space<semaphore_mem>>
        %dma_start3A_489 = arith.constant 0 : i32
        %dma_start3A_490 = arith.constant 0 : i32
        %dma_start3A_491 = tpu.memref_slice %arg8[%dma_start3A_479, %dma_start3A_489, %dma_start3A_490] : memref<8x128x32xf32, #tpu.memory_space<vmem>> -> memref<1x128x32xf32, #tpu.memory_space<vmem>>
        %dma_start3A_492 = tpu.memref_squeeze %dma_start3A_491 : memref<1x128x32xf32, #tpu.memory_space<vmem>> -> memref<128x32xf32, #tpu.memory_space<vmem>>
        %dma_start3A_493 = arith.constant 0 : i32
        %dma_start3A_494 = tpu.memref_slice %arg2[%mul3A_478, %dma_start3A_493] : memref<163840x32xf32, #tpu.memory_space<hbm>> -> memref<128x32xf32, #tpu.memory_space<hbm>>
        tpu.enqueue_dma source(%dma_start3A_494 : memref<128x32xf32, #tpu.memory_space<hbm>>) target(%dma_start3A_492 : memref<128x32xf32, #tpu.memory_space<vmem>>) target_semaphore(%dma_start3A_488 : memref<!tpu.dma_semaphore, #tpu.memory_space<semaphore_mem>>)
      } else {
      }
      %mul3A_372 = arith.constant 8 : i32
      %mul3A_373 = arith.muli %scan3A_210, %mul3A_372 : i32
      %add3A_374 = arith.constant 5 : i32
      %add3A_375 = arith.addi %mul3A_373, %add3A_374 : i32
      %mul3A_376 = arith.constant 80 : i32
      %mul3A_377 = arith.muli %arg1, %mul3A_376 : i32
      %add3A_378 = arith.addi %mul3A_377, %add3A_375 : i32
      %mul3A_379 = arith.constant 128 : i32
      %mul3A_380 = arith.muli %add3A_378, %mul3A_379 : i32
      %dma_wait3A_381 = arith.constant 5 : i32
      %dma_wait3A_382 = arith.constant 5 : i32
      %dma_wait3A_383 = arith.constant 0 : i32
      %dma_wait3A_384 = arith.constant 0 : i32
      %dma_wait3A_385 = tpu.memref_slice %arg8[%dma_wait3A_381, %dma_wait3A_383, %dma_wait3A_384] : memref<8x128x32xf32, #tpu.memory_space<vmem>> -> memref<1x128x32xf32, #tpu.memory_space<vmem>>
      %dma_wait3A_386 = tpu.memref_squeeze %dma_wait3A_385 : memref<1x128x32xf32, #tpu.memory_space<vmem>> -> memref<128x32xf32, #tpu.memory_space<vmem>>
      %dma_wait3A_387 = arith.constant 0 : i32
      %dma_wait3A_388 = tpu.memref_slice %arg2[%mul3A_380, %dma_wait3A_387] : memref<163840x32xf32, #tpu.memory_space<hbm>> -> memref<128x32xf32, #tpu.memory_space<hbm>>
      %dma_wait3A_389 = tpu.memref_slice %arg13[%dma_wait3A_382] : memref<8x!tpu.dma_semaphore, #tpu.memory_space<semaphore_mem>> -> memref<1x!tpu.dma_semaphore, #tpu.memory_space<semaphore_mem>>
      %dma_wait3A_390 = tpu.memref_squeeze %dma_wait3A_389 : memref<1x!tpu.dma_semaphore, #tpu.memory_space<semaphore_mem>> -> memref<!tpu.dma_semaphore, #tpu.memory_space<semaphore_mem>>
      %dma_wait3A_391 = arith.constant 0 : i32
      %dma_wait3A_392 = arith.constant 0 : i32
      %dma_wait3A_393 = tpu.memref_slice %arg8[%dma_wait3A_381, %dma_wait3A_391, %dma_wait3A_392] : memref<8x128x32xf32, #tpu.memory_space<vmem>> -> memref<1x128x32xf32, #tpu.memory_space<vmem>>
      %dma_wait3A_394 = tpu.memref_squeeze %dma_wait3A_393 : memref<1x128x32xf32, #tpu.memory_space<vmem>> -> memref<128x32xf32, #tpu.memory_space<vmem>>
      %dma_wait3A_395 = arith.constant 0 : i32
      %dma_wait3A_396 = tpu.memref_slice %arg2[%mul3A_380, %dma_wait3A_395] : memref<163840x32xf32, #tpu.memory_space<hbm>> -> memref<128x32xf32, #tpu.memory_space<hbm>>
      tpu.wait_dma2 semaphore(%dma_wait3A_390 : memref<!tpu.dma_semaphore, #tpu.memory_space<semaphore_mem>>) src(%dma_wait3A_396 : memref<128x32xf32, #tpu.memory_space<hbm>>) dst(%dma_wait3A_394 : memref<128x32xf32, #tpu.memory_space<vmem>>)
      %run_scoped3A_397 = arith.constant 5 : i32
      "tpu.region"() ({
        %run_scoped3A_472 = tpu.sem_alloc : memref<!tpu.dma_semaphore, #tpu.memory_space<semaphore_mem>>
        %dma_start3A_473 = arith.constant 0 : i32
        %dma_start3A_474 = arith.constant 0 : i32
        %dma_start3A_475 = tpu.memref_slice %arg8[%run_scoped3A_397, %dma_start3A_473, %dma_start3A_474] : memref<8x128x32xf32, #tpu.memory_space<vmem>> -> memref<1x128x32xf32, #tpu.memory_space<vmem>>
        %dma_start3A_476 = tpu.memref_squeeze %dma_start3A_475 : memref<1x128x32xf32, #tpu.memory_space<vmem>> -> memref<128x32xf32, #tpu.memory_space<vmem>>
        %dma_start3A_477 = arith.constant 0 : i32
        %dma_start3A_478 = tpu.memref_slice %arg7[%add3A_375, %dma_start3A_477] : memref<80x128xi32, #tpu.memory_space<vmem>> -> memref<1x128xi32, #tpu.memory_space<vmem>>
        %dma_start3A_479 = tpu.memref_squeeze %dma_start3A_478 : memref<1x128xi32, #tpu.memory_space<vmem>> -> memref<128xi32, #tpu.memory_space<vmem>>
        %dma_start3A_480 = arith.constant 0 : i32
        %dma_start3A_481 = arith.constant 0 : i32
        %dma_start3A_482 = tpu.memref_slice %arg12[%dma_start3A_480, %dma_start3A_481] : memref<10016x32xf32, #tpu.memory_space<vmem_shared>> -> memref<10016x32xf32, #tpu.memory_space<vmem_shared>>
        tpu.enqueue_indirect_dma source(%dma_start3A_476 : memref<128x32xf32, #tpu.memory_space<vmem>>) target(%dma_start3A_482 : memref<10016x32xf32, #tpu.memory_space<vmem_shared>>) offsets(%dma_start3A_479 : memref<128xi32, #tpu.memory_space<vmem>>) semaphore(%run_scoped3A_472 : memref<!tpu.dma_semaphore, #tpu.memory_space<semaphore_mem>>) {add = true}
        %dma_wait3A_483 = arith.constant 0 : i32
        %dma_wait3A_484 = arith.constant 0 : i32
        %dma_wait3A_485 = tpu.memref_slice %arg8[%run_scoped3A_397, %dma_wait3A_483, %dma_wait3A_484] : memref<8x128x32xf32, #tpu.memory_space<vmem>> -> memref<1x128x32xf32, #tpu.memory_space<vmem>>
        %dma_wait3A_486 = tpu.memref_squeeze %dma_wait3A_485 : memref<1x128x32xf32, #tpu.memory_space<vmem>> -> memref<128x32xf32, #tpu.memory_space<vmem>>
        %dma_wait3A_487 = arith.constant 0 : i32
        %dma_wait3A_488 = tpu.memref_slice %arg7[%add3A_375, %dma_wait3A_487] : memref<80x128xi32, #tpu.memory_space<vmem>> -> memref<1x128xi32, #tpu.memory_space<vmem>>
        %dma_wait3A_489 = tpu.memref_squeeze %dma_wait3A_488 : memref<1x128xi32, #tpu.memory_space<vmem>> -> memref<128xi32, #tpu.memory_space<vmem>>
        %dma_wait3A_490 = arith.constant 0 : i32
        %dma_wait3A_491 = arith.constant 0 : i32
        %dma_wait3A_492 = tpu.memref_slice %arg12[%dma_wait3A_490, %dma_wait3A_491] : memref<10016x32xf32, #tpu.memory_space<vmem_shared>> -> memref<10016x32xf32, #tpu.memory_space<vmem_shared>>
        tpu.wait_indirect_dma semaphore(%run_scoped3A_472 : memref<!tpu.dma_semaphore, #tpu.memory_space<semaphore_mem>>) src(%dma_wait3A_486 : memref<128x32xf32, #tpu.memory_space<vmem>>) dst(%dma_wait3A_492 : memref<10016x32xf32, #tpu.memory_space<vmem_shared>>)
        tpu.yield
      }) : () -> ()
      %add3A_398 = arith.constant 8 : i32
      %add3A_399 = arith.addi %add3A_375, %add3A_398 : i32
      %lt3A_400 = arith.constant 80 : i32
      %lt3A_401 = arith.cmpi slt, %add3A_399, %lt3A_400 : i32
      %convert_element_type3A_402 = arith.extui %lt3A_401 : i1 to i32
      %cond3A_403 = arith.constant 0 : i32
      %cond3A_404 = arith.cmpi ne, %convert_element_type3A_402, %cond3A_403 : i32
      scf.if %cond3A_404 {
        %mul3A_472 = arith.constant 80 : i32
        %mul3A_473 = arith.muli %arg1, %mul3A_472 : i32
        %add3A_474 = arith.addi %mul3A_473, %add3A_375 : i32
        %add3A_475 = arith.constant 8 : i32
        %add3A_476 = arith.addi %add3A_474, %add3A_475 : i32
        %mul3A_477 = arith.constant 128 : i32
        %mul3A_478 = arith.muli %add3A_476, %mul3A_477 : i32
        %dma_start3A_479 = arith.constant 5 : i32
        %dma_start3A_480 = arith.constant 5 : i32
        %dma_start3A_481 = arith.constant 0 : i32
        %dma_start3A_482 = arith.constant 0 : i32
        %dma_start3A_483 = tpu.memref_slice %arg8[%dma_start3A_479, %dma_start3A_481, %dma_start3A_482] : memref<8x128x32xf32, #tpu.memory_space<vmem>> -> memref<1x128x32xf32, #tpu.memory_space<vmem>>
        %dma_start3A_484 = tpu.memref_squeeze %dma_start3A_483 : memref<1x128x32xf32, #tpu.memory_space<vmem>> -> memref<128x32xf32, #tpu.memory_space<vmem>>
        %dma_start3A_485 = arith.constant 0 : i32
        %dma_start3A_486 = tpu.memref_slice %arg2[%mul3A_478, %dma_start3A_485] : memref<163840x32xf32, #tpu.memory_space<hbm>> -> memref<128x32xf32, #tpu.memory_space<hbm>>
        %dma_start3A_487 = tpu.memref_slice %arg13[%dma_start3A_480] : memref<8x!tpu.dma_semaphore, #tpu.memory_space<semaphore_mem>> -> memref<1x!tpu.dma_semaphore, #tpu.memory_space<semaphore_mem>>
        %dma_start3A_488 = tpu.memref_squeeze %dma_start3A_487 : memref<1x!tpu.dma_semaphore, #tpu.memory_space<semaphore_mem>> -> memref<!tpu.dma_semaphore, #tpu.memory_space<semaphore_mem>>
        %dma_start3A_489 = arith.constant 0 : i32
        %dma_start3A_490 = arith.constant 0 : i32
        %dma_start3A_491 = tpu.memref_slice %arg8[%dma_start3A_479, %dma_start3A_489, %dma_start3A_490] : memref<8x128x32xf32, #tpu.memory_space<vmem>> -> memref<1x128x32xf32, #tpu.memory_space<vmem>>
        %dma_start3A_492 = tpu.memref_squeeze %dma_start3A_491 : memref<1x128x32xf32, #tpu.memory_space<vmem>> -> memref<128x32xf32, #tpu.memory_space<vmem>>
        %dma_start3A_493 = arith.constant 0 : i32
        %dma_start3A_494 = tpu.memref_slice %arg2[%mul3A_478, %dma_start3A_493] : memref<163840x32xf32, #tpu.memory_space<hbm>> -> memref<128x32xf32, #tpu.memory_space<hbm>>
        tpu.enqueue_dma source(%dma_start3A_494 : memref<128x32xf32, #tpu.memory_space<hbm>>) target(%dma_start3A_492 : memref<128x32xf32, #tpu.memory_space<vmem>>) target_semaphore(%dma_start3A_488 : memref<!tpu.dma_semaphore, #tpu.memory_space<semaphore_mem>>)
      } else {
      }
      %mul3A_405 = arith.constant 8 : i32
      %mul3A_406 = arith.muli %scan3A_210, %mul3A_405 : i32
      %add3A_407 = arith.constant 6 : i32
      %add3A_408 = arith.addi %mul3A_406, %add3A_407 : i32
      %mul3A_409 = arith.constant 80 : i32
      %mul3A_410 = arith.muli %arg1, %mul3A_409 : i32
      %add3A_411 = arith.addi %mul3A_410, %add3A_408 : i32
      %mul3A_412 = arith.constant 128 : i32
      %mul3A_413 = arith.muli %add3A_411, %mul3A_412 : i32
      %dma_wait3A_414 = arith.constant 6 : i32
      %dma_wait3A_415 = arith.constant 6 : i32
      %dma_wait3A_416 = arith.constant 0 : i32
      %dma_wait3A_417 = arith.constant 0 : i32
      %dma_wait3A_418 = tpu.memref_slice %arg8[%dma_wait3A_414, %dma_wait3A_416, %dma_wait3A_417] : memref<8x128x32xf32, #tpu.memory_space<vmem>> -> memref<1x128x32xf32, #tpu.memory_space<vmem>>
      %dma_wait3A_419 = tpu.memref_squeeze %dma_wait3A_418 : memref<1x128x32xf32, #tpu.memory_space<vmem>> -> memref<128x32xf32, #tpu.memory_space<vmem>>
      %dma_wait3A_420 = arith.constant 0 : i32
      %dma_wait3A_421 = tpu.memref_slice %arg2[%mul3A_413, %dma_wait3A_420] : memref<163840x32xf32, #tpu.memory_space<hbm>> -> memref<128x32xf32, #tpu.memory_space<hbm>>
      %dma_wait3A_422 = tpu.memref_slice %arg13[%dma_wait3A_415] : memref<8x!tpu.dma_semaphore, #tpu.memory_space<semaphore_mem>> -> memref<1x!tpu.dma_semaphore, #tpu.memory_space<semaphore_mem>>
      %dma_wait3A_423 = tpu.memref_squeeze %dma_wait3A_422 : memref<1x!tpu.dma_semaphore, #tpu.memory_space<semaphore_mem>> -> memref<!tpu.dma_semaphore, #tpu.memory_space<semaphore_mem>>
      %dma_wait3A_424 = arith.constant 0 : i32
      %dma_wait3A_425 = arith.constant 0 : i32
      %dma_wait3A_426 = tpu.memref_slice %arg8[%dma_wait3A_414, %dma_wait3A_424, %dma_wait3A_425] : memref<8x128x32xf32, #tpu.memory_space<vmem>> -> memref<1x128x32xf32, #tpu.memory_space<vmem>>
      %dma_wait3A_427 = tpu.memref_squeeze %dma_wait3A_426 : memref<1x128x32xf32, #tpu.memory_space<vmem>> -> memref<128x32xf32, #tpu.memory_space<vmem>>
      %dma_wait3A_428 = arith.constant 0 : i32
      %dma_wait3A_429 = tpu.memref_slice %arg2[%mul3A_413, %dma_wait3A_428] : memref<163840x32xf32, #tpu.memory_space<hbm>> -> memref<128x32xf32, #tpu.memory_space<hbm>>
      tpu.wait_dma2 semaphore(%dma_wait3A_423 : memref<!tpu.dma_semaphore, #tpu.memory_space<semaphore_mem>>) src(%dma_wait3A_429 : memref<128x32xf32, #tpu.memory_space<hbm>>) dst(%dma_wait3A_427 : memref<128x32xf32, #tpu.memory_space<vmem>>)
      %run_scoped3A_430 = arith.constant 6 : i32
      "tpu.region"() ({
        %run_scoped3A_472 = tpu.sem_alloc : memref<!tpu.dma_semaphore, #tpu.memory_space<semaphore_mem>>
        %dma_start3A_473 = arith.constant 0 : i32
        %dma_start3A_474 = arith.constant 0 : i32
        %dma_start3A_475 = tpu.memref_slice %arg8[%run_scoped3A_430, %dma_start3A_473, %dma_start3A_474] : memref<8x128x32xf32, #tpu.memory_space<vmem>> -> memref<1x128x32xf32, #tpu.memory_space<vmem>>
        %dma_start3A_476 = tpu.memref_squeeze %dma_start3A_475 : memref<1x128x32xf32, #tpu.memory_space<vmem>> -> memref<128x32xf32, #tpu.memory_space<vmem>>
        %dma_start3A_477 = arith.constant 0 : i32
        %dma_start3A_478 = tpu.memref_slice %arg7[%add3A_408, %dma_start3A_477] : memref<80x128xi32, #tpu.memory_space<vmem>> -> memref<1x128xi32, #tpu.memory_space<vmem>>
        %dma_start3A_479 = tpu.memref_squeeze %dma_start3A_478 : memref<1x128xi32, #tpu.memory_space<vmem>> -> memref<128xi32, #tpu.memory_space<vmem>>
        %dma_start3A_480 = arith.constant 0 : i32
        %dma_start3A_481 = arith.constant 0 : i32
        %dma_start3A_482 = tpu.memref_slice %arg12[%dma_start3A_480, %dma_start3A_481] : memref<10016x32xf32, #tpu.memory_space<vmem_shared>> -> memref<10016x32xf32, #tpu.memory_space<vmem_shared>>
        tpu.enqueue_indirect_dma source(%dma_start3A_476 : memref<128x32xf32, #tpu.memory_space<vmem>>) target(%dma_start3A_482 : memref<10016x32xf32, #tpu.memory_space<vmem_shared>>) offsets(%dma_start3A_479 : memref<128xi32, #tpu.memory_space<vmem>>) semaphore(%run_scoped3A_472 : memref<!tpu.dma_semaphore, #tpu.memory_space<semaphore_mem>>) {add = true}
        %dma_wait3A_483 = arith.constant 0 : i32
        %dma_wait3A_484 = arith.constant 0 : i32
        %dma_wait3A_485 = tpu.memref_slice %arg8[%run_scoped3A_430, %dma_wait3A_483, %dma_wait3A_484] : memref<8x128x32xf32, #tpu.memory_space<vmem>> -> memref<1x128x32xf32, #tpu.memory_space<vmem>>
        %dma_wait3A_486 = tpu.memref_squeeze %dma_wait3A_485 : memref<1x128x32xf32, #tpu.memory_space<vmem>> -> memref<128x32xf32, #tpu.memory_space<vmem>>
        %dma_wait3A_487 = arith.constant 0 : i32
        %dma_wait3A_488 = tpu.memref_slice %arg7[%add3A_408, %dma_wait3A_487] : memref<80x128xi32, #tpu.memory_space<vmem>> -> memref<1x128xi32, #tpu.memory_space<vmem>>
        %dma_wait3A_489 = tpu.memref_squeeze %dma_wait3A_488 : memref<1x128xi32, #tpu.memory_space<vmem>> -> memref<128xi32, #tpu.memory_space<vmem>>
        %dma_wait3A_490 = arith.constant 0 : i32
        %dma_wait3A_491 = arith.constant 0 : i32
        %dma_wait3A_492 = tpu.memref_slice %arg12[%dma_wait3A_490, %dma_wait3A_491] : memref<10016x32xf32, #tpu.memory_space<vmem_shared>> -> memref<10016x32xf32, #tpu.memory_space<vmem_shared>>
        tpu.wait_indirect_dma semaphore(%run_scoped3A_472 : memref<!tpu.dma_semaphore, #tpu.memory_space<semaphore_mem>>) src(%dma_wait3A_486 : memref<128x32xf32, #tpu.memory_space<vmem>>) dst(%dma_wait3A_492 : memref<10016x32xf32, #tpu.memory_space<vmem_shared>>)
        tpu.yield
      }) : () -> ()
      %add3A_431 = arith.constant 8 : i32
      %add3A_432 = arith.addi %add3A_408, %add3A_431 : i32
      %lt3A_433 = arith.constant 80 : i32
      %lt3A_434 = arith.cmpi slt, %add3A_432, %lt3A_433 : i32
      %convert_element_type3A_435 = arith.extui %lt3A_434 : i1 to i32
      %cond3A_436 = arith.constant 0 : i32
      %cond3A_437 = arith.cmpi ne, %convert_element_type3A_435, %cond3A_436 : i32
      scf.if %cond3A_437 {
        %mul3A_472 = arith.constant 80 : i32
        %mul3A_473 = arith.muli %arg1, %mul3A_472 : i32
        %add3A_474 = arith.addi %mul3A_473, %add3A_408 : i32
        %add3A_475 = arith.constant 8 : i32
        %add3A_476 = arith.addi %add3A_474, %add3A_475 : i32
        %mul3A_477 = arith.constant 128 : i32
        %mul3A_478 = arith.muli %add3A_476, %mul3A_477 : i32
        %dma_start3A_479 = arith.constant 6 : i32
        %dma_start3A_480 = arith.constant 6 : i32
        %dma_start3A_481 = arith.constant 0 : i32
        %dma_start3A_482 = arith.constant 0 : i32
        %dma_start3A_483 = tpu.memref_slice %arg8[%dma_start3A_479, %dma_start3A_481, %dma_start3A_482] : memref<8x128x32xf32, #tpu.memory_space<vmem>> -> memref<1x128x32xf32, #tpu.memory_space<vmem>>
        %dma_start3A_484 = tpu.memref_squeeze %dma_start3A_483 : memref<1x128x32xf32, #tpu.memory_space<vmem>> -> memref<128x32xf32, #tpu.memory_space<vmem>>
        %dma_start3A_485 = arith.constant 0 : i32
        %dma_start3A_486 = tpu.memref_slice %arg2[%mul3A_478, %dma_start3A_485] : memref<163840x32xf32, #tpu.memory_space<hbm>> -> memref<128x32xf32, #tpu.memory_space<hbm>>
        %dma_start3A_487 = tpu.memref_slice %arg13[%dma_start3A_480] : memref<8x!tpu.dma_semaphore, #tpu.memory_space<semaphore_mem>> -> memref<1x!tpu.dma_semaphore, #tpu.memory_space<semaphore_mem>>
        %dma_start3A_488 = tpu.memref_squeeze %dma_start3A_487 : memref<1x!tpu.dma_semaphore, #tpu.memory_space<semaphore_mem>> -> memref<!tpu.dma_semaphore, #tpu.memory_space<semaphore_mem>>
        %dma_start3A_489 = arith.constant 0 : i32
        %dma_start3A_490 = arith.constant 0 : i32
        %dma_start3A_491 = tpu.memref_slice %arg8[%dma_start3A_479, %dma_start3A_489, %dma_start3A_490] : memref<8x128x32xf32, #tpu.memory_space<vmem>> -> memref<1x128x32xf32, #tpu.memory_space<vmem>>
        %dma_start3A_492 = tpu.memref_squeeze %dma_start3A_491 : memref<1x128x32xf32, #tpu.memory_space<vmem>> -> memref<128x32xf32, #tpu.memory_space<vmem>>
        %dma_start3A_493 = arith.constant 0 : i32
        %dma_start3A_494 = tpu.memref_slice %arg2[%mul3A_478, %dma_start3A_493] : memref<163840x32xf32, #tpu.memory_space<hbm>> -> memref<128x32xf32, #tpu.memory_space<hbm>>
        tpu.enqueue_dma source(%dma_start3A_494 : memref<128x32xf32, #tpu.memory_space<hbm>>) target(%dma_start3A_492 : memref<128x32xf32, #tpu.memory_space<vmem>>) target_semaphore(%dma_start3A_488 : memref<!tpu.dma_semaphore, #tpu.memory_space<semaphore_mem>>)
      } else {
      }
      %mul3A_438 = arith.constant 8 : i32
      %mul3A_439 = arith.muli %scan3A_210, %mul3A_438 : i32
      %add3A_440 = arith.constant 7 : i32
      %add3A_441 = arith.addi %mul3A_439, %add3A_440 : i32
      %mul3A_442 = arith.constant 80 : i32
      %mul3A_443 = arith.muli %arg1, %mul3A_442 : i32
      %add3A_444 = arith.addi %mul3A_443, %add3A_441 : i32
      %mul3A_445 = arith.constant 128 : i32
      %mul3A_446 = arith.muli %add3A_444, %mul3A_445 : i32
      %dma_wait3A_447 = arith.constant 7 : i32
      %dma_wait3A_448 = arith.constant 7 : i32
      %dma_wait3A_449 = arith.constant 0 : i32
      %dma_wait3A_450 = arith.constant 0 : i32
      %dma_wait3A_451 = tpu.memref_slice %arg8[%dma_wait3A_447, %dma_wait3A_449, %dma_wait3A_450] : memref<8x128x32xf32, #tpu.memory_space<vmem>> -> memref<1x128x32xf32, #tpu.memory_space<vmem>>
      %dma_wait3A_452 = tpu.memref_squeeze %dma_wait3A_451 : memref<1x128x32xf32, #tpu.memory_space<vmem>> -> memref<128x32xf32, #tpu.memory_space<vmem>>
      %dma_wait3A_453 = arith.constant 0 : i32
      %dma_wait3A_454 = tpu.memref_slice %arg2[%mul3A_446, %dma_wait3A_453] : memref<163840x32xf32, #tpu.memory_space<hbm>> -> memref<128x32xf32, #tpu.memory_space<hbm>>
      %dma_wait3A_455 = tpu.memref_slice %arg13[%dma_wait3A_448] : memref<8x!tpu.dma_semaphore, #tpu.memory_space<semaphore_mem>> -> memref<1x!tpu.dma_semaphore, #tpu.memory_space<semaphore_mem>>
      %dma_wait3A_456 = tpu.memref_squeeze %dma_wait3A_455 : memref<1x!tpu.dma_semaphore, #tpu.memory_space<semaphore_mem>> -> memref<!tpu.dma_semaphore, #tpu.memory_space<semaphore_mem>>
      %dma_wait3A_457 = arith.constant 0 : i32
      %dma_wait3A_458 = arith.constant 0 : i32
      %dma_wait3A_459 = tpu.memref_slice %arg8[%dma_wait3A_447, %dma_wait3A_457, %dma_wait3A_458] : memref<8x128x32xf32, #tpu.memory_space<vmem>> -> memref<1x128x32xf32, #tpu.memory_space<vmem>>
      %dma_wait3A_460 = tpu.memref_squeeze %dma_wait3A_459 : memref<1x128x32xf32, #tpu.memory_space<vmem>> -> memref<128x32xf32, #tpu.memory_space<vmem>>
      %dma_wait3A_461 = arith.constant 0 : i32
      %dma_wait3A_462 = tpu.memref_slice %arg2[%mul3A_446, %dma_wait3A_461] : memref<163840x32xf32, #tpu.memory_space<hbm>> -> memref<128x32xf32, #tpu.memory_space<hbm>>
      tpu.wait_dma2 semaphore(%dma_wait3A_456 : memref<!tpu.dma_semaphore, #tpu.memory_space<semaphore_mem>>) src(%dma_wait3A_462 : memref<128x32xf32, #tpu.memory_space<hbm>>) dst(%dma_wait3A_460 : memref<128x32xf32, #tpu.memory_space<vmem>>)
      %run_scoped3A_463 = arith.constant 7 : i32
      "tpu.region"() ({
        %run_scoped3A_472 = tpu.sem_alloc : memref<!tpu.dma_semaphore, #tpu.memory_space<semaphore_mem>>
        %dma_start3A_473 = arith.constant 0 : i32
        %dma_start3A_474 = arith.constant 0 : i32
        %dma_start3A_475 = tpu.memref_slice %arg8[%run_scoped3A_463, %dma_start3A_473, %dma_start3A_474] : memref<8x128x32xf32, #tpu.memory_space<vmem>> -> memref<1x128x32xf32, #tpu.memory_space<vmem>>
        %dma_start3A_476 = tpu.memref_squeeze %dma_start3A_475 : memref<1x128x32xf32, #tpu.memory_space<vmem>> -> memref<128x32xf32, #tpu.memory_space<vmem>>
        %dma_start3A_477 = arith.constant 0 : i32
        %dma_start3A_478 = tpu.memref_slice %arg7[%add3A_441, %dma_start3A_477] : memref<80x128xi32, #tpu.memory_space<vmem>> -> memref<1x128xi32, #tpu.memory_space<vmem>>
        %dma_start3A_479 = tpu.memref_squeeze %dma_start3A_478 : memref<1x128xi32, #tpu.memory_space<vmem>> -> memref<128xi32, #tpu.memory_space<vmem>>
        %dma_start3A_480 = arith.constant 0 : i32
        %dma_start3A_481 = arith.constant 0 : i32
        %dma_start3A_482 = tpu.memref_slice %arg12[%dma_start3A_480, %dma_start3A_481] : memref<10016x32xf32, #tpu.memory_space<vmem_shared>> -> memref<10016x32xf32, #tpu.memory_space<vmem_shared>>
        tpu.enqueue_indirect_dma source(%dma_start3A_476 : memref<128x32xf32, #tpu.memory_space<vmem>>) target(%dma_start3A_482 : memref<10016x32xf32, #tpu.memory_space<vmem_shared>>) offsets(%dma_start3A_479 : memref<128xi32, #tpu.memory_space<vmem>>) semaphore(%run_scoped3A_472 : memref<!tpu.dma_semaphore, #tpu.memory_space<semaphore_mem>>) {add = true}
        %dma_wait3A_483 = arith.constant 0 : i32
        %dma_wait3A_484 = arith.constant 0 : i32
        %dma_wait3A_485 = tpu.memref_slice %arg8[%run_scoped3A_463, %dma_wait3A_483, %dma_wait3A_484] : memref<8x128x32xf32, #tpu.memory_space<vmem>> -> memref<1x128x32xf32, #tpu.memory_space<vmem>>
        %dma_wait3A_486 = tpu.memref_squeeze %dma_wait3A_485 : memref<1x128x32xf32, #tpu.memory_space<vmem>> -> memref<128x32xf32, #tpu.memory_space<vmem>>
        %dma_wait3A_487 = arith.constant 0 : i32
        %dma_wait3A_488 = tpu.memref_slice %arg7[%add3A_441, %dma_wait3A_487] : memref<80x128xi32, #tpu.memory_space<vmem>> -> memref<1x128xi32, #tpu.memory_space<vmem>>
        %dma_wait3A_489 = tpu.memref_squeeze %dma_wait3A_488 : memref<1x128xi32, #tpu.memory_space<vmem>> -> memref<128xi32, #tpu.memory_space<vmem>>
        %dma_wait3A_490 = arith.constant 0 : i32
        %dma_wait3A_491 = arith.constant 0 : i32
        %dma_wait3A_492 = tpu.memref_slice %arg12[%dma_wait3A_490, %dma_wait3A_491] : memref<10016x32xf32, #tpu.memory_space<vmem_shared>> -> memref<10016x32xf32, #tpu.memory_space<vmem_shared>>
        tpu.wait_indirect_dma semaphore(%run_scoped3A_472 : memref<!tpu.dma_semaphore, #tpu.memory_space<semaphore_mem>>) src(%dma_wait3A_486 : memref<128x32xf32, #tpu.memory_space<vmem>>) dst(%dma_wait3A_492 : memref<10016x32xf32, #tpu.memory_space<vmem_shared>>)
        tpu.yield
      }) : () -> ()
      %add3A_464 = arith.constant 8 : i32
      %add3A_465 = arith.addi %add3A_441, %add3A_464 : i32
      %lt3A_466 = arith.constant 80 : i32
      %lt3A_467 = arith.cmpi slt, %add3A_465, %lt3A_466 : i32
      %convert_element_type3A_468 = arith.extui %lt3A_467 : i1 to i32
      %cond3A_469 = arith.constant 0 : i32
      %cond3A_470 = arith.cmpi ne, %convert_element_type3A_468, %cond3A_469 : i32
      scf.if %cond3A_470 {
        %mul3A_472 = arith.constant 80 : i32
        %mul3A_473 = arith.muli %arg1, %mul3A_472 : i32
        %add3A_474 = arith.addi %mul3A_473, %add3A_441 : i32
        %add3A_475 = arith.constant 8 : i32
        %add3A_476 = arith.addi %add3A_474, %add3A_475 : i32
        %mul3A_477 = arith.constant 128 : i32
        %mul3A_478 = arith.muli %add3A_476, %mul3A_477 : i32
        %dma_start3A_479 = arith.constant 7 : i32
        %dma_start3A_480 = arith.constant 7 : i32
        %dma_start3A_481 = arith.constant 0 : i32
        %dma_start3A_482 = arith.constant 0 : i32
        %dma_start3A_483 = tpu.memref_slice %arg8[%dma_start3A_479, %dma_start3A_481, %dma_start3A_482] : memref<8x128x32xf32, #tpu.memory_space<vmem>> -> memref<1x128x32xf32, #tpu.memory_space<vmem>>
        %dma_start3A_484 = tpu.memref_squeeze %dma_start3A_483 : memref<1x128x32xf32, #tpu.memory_space<vmem>> -> memref<128x32xf32, #tpu.memory_space<vmem>>
        %dma_start3A_485 = arith.constant 0 : i32
        %dma_start3A_486 = tpu.memref_slice %arg2[%mul3A_478, %dma_start3A_485] : memref<163840x32xf32, #tpu.memory_space<hbm>> -> memref<128x32xf32, #tpu.memory_space<hbm>>
        %dma_start3A_487 = tpu.memref_slice %arg13[%dma_start3A_480] : memref<8x!tpu.dma_semaphore, #tpu.memory_space<semaphore_mem>> -> memref<1x!tpu.dma_semaphore, #tpu.memory_space<semaphore_mem>>
        %dma_start3A_488 = tpu.memref_squeeze %dma_start3A_487 : memref<1x!tpu.dma_semaphore, #tpu.memory_space<semaphore_mem>> -> memref<!tpu.dma_semaphore, #tpu.memory_space<semaphore_mem>>
        %dma_start3A_489 = arith.constant 0 : i32
        %dma_start3A_490 = arith.constant 0 : i32
        %dma_start3A_491 = tpu.memref_slice %arg8[%dma_start3A_479, %dma_start3A_489, %dma_start3A_490] : memref<8x128x32xf32, #tpu.memory_space<vmem>> -> memref<1x128x32xf32, #tpu.memory_space<vmem>>
        %dma_start3A_492 = tpu.memref_squeeze %dma_start3A_491 : memref<1x128x32xf32, #tpu.memory_space<vmem>> -> memref<128x32xf32, #tpu.memory_space<vmem>>
        %dma_start3A_493 = arith.constant 0 : i32
        %dma_start3A_494 = tpu.memref_slice %arg2[%mul3A_478, %dma_start3A_493] : memref<163840x32xf32, #tpu.memory_space<hbm>> -> memref<128x32xf32, #tpu.memory_space<hbm>>
        tpu.enqueue_dma source(%dma_start3A_494 : memref<128x32xf32, #tpu.memory_space<hbm>>) target(%dma_start3A_492 : memref<128x32xf32, #tpu.memory_space<vmem>>) target_semaphore(%dma_start3A_488 : memref<!tpu.dma_semaphore, #tpu.memory_space<semaphore_mem>>)
      } else {
      }
      %scan3A_471 = arith.constant 0 : i32
      scf.yield %scan3A_471 : i32
    }
    %scan3A_190 = arith.constant 10 : i32
    %barrier3A_191 = arith.constant 0 : index
    tpu.barrier barrier_id(%barrier3A_191)
    %mul3A_192 = arith.constant 625 : i32
    %mul3A_193 = arith.muli %arg1, %mul3A_192 : i32
    "tpu.region"() ({
      %run_scoped3A = tpu.sem_alloc : memref<!tpu.dma_semaphore, #tpu.memory_space<semaphore_mem>>
      %dma_start3A_210 = arith.constant 0 : i32
      %dma_start3A_211 = arith.constant 0 : i32
      %dma_start3A_212 = tpu.memref_slice %arg9[%dma_start3A_210, %dma_start3A_211] : memref<626x32xf32, #tpu.memory_space<vmem>> -> memref<625x32xf32, #tpu.memory_space<vmem>>
      %dma_start3A_213 = arith.constant 0 : i32
      %dma_start3A_214 = tpu.memref_slice %arg12[%mul3A_193, %dma_start3A_213] : memref<10016x32xf32, #tpu.memory_space<vmem_shared>> -> memref<625x32xf32, #tpu.memory_space<vmem_shared>>
      %dma_start3A_215 = arith.constant 0 : i32
      %dma_start3A_216 = arith.constant 0 : i32
      %dma_start3A_217 = tpu.memref_slice %arg9[%dma_start3A_215, %dma_start3A_216] : memref<626x32xf32, #tpu.memory_space<vmem>> -> memref<625x32xf32, #tpu.memory_space<vmem>>
      %dma_start3A_218 = arith.constant 0 : i32
      %dma_start3A_219 = tpu.memref_slice %arg12[%mul3A_193, %dma_start3A_218] : memref<10016x32xf32, #tpu.memory_space<vmem_shared>> -> memref<625x32xf32, #tpu.memory_space<vmem_shared>>
      tpu.enqueue_dma source(%dma_start3A_219 : memref<625x32xf32, #tpu.memory_space<vmem_shared>>) target(%dma_start3A_217 : memref<625x32xf32, #tpu.memory_space<vmem>>) target_semaphore(%run_scoped3A : memref<!tpu.dma_semaphore, #tpu.memory_space<semaphore_mem>>)
      %dma_wait3A = arith.constant 0 : i32
      %dma_wait3A_220 = arith.constant 0 : i32
      %dma_wait3A_221 = tpu.memref_slice %arg9[%dma_wait3A, %dma_wait3A_220] : memref<626x32xf32, #tpu.memory_space<vmem>> -> memref<625x32xf32, #tpu.memory_space<vmem>>
      %dma_wait3A_222 = arith.constant 0 : i32
      %dma_wait3A_223 = tpu.memref_slice %arg12[%mul3A_193, %dma_wait3A_222] : memref<10016x32xf32, #tpu.memory_space<vmem_shared>> -> memref<625x32xf32, #tpu.memory_space<vmem_shared>>
      %dma_wait3A_224 = arith.constant 0 : i32
      %dma_wait3A_225 = arith.constant 0 : i32
      %dma_wait3A_226 = tpu.memref_slice %arg9[%dma_wait3A_224, %dma_wait3A_225] : memref<626x32xf32, #tpu.memory_space<vmem>> -> memref<625x32xf32, #tpu.memory_space<vmem>>
      %dma_wait3A_227 = arith.constant 0 : i32
      %dma_wait3A_228 = tpu.memref_slice %arg12[%mul3A_193, %dma_wait3A_227] : memref<10016x32xf32, #tpu.memory_space<vmem_shared>> -> memref<625x32xf32, #tpu.memory_space<vmem_shared>>
      tpu.wait_dma2 semaphore(%run_scoped3A : memref<!tpu.dma_semaphore, #tpu.memory_space<semaphore_mem>>) src(%dma_wait3A_228 : memref<625x32xf32, #tpu.memory_space<vmem_shared>>) dst(%dma_wait3A_226 : memref<625x32xf32, #tpu.memory_space<vmem>>)
      tpu.yield
    }) : () -> ()
    %mul3A_194 = arith.constant 625 : i32
    %mul3A_195 = arith.muli %arg1, %mul3A_194 : i32
    "tpu.region"() ({
      %run_scoped3A = tpu.sem_alloc : memref<!tpu.dma_semaphore, #tpu.memory_space<semaphore_mem>>
      %dma_start3A_210 = arith.constant 0 : i32
      %dma_start3A_211 = tpu.memref_slice %arg4[%mul3A_195, %dma_start3A_210] : memref<10000x32xf32, #tpu.memory_space<hbm>> -> memref<625x32xf32, #tpu.memory_space<hbm>>
      %dma_start3A_212 = arith.constant 0 : i32
      %dma_start3A_213 = tpu.memref_slice %arg4[%mul3A_195, %dma_start3A_212] : memref<10000x32xf32, #tpu.memory_space<hbm>> -> memref<625x32xf32, #tpu.memory_space<hbm>>
      tpu.enqueue_dma source(%dma_start3A_213 : memref<625x32xf32, #tpu.memory_space<hbm>>) target(%arg10 : memref<625x32xf32, #tpu.memory_space<vmem>>) target_semaphore(%run_scoped3A : memref<!tpu.dma_semaphore, #tpu.memory_space<semaphore_mem>>)
      %dma_wait3A = arith.constant 0 : i32
      %dma_wait3A_214 = tpu.memref_slice %arg4[%mul3A_195, %dma_wait3A] : memref<10000x32xf32, #tpu.memory_space<hbm>> -> memref<625x32xf32, #tpu.memory_space<hbm>>
      %dma_wait3A_215 = arith.constant 0 : i32
      %dma_wait3A_216 = tpu.memref_slice %arg4[%mul3A_195, %dma_wait3A_215] : memref<10000x32xf32, #tpu.memory_space<hbm>> -> memref<625x32xf32, #tpu.memory_space<hbm>>
      tpu.wait_dma2 semaphore(%run_scoped3A : memref<!tpu.dma_semaphore, #tpu.memory_space<semaphore_mem>>) src(%dma_wait3A_216 : memref<625x32xf32, #tpu.memory_space<hbm>>) dst(%arg10 : memref<625x32xf32, #tpu.memory_space<vmem>>)
      tpu.yield
    }) : () -> ()
    "tpu.region"() ({
      %run_scoped3A = tpu.sem_alloc : memref<!tpu.dma_semaphore, #tpu.memory_space<semaphore_mem>>
      tpu.enqueue_dma source(%arg5 : memref<32xf32, #tpu.memory_space<hbm>>) target(%arg11 : memref<32xf32, #tpu.memory_space<vmem>>) target_semaphore(%run_scoped3A : memref<!tpu.dma_semaphore, #tpu.memory_space<semaphore_mem>>)
      tpu.wait_dma2 semaphore(%run_scoped3A : memref<!tpu.dma_semaphore, #tpu.memory_space<semaphore_mem>>) src(%arg5 : memref<32xf32, #tpu.memory_space<hbm>>) dst(%arg11 : memref<32xf32, #tpu.memory_space<vmem>>)
      tpu.yield
    }) : () -> ()
    %get3A = arith.constant 0 : index
    %get3A_196 = tpu.vector_load %arg11[%get3A] {strides = array<i32>} : memref<32xf32, #tpu.memory_space<vmem>>, vector<16xf32>,
    %get3A_197 = vector.shape_cast %get3A_196 : vector<16xf32> to vector<16xf32>
    %get3A_198 = arith.constant 16 : index
    %get3A_199 = tpu.vector_load %arg11[%get3A_198] {strides = array<i32>} : memref<32xf32, #tpu.memory_space<vmem>>, vector<16xf32>,
    %get3A_200 = vector.shape_cast %get3A_199 : vector<16xf32> to vector<16xf32>
    %scan3A_201 = arith.constant 0 : i32
    %scan3A_202 = arith.constant 0 : i32
    %scan3A_203 = arith.constant 625 : i32
    %scan3A_204 = arith.addi %scan3A_202, %scan3A_203 : i32
    %scan3A_205 = arith.constant 1 : i32
    %scan3A_206 = scf.for %scan3A_210 = %scan3A_202 to %scan3A_204 step %scan3A_205 iter_args(%scan3A_211 = %scan3A_201) -> (i32)  : i32 {
      %get3A_212 = arith.index_cast %scan3A_210 : i32 to index
      %get3A_213 = arith.constant 0 : index
      %get3A_214 = tpu.vector_load %arg9[%get3A_212, %get3A_213] {strides = array<i32>} : memref<626x32xf32, #tpu.memory_space<vmem>>, vector<1x16xf32>,
      %get3A_215 = vector.shape_cast %get3A_214 : vector<1x16xf32> to vector<16xf32>
      %get3A_216 = arith.index_cast %scan3A_210 : i32 to index
      %get3A_217 = arith.constant 0 : index
      %get3A_218 = tpu.vector_load %arg10[%get3A_216, %get3A_217] {strides = array<i32>} : memref<625x32xf32, #tpu.memory_space<vmem>>, vector<1x16xf32>,
      %get3A_219 = vector.shape_cast %get3A_218 : vector<1x16xf32> to vector<16xf32>
      %add3A_220 = arith.addf %get3A_215, %get3A_219 : vector<16xf32>
      %add3A_221 = arith.addf %add3A_220, %get3A_197 : vector<16xf32>
      %swap3A = arith.index_cast %scan3A_210 : i32 to index
      %swap3A_222 = arith.constant 0 : index
      %swap3A_223 = tpu.vector_load %arg9[%swap3A, %swap3A_222] {strides = array<i32>} : memref<626x32xf32, #tpu.memory_space<vmem>>, vector<1x16xf32>,
      %swap3A_224 = vector.shape_cast %swap3A_223 : vector<1x16xf32> to vector<16xf32>
      %swap3A_225 = vector.shape_cast %add3A_221 : vector<16xf32> to vector<1x16xf32>
      tpu.vector_store %arg9[%swap3A, %swap3A_222], %swap3A_225 {strides = array<i32>} : memref<626x32xf32, #tpu.memory_space<vmem>>, vector<1x16xf32>,
      %get3A_226 = arith.index_cast %scan3A_210 : i32 to index
      %get3A_227 = arith.constant 16 : index
      %get3A_228 = tpu.vector_load %arg9[%get3A_226, %get3A_227] {strides = array<i32>} : memref<626x32xf32, #tpu.memory_space<vmem>>, vector<1x16xf32>,
      %get3A_229 = vector.shape_cast %get3A_228 : vector<1x16xf32> to vector<16xf32>
      %get3A_230 = arith.index_cast %scan3A_210 : i32 to index
      %get3A_231 = arith.constant 16 : index
      %get3A_232 = tpu.vector_load %arg10[%get3A_230, %get3A_231] {strides = array<i32>} : memref<625x32xf32, #tpu.memory_space<vmem>>, vector<1x16xf32>,
      %get3A_233 = vector.shape_cast %get3A_232 : vector<1x16xf32> to vector<16xf32>
      %add3A_234 = arith.addf %get3A_229, %get3A_233 : vector<16xf32>
      %add3A_235 = arith.addf %add3A_234, %get3A_200 : vector<16xf32>
      %swap3A_236 = arith.index_cast %scan3A_210 : i32 to index
      %swap3A_237 = arith.constant 16 : index
      %swap3A_238 = tpu.vector_load %arg9[%swap3A_236, %swap3A_237] {strides = array<i32>} : memref<626x32xf32, #tpu.memory_space<vmem>>, vector<1x16xf32>,
      %swap3A_239 = vector.shape_cast %swap3A_238 : vector<1x16xf32> to vector<16xf32>
      %swap3A_240 = vector.shape_cast %add3A_235 : vector<16xf32> to vector<1x16xf32>
      tpu.vector_store %arg9[%swap3A_236, %swap3A_237], %swap3A_240 {strides = array<i32>} : memref<626x32xf32, #tpu.memory_space<vmem>>, vector<1x16xf32>,
      %scan3A_241 = arith.constant 0 : i32
      scf.yield %scan3A_241 : i32
    }
    %scan3A_207 = arith.constant 625 : i32
    %mul3A_208 = arith.constant 625 : i32
    %mul3A_209 = arith.muli %arg1, %mul3A_208 : i32
    "tpu.region"() ({
      %run_scoped3A = tpu.sem_alloc : memref<!tpu.dma_semaphore, #tpu.memory_space<semaphore_mem>>
      %dma_start3A_210 = arith.constant 0 : i32
      %dma_start3A_211 = arith.constant 0 : i32
      %dma_start3A_212 = tpu.memref_slice %arg9[%dma_start3A_210, %dma_start3A_211] : memref<626x32xf32, #tpu.memory_space<vmem>> -> memref<625x32xf32, #tpu.memory_space<vmem>>
      %dma_start3A_213 = arith.constant 0 : i32
      %dma_start3A_214 = tpu.memref_slice %arg6[%mul3A_209, %dma_start3A_213] : memref<10000x32xf32, #tpu.memory_space<hbm>> -> memref<625x32xf32, #tpu.memory_space<hbm>>
      %dma_start3A_215 = arith.constant 0 : i32
      %dma_start3A_216 = tpu.memref_slice %arg6[%mul3A_209, %dma_start3A_215] : memref<10000x32xf32, #tpu.memory_space<hbm>> -> memref<625x32xf32, #tpu.memory_space<hbm>>
      %dma_start3A_217 = arith.constant 0 : i32
      %dma_start3A_218 = arith.constant 0 : i32
      %dma_start3A_219 = tpu.memref_slice %arg9[%dma_start3A_217, %dma_start3A_218] : memref<626x32xf32, #tpu.memory_space<vmem>> -> memref<625x32xf32, #tpu.memory_space<vmem>>
      tpu.enqueue_dma source(%dma_start3A_219 : memref<625x32xf32, #tpu.memory_space<vmem>>) target(%dma_start3A_216 : memref<625x32xf32, #tpu.memory_space<hbm>>) target_semaphore(%run_scoped3A : memref<!tpu.dma_semaphore, #tpu.memory_space<semaphore_mem>>)
      %dma_wait3A = arith.constant 0 : i32
      %dma_wait3A_220 = arith.constant 0 : i32
      %dma_wait3A_221 = tpu.memref_slice %arg9[%dma_wait3A, %dma_wait3A_220] : memref<626x32xf32, #tpu.memory_space<vmem>> -> memref<625x32xf32, #tpu.memory_space<vmem>>
      %dma_wait3A_222 = arith.constant 0 : i32
      %dma_wait3A_223 = tpu.memref_slice %arg6[%mul3A_209, %dma_wait3A_222] : memref<10000x32xf32, #tpu.memory_space<hbm>> -> memref<625x32xf32, #tpu.memory_space<hbm>>
      %dma_wait3A_224 = arith.constant 0 : i32
      %dma_wait3A_225 = tpu.memref_slice %arg6[%mul3A_209, %dma_wait3A_224] : memref<10000x32xf32, #tpu.memory_space<hbm>> -> memref<625x32xf32, #tpu.memory_space<hbm>>
      %dma_wait3A_226 = arith.constant 0 : i32
      %dma_wait3A_227 = arith.constant 0 : i32
      %dma_wait3A_228 = tpu.memref_slice %arg9[%dma_wait3A_226, %dma_wait3A_227] : memref<626x32xf32, #tpu.memory_space<vmem>> -> memref<625x32xf32, #tpu.memory_space<vmem>>
      tpu.wait_dma2 semaphore(%run_scoped3A : memref<!tpu.dma_semaphore, #tpu.memory_space<semaphore_mem>>) src(%dma_wait3A_228 : memref<625x32xf32, #tpu.memory_space<vmem>>) dst(%dma_wait3A_225 : memref<625x32xf32, #tpu.memory_space<hbm>>)
      tpu.yield
    }) : () -> ()
    return
  }
}

module attributes {stable_mosaic.version = 14 : i64} {
  func.func @_mm_body(%arg0: i32, %arg1: memref<2048x128xf32, #tpu.memory_space<vmem>>, %arg2: memref<2048x64xbf16, #tpu.memory_space<vmem>>, %arg3: memref<128x2048xbf16, #tpu.memory_space<vmem>>, %arg4: memref<64x2048xbf16, #tpu.memory_space<vmem>>, %arg5: memref<2048x128xbf16, #tpu.memory_space<vmem>>, %arg6: memref<128x128xbf16, #tpu.memory_space<vmem>>, %arg7: memref<2048x128xf32, #tpu.memory_space<vmem>>) attributes {dimension_semantics = [#tpu.dimension_semantics<arbitrary>], iteration_bounds = array<i64: 20>, scalar_prefetch = 0 : i64, scratch_operands = 0 : i64, tpu.core_type = #tpu.core_type<tc>, window_params = [{transform_indices = @transform_0, window_bounds = array<i64: 2048, 128>}, {transform_indices = @transform_1, window_bounds = array<i64: 2048, 64>}, {pipeline_mode = #tpu.pipeline_mode<synchronous>, transform_indices = @transform_2, window_bounds = array<i64: 128, 2048>}, {pipeline_mode = #tpu.pipeline_mode<synchronous>, transform_indices = @transform_3, window_bounds = array<i64: 64, 2048>}, {pipeline_mode = #tpu.pipeline_mode<synchronous>, transform_indices = @transform_4, window_bounds = array<i64: 2048, 128>}, {pipeline_mode = #tpu.pipeline_mode<synchronous>, transform_indices = @transform_5, window_bounds = array<i64: 128, 128>}, {transform_indices = @transform_6, window_bounds = array<i64: 2048, 128>}]} {
    %get3A = arith.constant 0 : index
    %get3A_0 = arith.constant 0 : index
    %get3A_1 = vector.load %arg1[%get3A, %get3A_0] : memref<2048x128xf32, #tpu.memory_space<vmem>>, vector<2048x128xf32>
    %convert_element_type3A = arith.truncf %get3A_1 : vector<2048x128xf32> to vector<2048x128xbf16>
    %get3A_2 = arith.constant 0 : index
    %get3A_3 = arith.constant 0 : index
    %get3A_4 = vector.load %arg3[%get3A_2, %get3A_3] : memref<128x2048xbf16, #tpu.memory_space<vmem>>, vector<128x2048xbf16>
    %dot_general3A = arith.constant dense<0.000000e+00> : vector<2048x2048xf32>
    %dot_general3A_5 = tpu.matmul %convert_element_type3A, %get3A_4, %dot_general3A {dimension_numbers = #tpu.dot_dimension_numbers<[1], [0], [0], [1], [0, 0, 1, 1], [], []>, transpose_lhs_hint = false} : vector<2048x128xbf16>, vector<128x2048xbf16>, vector<2048x2048xf32> -> vector<2048x2048xf32>
    %get3A_6 = arith.constant 0 : index
    %get3A_7 = arith.constant 0 : index
    %get3A_8 = vector.load %arg2[%get3A_6, %get3A_7] : memref<2048x64xbf16, #tpu.memory_space<vmem>>, vector<2048x64xbf16>
    %get3A_9 = arith.constant 0 : index
    %get3A_10 = arith.constant 0 : index
    %get3A_11 = vector.load %arg4[%get3A_9, %get3A_10] : memref<64x2048xbf16, #tpu.memory_space<vmem>>, vector<64x2048xbf16>
    %dot_general3A_12 = arith.constant dense<0.000000e+00> : vector<2048x2048xf32>
    %dot_general3A_13 = tpu.matmul %get3A_8, %get3A_11, %dot_general3A_12 {dimension_numbers = #tpu.dot_dimension_numbers<[1], [0], [0], [1], [0, 0, 1, 1], [], []>, transpose_lhs_hint = false} : vector<2048x64xbf16>, vector<64x2048xbf16>, vector<2048x2048xf32> -> vector<2048x2048xf32>
    %mul3A = arith.mulf %dot_general3A_5, %dot_general3A_13 : vector<2048x2048xf32>
    %convert_element_type3A_14 = arith.truncf %mul3A : vector<2048x2048xf32> to vector<2048x2048xbf16>
    %get3A_15 = arith.constant 0 : index
    %get3A_16 = arith.constant 0 : index
    %get3A_17 = vector.load %arg5[%get3A_15, %get3A_16] : memref<2048x128xbf16, #tpu.memory_space<vmem>>, vector<2048x128xbf16>
    %dot_general3A_18 = arith.constant dense<0.000000e+00> : vector<2048x128xf32>
    %dot_general3A_19 = tpu.matmul %convert_element_type3A_14, %get3A_17, %dot_general3A_18 {dimension_numbers = #tpu.dot_dimension_numbers<[1], [0], [0], [1], [0, 0, 1, 1], [], []>, transpose_lhs_hint = false} : vector<2048x2048xbf16>, vector<2048x128xbf16>, vector<2048x128xf32> -> vector<2048x128xf32>
    %get3A_20 = arith.constant 0 : index
    %get3A_21 = arith.constant 0 : index
    %get3A_22 = vector.load %arg6[%get3A_20, %get3A_21] : memref<128x128xbf16, #tpu.memory_space<vmem>>, vector<128x128xbf16>
    %dot_general3A_23 = arith.constant dense<0.000000e+00> : vector<2048x128xf32>
    %dot_general3A_24 = tpu.matmul %convert_element_type3A, %get3A_22, %dot_general3A_23 {dimension_numbers = #tpu.dot_dimension_numbers<[1], [0], [0], [1], [0, 0, 1, 1], [], []>, transpose_lhs_hint = false} : vector<2048x128xbf16>, vector<128x128xbf16>, vector<2048x128xf32> -> vector<2048x128xf32>
    %add3A = arith.addf %dot_general3A_19, %dot_general3A_24 : vector<2048x128xf32>
    %swap3A = arith.constant 0 : index
    %swap3A_25 = arith.constant 0 : index
    %swap3A_26 = vector.load %arg7[%swap3A, %swap3A_25] : memref<2048x128xf32, #tpu.memory_space<vmem>>, vector<2048x128xf32>
    tpu.vector_store %arg7[%swap3A, %swap3A_25], %add3A {strides = array<i32>} : memref<2048x128xf32, #tpu.memory_space<vmem>>, vector<2048x128xf32>,
    return
  }
  func.func @transform_0(%arg0: i32) -> (i32, i32) {
    %c0_i32 = arith.constant 0 : i32
    %c0_i32_0 = arith.constant 0 : i32
    return %arg0, %c0_i32 : i32, i32
  }
  func.func @transform_1(%arg0: i32) -> (i32, i32) {
    %c0_i32 = arith.constant 0 : i32
    %c0_i32_0 = arith.constant 0 : i32
    return %arg0, %c0_i32 : i32, i32
  }
  func.func @transform_2(%arg0: i32) -> (i32, i32) {
    %c0_i32 = arith.constant 0 : i32
    %c0_i32_0 = arith.constant 0 : i32
    %c0_i32_1 = arith.constant 0 : i32
    return %c0_i32, %c0_i32_0 : i32, i32
  }
  func.func @transform_3(%arg0: i32) -> (i32, i32) {
    %c0_i32 = arith.constant 0 : i32
    %c0_i32_0 = arith.constant 0 : i32
    %c0_i32_1 = arith.constant 0 : i32
    return %c0_i32, %c0_i32_0 : i32, i32
  }
  func.func @transform_4(%arg0: i32) -> (i32, i32) {
    %c0_i32 = arith.constant 0 : i32
    %c0_i32_0 = arith.constant 0 : i32
    %c0_i32_1 = arith.constant 0 : i32
    return %c0_i32, %c0_i32_0 : i32, i32
  }
  func.func @transform_5(%arg0: i32) -> (i32, i32) {
    %c0_i32 = arith.constant 0 : i32
    %c0_i32_0 = arith.constant 0 : i32
    %c0_i32_1 = arith.constant 0 : i32
    return %c0_i32, %c0_i32_0 : i32, i32
  }
  func.func @transform_6(%arg0: i32) -> (i32, i32) {
    %c0_i32 = arith.constant 0 : i32
    %c0_i32_0 = arith.constant 0 : i32
    return %arg0, %c0_i32 : i32, i32
  }
}

</mosaic_0001>

<sc_bundles>
// kernel: kernel.11.cloned.1.call-start
scs
__scs_entry_jumppad:
0x0: {  	(pc) =	sbr.rel $0x88, $3  }
0x1: {  	(tag) =	ssettag $0x0;
	lr =	simm.s32 $0x1  }
0x2: {  	[smem:$0x3F9A] =	sst lr;
	_ =	strace $0xD0000000  }
0x3: {  	_ = 	snop  }
0x4: {  	_ = 	snop  }
0x5: {  	_ = 	snop  }
0x6: {  	_ = 	snop  }
0x7: {  	_ = 	snop  }
__scs_overlays_trampoline_lowered:
0x8: {  	[smem:$0x3FA9] =	sst s0  }
0x9: {  	[smem:$0x3FAA] =	sst s1  }
0xa: {  	[smem:$0x3FAB] =	sst s2  }
0xb: {  	[smem:$0x3FAC] =	sst s3  }
0xc: {  	[smem:$0x3FAD] =	sst s4  }
0xd: {  	[smem:$0x3FAE] =	sst s5  }
0xe: {  	[smem:$0x3FAF] =	sst s6  }
0xf: {  	[smem:$0x3FB0] =	sst s7  }
0x10: {  	[smem:$0x3FB1] =	sst s8  }
0x11: {  	[smem:$0x3FB2] =	sst s9;
	s0 =	simm.s32 @!p0 $0x0  }
0x12: {  	s1 =	sld [smem:$0x3F98];
	s0 =	simm.s32 @p0 $0x1  }
0x13: {  	[smem:$0x3FB3] =	sst s0;
	s0 =	simm.s32 @!p1 $0x0  }
0x14: {  	s2 =	sld [smem:$0x3F97];
	s0 =	simm.s32 @p1 $0x1  }
0x15: {  	[smem:$0x3FB4] =	sst s0;
	s0 =	simm.s32 @!p2 $0x0  }
0x16: {  	s3 =	sld [smem:$0x3FDB];
	s0 =	simm.s32 @p2 $0x1  }
0x17: {  	s4 =	simm.s32 $0x1BF5;
	[smem:$0x3FB6] =	sst s0  }
0x18: {  	s0 =	sld [smem:$0x3F99];
	_ =	swait.ge [sflag:s4], $0x0  }
0x19: {  	s7 =	sld [smem:$0x3F9A]  }
0x1a: {  	s8 =	sadd.s32 $0xFFFFE003, lr  }
0x1b: {  	s9 =	sadd.s32 $0xFFFFFEF7, lr;
	s5 =	simm.s32 $0xFFFFFFFF;
	p2 =	slt.u32 s8, $0xFFFFF086  }
0x1c: {  	p1 =	slt.u32 s9, $0xF7A;
	s5 =	simm.s32 @!p2 $0x0  }
0x1d: {  	s5 =	simm.s32 @p1 $0x1;
	p0 =	seq.s32 s7, s2  }
0x1e: {  	s7 =	smul.u32 @!p0 $0xF7A, s2;
	p2 =	seq.s32 @!p0 s5, $0x0  }
0x1f: {  	s9 =	smul.u32 $0xF7A, s1;
	s8 =	simm.s32 @!p0 $0x1BF5;
	p2 =	por !p2, p0  }
0x20: {  	[sflag:s8] =	ssyncset.s32 @!p0 $0xFFFFF086;
	s6 =	sadd.s32 @!p0 s3, s7;
	s7 =	simm.s32 @!p0 $0x108  }
0x21: {  	s3 =	sadd.s32 s3, s9;
	s6 =	sadd.s32 @!p0 $0x88, s6;
	s7 =	simm.s32 @p2 $0x1082  }
0x22: {  	[simem:s7], [sflag:s8] =	dma.local @!p0 [hbm:s6], $0xF7A  }
0x23: {  	s9 =	sor.u32 $0xD0000000, s2;
	s6 =	simm.s32 $0x108;
	_ =	swait.ge @!p0 [sflag:s8], $0x0  }
0x24: {  	s3 =	sadd.s32 $0x88, s3;
	s6 =	simm.s32 @!p1 $0x1082;
	[sflag:s4] =	ssyncset.s32 $0xFFFFF086  }
0x25: {  	[simem:s6], [sflag:s4] =	dma.local [hbm:s3], $0xF7A  }
0x26: {  	[smem:$0x3F9A] =	sst s1;
	(tag) =	ssettag s2;
	_ =	strace s9  }
0x27: {  	s1 =	sld [smem:$0x3FAA]  }
0x28: {  	s2 =	sld [smem:$0x3FAB]  }
0x29: {  	s4 =	sld [smem:$0x3FAD]  }
0x2a: {  	p0 =	seq.s32 s5, $0x0;
	s5 =	sld [smem:$0x3FAE]  }
0x2b: {  	s6 =	sld [smem:$0x3FAF]  }
0x2c: {  	s7 =	sld [smem:$0x3FB0]  }
0x2d: {  	s3 =	simm.s32 $0x108;
	s8 =	sld [smem:$0x3FB1]  }
0x2e: {  	s3 =	simm.s32 @!p0 $0x1082;
	s9 =	sld [smem:$0x3FB2]  }
0x2f: {  	lr =	sadd.s32 s0, s3;
	s0 =	sld [smem:$0x3FA9]  }
0x30: {  	s3 =	sld [smem:$0x3FAC]  }
0x31: {  	[smem:$0x3FB5] =	sst s10  }
0x32: {  	s10 =	sld [smem:$0x3FB3];
	_ =	sdelay $0x3  }
0x33: {  	p0 =	seq.s32 s10, $0x1;
	s10 =	sld [smem:$0x3FB5];
	_ =	sdelay $0x3  }
0x34: {  	[smem:$0x3FB5] =	sst s10  }
0x35: {  	s10 =	sld [smem:$0x3FB4];
	_ =	sdelay $0x3  }
0x36: {  	p1 =	seq.s32 s10, $0x1;
	s10 =	sld [smem:$0x3FB5];
	_ =	sdelay $0x3  }
0x37: {  	[smem:$0x3FB5] =	sst s10  }
0x38: {  	s10 =	sld [smem:$0x3FB6]  }
0x39: {  	_ = 	snop;
	(pc) =	sbr.ind lr, $3  }
0x3a: {  	_ = 	snop  }
0x3b: {  	_ = 	snop  }
0x3c: {  	p2 =	seq.s32 s10, $0x1;
	s10 =	sld [smem:$0x3FB5]  }
0x3d: {  	_ =	shalt  }
0x3e: {  	_ =	shalt  }
0x3f: {  	_ =	shalt  }
0x40: {  	_ =	shalt  }
0x41: {  	_ =	shalt  }
0x42: {  	_ =	shalt  }
0x43: {  	_ =	shalt  }
0x44: {  	_ =	shalt  }
0x45: {  	_ =	shalt  }
0x46: {  	_ =	shalt  }
0x47: {  	_ =	shalt  }
0x48: {  	_ =	shalt  }
0x49: {  	_ =	shalt  }
0x4a: {  	_ =	shalt  }
0x4b: {  	_ =	shalt  }
0x4c: {  	_ =	shalt  }
0x4d: {  	_ =	shalt  }
0x4e: {  	_ =	shalt  }
0x4f: {  	_ =	shalt  }
0x50: {  	_ =	shalt  }
0x51: {  	_ =	shalt  }
0x52: {  	_ =	shalt  }
0x53: {  	_ =	shalt  }
0x54: {  	_ =	shalt  }
0x55: {  	_ =	shalt  }
0x56: {  	_ =	shalt  }
0x57: {  	_ =	shalt  }
0x58: {  	_ =	shalt  }
0x59: {  	_ =	shalt  }
0x5a: {  	_ =	shalt  }
0x5b: {  	_ =	shalt  }
0x5c: {  	_ =	shalt  }
0x5d: {  	_ =	shalt  }
0x5e: {  	_ =	shalt  }
0x5f: {  	_ =	shalt  }
0x60: {  	_ =	shalt  }
0x61: {  	_ =	shalt  }
0x62: {  	_ =	shalt  }
0x63: {  	_ =	shalt  }
0x64: {  	_ =	shalt  }
0x65: {  	_ =	shalt  }
0x66: {  	_ =	shalt  }
0x67: {  	_ =	shalt  }
0x68: {  	_ =	shalt  }
0x69: {  	_ =	shalt  }
0x6a: {  	_ =	shalt  }
0x6b: {  	_ =	shalt  }
0x6c: {  	_ =	shalt  }
0x6d: {  	_ =	shalt  }
0x6e: {  	_ =	shalt  }
0x6f: {  	_ =	shalt  }
0x70: {  	_ =	shalt  }
0x71: {  	_ =	shalt  }
0x72: {  	_ =	shalt  }
0x73: {  	_ =	shalt  }
0x74: {  	_ =	shalt  }
0x75: {  	_ =	shalt  }
0x76: {  	_ =	shalt  }
0x77: {  	_ =	shalt  }
0x78: {  	_ =	shalt  }
0x79: {  	_ =	shalt  }
0x7a: {  	_ =	shalt  }
0x7b: {  	_ =	shalt  }
0x7c: {  	_ =	shalt  }
0x7d: {  	_ =	shalt  }
0x7e: {  	_ =	shalt  }
0x7f: {  	_ =	shalt  }
0x80: {  	_ =	shalt  }
0x81: {  	_ =	shalt  }
0x82: {  	_ =	shalt  }
0x83: {  	_ =	shalt  }
0x84: {  	_ =	shalt  }
0x85: {  	_ =	shalt  }
0x86: {  	_ =	shalt  }
0x87: {  	_ =	shalt  }
.Lfunc_end0:
.L_simem_size_0:
called_computation.1_lowered:
.L_overlay_start_0:
0x88: {  	s0 =	sld [smem:$0x3FD9]  }
0x89: {  	s1 =	sld [smem:$0x3FFE];
	_ =	sdelay $0x3  }
0x8a: {  	s0 =	sadd.s32 s1, s0  }
0x8b: {  	[smem:$0x3FC1] =	sst s0  }
0x8c: {  	_ = 	snop  }
0x8d: {  	s0 =	sld [smem:$0x3FC4]  }
0x8e: {  	s16 =	sld [smem:$0x3FD0];
	(tm) =	ssettm $0x1  }
0x8f: {  	s2 =	sld [smem:$0x3FFB];
	_ =	sdelay $0x3  }
0x90: {  	_ =	strace s2  }
0x91: {  	s2 =	sld [smem:$0x3FFC];
	_ =	sdelay $0x3  }
0x92: {  	_ =	strace s2  }
0x93: {  	s2 =	sld [smem:$0x3FFD];
	_ =	sdelay $0x3  }
0x94: {  	_ =	strace s2  }
0x95: {  	_ =	strace $0x8FFFFFFF  }
0x96: {  	s17 =	sld [smem:$0x3FDB];
	_ =	sdelay $0x1  }
0x97: {  	s3 =	simm.s32 $_scs_section_size  }
0x98: {  	s4 =	simm.s32 $_size__tile_overlayer_lowered;
	s5 =	simm.s32 $_tile_overlayer_lowered  }
0x99: {  	s20 =	simm.s32 $0x1BFF;
	s19 =	sshll.u32 s5, $0x1;
	s2 =	sadd.s32 s3, s17  }
0x9a: {  	s6 =	simm.s32 $0x0;
	s18 =	sshll.u32 s4, $0x1;
	s4 =	sadd.s32 s19, s2  }
0x9b: {  	[timem:s6], [sflag:s20] =	dma.local [hbm:s4], s18  }
0x9c: {  	_ =	swait.ge [sflag:s20], s18  }
0x9d: {  	s3 =	ssub.s32 $0x0, s18;
	[sflag:s20] =	ssyncset.done $0x0  }
0x9e: {  	[sflag:s20] =	ssyncadd.s32 s3;
	_ =	sdelay $0x1  }
0x9f: {  	s21 =	simm.s32 $0x1B8B  }
0xa0: {  	_ =	swait.ge [sflag:s21], $0x1  }
0xa1: {  	[sflag:s21] =	ssyncset.done $0x0  }
0xa2: {  	s23 =	simm.s32 $0x1B8E;
	s22 =	sld [smem:$0x3FFE];
	[sflag:s21] =	ssyncadd.s32 $0xFFFFFFFF  }
0xa3: {  	s24 =	simm.s32 $execute0_lowered;
	[smem:$0x3FD2] =	sst s23  }
0xa4: {  	s4 =	sshll.u32 s24, $0x1;
	_ =	strace $0x80000049;
	[dreg:$0x1] =	wrdreg $0xFFFFFFFF  }
0xa5: {  	s25 =	simm.s32 $_size_execute0_lowered;
	s2 =	sadd.s32 s2, s4;
	[dreg:$0x0] =	wrdreg $0x0  }
0xa6: {  	s4 =	sshll.u32 s25, $0x1;
	[dreg:$0x2] =	wrdreg s2  }
0xa7: {  	[dreg:$0x3] =	wrdreg s4  }
0xa8: {  	[dreg:$0x4] =	wrdreg $0xC0  }
0xa9: {  	_ =	task [dreg:s6], $0x5FFFF  }
0xaa: {  	[dreg:$0x1] =	wrdreg $0xFFFFFFFF  }
0xab: {  	[dreg:$0x0] =	wrdreg $0x60  }
0xac: {  	[dreg:$0x2] =	wrdreg s22  }
0xad: {  	[dreg:$0x3] =	wrdreg s16  }
0xae: {  	[dreg:$0x4] =	wrdreg s0  }
0xaf: {  	[dreg:$0x5] =	wrdreg $0x144800  }
0xb0: {  	[dreg:$0x6] =	wrdreg $0x9  }
0xb1: {  	_ =	task.clear_ibuf [dreg:s6], $0x7FFFF;
	_ =	strace $0x90000049  }
0xb2: {  	s26 =	simm.s32 $0x9;
	_ =	strace $0x8000004B  }
0xb3: {  	_ =	swait.ge [sflag:s26], $0x1  }
0xb4: {  	[sflag:s26] =	ssyncadd.s32 $0xFFFFFFFF  }
0xb5: {  	_ =	strace $0x9000004B  }
0xb6: {  	_ =	sfence  }
0xb7: {  	s28 =	sld [smem:$0x0];
	_ =	sdelay $0x1  }
0xb8: {  	s29 =	srdreg.scid  }
0xb9: {  	s30 =	sshll.u32 s29, $0xD;
	s31 =	sshrl.u32 s29, $0x2  }
0xba: {  	s1 =	sand.u32 $0x1, s29;
	s2 =	sand.u32 $0x4000, s30;
	s0 =	sadd.s32 s31, s28  }
0xbb: {  	s1 =	sor.u32 s2, s1;
	s0 =	sshll.u32 s0, $0x11  }
0xbc: {  	s0 =	sor.u32 s0, s1  }
0xbd: {  	s0 =	sadd.s32 $0x8F2B, s0  }
0xbe: {  	[sflag:s0] =	ssyncadd.remote.s32 $0x1  }
0xbf: {  	_ =	sfence.sel $0xFFFF  }
0xc0: {  	[dreg:$0x0] =	wrdreg $0xFFFFFFFF;
	(pc) =	sbr.abs _section_cstart, $3  }
0xc1: {  	[dreg:$0x1] =	wrdreg $0xFFFFFFFF  }
0xc2: {  	_ =	task.clear_ibuf [dreg:s6], $0x2FFFF;
	_ =	strace $0x9FFFFFFF  }
0xc3: {  	(tm) =	ssettm $0x7FFFFFFF  }
tec
execute0_lowered:
.L_overlay_start_1:
0x0: {  	(tag) =	ssettag $0x1  }
0x1: {  	s2 =	rddreg [dreg:$0x0]  }
0x2: {  	s4 =	rddreg [dreg:$0x1]  }
0x3: {  	s3 =	rddreg [dreg:$0x2];
	s0 =	stileid.u32  }
0x4: {  	s5 =	rddreg [dreg:$0x3];
	s6 =	smul.u32 $0x500, s0  }
0x5: {  	s1 =	rddreg [dreg:$0x4];
	s7 =	simm.s32 $0x0  }
0x6: {  	[smem:$0x7FF] =	sst s7;
	s6 =	sadd.s32 s6, s2  }
0x7: {  	s31 =	simm.s32 $0x9;
	_ =	strace $0x8000004A;
	s6 =	sadd.s32 $0xA6A00, s6  }
0x8: {  	[tilespmem:s7], [sflag:$0x9] =	stream.linear.gather [hbm4b:s6+s7], $0x2800, $0x38;
	[tilespmem:$0x192C0] =	vst v63  }
0x9: {  	_ =	swait.ge [sflag:s31], $0x2800  }
0xa: {  	s8 =	simm.s32 $0x0;
	s7 =	sadd.s32 $0xABA00, s2;
	[sflag:s31] =	ssyncset.done $0x0  }
0xb: {  	v0 =	vimm.f32 $0.0e+00;
	s2 =	sadd.s32 $0x6A00, s2;
	s6 =	simm.s32 $0x80;
	[sflag:s31] =	ssyncadd.s32 $0xFFFFD800  }
.LBB2_1:
0xc: {  	p0 =	sne.s32 s6, $0x13880;
	[tilespmem:s8+$0xA800] =	vst v0;
	s9 =	smov.u32 s6;
	s6 =	sadd.s32 $0x80, s6  }
.Ltmp0:
0xd: {  	[tilespmem:s8+$0xA810] =	vst v0;
	(pc) =	sbr.rel @p0 .LBB2_1-.Ltmp0, $2  }
0xe: {  	_ =	sdelay $0x2  }
0xf: {  	s8 =	sshra.s32 s9, $0x2  }
0x10: {  	s6 =	smul.u32 $0x13900, s0;
	_ =	sdelay $0x1  }
0x11: {  	[tilespmem:s8+$0xA800] =	vst v0;
	s6 =	sshrl.u32 s6, $0x2  }
0x12: {  	[tilespmem:s8+$0xA810] =	vst v0;
	s24 =	simm.s32 $0xA800;
	s6 =	sadd.s32 s6, s5  }
0x13: {  	[spmem:s6] =	stream.linear.scatter [tilespmem:s24], [sflag:$0x9], $0x4E40, $0x38;
	[tilespmem:$0x192C0] =	vst v63  }
0x14: {  	s6 =	simm.s32 $0x9  }
0x15: {  	_ =	swait.ge [sflag:s6], $0x4E40  }
0x16: {  	s25 =	smul.u32 $0xA000, s0;
	[sflag:s6] =	ssyncset.done $0x0  }
0x17: {  	s8 =	simm.s32 $0x0;
	[sflag:s6] =	ssyncadd.s32 $0xFFFFB1C0  }
0x18: {  	s9 =	simm.s32 $0x2800;
	s7 =	sadd.s32 s7, s25;
	[bflag:$0x0] =	sbarrier.arrive $0xFFFF  }
0x19: {  	[tilespmem:s9], [sflag:$0x1] =	stream.linear.gather [hbm4b:s7+s8], $0x1000, $0x38;
	[tilespmem:$0x192C0] =	vst v63  }
0x1a: {  	s11 =	simm.s32 $0x3800;
	s10 =	sadd.s32 $0x200, s7  }
0x1b: {  	[tilespmem:s11], [sflag:$0x2] =	stream.linear.gather [hbm4b:s10+s8], $0x1000, $0x38;
	[tilespmem:$0x192C0] =	vst v63  }
0x1c: {  	s26 =	sadd.s32 $0x400, s7;
	s10 =	simm.s32 $0x4800  }
0x1d: {  	[tilespmem:s10], [sflag:$0x3] =	stream.linear.gather [hbm4b:s26+s8], $0x1000, $0x38;
	[tilespmem:$0x192C0] =	vst v63  }
0x1e: {  	s12 =	simm.s32 $0x5800;
	s28 =	sadd.s32 $0x600, s7  }
0x1f: {  	[tilespmem:s12], [sflag:$0x4] =	stream.linear.gather [hbm4b:s28+s8], $0x1000, $0x38;
	[tilespmem:$0x192C0] =	vst v63  }
0x20: {  	s13 =	simm.s32 $0x7800;
	s29 =	sadd.s32 $0x800, s7;
	s11 =	simm.s32 $0x6800  }
0x21: {  	[tilespmem:s11], [sflag:$0x5] =	stream.linear.gather [hbm4b:s29+s8], $0x1000, $0x38;
	[tilespmem:$0x192C0] =	vst v63  }
0x22: {  	s15 =	simm.s32 $0x80;
	s16 =	simm.s32 $0x3;
	s30 =	sadd.s32 $0xA00, s7  }
0x23: {  	[tilespmem:s13], [sflag:$0x6] =	stream.linear.gather [hbm4b:s30+s8], $0x1000, $0x38;
	[tilespmem:$0x192C0] =	vst v63  }
0x24: {  	s17 =	simm.s32 $0x5;
	s31 =	sadd.s32 $0xC00, s7;
	s12 =	simm.s32 $0x8800  }
0x25: {  	[tilespmem:s12], [sflag:$0x7] =	stream.linear.gather [hbm4b:s31+s8], $0x1000, $0x38;
	[tilespmem:$0x192C0] =	vst v63  }
0x26: {  	s18 =	simm.s32 $0x7;
	s14 =	sadd.s32 $0xE00, s7;
	s13 =	simm.s32 $0x9800  }
0x27: {  	[tilespmem:s13], [sflag:$0x8] =	stream.linear.gather [hbm4b:s14+s8], $0x1000, $0x38;
	[tilespmem:$0x192C0] =	vst v63  }
0x28: {  	s19 =	simm.s32 $0x8;
	s20 =	simm.s32 $0x0;
	s14 =	simm.s32 $0x1  }
.LBB2_3:
0x29: {  	_ =	swait.ge [sflag:s14], $0x1000  }
0x2a: {  	[sflag:s14] =	ssyncset.done $0x0  }
0x2b: {  	s21 =	sshra.s32 s20, $0x2;
	[sflag:s14] =	ssyncadd.s32 $0xFFFFF000  }
0x2c: {  	[spmem:s5] =	stream.indirect.scatter.add.f32 [tilespmem:s9], [sflag:$0x9], $0x20, s21, s15, $0xb8;
	[tilespmem:$0x192C0] =	vst v63  }
0x2d: {  	_ =	swait.ge [sflag:s6], $0x1000  }
0x2e: {  	p0 =	seq.s32 s20, $0x9000;
	[sflag:s6] =	ssyncset.done $0x0  }
0x2f: {  	s22 =	simm.s32 @p0 $0x2;
	[sflag:s6] =	ssyncadd.s32 $0xFFFFF000  }
0x30: {  	_ =	swait.ge @p0 [sflag:s22], $0x1000  }
0x31: {  	s24 =	simm.s32 @p0 $0x80;
	s23 =	simm.s32 @p0 $0x3800;
	[sflag:s22] =	ssyncset.done @p0 $0x0  }
0x32: {  	s25 =	simm.s32 @p0 $0x9;
	[sflag:s22] =	ssyncadd.s32 @p0 $0xFFFFF000;
	s22 =	simm.s32 @p0 $0x2480  }
0x33: {  	[spmem:s5] =	stream.indirect.scatter.add.f32 @p0 [tilespmem:s23], [sflag:$0x9], $0x20, s22, s24, $0xb8;
	[tilespmem:$0x192C0] =	vst v63  }
0x34: {  	_ =	swait.ge @p0 [sflag:s25], $0x1000  }
0x35: {  	s28 =	simm.s32 @!p0 $0x2800;
	s22 =	sadd.s32 @!p0 s20, s7;
	[sflag:s25] =	ssyncset.done @p0 $0x0  }
0x36: {  	s23 =	simm.s32 @!p0 $0x0;
	s26 =	sadd.s32 @!p0 $0x1000, s22;
	[sflag:s25] =	ssyncadd.s32 @p0 $0xFFFFF000  }
0x37: {  	[tilespmem:s28], [sflag:$0x1] =	stream.linear.gather @!p0 [hbm4b:s26+s23], $0x1000, $0x38;
	[tilespmem:$0x192C0] =	vst v63  }
0x38: {  	s26 =	simm.s32 @!p0 $0x2  }
0x39: {  	_ =	swait.ge @!p0 [sflag:s26], $0x1000  }
0x3a: {  	[sflag:s26] =	ssyncset.done @!p0 $0x0  }
0x3b: {  	[sflag:s26] =	ssyncadd.s32 @!p0 $0xFFFFF000;
	s26 =	sshra.s32 @!p0 s20, $0x2  }
0x3c: {  	s30 =	simm.s32 @!p0 $0x3800;
	s28 =	simm.s32 @!p0 $0x80;
	s29 =	sadd.s32 @!p0 $0x80, s26  }
0x3d: {  	[spmem:s5] =	stream.indirect.scatter.add.f32 @!p0 [tilespmem:s30], [sflag:$0x9], $0x20, s29, s28, $0xb8;
	[tilespmem:$0x192C0] =	vst v63  }
0x3e: {  	s29 =	simm.s32 @!p0 $0x9  }
0x3f: {  	_ =	swait.ge @!p0 [sflag:s29], $0x1000  }
0x40: {  	[sflag:s29] =	ssyncset.done @!p0 $0x0  }
0x41: {  	s31 =	sadd.s32 @!p0 $0x1200, s22;
	[sflag:s29] =	ssyncadd.s32 @!p0 $0xFFFFF000  }
0x42: {  	[tilespmem:s30], [sflag:$0x2] =	stream.linear.gather @!p0 [hbm4b:s31+s23], $0x1000, $0x38;
	[tilespmem:$0x192C0] =	vst v63  }
0x43: {  	_ =	swait.ge [sflag:s16], $0x1000  }
0x44: {  	[sflag:s16] =	ssyncset.done $0x0  }
0x45: {  	s31 =	sadd.s32 $0x100, s21;
	[sflag:s16] =	ssyncadd.s32 $0xFFFFF000  }
0x46: {  	[spmem:s5] =	stream.indirect.scatter.add.f32 [tilespmem:s10], [sflag:$0x9], $0x20, s31, s15, $0xb8;
	[tilespmem:$0x192C0] =	vst v63  }
0x47: {  	_ =	swait.ge [sflag:s6], $0x1000  }
0x48: {  	[sflag:s6] =	ssyncset.done $0x0  }
0x49: {  	s30 =	simm.s32 @p0 $0x4;
	[sflag:s6] =	ssyncadd.s32 $0xFFFFF000  }
0x4a: {  	_ =	swait.ge @p0 [sflag:s30], $0x1000  }
0x4b: {  	[sflag:s30] =	ssyncset.done @p0 $0x0  }
0x4c: {  	s31 =	simm.s32 @p0 $0x5800;
	[sflag:s30] =	ssyncadd.s32 @p0 $0xFFFFF000;
	s30 =	simm.s32 @p0 $0x2580  }
0x4d: {  	[spmem:s5] =	stream.indirect.scatter.add.f32 @p0 [tilespmem:s31], [sflag:$0x9], $0x20, s30, s24, $0xb8;
	[tilespmem:$0x192C0] =	vst v63  }
0x4e: {  	_ =	swait.ge @p0 [sflag:s25], $0x1000  }
0x4f: {  	[sflag:s25] =	ssyncset.done @p0 $0x0  }
0x50: {  	s30 =	sadd.s32 @!p0 $0x1400, s22;
	s31 =	simm.s32 @!p0 $0x4800;
	[sflag:s25] =	ssyncadd.s32 @p0 $0xFFFFF000  }
0x51: {  	[tilespmem:s31], [sflag:$0x3] =	stream.linear.gather @!p0 [hbm4b:s30+s23], $0x1000, $0x38;
	[tilespmem:$0x192C0] =	vst v63  }
0x52: {  	s30 =	simm.s32 @!p0 $0x4  }
0x53: {  	_ =	swait.ge @!p0 [sflag:s30], $0x1000  }
0x54: {  	[sflag:s30] =	ssyncset.done @!p0 $0x0  }
0x55: {  	s31 =	simm.s32 @!p0 $0x5800;
	[sflag:s30] =	ssyncadd.s32 @!p0 $0xFFFFF000;
	s30 =	sadd.s32 @!p0 $0x180, s26  }
0x56: {  	[spmem:s5] =	stream.indirect.scatter.add.f32 @!p0 [tilespmem:s31], [sflag:$0x9], $0x20, s30, s28, $0xb8;
	[tilespmem:$0x192C0] =	vst v63  }
0x57: {  	_ =	swait.ge @!p0 [sflag:s29], $0x1000  }
0x58: {  	[sflag:s29] =	ssyncset.done @!p0 $0x0  }
0x59: {  	s30 =	sadd.s32 @!p0 $0x1600, s22;
	[sflag:s29] =	ssyncadd.s32 @!p0 $0xFFFFF000  }
0x5a: {  	[tilespmem:s31], [sflag:$0x4] =	stream.linear.gather @!p0 [hbm4b:s30+s23], $0x1000, $0x38;
	[tilespmem:$0x192C0] =	vst v63  }
0x5b: {  	_ =	swait.ge [sflag:s17], $0x1000  }
0x5c: {  	[sflag:s17] =	ssyncset.done $0x0  }
0x5d: {  	s31 =	sadd.s32 $0x200, s21;
	[sflag:s17] =	ssyncadd.s32 $0xFFFFF000  }
0x5e: {  	[spmem:s5] =	stream.indirect.scatter.add.f32 [tilespmem:s11], [sflag:$0x9], $0x20, s31, s15, $0xb8;
	[tilespmem:$0x192C0] =	vst v63  }
0x5f: {  	_ =	swait.ge [sflag:s6], $0x1000  }
0x60: {  	[sflag:s6] =	ssyncset.done $0x0  }
0x61: {  	s30 =	simm.s32 @p0 $0x6;
	[sflag:s6] =	ssyncadd.s32 $0xFFFFF000  }
0x62: {  	_ =	swait.ge @p0 [sflag:s30], $0x1000  }
0x63: {  	[sflag:s30] =	ssyncset.done @p0 $0x0  }
0x64: {  	s31 =	simm.s32 @p0 $0x7800;
	[sflag:s30] =	ssyncadd.s32 @p0 $0xFFFFF000;
	s30 =	simm.s32 @p0 $0x2680  }
0x65: {  	[spmem:s5] =	stream.indirect.scatter.add.f32 @p0 [tilespmem:s31], [sflag:$0x9], $0x20, s30, s24, $0xb8;
	[tilespmem:$0x192C0] =	vst v63  }
0x66: {  	_ =	swait.ge @p0 [sflag:s25], $0x1000  }
0x67: {  	[sflag:s25] =	ssyncset.done @p0 $0x0  }
0x68: {  	s24 =	sadd.s32 @!p0 $0x1800, s22;
	[sflag:s25] =	ssyncadd.s32 @p0 $0xFFFFF000;
	s25 =	simm.s32 @!p0 $0x6800  }
0x69: {  	[tilespmem:s25], [sflag:$0x5] =	stream.linear.gather @!p0 [hbm4b:s24+s23], $0x1000, $0x38;
	[tilespmem:$0x192C0] =	vst v63  }
0x6a: {  	s24 =	simm.s32 @!p0 $0x6  }
0x6b: {  	_ =	swait.ge @!p0 [sflag:s24], $0x1000  }
0x6c: {  	[sflag:s24] =	ssyncset.done @!p0 $0x0  }
0x6d: {  	s25 =	simm.s32 @!p0 $0x7800;
	[sflag:s24] =	ssyncadd.s32 @!p0 $0xFFFFF000;
	s24 =	sadd.s32 @!p0 $0x280, s26  }
0x6e: {  	[spmem:s5] =	stream.indirect.scatter.add.f32 @!p0 [tilespmem:s25], [sflag:$0x9], $0x20, s24, s28, $0xb8;
	[tilespmem:$0x192C0] =	vst v63  }
0x6f: {  	_ =	swait.ge @!p0 [sflag:s29], $0x1000  }
0x70: {  	[sflag:s29] =	ssyncset.done @!p0 $0x0  }
0x71: {  	s22 =	sadd.s32 @!p0 $0x1A00, s22;
	[sflag:s29] =	ssyncadd.s32 @!p0 $0xFFFFF000  }
0x72: {  	[tilespmem:s25], [sflag:$0x6] =	stream.linear.gather @!p0 [hbm4b:s22+s23], $0x1000, $0x38;
	[tilespmem:$0x192C0] =	vst v63  }
0x73: {  	_ =	swait.ge [sflag:s18], $0x1000  }
0x74: {  	[sflag:s18] =	ssyncset.done $0x0  }
.Ltmp1:
0x75: {  	s31 =	sadd.s32 $0x300, s21;
	[sflag:s18] =	ssyncadd.s32 $0xFFFFF000;
	(pc) =	sbr.rel @p0 .LBB2_5-.Ltmp1, $4  }
0x76: {  	[spmem:s5] =	stream.indirect.scatter.add.f32 [tilespmem:s12], [sflag:$0x9], $0x20, s31, s15, $0xb8;
	[tilespmem:$0x192C0] =	vst v63  }
0x77: {  	_ =	swait.ge [sflag:s6], $0x1000  }
0x78: {  	[sflag:s6] =	ssyncset.done $0x0  }
0x79: {  	[sflag:s6] =	ssyncadd.s32 $0xFFFFF000  }
0x7a: {  	s22 =	sadd.s32 s20, s7  }
0x7b: {  	s23 =	sadd.s32 $0x1C00, s22  }
0x7c: {  	[tilespmem:s12], [sflag:$0x7] =	stream.linear.gather [hbm4b:s23+s8], $0x1000, $0x38;
	[tilespmem:$0x192C0] =	vst v63  }
0x7d: {  	_ =	swait.ge [sflag:s19], $0x1000  }
0x7e: {  	[sflag:s19] =	ssyncset.done $0x0  }
0x7f: {  	s21 =	sadd.s32 $0x380, s21;
	[sflag:s19] =	ssyncadd.s32 $0xFFFFF000  }
0x80: {  	[spmem:s5] =	stream.indirect.scatter.add.f32 [tilespmem:s13], [sflag:$0x9], $0x20, s21, s15, $0xb8;
	[tilespmem:$0x192C0] =	vst v63  }
.Ltmp2:
0x81: {  	_ = 	snop;
	(pc) =	sbr.rel .LBB2_3-.Ltmp2, $4  }
0x82: {  	_ =	swait.ge [sflag:s6], $0x1000  }
0x83: {  	[sflag:s6] =	ssyncset.done $0x0  }
0x84: {  	s20 =	sadd.s32 $0x1000, s20;
	s31 =	sadd.s32 $0x1E00, s22;
	[sflag:s6] =	ssyncadd.s32 $0xFFFFF000  }
0x85: {  	[tilespmem:s13], [sflag:$0x8] =	stream.linear.gather [hbm4b:s31+s8], $0x1000, $0x38;
	[tilespmem:$0x192C0] =	vst v63  }
.LBB2_5:
0x86: {  	s6 =	simm.s32 $0x8  }
0x87: {  	_ =	swait.ge [sflag:s6], $0x1000  }
0x88: {  	s23 =	simm.s32 $0x80;
	s7 =	simm.s32 $0x2780;
	[sflag:s6] =	ssyncset.done $0x0  }
0x89: {  	s8 =	simm.s32 $0x9800;
	s24 =	simm.s32 $0x9;
	[sflag:s6] =	ssyncadd.s32 $0xFFFFF000  }
0x8a: {  	[spmem:s5] =	stream.indirect.scatter.add.f32 [tilespmem:s8], [sflag:$0x9], $0x20, s7, s23, $0xb8;
	[tilespmem:$0x192C0] =	vst v63  }
0x8b: {  	_ =	swait.ge [sflag:s24], $0x1000  }
0x8c: {  	s25 =	smul.u32 $0x4E20, s0;
	[sflag:s24] =	ssyncset.done $0x0  }
0x8d: {  	[sflag:s24] =	ssyncadd.s32 $0xFFFFF000  }
0x8e: {  	s28 =	simm.s32 $0xA800;
	s26 =	sadd.s32 s25, s5;
	[bflag:$0x0] =	sbarrier.arrive $0xFFFF  }
0x8f: {  	[tilespmem:s28], [sflag:$0x9] =	stream.linear.gather [spmem:s26], $0x4E20, $0x38;
	[tilespmem:$0x192C0] =	vst v63  }
0x90: {  	_ =	swait.ge [sflag:s24], $0x4E20  }
0x91: {  	s29 =	simm.s32 $0x0;
	s5 =	sshrl.u32 s25, $0x3;
	[sflag:s24] =	ssyncset.done $0x0  }
0x92: {  	s30 =	simm.s32 $0xF640;
	s4 =	sadd.s32 s4, s5;
	[sflag:s24] =	ssyncadd.s32 $0xFFFFB1E0  }
0x93: {  	[tilespmem:s30], [sflag:$0x9] =	stream.linear.gather [hbm4b:s4+s29], $0x4E20, $0x38;
	[tilespmem:$0x192C0] =	vst v63  }
0x94: {  	_ =	swait.ge [sflag:s24], $0x4E20  }
0x95: {  	[sflag:s24] =	ssyncset.done $0x0  }
0x96: {  	s31 =	simm.s32 $0x14460;
	[sflag:s24] =	ssyncadd.s32 $0xFFFFB1E0  }
0x97: {  	[tilespmem:s31], [sflag:$0x9] =	stream.linear.gather [hbm4b:s3+s29], $0x20, $0x38;
	[tilespmem:$0x192C0] =	vst v63  }
0x98: {  	_ =	swait.ge [sflag:s24], $0x20  }
0x99: {  	[sflag:s24] =	ssyncset.done $0x0  }
0x9a: {  	[sflag:s24] =	ssyncadd.s32 $0xFFFFFFE0  }
0x9b: {  	v0 =	vld [tilespmem:$0x14460]  }
0x9c: {  	s3 =	simm.s32 $0x0;
	v1 =	vld [tilespmem:$0x14470]  }
0x9d: {  	v2 =	vld [tilespmem:s3+$0xF640]  }
0x9e: {  	v3 =	vld [tilespmem:s3+$0xF650]  }
0x9f: {  	s4 =	simm.s32 $0x80;
	v4 =	vld [tilespmem:s3+$0xA800]  }
.LBB2_6:
0xa0: {  	p0 =	sne.s32 s4, $0x13800;
	v5 =	vld [tilespmem:s3+$0xA810];
	_ =	sdelay $0x3  }
0xa1: {  	v2 =	vadd.f32 v2, v4  }
.Ltmp3:
0xa2: {  	v3 =	vadd.f32 v3, v5;
	(pc) =	sbr.rel @p0 .LBB2_6-.Ltmp3, $4  }
0xa3: {  	s6 =	sshra.s32 s4, $0x2;
	v4 =	vadd.f32 v2, v0  }
0xa4: {  	v2 =	vld [tilespmem:s6+$0xF640];
	v5 =	vadd.f32 v3, v1  }
0xa5: {  	v3 =	vld [tilespmem:s6+$0xF650];
	[tilespmem:s3+$0xA800] =	vst v4  }
0xa6: {  	s4 =	sadd.s32 $0x80, s4;
	v4 =	vld [tilespmem:s6+$0xA800];
	[tilespmem:s3+$0xA810] =	vst v5;
	s3 =	smov.u32 s6  }
0xa7: {  	v5 =	vld [tilespmem:s3+$0xA810];
	_ =	sdelay $0x3  }
0xa8: {  	v2 =	vadd.f32 v2, v4  }
0xa9: {  	v3 =	vadd.f32 v3, v5  }
0xaa: {  	v0 =	vadd.f32 v2, v0  }
0xab: {  	v1 =	vadd.f32 v3, v1  }
0xac: {  	s2 =	sadd.s32 s2, s5;
	[tilespmem:s3+$0xA800] =	vst v0  }
0xad: {  	s30 =	simm.s32 $0x0;
	s4 =	simm.s32 $0xA800;
	s31 =	simm.s32 $0x9;
	[tilespmem:s3+$0xA810] =	vst v1  }
0xae: {  	[hbm4b:s2+s30] =	stream.linear.scatter [tilespmem:s4], [sflag:$0x9], $0x4E20, $0x38;
	[tilespmem:$0x192C0] =	vst v63  }
0xaf: {  	_ =	swait.ge [sflag:s31], $0x4E20  }
0xb0: {  	[sflag:s31] =	ssyncset.done $0x0  }
0xb1: {  	[sflag:s31] =	ssyncadd.s32 $0xFFFFB1E0  }
0xb2: {  	_ =	sfence.sel $0x180000  }
0xb3: {  	[bflag:$0x0] =	sbarrier.arrive $0xFFFF  }
0xb4: {  	p0 =	sne.s32 s0, $0x0;
	_ =	strace $0x9000004A  }
0xb5: {  	s0 =	sadd.s32 @!p0 $0x100000, s1;
	[bflag:$0x2] =	sbarrier.arrive $0xFFFF  }
0xb6: {  	[sflag:s0] =	ssyncadd.tile.s32 @!p0 $0x1;
	_ =	shalt  }
.Lfunc_end2:
_tile_overlayer_lowered:
.L_overlay_start_2:
0xb7: {  	(tag) =	ssettag $0x2  }
0xb8: {  	s0 =	rddreg [dreg:$0x0];
	s2 =	stileid.u32  }
0xb9: {  	s1 =	rddreg [dreg:$0x1];
	p0 =	sne.s32 s2, $0x0  }
0xba: {  	s3 =	rddreg [dreg:$0x2];
	[bflag:$0x3] =	sbarrier.arrive $0xFFFF;
	s2 =	simm.s32 @!p0 $0x1C09  }
0xbb: {  	[timem:s3], [sflag:s2] =	dma.local @!p0 [hbm:s0], s1  }
0xbc: {  	s0 =	simm.s32 @!p0 $0x9  }
0xbd: {  	_ =	swait.ge @!p0 [sflag:s0], s1  }
0xbe: {  	s1 =	ssub.s32 @!p0 $0x0, s1;
	[sflag:s0] =	ssyncset.done @!p0 $0x0  }
0xbf: {  	[sflag:s0] =	ssyncadd.s32 @!p0 s1  }
0xc0: {  	[bflag:$0x3] =	sbarrier.arrive $0xFFFF  }
0xc1: {  	_ =	shalt  }

// kernel: kernel.14.cloned.1.call-start
scs
__scs_entry_jumppad:
0x0: {  	(pc) =	sbr.rel $0x88, $3  }
0x1: {  	(tag) =	ssettag $0x0;
	lr =	simm.s32 $0x1  }
0x2: {  	[smem:$0x3F9A] =	sst lr;
	_ =	strace $0xD0000000  }
0x3: {  	_ = 	snop  }
0x4: {  	_ = 	snop  }
0x5: {  	_ = 	snop  }
0x6: {  	_ = 	snop  }
0x7: {  	_ = 	snop  }
__scs_overlays_trampoline_lowered:
0x8: {  	[smem:$0x3FA9] =	sst s0  }
0x9: {  	[smem:$0x3FAA] =	sst s1  }
0xa: {  	[smem:$0x3FAB] =	sst s2  }
0xb: {  	[smem:$0x3FAC] =	sst s3  }
0xc: {  	[smem:$0x3FAD] =	sst s4  }
0xd: {  	[smem:$0x3FAE] =	sst s5  }
0xe: {  	[smem:$0x3FAF] =	sst s6  }
0xf: {  	[smem:$0x3FB0] =	sst s7  }
0x10: {  	[smem:$0x3FB1] =	sst s8  }
0x11: {  	[smem:$0x3FB2] =	sst s9;
	s0 =	simm.s32 @!p0 $0x0  }
0x12: {  	s1 =	sld [smem:$0x3F98];
	s0 =	simm.s32 @p0 $0x1  }
0x13: {  	[smem:$0x3FB3] =	sst s0;
	s0 =	simm.s32 @!p1 $0x0  }
0x14: {  	s2 =	sld [smem:$0x3F97];
	s0 =	simm.s32 @p1 $0x1  }
0x15: {  	[smem:$0x3FB4] =	sst s0;
	s0 =	simm.s32 @!p2 $0x0  }
0x16: {  	s3 =	sld [smem:$0x3FDB];
	s0 =	simm.s32 @p2 $0x1  }
0x17: {  	s4 =	simm.s32 $0x1BF5;
	[smem:$0x3FB6] =	sst s0  }
0x18: {  	s0 =	sld [smem:$0x3F99];
	_ =	swait.ge [sflag:s4], $0x0  }
0x19: {  	s7 =	sld [smem:$0x3F9A]  }
0x1a: {  	s8 =	sadd.s32 $0xFFFFE003, lr  }
0x1b: {  	s9 =	sadd.s32 $0xFFFFFEF7, lr;
	s5 =	simm.s32 $0xFFFFFFFF;
	p2 =	slt.u32 s8, $0xFFFFF086  }
0x1c: {  	p1 =	slt.u32 s9, $0xF7A;
	s5 =	simm.s32 @!p2 $0x0  }
0x1d: {  	s5 =	simm.s32 @p1 $0x1;
	p0 =	seq.s32 s7, s2  }
0x1e: {  	s7 =	smul.u32 @!p0 $0xF7A, s2;
	p2 =	seq.s32 @!p0 s5, $0x0  }
0x1f: {  	s9 =	smul.u32 $0xF7A, s1;
	s8 =	simm.s32 @!p0 $0x1BF5;
	p2 =	por !p2, p0  }
0x20: {  	[sflag:s8] =	ssyncset.s32 @!p0 $0xFFFFF086;
	s6 =	sadd.s32 @!p0 s3, s7;
	s7 =	simm.s32 @!p0 $0x108  }
0x21: {  	s3 =	sadd.s32 s3, s9;
	s6 =	sadd.s32 @!p0 $0x88, s6;
	s7 =	simm.s32 @p2 $0x1082  }
0x22: {  	[simem:s7], [sflag:s8] =	dma.local @!p0 [hbm:s6], $0xF7A  }
0x23: {  	s9 =	sor.u32 $0xD0000000, s2;
	s6 =	simm.s32 $0x108;
	_ =	swait.ge @!p0 [sflag:s8], $0x0  }
0x24: {  	s3 =	sadd.s32 $0x88, s3;
	s6 =	simm.s32 @!p1 $0x1082;
	[sflag:s4] =	ssyncset.s32 $0xFFFFF086  }
0x25: {  	[simem:s6], [sflag:s4] =	dma.local [hbm:s3], $0xF7A  }
0x26: {  	[smem:$0x3F9A] =	sst s1;
	(tag) =	ssettag s2;
	_ =	strace s9  }
0x27: {  	s1 =	sld [smem:$0x3FAA]  }
0x28: {  	s2 =	sld [smem:$0x3FAB]  }
0x29: {  	s4 =	sld [smem:$0x3FAD]  }
0x2a: {  	p0 =	seq.s32 s5, $0x0;
	s5 =	sld [smem:$0x3FAE]  }
0x2b: {  	s6 =	sld [smem:$0x3FAF]  }
0x2c: {  	s7 =	sld [smem:$0x3FB0]  }
0x2d: {  	s3 =	simm.s32 $0x108;
	s8 =	sld [smem:$0x3FB1]  }
0x2e: {  	s3 =	simm.s32 @!p0 $0x1082;
	s9 =	sld [smem:$0x3FB2]  }
0x2f: {  	lr =	sadd.s32 s0, s3;
	s0 =	sld [smem:$0x3FA9]  }
0x30: {  	s3 =	sld [smem:$0x3FAC]  }
0x31: {  	[smem:$0x3FB5] =	sst s10  }
0x32: {  	s10 =	sld [smem:$0x3FB3];
	_ =	sdelay $0x3  }
0x33: {  	p0 =	seq.s32 s10, $0x1;
	s10 =	sld [smem:$0x3FB5];
	_ =	sdelay $0x3  }
0x34: {  	[smem:$0x3FB5] =	sst s10  }
0x35: {  	s10 =	sld [smem:$0x3FB4];
	_ =	sdelay $0x3  }
0x36: {  	p1 =	seq.s32 s10, $0x1;
	s10 =	sld [smem:$0x3FB5];
	_ =	sdelay $0x3  }
0x37: {  	[smem:$0x3FB5] =	sst s10  }
0x38: {  	s10 =	sld [smem:$0x3FB6]  }
0x39: {  	_ = 	snop;
	(pc) =	sbr.ind lr, $3  }
0x3a: {  	_ = 	snop  }
0x3b: {  	_ = 	snop  }
0x3c: {  	p2 =	seq.s32 s10, $0x1;
	s10 =	sld [smem:$0x3FB5]  }
0x3d: {  	_ =	shalt  }
0x3e: {  	_ =	shalt  }
0x3f: {  	_ =	shalt  }
0x40: {  	_ =	shalt  }
0x41: {  	_ =	shalt  }
0x42: {  	_ =	shalt  }
0x43: {  	_ =	shalt  }
0x44: {  	_ =	shalt  }
0x45: {  	_ =	shalt  }
0x46: {  	_ =	shalt  }
0x47: {  	_ =	shalt  }
0x48: {  	_ =	shalt  }
0x49: {  	_ =	shalt  }
0x4a: {  	_ =	shalt  }
0x4b: {  	_ =	shalt  }
0x4c: {  	_ =	shalt  }
0x4d: {  	_ =	shalt  }
0x4e: {  	_ =	shalt  }
0x4f: {  	_ =	shalt  }
0x50: {  	_ =	shalt  }
0x51: {  	_ =	shalt  }
0x52: {  	_ =	shalt  }
0x53: {  	_ =	shalt  }
0x54: {  	_ =	shalt  }
0x55: {  	_ =	shalt  }
0x56: {  	_ =	shalt  }
0x57: {  	_ =	shalt  }
0x58: {  	_ =	shalt  }
0x59: {  	_ =	shalt  }
0x5a: {  	_ =	shalt  }
0x5b: {  	_ =	shalt  }
0x5c: {  	_ =	shalt  }
0x5d: {  	_ =	shalt  }
0x5e: {  	_ =	shalt  }
0x5f: {  	_ =	shalt  }
0x60: {  	_ =	shalt  }
0x61: {  	_ =	shalt  }
0x62: {  	_ =	shalt  }
0x63: {  	_ =	shalt  }
0x64: {  	_ =	shalt  }
0x65: {  	_ =	shalt  }
0x66: {  	_ =	shalt  }
0x67: {  	_ =	shalt  }
0x68: {  	_ =	shalt  }
0x69: {  	_ =	shalt  }
0x6a: {  	_ =	shalt  }
0x6b: {  	_ =	shalt  }
0x6c: {  	_ =	shalt  }
0x6d: {  	_ =	shalt  }
0x6e: {  	_ =	shalt  }
0x6f: {  	_ =	shalt  }
0x70: {  	_ =	shalt  }
0x71: {  	_ =	shalt  }
0x72: {  	_ =	shalt  }
0x73: {  	_ =	shalt  }
0x74: {  	_ =	shalt  }
0x75: {  	_ =	shalt  }
0x76: {  	_ =	shalt  }
0x77: {  	_ =	shalt  }
0x78: {  	_ =	shalt  }
0x79: {  	_ =	shalt  }
0x7a: {  	_ =	shalt  }
0x7b: {  	_ =	shalt  }
0x7c: {  	_ =	shalt  }
0x7d: {  	_ =	shalt  }
0x7e: {  	_ =	shalt  }
0x7f: {  	_ =	shalt  }
0x80: {  	_ =	shalt  }
0x81: {  	_ =	shalt  }
0x82: {  	_ =	shalt  }
0x83: {  	_ =	shalt  }
0x84: {  	_ =	shalt  }
0x85: {  	_ =	shalt  }
0x86: {  	_ =	shalt  }
0x87: {  	_ =	shalt  }
.Lfunc_end0:
.L_simem_size_0:
called_computation.2_lowered:
.L_overlay_start_0:
0x88: {  	s2 =	sld [smem:$0x3FD9]  }
0x89: {  	s3 =	sld [smem:$0x3FFE];
	_ =	sdelay $0x1  }
0x8a: {  	s1 =	srdreg.scid  }
0x8b: {  	s0 =	sand.u32 $0x1, s1  }
0x8c: {  	s16 =	sshll.u32 s0, $0xA;
	s2 =	sadd.s32 s3, s2  }
0x8d: {  	s2 =	sadd.s32 s2, s16  }
0x8e: {  	[smem:$0x3FC1] =	sst s2  }
0x8f: {  	_ = 	snop  }
0x90: {  	(tm) =	ssettm $0x1  }
0x91: {  	s17 =	sld [smem:$0x3FFB];
	_ =	sdelay $0x3  }
0x92: {  	_ =	strace s17  }
0x93: {  	s2 =	sld [smem:$0x3FFC];
	_ =	sdelay $0x3  }
0x94: {  	_ =	strace s2  }
0x95: {  	s2 =	sld [smem:$0x3FFD];
	_ =	sdelay $0x3  }
0x96: {  	_ =	strace s2  }
0x97: {  	_ =	strace $0x8FFFFFFF  }
0x98: {  	s18 =	sld [smem:$0x3FDB];
	_ =	sdelay $0x1  }
0x99: {  	s19 =	simm.s32 $_scs_section_size  }
0x9a: {  	s4 =	simm.s32 $_size__tile_overlayer_lowered;
	s5 =	simm.s32 $_tile_overlayer_lowered  }
0x9b: {  	s22 =	simm.s32 $0x1BFF;
	s21 =	sshll.u32 s5, $0x1;
	s2 =	sadd.s32 s19, s18  }
0x9c: {  	s6 =	simm.s32 $0x0;
	s20 =	sshll.u32 s4, $0x1;
	s4 =	sadd.s32 s21, s2  }
0x9d: {  	[timem:s6], [sflag:s22] =	dma.local [hbm:s4], s20  }
0x9e: {  	_ =	swait.ge [sflag:s22], s20  }
0x9f: {  	s3 =	ssub.s32 $0x0, s20;
	[sflag:s22] =	ssyncset.done $0x0  }
0xa0: {  	[sflag:s22] =	ssyncadd.s32 s3;
	_ =	sdelay $0x1  }
0xa1: {  	s23 =	simm.s32 $0x1B8B  }
0xa2: {  	_ =	swait.ge [sflag:s23], $0x1  }
0xa3: {  	[sflag:s23] =	ssyncset.done $0x0  }
0xa4: {  	s25 =	simm.s32 $0x1B8E;
	s24 =	sld [smem:$0x3FFE];
	[sflag:s23] =	ssyncadd.s32 $0xFFFFFFFF  }
0xa5: {  	s26 =	simm.s32 $execute0_lowered;
	[smem:$0x3FD2] =	sst s25  }
0xa6: {  	s4 =	sshll.u32 s26, $0x1;
	_ =	strace $0x8000004C;
	[dreg:$0x1] =	wrdreg $0xFFFFFFFF  }
0xa7: {  	s28 =	simm.s32 $_size_execute0_lowered;
	s2 =	sadd.s32 s2, s4;
	[dreg:$0x0] =	wrdreg $0x0  }
0xa8: {  	s4 =	sshll.u32 s28, $0x1;
	[dreg:$0x2] =	wrdreg s2  }
0xa9: {  	[dreg:$0x3] =	wrdreg s4  }
0xaa: {  	[dreg:$0x4] =	wrdreg $0xC0  }
0xab: {  	_ =	task [dreg:s6], $0x5FFFF  }
0xac: {  	[dreg:$0x1] =	wrdreg $0xFFFFFFFF  }
0xad: {  	[dreg:$0x0] =	wrdreg $0x60  }
0xae: {  	[dreg:$0x2] =	wrdreg s24  }
0xaf: {  	[dreg:$0x3] =	wrdreg $0x94000  }
0xb0: {  	[dreg:$0x4] =	wrdreg $0x9  }
0xb1: {  	_ =	task.clear_ibuf [dreg:s6], $0x5FFFF;
	_ =	strace $0x9000004C  }
0xb2: {  	s29 =	simm.s32 $0x9;
	_ =	strace $0x8000004E  }
0xb3: {  	_ =	swait.ge [sflag:s29], $0x1  }
0xb4: {  	[sflag:s29] =	ssyncadd.s32 $0xFFFFFFFF  }
0xb5: {  	_ =	strace $0x9000004E  }
0xb6: {  	_ =	sfence  }
0xb7: {  	s30 =	sld [smem:$0x0];
	_ =	sdelay $0x2  }
0xb8: {  	s31 =	sshll.u32 s1, $0xD;
	s1 =	sshrl.u32 s1, $0x2  }
0xb9: {  	s3 =	sand.u32 $0x4000, s31;
	s1 =	sadd.s32 s1, s30  }
0xba: {  	s0 =	sor.u32 s3, s0;
	s1 =	sshll.u32 s1, $0x11  }
0xbb: {  	s0 =	sor.u32 s1, s0  }
0xbc: {  	s0 =	sadd.s32 $0x8F2B, s0  }
0xbd: {  	[sflag:s0] =	ssyncadd.remote.s32 $0x1  }
0xbe: {  	_ =	sfence.sel $0xFFFF  }
0xbf: {  	[dreg:$0x0] =	wrdreg $0xFFFFFFFF;
	(pc) =	sbr.abs _section_cstart, $3  }
0xc0: {  	[dreg:$0x1] =	wrdreg $0xFFFFFFFF  }
0xc1: {  	_ =	task.clear_ibuf [dreg:s6], $0x2FFFF;
	_ =	strace $0x9FFFFFFF  }
0xc2: {  	(tm) =	ssettm $0x7FFFFFFF  }
0xc3: {  	_ =	shalt  }
tec
execute0_lowered:
.L_overlay_start_1:
0x0: {  	(tag) =	ssettag $0x1  }
0x1: {  	s11 =	stileid.u32;
	s4 =	rddreg [dreg:$0x0]  }
0x2: {  	s0 =	srdreg.scid;
	s2 =	rddreg [dreg:$0x1]  }
0x3: {  	s3 =	simm.s32 $0x0;
	s12 =	simm.s32 $0x1400;
	s13 =	simm.s32 $0x2400  }
0x4: {  	s14 =	simm.s32 $0x3400;
	s15 =	simm.s32 $0x4400;
	s16 =	simm.s32 $0x5400  }
0x5: {  	s17 =	simm.s32 $0x6400;
	s18 =	simm.s32 $0x7400;
	s19 =	simm.s32 $0x8400  }
0x6: {  	s20 =	simm.s32 $0x1;
	s28 =	simm.s32 $0x8;
	s6 =	smul.u32 $0x4E20, s11  }
0x7: {  	s29 =	simm.s32 $0x0;
	s0 =	sand.u32 $0x1, s0;
	s5 =	smul.u32 $0x50, s11  }
0x8: {  	s1 =	sshll.u32 s11, $0x1;
	[smem:$0x7FF] =	sst s3;
	s24 =	smul.u32 $0xA000, s11  }
0x9: {  	s31 =	sshll.u32 s11, $0x6;
	s11 =	simm.s32 $0x80;
	s8 =	smul.u32 $0x28, s0  }
0xa: {  	s1 =	sor.u32 s0, s1;
	s9 =	ssub.s32 $0x2, s0;
	s0 =	smul.u32 $0x5000, s0  }
0xb: {  	_ =	strace $0x8000004D;
	s1 =	smul.u32 $0x280, s1;
	s7 =	sshrl.u32 s6, $0x3  }
0xc: {  	s21 =	sshrl.u32 s9, $0x1;
	s22 =	sadd.s32 s6, s2;
	s7 =	sadd.s32 s7, s4  }
0xd: {  	s5 =	sadd.s32 s8, s5;
	s8 =	ssub.s32 s9, s21;
	s9 =	sor.u32 $0x1C09, s31  }
0xe: {  	s1 =	sadd.s32 s1, s4;
	s4 =	sadd.s32 $0xABA00, s4;
	s26 =	sadd.s32 $0x6A00, s7  }
0xf: {  	s5 =	sshll.u32 s5, $0x9;
	s30 =	smax.u32 s8, $0x1;
	[dreg:$0x8] =	wrdreg s26  }
0x10: {  	s1 =	sadd.s32 $0x1A00, s1;
	s5 =	sadd.s32 s5, s4;
	[dreg:$0x9] =	wrdreg s30  }
0x11: {  	s21 =	simm.s32 $0x2;
	[dreg:$0x7] =	wrdreg s1;
	s23 =	sadd.s32 $0xC00, s5  }
0x12: {  	s8 =	simm.s32 $0x9;
	s25 =	sadd.s32 $0x800, s5;
	[dreg:$0x3] =	wrdreg s23  }
0x13: {  	s4 =	sadd.s32 s24, s4;
	s10 =	sadd.s32 $0x400, s5;
	[dreg:$0x4] =	wrdreg s25  }
0x14: {  	s24 =	simm.s32 $0x5;
	s0 =	sadd.s32 s0, s4;
	[dreg:$0x5] =	wrdreg s10  }
0x15: {  	s26 =	simm.s32 $0x7;
	[dreg:$0x6] =	wrdreg s0;
	s10 =	sshrl.u32 s22, $0x3  }
0x16: {  	s22 =	simm.s32 $0x3;
	s23 =	simm.s32 $0x4;
	s25 =	simm.s32 $0x6  }
.LBB2_1:
0x17: {  	s0 =	rddreg [dreg:$0x7]  }
0x18: {  	[tilespmem:s3], [sflag:$0x9] =	stream.linear.gather [hbm4b:s0+s3], $0x1400, $0x38;
	[tilespmem:$0xE220] =	vst v63  }
0x19: {  	_ =	swait.ge [sflag:s8], $0x1400  }
0x1a: {  	[sflag:s8] =	ssyncset.done $0x0  }
0x1b: {  	s7 =	rddreg [dreg:$0x8];
	[sflag:s8] =	ssyncadd.s32 $0xFFFFEC00  }
0x1c: {  	[spmem:s10], [sflag:s9] =	dma.local [hbm:s7], $0x9C4  }
0x1d: {  	_ =	swait.ge [sflag:s8], $0x9C4  }
0x1e: {  	[sflag:s8] =	ssyncset.done $0x0  }
0x1f: {  	p0 =	por $0x1, $0x1;
	[sflag:s8] =	ssyncadd.s32 $0xFFFFF63C  }
0x20: {  	s0 =	simm.s32 @!p0 $0x1;
	[bflag:$0x0] =	sbarrier.arrive $0xFFFF  }
0x21: {  	_ =	swait.ge @!p0 [sflag:s0], $0x1000  }
0x22: {  	[sflag:s0] =	ssyncset.done @!p0 $0x0  }
0x23: {  	s1 =	simm.s32 $0x0;
	[sflag:s0] =	ssyncadd.s32 @!p0 $0xFFFFF000  }
0x24: {  	[tilespmem:s12], [sflag:$0x9] =	stream.indirect.gather [spmem:s2], $0x20, s1, s11, $0xb8;
	[tilespmem:$0xE220] =	vst v63  }
0x25: {  	_ =	swait.ge [sflag:s8], $0x1000  }
0x26: {  	s4 =	rddreg [dreg:$0x6];
	[sflag:s8] =	ssyncset.done $0x0  }
0x27: {  	s1 =	simm.s32 @!p0 $0x2;
	[sflag:s8] =	ssyncadd.s32 $0xFFFFF000;
	s0 =	sadd.s32 $0x0, s4  }
0x28: {  	[hbm4b:s0+s3] =	stream.linear.scatter [tilespmem:s12], [sflag:$0x1], $0x1000, $0x38;
	[tilespmem:$0xE220] =	vst v63  }
0x29: {  	_ =	swait.ge @!p0 [sflag:s1], $0x1000  }
0x2a: {  	[sflag:s1] =	ssyncset.done @!p0 $0x0  }
0x2b: {  	s6 =	simm.s32 $0x80;
	[sflag:s1] =	ssyncadd.s32 @!p0 $0xFFFFF000  }
0x2c: {  	[tilespmem:s13], [sflag:$0x9] =	stream.indirect.gather [spmem:s2], $0x20, s6, s11, $0xb8;
	[tilespmem:$0xE220] =	vst v63  }
0x2d: {  	_ =	swait.ge [sflag:s8], $0x1000  }
0x2e: {  	s0 =	sadd.s32 $0x0, s5;
	[sflag:s8] =	ssyncset.done $0x0  }
0x2f: {  	s4 =	simm.s32 @!p0 $0x3;
	s7 =	sadd.s32 $0x200, s0;
	[sflag:s8] =	ssyncadd.s32 $0xFFFFF000  }
0x30: {  	[hbm4b:s7+s3] =	stream.linear.scatter [tilespmem:s13], [sflag:$0x2], $0x1000, $0x38;
	[tilespmem:$0xE220] =	vst v63  }
0x31: {  	_ =	swait.ge @!p0 [sflag:s4], $0x1000  }
0x32: {  	[sflag:s4] =	ssyncset.done @!p0 $0x0  }
0x33: {  	s6 =	simm.s32 $0x100;
	[sflag:s4] =	ssyncadd.s32 @!p0 $0xFFFFF000  }
0x34: {  	[tilespmem:s14], [sflag:$0x9] =	stream.indirect.gather [spmem:s2], $0x20, s6, s11, $0xb8;
	[tilespmem:$0xE220] =	vst v63  }
0x35: {  	_ =	swait.ge [sflag:s8], $0x1000  }
0x36: {  	s7 =	rddreg [dreg:$0x5];
	[sflag:s8] =	ssyncset.done $0x0  }
0x37: {  	s4 =	simm.s32 @!p0 $0x4;
	[sflag:s8] =	ssyncadd.s32 $0xFFFFF000;
	s1 =	sadd.s32 $0x0, s7  }
0x38: {  	[hbm4b:s1+s3] =	stream.linear.scatter [tilespmem:s14], [sflag:$0x3], $0x1000, $0x38;
	[tilespmem:$0xE220] =	vst v63  }
0x39: {  	_ =	swait.ge @!p0 [sflag:s4], $0x1000  }
0x3a: {  	[sflag:s4] =	ssyncset.done @!p0 $0x0  }
0x3b: {  	[sflag:s4] =	ssyncadd.s32 @!p0 $0xFFFFF000;
	s4 =	simm.s32 $0x180  }
0x3c: {  	[tilespmem:s15], [sflag:$0x9] =	stream.indirect.gather [spmem:s2], $0x20, s4, s11, $0xb8;
	[tilespmem:$0xE220] =	vst v63  }
0x3d: {  	_ =	swait.ge [sflag:s8], $0x1000  }
0x3e: {  	[sflag:s8] =	ssyncset.done $0x0  }
0x3f: {  	s6 =	sadd.s32 $0x600, s0;
	s4 =	simm.s32 @!p0 $0x5;
	[sflag:s8] =	ssyncadd.s32 $0xFFFFF000  }
0x40: {  	[hbm4b:s6+s3] =	stream.linear.scatter [tilespmem:s15], [sflag:$0x4], $0x1000, $0x38;
	[tilespmem:$0xE220] =	vst v63  }
0x41: {  	_ =	swait.ge @!p0 [sflag:s4], $0x1000  }
0x42: {  	[sflag:s4] =	ssyncset.done @!p0 $0x0  }
0x43: {  	s7 =	simm.s32 $0x200;
	[sflag:s4] =	ssyncadd.s32 @!p0 $0xFFFFF000  }
0x44: {  	[tilespmem:s16], [sflag:$0x9] =	stream.indirect.gather [spmem:s2], $0x20, s7, s11, $0xb8;
	[tilespmem:$0xE220] =	vst v63  }
0x45: {  	_ =	swait.ge [sflag:s8], $0x1000  }
0x46: {  	s4 =	rddreg [dreg:$0x4];
	[sflag:s8] =	ssyncset.done $0x0  }
0x47: {  	[sflag:s8] =	ssyncadd.s32 $0xFFFFF000;
	s1 =	sadd.s32 $0x0, s4;
	s4 =	simm.s32 @!p0 $0x6  }
0x48: {  	[hbm4b:s1+s3] =	stream.linear.scatter [tilespmem:s16], [sflag:$0x5], $0x1000, $0x38;
	[tilespmem:$0xE220] =	vst v63  }
0x49: {  	_ =	swait.ge @!p0 [sflag:s4], $0x1000  }
0x4a: {  	[sflag:s4] =	ssyncset.done @!p0 $0x0  }
0x4b: {  	s6 =	simm.s32 $0x280;
	[sflag:s4] =	ssyncadd.s32 @!p0 $0xFFFFF000  }
0x4c: {  	[tilespmem:s17], [sflag:$0x9] =	stream.indirect.gather [spmem:s2], $0x20, s6, s11, $0xb8;
	[tilespmem:$0xE220] =	vst v63  }
0x4d: {  	_ =	swait.ge [sflag:s8], $0x1000  }
0x4e: {  	[sflag:s8] =	ssyncset.done $0x0  }
0x4f: {  	s7 =	sadd.s32 $0xA00, s0;
	s4 =	simm.s32 @!p0 $0x7;
	[sflag:s8] =	ssyncadd.s32 $0xFFFFF000  }
0x50: {  	[hbm4b:s7+s3] =	stream.linear.scatter [tilespmem:s17], [sflag:$0x6], $0x1000, $0x38;
	[tilespmem:$0xE220] =	vst v63  }
0x51: {  	_ =	swait.ge @!p0 [sflag:s4], $0x1000  }
0x52: {  	[sflag:s4] =	ssyncset.done @!p0 $0x0  }
0x53: {  	[sflag:s4] =	ssyncadd.s32 @!p0 $0xFFFFF000;
	s4 =	simm.s32 $0x300  }
0x54: {  	[tilespmem:s18], [sflag:$0x9] =	stream.indirect.gather [spmem:s2], $0x20, s4, s11, $0xb8;
	[tilespmem:$0xE220] =	vst v63  }
0x55: {  	_ =	swait.ge [sflag:s8], $0x1000  }
0x56: {  	s6 =	rddreg [dreg:$0x3];
	[sflag:s8] =	ssyncset.done $0x0  }
0x57: {  	s4 =	simm.s32 @!p0 $0x8;
	[sflag:s8] =	ssyncadd.s32 $0xFFFFF000;
	s1 =	sadd.s32 $0x0, s6  }
0x58: {  	[hbm4b:s1+s3] =	stream.linear.scatter [tilespmem:s18], [sflag:$0x7], $0x1000, $0x38;
	[tilespmem:$0xE220] =	vst v63  }
0x59: {  	_ =	swait.ge @!p0 [sflag:s4], $0x1000  }
0x5a: {  	[sflag:s4] =	ssyncset.done @!p0 $0x0  }
0x5b: {  	s7 =	simm.s32 $0x380;
	[sflag:s4] =	ssyncadd.s32 @!p0 $0xFFFFF000  }
0x5c: {  	[tilespmem:s19], [sflag:$0x9] =	stream.indirect.gather [spmem:s2], $0x20, s7, s11, $0xb8;
	[tilespmem:$0xE220] =	vst v63  }
0x5d: {  	s30 =	simm.s32 $0x1000;
	s31 =	simm.s32 $0x2000;
	_ =	swait.ge [sflag:s8], $0x1000  }
0x5e: {  	s0 =	sadd.s32 $0xE00, s0;
	p0 =	por $0x0, $0x0;
	[sflag:s8] =	ssyncset.done $0x0  }
.LBB2_2:
0x5f: {  	s4 =	simm.s32 @!p0 $0x1;
	[sflag:s8] =	ssyncadd.s32 $0xFFFFF000  }
0x60: {  	[hbm4b:s0+s3] =	stream.linear.scatter [tilespmem:s19], [sflag:$0x8], $0x1000, $0x38;
	[tilespmem:$0xE220] =	vst v63  }
0x61: {  	_ =	swait.ge @!p0 [sflag:s4], $0x1000  }
0x62: {  	[sflag:s4] =	ssyncset.done @!p0 $0x0  }
0x63: {  	s0 =	sshra.s32 s30, $0x2;
	[sflag:s4] =	ssyncadd.s32 @!p0 $0xFFFFF000  }
0x64: {  	[tilespmem:s12], [sflag:$0x9] =	stream.indirect.gather [spmem:s2], $0x20, s0, s11, $0xb8;
	[tilespmem:$0xE220] =	vst v63  }
0x65: {  	_ =	swait.ge [sflag:s8], $0x1000  }
0x66: {  	s7 =	rddreg [dreg:$0x6];
	[sflag:s8] =	ssyncset.done $0x0  }
0x67: {  	s6 =	simm.s32 @!p0 $0x2;
	[sflag:s8] =	ssyncadd.s32 $0xFFFFF000;
	s4 =	sadd.s32 s30, s7  }
0x68: {  	[hbm4b:s4+s3] =	stream.linear.scatter [tilespmem:s12], [sflag:$0x1], $0x1000, $0x38;
	[tilespmem:$0xE220] =	vst v63  }
0x69: {  	_ =	swait.ge @!p0 [sflag:s6], $0x1000  }
0x6a: {  	[sflag:s6] =	ssyncset.done @!p0 $0x0  }
0x6b: {  	[sflag:s6] =	ssyncadd.s32 @!p0 $0xFFFFF000;
	s6 =	sadd.s32 $0x80, s0  }
0x6c: {  	[tilespmem:s13], [sflag:$0x9] =	stream.indirect.gather [spmem:s2], $0x20, s6, s11, $0xb8;
	[tilespmem:$0xE220] =	vst v63  }
0x6d: {  	_ =	swait.ge [sflag:s8], $0x1000  }
0x6e: {  	s4 =	sadd.s32 s30, s5;
	[sflag:s8] =	ssyncset.done $0x0  }
0x6f: {  	s7 =	simm.s32 @!p0 $0x3;
	s6 =	sadd.s32 $0x200, s4;
	[sflag:s8] =	ssyncadd.s32 $0xFFFFF000  }
0x70: {  	[hbm4b:s6+s3] =	stream.linear.scatter [tilespmem:s13], [sflag:$0x2], $0x1000, $0x38;
	[tilespmem:$0xE220] =	vst v63  }
0x71: {  	_ =	swait.ge @!p0 [sflag:s7], $0x1000  }
0x72: {  	[sflag:s7] =	ssyncset.done @!p0 $0x0  }
0x73: {  	[sflag:s7] =	ssyncadd.s32 @!p0 $0xFFFFF000;
	s7 =	sadd.s32 $0x100, s0  }
0x74: {  	[tilespmem:s14], [sflag:$0x9] =	stream.indirect.gather [spmem:s2], $0x20, s7, s11, $0xb8;
	[tilespmem:$0xE220] =	vst v63  }
0x75: {  	_ =	swait.ge [sflag:s8], $0x1000  }
0x76: {  	s7 =	rddreg [dreg:$0x5];
	[sflag:s8] =	ssyncset.done $0x0  }
0x77: {  	[sflag:s8] =	ssyncadd.s32 $0xFFFFF000;
	s6 =	sadd.s32 s30, s7;
	s7 =	simm.s32 @!p0 $0x4  }
0x78: {  	[hbm4b:s6+s3] =	stream.linear.scatter [tilespmem:s14], [sflag:$0x3], $0x1000, $0x38;
	[tilespmem:$0xE220] =	vst v63  }
0x79: {  	_ =	swait.ge @!p0 [sflag:s7], $0x1000  }
0x7a: {  	[sflag:s7] =	ssyncset.done @!p0 $0x0  }
0x7b: {  	[sflag:s7] =	ssyncadd.s32 @!p0 $0xFFFFF000;
	s7 =	sadd.s32 $0x180, s0  }
0x7c: {  	[tilespmem:s15], [sflag:$0x9] =	stream.indirect.gather [spmem:s2], $0x20, s7, s11, $0xb8;
	[tilespmem:$0xE220] =	vst v63  }
0x7d: {  	_ =	swait.ge [sflag:s8], $0x1000  }
0x7e: {  	[sflag:s8] =	ssyncset.done $0x0  }
0x7f: {  	s6 =	sadd.s32 $0x600, s4;
	s7 =	simm.s32 @!p0 $0x5;
	[sflag:s8] =	ssyncadd.s32 $0xFFFFF000  }
0x80: {  	[hbm4b:s6+s3] =	stream.linear.scatter [tilespmem:s15], [sflag:$0x4], $0x1000, $0x38;
	[tilespmem:$0xE220] =	vst v63  }
0x81: {  	_ =	swait.ge @!p0 [sflag:s7], $0x1000  }
0x82: {  	[sflag:s7] =	ssyncset.done @!p0 $0x0  }
0x83: {  	[sflag:s7] =	ssyncadd.s32 @!p0 $0xFFFFF000;
	s7 =	sadd.s32 $0x200, s0  }
0x84: {  	[tilespmem:s16], [sflag:$0x9] =	stream.indirect.gather [spmem:s2], $0x20, s7, s11, $0xb8;
	[tilespmem:$0xE220] =	vst v63  }
0x85: {  	_ =	swait.ge [sflag:s8], $0x1000  }
0x86: {  	s7 =	rddreg [dreg:$0x4];
	[sflag:s8] =	ssyncset.done $0x0  }
0x87: {  	[sflag:s8] =	ssyncadd.s32 $0xFFFFF000;
	s6 =	sadd.s32 s30, s7;
	s7 =	simm.s32 @!p0 $0x6  }
0x88: {  	[hbm4b:s6+s3] =	stream.linear.scatter [tilespmem:s16], [sflag:$0x5], $0x1000, $0x38;
	[tilespmem:$0xE220] =	vst v63  }
0x89: {  	_ =	swait.ge @!p0 [sflag:s7], $0x1000  }
0x8a: {  	[sflag:s7] =	ssyncset.done @!p0 $0x0  }
0x8b: {  	[sflag:s7] =	ssyncadd.s32 @!p0 $0xFFFFF000;
	s7 =	sadd.s32 $0x280, s0  }
0x8c: {  	[tilespmem:s17], [sflag:$0x9] =	stream.indirect.gather [spmem:s2], $0x20, s7, s11, $0xb8;
	[tilespmem:$0xE220] =	vst v63  }
0x8d: {  	_ =	swait.ge [sflag:s8], $0x1000  }
0x8e: {  	[sflag:s8] =	ssyncset.done $0x0  }
0x8f: {  	s6 =	sadd.s32 $0xA00, s4;
	s7 =	simm.s32 @!p0 $0x7;
	[sflag:s8] =	ssyncadd.s32 $0xFFFFF000  }
0x90: {  	[hbm4b:s6+s3] =	stream.linear.scatter [tilespmem:s17], [sflag:$0x6], $0x1000, $0x38;
	[tilespmem:$0xE220] =	vst v63  }
0x91: {  	_ =	swait.ge @!p0 [sflag:s7], $0x1000  }
0x92: {  	[sflag:s7] =	ssyncset.done @!p0 $0x0  }
0x93: {  	[sflag:s7] =	ssyncadd.s32 @!p0 $0xFFFFF000;
	s7 =	sadd.s32 $0x300, s0  }
0x94: {  	[tilespmem:s18], [sflag:$0x9] =	stream.indirect.gather [spmem:s2], $0x20, s7, s11, $0xb8;
	[tilespmem:$0xE220] =	vst v63  }
0x95: {  	s1 =	smov.u32 s31;
	_ =	swait.ge [sflag:s8], $0x1000  }
0x96: {  	s31 =	sadd.s32 $0x1000, s31;
	s7 =	rddreg [dreg:$0x3];
	[sflag:s8] =	ssyncset.done $0x0  }
0x97: {  	[sflag:s8] =	ssyncadd.s32 $0xFFFFF000;
	s6 =	sadd.s32 s30, s7;
	s7 =	simm.s32 @!p0 $0x8  }
0x98: {  	[hbm4b:s6+s3] =	stream.linear.scatter [tilespmem:s18], [sflag:$0x7], $0x1000, $0x38;
	[tilespmem:$0xE220] =	vst v63  }
0x99: {  	p1 =	sne.s32 s31, $0x5000;
	_ =	swait.ge @!p0 [sflag:s7], $0x1000  }
.Ltmp0:
0x9a: {  	[sflag:s7] =	ssyncset.done @!p0 $0x0;
	(pc) =	sbr.rel @p1 .LBB2_2-.Ltmp0, $4  }
0x9b: {  	s0 =	sadd.s32 $0x380, s0;
	[sflag:s7] =	ssyncadd.s32 @!p0 $0xFFFFF000  }
0x9c: {  	[tilespmem:s19], [sflag:$0x9] =	stream.indirect.gather [spmem:s2], $0x20, s0, s11, $0xb8;
	[tilespmem:$0xE220] =	vst v63  }
0x9d: {  	s30 =	smov.u32 s1;
	_ =	swait.ge [sflag:s8], $0x1000  }
0x9e: {  	p0 =	seq.s32 s30, $0x0;
	s0 =	sadd.s32 $0xE00, s4;
	[sflag:s8] =	ssyncset.done $0x0  }
0x9f: {  	s1 =	simm.s32 @!p0 $0x1;
	[sflag:s8] =	ssyncadd.s32 $0xFFFFF000  }
0xa0: {  	[hbm4b:s0+s3] =	stream.linear.scatter [tilespmem:s19], [sflag:$0x8], $0x1000, $0x38;
	[tilespmem:$0xE220] =	vst v63  }
0xa1: {  	_ =	swait.ge @!p0 [sflag:s1], $0x1000  }
0xa2: {  	[sflag:s1] =	ssyncset.done @!p0 $0x0  }
0xa3: {  	s0 =	sshra.s32 s30, $0x2;
	[sflag:s1] =	ssyncadd.s32 @!p0 $0xFFFFF000  }
0xa4: {  	[tilespmem:s12], [sflag:$0x9] =	stream.indirect.gather [spmem:s2], $0x20, s0, s11, $0xb8;
	[tilespmem:$0xE220] =	vst v63  }
0xa5: {  	_ =	swait.ge [sflag:s8], $0x1000  }
0xa6: {  	s31 =	rddreg [dreg:$0x6];
	[sflag:s8] =	ssyncset.done $0x0  }
0xa7: {  	s4 =	simm.s32 @!p0 $0x2;
	[sflag:s8] =	ssyncadd.s32 $0xFFFFF000;
	s1 =	sadd.s32 s30, s31  }
0xa8: {  	[hbm4b:s1+s3] =	stream.linear.scatter [tilespmem:s12], [sflag:$0x1], $0x1000, $0x38;
	[tilespmem:$0xE220] =	vst v63  }
0xa9: {  	_ =	swait.ge @!p0 [sflag:s4], $0x1000  }
0xaa: {  	[sflag:s4] =	ssyncset.done @!p0 $0x0  }
0xab: {  	[sflag:s4] =	ssyncadd.s32 @!p0 $0xFFFFF000;
	s4 =	sadd.s32 $0x80, s0  }
0xac: {  	[tilespmem:s13], [sflag:$0x9] =	stream.indirect.gather [spmem:s2], $0x20, s4, s11, $0xb8;
	[tilespmem:$0xE220] =	vst v63  }
0xad: {  	_ =	swait.ge [sflag:s8], $0x1000  }
0xae: {  	s1 =	sadd.s32 s30, s5;
	[sflag:s8] =	ssyncset.done $0x0  }
0xaf: {  	s6 =	sadd.s32 $0x200, s1;
	s4 =	simm.s32 @!p0 $0x3;
	[sflag:s8] =	ssyncadd.s32 $0xFFFFF000  }
0xb0: {  	[hbm4b:s6+s3] =	stream.linear.scatter [tilespmem:s13], [sflag:$0x2], $0x1000, $0x38;
	[tilespmem:$0xE220] =	vst v63  }
0xb1: {  	_ =	swait.ge @!p0 [sflag:s4], $0x1000  }
0xb2: {  	[sflag:s4] =	ssyncset.done @!p0 $0x0  }
0xb3: {  	s7 =	sadd.s32 $0x100, s0;
	[sflag:s4] =	ssyncadd.s32 @!p0 $0xFFFFF000  }
0xb4: {  	[tilespmem:s14], [sflag:$0x9] =	stream.indirect.gather [spmem:s2], $0x20, s7, s11, $0xb8;
	[tilespmem:$0xE220] =	vst v63  }
0xb5: {  	_ =	swait.ge [sflag:s8], $0x1000  }
0xb6: {  	s31 =	rddreg [dreg:$0x5];
	[sflag:s8] =	ssyncset.done $0x0  }
0xb7: {  	[sflag:s8] =	ssyncadd.s32 $0xFFFFF000;
	s4 =	sadd.s32 s30, s31  }
0xb8: {  	[hbm4b:s4+s3] =	stream.linear.scatter [tilespmem:s14], [sflag:$0x3], $0x1000, $0x38;
	[tilespmem:$0xE220] =	vst v63  }
0xb9: {  	s4 =	simm.s32 @!p0 $0x4  }
0xba: {  	_ =	swait.ge @!p0 [sflag:s4], $0x1000  }
0xbb: {  	[sflag:s4] =	ssyncset.done @!p0 $0x0  }
0xbc: {  	s6 =	sadd.s32 $0x180, s0;
	[sflag:s4] =	ssyncadd.s32 @!p0 $0xFFFFF000  }
0xbd: {  	[tilespmem:s15], [sflag:$0x9] =	stream.indirect.gather [spmem:s2], $0x20, s6, s11, $0xb8;
	[tilespmem:$0xE220] =	vst v63  }
0xbe: {  	_ =	swait.ge [sflag:s8], $0x1000  }
0xbf: {  	[sflag:s8] =	ssyncset.done $0x0  }
0xc0: {  	s7 =	sadd.s32 $0x600, s1;
	s4 =	simm.s32 @!p0 $0x5;
	[sflag:s8] =	ssyncadd.s32 $0xFFFFF000  }
0xc1: {  	[hbm4b:s7+s3] =	stream.linear.scatter [tilespmem:s15], [sflag:$0x4], $0x1000, $0x38;
	[tilespmem:$0xE220] =	vst v63  }
0xc2: {  	_ =	swait.ge @!p0 [sflag:s4], $0x1000  }
0xc3: {  	[sflag:s4] =	ssyncset.done @!p0 $0x0  }
0xc4: {  	s31 =	sadd.s32 $0x200, s0;
	[sflag:s4] =	ssyncadd.s32 @!p0 $0xFFFFF000  }
0xc5: {  	[tilespmem:s16], [sflag:$0x9] =	stream.indirect.gather [spmem:s2], $0x20, s31, s11, $0xb8;
	[tilespmem:$0xE220] =	vst v63  }
0xc6: {  	_ =	swait.ge [sflag:s8], $0x1000  }
0xc7: {  	s6 =	rddreg [dreg:$0x4];
	[sflag:s8] =	ssyncset.done $0x0  }
0xc8: {  	[sflag:s8] =	ssyncadd.s32 $0xFFFFF000;
	s4 =	sadd.s32 s30, s6  }
0xc9: {  	[hbm4b:s4+s3] =	stream.linear.scatter [tilespmem:s16], [sflag:$0x5], $0x1000, $0x38;
	[tilespmem:$0xE220] =	vst v63  }
0xca: {  	s4 =	simm.s32 @!p0 $0x6  }
0xcb: {  	_ =	swait.ge @!p0 [sflag:s4], $0x1000  }
0xcc: {  	[sflag:s4] =	ssyncset.done @!p0 $0x0  }
0xcd: {  	s7 =	sadd.s32 $0x280, s0;
	[sflag:s4] =	ssyncadd.s32 @!p0 $0xFFFFF000  }
0xce: {  	[tilespmem:s17], [sflag:$0x9] =	stream.indirect.gather [spmem:s2], $0x20, s7, s11, $0xb8;
	[tilespmem:$0xE220] =	vst v63  }
0xcf: {  	_ =	swait.ge [sflag:s8], $0x1000  }
0xd0: {  	[sflag:s8] =	ssyncset.done $0x0  }
0xd1: {  	s31 =	sadd.s32 $0xA00, s1;
	s4 =	simm.s32 @!p0 $0x7;
	[sflag:s8] =	ssyncadd.s32 $0xFFFFF000  }
0xd2: {  	[hbm4b:s31+s3] =	stream.linear.scatter [tilespmem:s17], [sflag:$0x6], $0x1000, $0x38;
	[tilespmem:$0xE220] =	vst v63  }
0xd3: {  	_ =	swait.ge @!p0 [sflag:s4], $0x1000  }
0xd4: {  	[sflag:s4] =	ssyncset.done @!p0 $0x0  }
0xd5: {  	s6 =	sadd.s32 $0x300, s0;
	[sflag:s4] =	ssyncadd.s32 @!p0 $0xFFFFF000  }
0xd6: {  	[tilespmem:s18], [sflag:$0x9] =	stream.indirect.gather [spmem:s2], $0x20, s6, s11, $0xb8;
	[tilespmem:$0xE220] =	vst v63  }
0xd7: {  	_ =	swait.ge [sflag:s8], $0x1000  }
0xd8: {  	s7 =	rddreg [dreg:$0x3];
	[sflag:s8] =	ssyncset.done $0x0  }
0xd9: {  	s4 =	sadd.s32 s30, s7;
	[sflag:s8] =	ssyncadd.s32 $0xFFFFF000  }
0xda: {  	[hbm4b:s4+s3] =	stream.linear.scatter [tilespmem:s18], [sflag:$0x7], $0x1000, $0x38;
	[tilespmem:$0xE220] =	vst v63  }
0xdb: {  	s4 =	simm.s32 @!p0 $0x8  }
0xdc: {  	_ =	swait.ge @!p0 [sflag:s4], $0x1000  }
0xdd: {  	[sflag:s4] =	ssyncset.done @!p0 $0x0  }
0xde: {  	s0 =	sadd.s32 $0x380, s0;
	[sflag:s4] =	ssyncadd.s32 @!p0 $0xFFFFF000  }
0xdf: {  	[tilespmem:s19], [sflag:$0x9] =	stream.indirect.gather [spmem:s2], $0x20, s0, s11, $0xb8;
	[tilespmem:$0xE220] =	vst v63  }
0xe0: {  	_ =	swait.ge [sflag:s8], $0x1000  }
0xe1: {  	[sflag:s8] =	ssyncset.done $0x0  }
0xe2: {  	s30 =	sadd.s32 $0xE00, s1;
	[sflag:s8] =	ssyncadd.s32 $0xFFFFF000  }
0xe3: {  	[hbm4b:s30+s3] =	stream.linear.scatter [tilespmem:s19], [sflag:$0x8], $0x1000, $0x38;
	[tilespmem:$0xE220] =	vst v63  }
0xe4: {  	_ =	swait.ge [sflag:s20], $0x1000  }
0xe5: {  	[sflag:s20] =	ssyncset.done $0x0  }
0xe6: {  	[sflag:s20] =	ssyncadd.s32 $0xFFFFF000  }
0xe7: {  	_ =	swait.ge [sflag:s21], $0x1000  }
0xe8: {  	[sflag:s21] =	ssyncset.done $0x0  }
0xe9: {  	[sflag:s21] =	ssyncadd.s32 $0xFFFFF000  }
0xea: {  	_ =	swait.ge [sflag:s22], $0x1000  }
0xeb: {  	[sflag:s22] =	ssyncset.done $0x0  }
0xec: {  	[sflag:s22] =	ssyncadd.s32 $0xFFFFF000  }
0xed: {  	_ =	swait.ge [sflag:s23], $0x1000  }
0xee: {  	[sflag:s23] =	ssyncset.done $0x0  }
0xef: {  	[sflag:s23] =	ssyncadd.s32 $0xFFFFF000  }
0xf0: {  	_ =	swait.ge [sflag:s24], $0x1000  }
0xf1: {  	[sflag:s24] =	ssyncset.done $0x0  }
0xf2: {  	[sflag:s24] =	ssyncadd.s32 $0xFFFFF000  }
0xf3: {  	_ =	swait.ge [sflag:s25], $0x1000  }
0xf4: {  	[sflag:s25] =	ssyncset.done $0x0  }
0xf5: {  	[sflag:s25] =	ssyncadd.s32 $0xFFFFF000  }
0xf6: {  	_ =	swait.ge [sflag:s26], $0x1000  }
0xf7: {  	[sflag:s26] =	ssyncset.done $0x0  }
0xf8: {  	[sflag:s26] =	ssyncadd.s32 $0xFFFFF000  }
0xf9: {  	_ =	swait.ge [sflag:s28], $0x1000  }
0xfa: {  	s29 =	sadd.s32 $0x1, s29;
	s31 =	rddreg [dreg:$0x9]  }
0xfb: {  	p0 =	sne.s32 s29, s31  }
.Ltmp1:
0xfc: {  	_ = 	snop;
	(pc) =	sbr.rel @p0 .LBB2_1-.Ltmp1, $3  }
0xfd: {  	_ =	sdelay $0x1  }
0xfe: {  	[sflag:s28] =	ssyncset.done $0x0  }
0xff: {  	[sflag:s28] =	ssyncadd.s32 $0xFFFFF000  }
0x100: {  	_ =	sfence.sel $0x180000  }
0x101: {  	[bflag:$0x0] =	sbarrier.arrive $0xFFFF  }
0x102: {  	_ =	strace $0x9000004D  }
0x103: {  	s0 =	stileid.u32;
	[bflag:$0x2] =	sbarrier.arrive $0xFFFF  }
0x104: {  	p0 =	sne.s32 s0, $0x0;
	s0 =	rddreg [dreg:$0x2]  }
0x105: {  	s0 =	sadd.s32 @!p0 $0x100000, s0  }
0x106: {  	[sflag:s0] =	ssyncadd.tile.s32 @!p0 $0x1;
	_ =	shalt  }
.Lfunc_end2:
_tile_overlayer_lowered:
.L_overlay_start_2:
0x107: {  	(tag) =	ssettag $0x2  }
0x108: {  	s0 =	rddreg [dreg:$0x0];
	s2 =	stileid.u32  }
0x109: {  	s1 =	rddreg [dreg:$0x1];
	p0 =	sne.s32 s2, $0x0  }
0x10a: {  	s3 =	rddreg [dreg:$0x2];
	[bflag:$0x3] =	sbarrier.arrive $0xFFFF;
	s2 =	simm.s32 @!p0 $0x1C09  }
0x10b: {  	[timem:s3], [sflag:s2] =	dma.local @!p0 [hbm:s0], s1  }
0x10c: {  	s0 =	simm.s32 @!p0 $0x9  }
0x10d: {  	_ =	swait.ge @!p0 [sflag:s0], s1  }
0x10e: {  	s1 =	ssub.s32 @!p0 $0x0, s1;
	[sflag:s0] =	ssyncset.done @!p0 $0x0  }
0x10f: {  	[sflag:s0] =	ssyncadd.s32 @!p0 s1  }
0x110: {  	[bflag:$0x3] =	sbarrier.arrive $0xFFFF  }
0x111: {  	_ =	shalt  }

// kernel: kernel.17.cloned.1.call-start
scs
__scs_entry_jumppad:
0x0: {  	(pc) =	sbr.rel $0x88, $3  }
0x1: {  	(tag) =	ssettag $0x0;
	lr =	simm.s32 $0x1  }
0x2: {  	[smem:$0x3F9A] =	sst lr;
	_ =	strace $0xD0000000  }
0x3: {  	_ = 	snop  }
0x4: {  	_ = 	snop  }
0x5: {  	_ = 	snop  }
0x6: {  	_ = 	snop  }
0x7: {  	_ = 	snop  }
__scs_overlays_trampoline_lowered:
0x8: {  	[smem:$0x3FA9] =	sst s0  }
0x9: {  	[smem:$0x3FAA] =	sst s1  }
0xa: {  	[smem:$0x3FAB] =	sst s2  }
0xb: {  	[smem:$0x3FAC] =	sst s3  }
0xc: {  	[smem:$0x3FAD] =	sst s4  }
0xd: {  	[smem:$0x3FAE] =	sst s5  }
0xe: {  	[smem:$0x3FAF] =	sst s6  }
0xf: {  	[smem:$0x3FB0] =	sst s7  }
0x10: {  	[smem:$0x3FB1] =	sst s8  }
0x11: {  	[smem:$0x3FB2] =	sst s9;
	s0 =	simm.s32 @!p0 $0x0  }
0x12: {  	s1 =	sld [smem:$0x3F98];
	s0 =	simm.s32 @p0 $0x1  }
0x13: {  	[smem:$0x3FB3] =	sst s0;
	s0 =	simm.s32 @!p1 $0x0  }
0x14: {  	s2 =	sld [smem:$0x3F97];
	s0 =	simm.s32 @p1 $0x1  }
0x15: {  	[smem:$0x3FB4] =	sst s0;
	s0 =	simm.s32 @!p2 $0x0  }
0x16: {  	s3 =	sld [smem:$0x3FDB];
	s0 =	simm.s32 @p2 $0x1  }
0x17: {  	s4 =	simm.s32 $0x1BF5;
	[smem:$0x3FB6] =	sst s0  }
0x18: {  	s0 =	sld [smem:$0x3F99];
	_ =	swait.ge [sflag:s4], $0x0  }
0x19: {  	s7 =	sld [smem:$0x3F9A]  }
0x1a: {  	s8 =	sadd.s32 $0xFFFFE003, lr  }
0x1b: {  	s9 =	sadd.s32 $0xFFFFFEF7, lr;
	s5 =	simm.s32 $0xFFFFFFFF;
	p2 =	slt.u32 s8, $0xFFFFF086  }
0x1c: {  	p1 =	slt.u32 s9, $0xF7A;
	s5 =	simm.s32 @!p2 $0x0  }
0x1d: {  	s5 =	simm.s32 @p1 $0x1;
	p0 =	seq.s32 s7, s2  }
0x1e: {  	s7 =	smul.u32 @!p0 $0xF7A, s2;
	p2 =	seq.s32 @!p0 s5, $0x0  }
0x1f: {  	s9 =	smul.u32 $0xF7A, s1;
	s8 =	simm.s32 @!p0 $0x1BF5;
	p2 =	por !p2, p0  }
0x20: {  	[sflag:s8] =	ssyncset.s32 @!p0 $0xFFFFF086;
	s6 =	sadd.s32 @!p0 s3, s7;
	s7 =	simm.s32 @!p0 $0x108  }
0x21: {  	s3 =	sadd.s32 s3, s9;
	s6 =	sadd.s32 @!p0 $0x88, s6;
	s7 =	simm.s32 @p2 $0x1082  }
0x22: {  	[simem:s7], [sflag:s8] =	dma.local @!p0 [hbm:s6], $0xF7A  }
0x23: {  	s9 =	sor.u32 $0xD0000000, s2;
	s6 =	simm.s32 $0x108;
	_ =	swait.ge @!p0 [sflag:s8], $0x0  }
0x24: {  	s3 =	sadd.s32 $0x88, s3;
	s6 =	simm.s32 @!p1 $0x1082;
	[sflag:s4] =	ssyncset.s32 $0xFFFFF086  }
0x25: {  	[simem:s6], [sflag:s4] =	dma.local [hbm:s3], $0xF7A  }
0x26: {  	[smem:$0x3F9A] =	sst s1;
	(tag) =	ssettag s2;
	_ =	strace s9  }
0x27: {  	s1 =	sld [smem:$0x3FAA]  }
0x28: {  	s2 =	sld [smem:$0x3FAB]  }
0x29: {  	s4 =	sld [smem:$0x3FAD]  }
0x2a: {  	p0 =	seq.s32 s5, $0x0;
	s5 =	sld [smem:$0x3FAE]  }
0x2b: {  	s6 =	sld [smem:$0x3FAF]  }
0x2c: {  	s7 =	sld [smem:$0x3FB0]  }
0x2d: {  	s3 =	simm.s32 $0x108;
	s8 =	sld [smem:$0x3FB1]  }
0x2e: {  	s3 =	simm.s32 @!p0 $0x1082;
	s9 =	sld [smem:$0x3FB2]  }
0x2f: {  	lr =	sadd.s32 s0, s3;
	s0 =	sld [smem:$0x3FA9]  }
0x30: {  	s3 =	sld [smem:$0x3FAC]  }
0x31: {  	[smem:$0x3FB5] =	sst s10  }
0x32: {  	s10 =	sld [smem:$0x3FB3];
	_ =	sdelay $0x3  }
0x33: {  	p0 =	seq.s32 s10, $0x1;
	s10 =	sld [smem:$0x3FB5];
	_ =	sdelay $0x3  }
0x34: {  	[smem:$0x3FB5] =	sst s10  }
0x35: {  	s10 =	sld [smem:$0x3FB4];
	_ =	sdelay $0x3  }
0x36: {  	p1 =	seq.s32 s10, $0x1;
	s10 =	sld [smem:$0x3FB5];
	_ =	sdelay $0x3  }
0x37: {  	[smem:$0x3FB5] =	sst s10  }
0x38: {  	s10 =	sld [smem:$0x3FB6]  }
0x39: {  	_ = 	snop;
	(pc) =	sbr.ind lr, $3  }
0x3a: {  	_ = 	snop  }
0x3b: {  	_ = 	snop  }
0x3c: {  	p2 =	seq.s32 s10, $0x1;
	s10 =	sld [smem:$0x3FB5]  }
0x3d: {  	_ =	shalt  }
0x3e: {  	_ =	shalt  }
0x3f: {  	_ =	shalt  }
0x40: {  	_ =	shalt  }
0x41: {  	_ =	shalt  }
0x42: {  	_ =	shalt  }
0x43: {  	_ =	shalt  }
0x44: {  	_ =	shalt  }
0x45: {  	_ =	shalt  }
0x46: {  	_ =	shalt  }
0x47: {  	_ =	shalt  }
0x48: {  	_ =	shalt  }
0x49: {  	_ =	shalt  }
0x4a: {  	_ =	shalt  }
0x4b: {  	_ =	shalt  }
0x4c: {  	_ =	shalt  }
0x4d: {  	_ =	shalt  }
0x4e: {  	_ =	shalt  }
0x4f: {  	_ =	shalt  }
0x50: {  	_ =	shalt  }
0x51: {  	_ =	shalt  }
0x52: {  	_ =	shalt  }
0x53: {  	_ =	shalt  }
0x54: {  	_ =	shalt  }
0x55: {  	_ =	shalt  }
0x56: {  	_ =	shalt  }
0x57: {  	_ =	shalt  }
0x58: {  	_ =	shalt  }
0x59: {  	_ =	shalt  }
0x5a: {  	_ =	shalt  }
0x5b: {  	_ =	shalt  }
0x5c: {  	_ =	shalt  }
0x5d: {  	_ =	shalt  }
0x5e: {  	_ =	shalt  }
0x5f: {  	_ =	shalt  }
0x60: {  	_ =	shalt  }
0x61: {  	_ =	shalt  }
0x62: {  	_ =	shalt  }
0x63: {  	_ =	shalt  }
0x64: {  	_ =	shalt  }
0x65: {  	_ =	shalt  }
0x66: {  	_ =	shalt  }
0x67: {  	_ =	shalt  }
0x68: {  	_ =	shalt  }
0x69: {  	_ =	shalt  }
0x6a: {  	_ =	shalt  }
0x6b: {  	_ =	shalt  }
0x6c: {  	_ =	shalt  }
0x6d: {  	_ =	shalt  }
0x6e: {  	_ =	shalt  }
0x6f: {  	_ =	shalt  }
0x70: {  	_ =	shalt  }
0x71: {  	_ =	shalt  }
0x72: {  	_ =	shalt  }
0x73: {  	_ =	shalt  }
0x74: {  	_ =	shalt  }
0x75: {  	_ =	shalt  }
0x76: {  	_ =	shalt  }
0x77: {  	_ =	shalt  }
0x78: {  	_ =	shalt  }
0x79: {  	_ =	shalt  }
0x7a: {  	_ =	shalt  }
0x7b: {  	_ =	shalt  }
0x7c: {  	_ =	shalt  }
0x7d: {  	_ =	shalt  }
0x7e: {  	_ =	shalt  }
0x7f: {  	_ =	shalt  }
0x80: {  	_ =	shalt  }
0x81: {  	_ =	shalt  }
0x82: {  	_ =	shalt  }
0x83: {  	_ =	shalt  }
0x84: {  	_ =	shalt  }
0x85: {  	_ =	shalt  }
0x86: {  	_ =	shalt  }
0x87: {  	_ =	shalt  }
.Lfunc_end0:
.L_simem_size_0:
called_computation.3_lowered:
.L_overlay_start_0:
0x88: {  	s0 =	sld [smem:$0x3FD9]  }
0x89: {  	s1 =	sld [smem:$0x3FFE];
	_ =	sdelay $0x3  }
0x8a: {  	s0 =	sadd.s32 s1, s0  }
0x8b: {  	[smem:$0x3FC1] =	sst s0  }
0x8c: {  	_ = 	snop  }
0x8d: {  	s0 =	sld [smem:$0x3FC3]  }
0x8e: {  	s16 =	sld [smem:$0x3FD0];
	(tm) =	ssettm $0x1  }
0x8f: {  	s2 =	sld [smem:$0x3FFB];
	_ =	sdelay $0x3  }
0x90: {  	_ =	strace s2  }
0x91: {  	s2 =	sld [smem:$0x3FFC];
	_ =	sdelay $0x3  }
0x92: {  	_ =	strace s2  }
0x93: {  	s2 =	sld [smem:$0x3FFD];
	_ =	sdelay $0x3  }
0x94: {  	_ =	strace s2  }
0x95: {  	_ =	strace $0x8FFFFFFF  }
0x96: {  	s17 =	sld [smem:$0x3FDB];
	_ =	sdelay $0x1  }
0x97: {  	s3 =	simm.s32 $_scs_section_size  }
0x98: {  	s4 =	simm.s32 $_size__tile_overlayer_lowered;
	s5 =	simm.s32 $_tile_overlayer_lowered  }
0x99: {  	s20 =	simm.s32 $0x1BFF;
	s19 =	sshll.u32 s5, $0x1;
	s2 =	sadd.s32 s3, s17  }
0x9a: {  	s6 =	simm.s32 $0x0;
	s18 =	sshll.u32 s4, $0x1;
	s4 =	sadd.s32 s19, s2  }
0x9b: {  	[timem:s6], [sflag:s20] =	dma.local [hbm:s4], s18  }
0x9c: {  	_ =	swait.ge [sflag:s20], s18  }
0x9d: {  	s3 =	ssub.s32 $0x0, s18;
	[sflag:s20] =	ssyncset.done $0x0  }
0x9e: {  	[sflag:s20] =	ssyncadd.s32 s3;
	_ =	sdelay $0x1  }
0x9f: {  	s21 =	simm.s32 $0x1B8B  }
0xa0: {  	_ =	swait.ge [sflag:s21], $0x1  }
0xa1: {  	[sflag:s21] =	ssyncset.done $0x0  }
0xa2: {  	s23 =	simm.s32 $0x1B8E;
	s22 =	sld [smem:$0x3FFE];
	[sflag:s21] =	ssyncadd.s32 $0xFFFFFFFF  }
0xa3: {  	s24 =	simm.s32 $execute0_lowered;
	[smem:$0x3FD2] =	sst s23  }
0xa4: {  	s4 =	sshll.u32 s24, $0x1;
	_ =	strace $0x8000004F;
	[dreg:$0x1] =	wrdreg $0xFFFFFFFF  }
0xa5: {  	s25 =	simm.s32 $_size_execute0_lowered;
	s2 =	sadd.s32 s2, s4;
	[dreg:$0x0] =	wrdreg $0x0  }
0xa6: {  	s4 =	sshll.u32 s25, $0x1;
	[dreg:$0x2] =	wrdreg s2  }
0xa7: {  	[dreg:$0x3] =	wrdreg s4  }
0xa8: {  	[dreg:$0x4] =	wrdreg $0xC0  }
0xa9: {  	_ =	task [dreg:s6], $0x5FFFF  }
0xaa: {  	[dreg:$0x1] =	wrdreg $0xFFFFFFFF  }
0xab: {  	[dreg:$0x0] =	wrdreg $0x60  }
0xac: {  	[dreg:$0x2] =	wrdreg s22  }
0xad: {  	[dreg:$0x3] =	wrdreg s0  }
0xae: {  	[dreg:$0x4] =	wrdreg s16  }
0xaf: {  	[dreg:$0x5] =	wrdreg $0x144800  }
0xb0: {  	[dreg:$0x6] =	wrdreg $0x9  }
0xb1: {  	_ =	task.clear_ibuf [dreg:s6], $0x7FFFF;
	_ =	strace $0x9000004F  }
0xb2: {  	s26 =	simm.s32 $0x9;
	_ =	strace $0x80000051  }
0xb3: {  	_ =	swait.ge [sflag:s26], $0x1  }
0xb4: {  	[sflag:s26] =	ssyncadd.s32 $0xFFFFFFFF  }
0xb5: {  	_ =	strace $0x90000051  }
0xb6: {  	_ =	sfence  }
0xb7: {  	s28 =	sld [smem:$0x0];
	_ =	sdelay $0x1  }
0xb8: {  	s29 =	srdreg.scid  }
0xb9: {  	s30 =	sshll.u32 s29, $0xD;
	s31 =	sshrl.u32 s29, $0x2  }
0xba: {  	s1 =	sand.u32 $0x1, s29;
	s2 =	sand.u32 $0x4000, s30;
	s0 =	sadd.s32 s31, s28  }
0xbb: {  	s1 =	sor.u32 s2, s1;
	s0 =	sshll.u32 s0, $0x11  }
0xbc: {  	s0 =	sor.u32 s0, s1  }
0xbd: {  	s0 =	sadd.s32 $0x8F2B, s0  }
0xbe: {  	[sflag:s0] =	ssyncadd.remote.s32 $0x1  }
0xbf: {  	_ =	sfence.sel $0xFFFF  }
0xc0: {  	[dreg:$0x0] =	wrdreg $0xFFFFFFFF;
	(pc) =	sbr.abs _section_cstart, $3  }
0xc1: {  	[dreg:$0x1] =	wrdreg $0xFFFFFFFF  }
0xc2: {  	_ =	task.clear_ibuf [dreg:s6], $0x2FFFF;
	_ =	strace $0x9FFFFFFF  }
0xc3: {  	(tm) =	ssettm $0x7FFFFFFF  }
tec
execute0_lowered:
.L_overlay_start_1:
0x0: {  	(tag) =	ssettag $0x1  }
0x1: {  	s5 =	rddreg [dreg:$0x0]  }
0x2: {  	s3 =	rddreg [dreg:$0x1]  }
0x3: {  	s2 =	rddreg [dreg:$0x2];
	s0 =	stileid.u32  }
0x4: {  	s4 =	rddreg [dreg:$0x3];
	s6 =	smul.u32 $0x500, s0  }
0x5: {  	s1 =	rddreg [dreg:$0x4];
	s7 =	simm.s32 $0x0  }
0x6: {  	[smem:$0x7FF] =	sst s7;
	s6 =	sadd.s32 s6, s5  }
0x7: {  	s31 =	simm.s32 $0x9;
	_ =	strace $0x80000050;
	s6 =	sadd.s32 $0xA6A00, s6  }
0x8: {  	[tilespmem:s7], [sflag:$0x9] =	stream.linear.gather [hbm4b:s6+s7], $0x2800, $0x38;
	[tilespmem:$0x192C0] =	vst v63  }
0x9: {  	_ =	swait.ge [sflag:s31], $0x2800  }
0xa: {  	s8 =	simm.s32 $0x0;
	s7 =	sadd.s32 $0x14BA00, s5;
	[sflag:s31] =	ssyncset.done $0x0  }
0xb: {  	v0 =	vimm.f32 $0.0e+00;
	s5 =	sadd.s32 $0x6A00, s5;
	s6 =	simm.s32 $0x80;
	[sflag:s31] =	ssyncadd.s32 $0xFFFFD800  }
.LBB2_1:
0xc: {  	p0 =	sne.s32 s6, $0x13880;
	[tilespmem:s8+$0xA800] =	vst v0;
	s9 =	smov.u32 s6;
	s6 =	sadd.s32 $0x80, s6  }
.Ltmp0:
0xd: {  	[tilespmem:s8+$0xA810] =	vst v0;
	(pc) =	sbr.rel @p0 .LBB2_1-.Ltmp0, $2  }
0xe: {  	_ =	sdelay $0x2  }
0xf: {  	s8 =	sshra.s32 s9, $0x2  }
0x10: {  	s6 =	smul.u32 $0x13900, s0;
	_ =	sdelay $0x1  }
0x11: {  	[tilespmem:s8+$0xA800] =	vst v0;
	s6 =	sshrl.u32 s6, $0x2  }
0x12: {  	[tilespmem:s8+$0xA810] =	vst v0;
	s24 =	simm.s32 $0xA800;
	s6 =	sadd.s32 s6, s4  }
0x13: {  	[spmem:s6] =	stream.linear.scatter [tilespmem:s24], [sflag:$0x9], $0x4E40, $0x38;
	[tilespmem:$0x192C0] =	vst v63  }
0x14: {  	s6 =	simm.s32 $0x9  }
0x15: {  	_ =	swait.ge [sflag:s6], $0x4E40  }
0x16: {  	s25 =	smul.u32 $0xA000, s0;
	[sflag:s6] =	ssyncset.done $0x0  }
0x17: {  	s8 =	simm.s32 $0x0;
	[sflag:s6] =	ssyncadd.s32 $0xFFFFB1C0  }
0x18: {  	s9 =	simm.s32 $0x2800;
	s7 =	sadd.s32 s7, s25;
	[bflag:$0x0] =	sbarrier.arrive $0xFFFF  }
0x19: {  	[tilespmem:s9], [sflag:$0x1] =	stream.linear.gather [hbm4b:s7+s8], $0x1000, $0x38;
	[tilespmem:$0x192C0] =	vst v63  }
0x1a: {  	s11 =	simm.s32 $0x3800;
	s10 =	sadd.s32 $0x200, s7  }
0x1b: {  	[tilespmem:s11], [sflag:$0x2] =	stream.linear.gather [hbm4b:s10+s8], $0x1000, $0x38;
	[tilespmem:$0x192C0] =	vst v63  }
0x1c: {  	s26 =	sadd.s32 $0x400, s7;
	s10 =	simm.s32 $0x4800  }
0x1d: {  	[tilespmem:s10], [sflag:$0x3] =	stream.linear.gather [hbm4b:s26+s8], $0x1000, $0x38;
	[tilespmem:$0x192C0] =	vst v63  }
0x1e: {  	s12 =	simm.s32 $0x5800;
	s28 =	sadd.s32 $0x600, s7  }
0x1f: {  	[tilespmem:s12], [sflag:$0x4] =	stream.linear.gather [hbm4b:s28+s8], $0x1000, $0x38;
	[tilespmem:$0x192C0] =	vst v63  }
0x20: {  	s13 =	simm.s32 $0x7800;
	s29 =	sadd.s32 $0x800, s7;
	s11 =	simm.s32 $0x6800  }
0x21: {  	[tilespmem:s11], [sflag:$0x5] =	stream.linear.gather [hbm4b:s29+s8], $0x1000, $0x38;
	[tilespmem:$0x192C0] =	vst v63  }
0x22: {  	s15 =	simm.s32 $0x80;
	s16 =	simm.s32 $0x3;
	s30 =	sadd.s32 $0xA00, s7  }
0x23: {  	[tilespmem:s13], [sflag:$0x6] =	stream.linear.gather [hbm4b:s30+s8], $0x1000, $0x38;
	[tilespmem:$0x192C0] =	vst v63  }
0x24: {  	s17 =	simm.s32 $0x5;
	s31 =	sadd.s32 $0xC00, s7;
	s12 =	simm.s32 $0x8800  }
0x25: {  	[tilespmem:s12], [sflag:$0x7] =	stream.linear.gather [hbm4b:s31+s8], $0x1000, $0x38;
	[tilespmem:$0x192C0] =	vst v63  }
0x26: {  	s18 =	simm.s32 $0x7;
	s14 =	sadd.s32 $0xE00, s7;
	s13 =	simm.s32 $0x9800  }
0x27: {  	[tilespmem:s13], [sflag:$0x8] =	stream.linear.gather [hbm4b:s14+s8], $0x1000, $0x38;
	[tilespmem:$0x192C0] =	vst v63  }
0x28: {  	s19 =	simm.s32 $0x8;
	s20 =	simm.s32 $0x0;
	s14 =	simm.s32 $0x1  }
.LBB2_3:
0x29: {  	_ =	swait.ge [sflag:s14], $0x1000  }
0x2a: {  	[sflag:s14] =	ssyncset.done $0x0  }
0x2b: {  	s21 =	sshra.s32 s20, $0x2;
	[sflag:s14] =	ssyncadd.s32 $0xFFFFF000  }
0x2c: {  	[spmem:s4] =	stream.indirect.scatter.add.f32 [tilespmem:s9], [sflag:$0x9], $0x20, s21, s15, $0xb8;
	[tilespmem:$0x192C0] =	vst v63  }
0x2d: {  	_ =	swait.ge [sflag:s6], $0x1000  }
0x2e: {  	p0 =	seq.s32 s20, $0x9000;
	[sflag:s6] =	ssyncset.done $0x0  }
0x2f: {  	s22 =	simm.s32 @p0 $0x2;
	[sflag:s6] =	ssyncadd.s32 $0xFFFFF000  }
0x30: {  	_ =	swait.ge @p0 [sflag:s22], $0x1000  }
0x31: {  	s24 =	simm.s32 @p0 $0x80;
	s23 =	simm.s32 @p0 $0x3800;
	[sflag:s22] =	ssyncset.done @p0 $0x0  }
0x32: {  	s25 =	simm.s32 @p0 $0x9;
	[sflag:s22] =	ssyncadd.s32 @p0 $0xFFFFF000;
	s22 =	simm.s32 @p0 $0x2480  }
0x33: {  	[spmem:s4] =	stream.indirect.scatter.add.f32 @p0 [tilespmem:s23], [sflag:$0x9], $0x20, s22, s24, $0xb8;
	[tilespmem:$0x192C0] =	vst v63  }
0x34: {  	_ =	swait.ge @p0 [sflag:s25], $0x1000  }
0x35: {  	s28 =	simm.s32 @!p0 $0x2800;
	s22 =	sadd.s32 @!p0 s20, s7;
	[sflag:s25] =	ssyncset.done @p0 $0x0  }
0x36: {  	s23 =	simm.s32 @!p0 $0x0;
	s26 =	sadd.s32 @!p0 $0x1000, s22;
	[sflag:s25] =	ssyncadd.s32 @p0 $0xFFFFF000  }
0x37: {  	[tilespmem:s28], [sflag:$0x1] =	stream.linear.gather @!p0 [hbm4b:s26+s23], $0x1000, $0x38;
	[tilespmem:$0x192C0] =	vst v63  }
0x38: {  	s26 =	simm.s32 @!p0 $0x2  }
0x39: {  	_ =	swait.ge @!p0 [sflag:s26], $0x1000  }
0x3a: {  	[sflag:s26] =	ssyncset.done @!p0 $0x0  }
0x3b: {  	[sflag:s26] =	ssyncadd.s32 @!p0 $0xFFFFF000;
	s26 =	sshra.s32 @!p0 s20, $0x2  }
0x3c: {  	s30 =	simm.s32 @!p0 $0x3800;
	s28 =	simm.s32 @!p0 $0x80;
	s29 =	sadd.s32 @!p0 $0x80, s26  }
0x3d: {  	[spmem:s4] =	stream.indirect.scatter.add.f32 @!p0 [tilespmem:s30], [sflag:$0x9], $0x20, s29, s28, $0xb8;
	[tilespmem:$0x192C0] =	vst v63  }
0x3e: {  	s29 =	simm.s32 @!p0 $0x9  }
0x3f: {  	_ =	swait.ge @!p0 [sflag:s29], $0x1000  }
0x40: {  	[sflag:s29] =	ssyncset.done @!p0 $0x0  }
0x41: {  	s31 =	sadd.s32 @!p0 $0x1200, s22;
	[sflag:s29] =	ssyncadd.s32 @!p0 $0xFFFFF000  }
0x42: {  	[tilespmem:s30], [sflag:$0x2] =	stream.linear.gather @!p0 [hbm4b:s31+s23], $0x1000, $0x38;
	[tilespmem:$0x192C0] =	vst v63  }
0x43: {  	_ =	swait.ge [sflag:s16], $0x1000  }
0x44: {  	[sflag:s16] =	ssyncset.done $0x0  }
0x45: {  	s31 =	sadd.s32 $0x100, s21;
	[sflag:s16] =	ssyncadd.s32 $0xFFFFF000  }
0x46: {  	[spmem:s4] =	stream.indirect.scatter.add.f32 [tilespmem:s10], [sflag:$0x9], $0x20, s31, s15, $0xb8;
	[tilespmem:$0x192C0] =	vst v63  }
0x47: {  	_ =	swait.ge [sflag:s6], $0x1000  }
0x48: {  	[sflag:s6] =	ssyncset.done $0x0  }
0x49: {  	s30 =	simm.s32 @p0 $0x4;
	[sflag:s6] =	ssyncadd.s32 $0xFFFFF000  }
0x4a: {  	_ =	swait.ge @p0 [sflag:s30], $0x1000  }
0x4b: {  	[sflag:s30] =	ssyncset.done @p0 $0x0  }
0x4c: {  	s31 =	simm.s32 @p0 $0x5800;
	[sflag:s30] =	ssyncadd.s32 @p0 $0xFFFFF000;
	s30 =	simm.s32 @p0 $0x2580  }
0x4d: {  	[spmem:s4] =	stream.indirect.scatter.add.f32 @p0 [tilespmem:s31], [sflag:$0x9], $0x20, s30, s24, $0xb8;
	[tilespmem:$0x192C0] =	vst v63  }
0x4e: {  	_ =	swait.ge @p0 [sflag:s25], $0x1000  }
0x4f: {  	[sflag:s25] =	ssyncset.done @p0 $0x0  }
0x50: {  	s30 =	sadd.s32 @!p0 $0x1400, s22;
	s31 =	simm.s32 @!p0 $0x4800;
	[sflag:s25] =	ssyncadd.s32 @p0 $0xFFFFF000  }
0x51: {  	[tilespmem:s31], [sflag:$0x3] =	stream.linear.gather @!p0 [hbm4b:s30+s23], $0x1000, $0x38;
	[tilespmem:$0x192C0] =	vst v63  }
0x52: {  	s30 =	simm.s32 @!p0 $0x4  }
0x53: {  	_ =	swait.ge @!p0 [sflag:s30], $0x1000  }
0x54: {  	[sflag:s30] =	ssyncset.done @!p0 $0x0  }
0x55: {  	s31 =	simm.s32 @!p0 $0x5800;
	[sflag:s30] =	ssyncadd.s32 @!p0 $0xFFFFF000;
	s30 =	sadd.s32 @!p0 $0x180, s26  }
0x56: {  	[spmem:s4] =	stream.indirect.scatter.add.f32 @!p0 [tilespmem:s31], [sflag:$0x9], $0x20, s30, s28, $0xb8;
	[tilespmem:$0x192C0] =	vst v63  }
0x57: {  	_ =	swait.ge @!p0 [sflag:s29], $0x1000  }
0x58: {  	[sflag:s29] =	ssyncset.done @!p0 $0x0  }
0x59: {  	s30 =	sadd.s32 @!p0 $0x1600, s22;
	[sflag:s29] =	ssyncadd.s32 @!p0 $0xFFFFF000  }
0x5a: {  	[tilespmem:s31], [sflag:$0x4] =	stream.linear.gather @!p0 [hbm4b:s30+s23], $0x1000, $0x38;
	[tilespmem:$0x192C0] =	vst v63  }
0x5b: {  	_ =	swait.ge [sflag:s17], $0x1000  }
0x5c: {  	[sflag:s17] =	ssyncset.done $0x0  }
0x5d: {  	s31 =	sadd.s32 $0x200, s21;
	[sflag:s17] =	ssyncadd.s32 $0xFFFFF000  }
0x5e: {  	[spmem:s4] =	stream.indirect.scatter.add.f32 [tilespmem:s11], [sflag:$0x9], $0x20, s31, s15, $0xb8;
	[tilespmem:$0x192C0] =	vst v63  }
0x5f: {  	_ =	swait.ge [sflag:s6], $0x1000  }
0x60: {  	[sflag:s6] =	ssyncset.done $0x0  }
0x61: {  	s30 =	simm.s32 @p0 $0x6;
	[sflag:s6] =	ssyncadd.s32 $0xFFFFF000  }
0x62: {  	_ =	swait.ge @p0 [sflag:s30], $0x1000  }
0x63: {  	[sflag:s30] =	ssyncset.done @p0 $0x0  }
0x64: {  	s31 =	simm.s32 @p0 $0x7800;
	[sflag:s30] =	ssyncadd.s32 @p0 $0xFFFFF000;
	s30 =	simm.s32 @p0 $0x2680  }
0x65: {  	[spmem:s4] =	stream.indirect.scatter.add.f32 @p0 [tilespmem:s31], [sflag:$0x9], $0x20, s30, s24, $0xb8;
	[tilespmem:$0x192C0] =	vst v63  }
0x66: {  	_ =	swait.ge @p0 [sflag:s25], $0x1000  }
0x67: {  	[sflag:s25] =	ssyncset.done @p0 $0x0  }
0x68: {  	s24 =	sadd.s32 @!p0 $0x1800, s22;
	[sflag:s25] =	ssyncadd.s32 @p0 $0xFFFFF000;
	s25 =	simm.s32 @!p0 $0x6800  }
0x69: {  	[tilespmem:s25], [sflag:$0x5] =	stream.linear.gather @!p0 [hbm4b:s24+s23], $0x1000, $0x38;
	[tilespmem:$0x192C0] =	vst v63  }
0x6a: {  	s24 =	simm.s32 @!p0 $0x6  }
0x6b: {  	_ =	swait.ge @!p0 [sflag:s24], $0x1000  }
0x6c: {  	[sflag:s24] =	ssyncset.done @!p0 $0x0  }
0x6d: {  	s25 =	simm.s32 @!p0 $0x7800;
	[sflag:s24] =	ssyncadd.s32 @!p0 $0xFFFFF000;
	s24 =	sadd.s32 @!p0 $0x280, s26  }
0x6e: {  	[spmem:s4] =	stream.indirect.scatter.add.f32 @!p0 [tilespmem:s25], [sflag:$0x9], $0x20, s24, s28, $0xb8;
	[tilespmem:$0x192C0] =	vst v63  }
0x6f: {  	_ =	swait.ge @!p0 [sflag:s29], $0x1000  }
0x70: {  	[sflag:s29] =	ssyncset.done @!p0 $0x0  }
0x71: {  	s22 =	sadd.s32 @!p0 $0x1A00, s22;
	[sflag:s29] =	ssyncadd.s32 @!p0 $0xFFFFF000  }
0x72: {  	[tilespmem:s25], [sflag:$0x6] =	stream.linear.gather @!p0 [hbm4b:s22+s23], $0x1000, $0x38;
	[tilespmem:$0x192C0] =	vst v63  }
0x73: {  	_ =	swait.ge [sflag:s18], $0x1000  }
0x74: {  	[sflag:s18] =	ssyncset.done $0x0  }
.Ltmp1:
0x75: {  	s31 =	sadd.s32 $0x300, s21;
	[sflag:s18] =	ssyncadd.s32 $0xFFFFF000;
	(pc) =	sbr.rel @p0 .LBB2_5-.Ltmp1, $4  }
0x76: {  	[spmem:s4] =	stream.indirect.scatter.add.f32 [tilespmem:s12], [sflag:$0x9], $0x20, s31, s15, $0xb8;
	[tilespmem:$0x192C0] =	vst v63  }
0x77: {  	_ =	swait.ge [sflag:s6], $0x1000  }
0x78: {  	[sflag:s6] =	ssyncset.done $0x0  }
0x79: {  	[sflag:s6] =	ssyncadd.s32 $0xFFFFF000  }
0x7a: {  	s22 =	sadd.s32 s20, s7  }
0x7b: {  	s23 =	sadd.s32 $0x1C00, s22  }
0x7c: {  	[tilespmem:s12], [sflag:$0x7] =	stream.linear.gather [hbm4b:s23+s8], $0x1000, $0x38;
	[tilespmem:$0x192C0] =	vst v63  }
0x7d: {  	_ =	swait.ge [sflag:s19], $0x1000  }
0x7e: {  	[sflag:s19] =	ssyncset.done $0x0  }
0x7f: {  	s21 =	sadd.s32 $0x380, s21;
	[sflag:s19] =	ssyncadd.s32 $0xFFFFF000  }
0x80: {  	[spmem:s4] =	stream.indirect.scatter.add.f32 [tilespmem:s13], [sflag:$0x9], $0x20, s21, s15, $0xb8;
	[tilespmem:$0x192C0] =	vst v63  }
.Ltmp2:
0x81: {  	_ = 	snop;
	(pc) =	sbr.rel .LBB2_3-.Ltmp2, $4  }
0x82: {  	_ =	swait.ge [sflag:s6], $0x1000  }
0x83: {  	[sflag:s6] =	ssyncset.done $0x0  }
0x84: {  	s20 =	sadd.s32 $0x1000, s20;
	s31 =	sadd.s32 $0x1E00, s22;
	[sflag:s6] =	ssyncadd.s32 $0xFFFFF000  }
0x85: {  	[tilespmem:s13], [sflag:$0x8] =	stream.linear.gather [hbm4b:s31+s8], $0x1000, $0x38;
	[tilespmem:$0x192C0] =	vst v63  }
.LBB2_5:
0x86: {  	s6 =	simm.s32 $0x8  }
0x87: {  	_ =	swait.ge [sflag:s6], $0x1000  }
0x88: {  	s23 =	simm.s32 $0x80;
	s7 =	simm.s32 $0x2780;
	[sflag:s6] =	ssyncset.done $0x0  }
0x89: {  	s8 =	simm.s32 $0x9800;
	s24 =	simm.s32 $0x9;
	[sflag:s6] =	ssyncadd.s32 $0xFFFFF000  }
0x8a: {  	[spmem:s4] =	stream.indirect.scatter.add.f32 [tilespmem:s8], [sflag:$0x9], $0x20, s7, s23, $0xb8;
	[tilespmem:$0x192C0] =	vst v63  }
0x8b: {  	_ =	swait.ge [sflag:s24], $0x1000  }
0x8c: {  	s25 =	smul.u32 $0x4E20, s0;
	[sflag:s24] =	ssyncset.done $0x0  }
0x8d: {  	[sflag:s24] =	ssyncadd.s32 $0xFFFFF000  }
0x8e: {  	s28 =	simm.s32 $0xA800;
	s26 =	sadd.s32 s25, s4;
	[bflag:$0x0] =	sbarrier.arrive $0xFFFF  }
0x8f: {  	[tilespmem:s28], [sflag:$0x9] =	stream.linear.gather [spmem:s26], $0x4E20, $0x38;
	[tilespmem:$0x192C0] =	vst v63  }
0x90: {  	_ =	swait.ge [sflag:s24], $0x4E20  }
0x91: {  	s29 =	simm.s32 $0x0;
	s4 =	sshrl.u32 s25, $0x3;
	[sflag:s24] =	ssyncset.done $0x0  }
0x92: {  	s30 =	simm.s32 $0xF640;
	s5 =	sadd.s32 s5, s4;
	[sflag:s24] =	ssyncadd.s32 $0xFFFFB1E0  }
0x93: {  	[tilespmem:s30], [sflag:$0x9] =	stream.linear.gather [hbm4b:s5+s29], $0x4E20, $0x38;
	[tilespmem:$0x192C0] =	vst v63  }
0x94: {  	_ =	swait.ge [sflag:s24], $0x4E20  }
0x95: {  	[sflag:s24] =	ssyncset.done $0x0  }
0x96: {  	s31 =	simm.s32 $0x14460;
	[sflag:s24] =	ssyncadd.s32 $0xFFFFB1E0  }
0x97: {  	[tilespmem:s31], [sflag:$0x9] =	stream.linear.gather [hbm4b:s3+s29], $0x20, $0x38;
	[tilespmem:$0x192C0] =	vst v63  }
0x98: {  	_ =	swait.ge [sflag:s24], $0x20  }
0x99: {  	[sflag:s24] =	ssyncset.done $0x0  }
0x9a: {  	[sflag:s24] =	ssyncadd.s32 $0xFFFFFFE0  }
0x9b: {  	v0 =	vld [tilespmem:$0x14460]  }
0x9c: {  	s3 =	simm.s32 $0x0;
	v1 =	vld [tilespmem:$0x14470]  }
0x9d: {  	v2 =	vld [tilespmem:s3+$0xF640]  }
0x9e: {  	v3 =	vld [tilespmem:s3+$0xF650]  }
0x9f: {  	s5 =	simm.s32 $0x80;
	v4 =	vld [tilespmem:s3+$0xA800]  }
.LBB2_6:
0xa0: {  	p0 =	sne.s32 s5, $0x13800;
	v5 =	vld [tilespmem:s3+$0xA810];
	_ =	sdelay $0x3  }
0xa1: {  	v2 =	vadd.f32 v2, v4  }
.Ltmp3:
0xa2: {  	v3 =	vadd.f32 v3, v5;
	(pc) =	sbr.rel @p0 .LBB2_6-.Ltmp3, $4  }
0xa3: {  	s6 =	sshra.s32 s5, $0x2;
	v4 =	vadd.f32 v2, v0  }
0xa4: {  	v2 =	vld [tilespmem:s6+$0xF640];
	v5 =	vadd.f32 v3, v1  }
0xa5: {  	v3 =	vld [tilespmem:s6+$0xF650];
	[tilespmem:s3+$0xA800] =	vst v4  }
0xa6: {  	s5 =	sadd.s32 $0x80, s5;
	v4 =	vld [tilespmem:s6+$0xA800];
	[tilespmem:s3+$0xA810] =	vst v5;
	s3 =	smov.u32 s6  }
0xa7: {  	v5 =	vld [tilespmem:s3+$0xA810];
	_ =	sdelay $0x3  }
0xa8: {  	v2 =	vadd.f32 v2, v4  }
0xa9: {  	v3 =	vadd.f32 v3, v5  }
0xaa: {  	v0 =	vadd.f32 v2, v0  }
0xab: {  	v1 =	vadd.f32 v3, v1  }
0xac: {  	s2 =	sadd.s32 s2, s4;
	[tilespmem:s3+$0xA800] =	vst v0  }
0xad: {  	s29 =	simm.s32 $0x0;
	s30 =	simm.s32 $0xA800;
	s31 =	simm.s32 $0x9;
	[tilespmem:s3+$0xA810] =	vst v1  }
0xae: {  	[hbm4b:s2+s29] =	stream.linear.scatter [tilespmem:s30], [sflag:$0x9], $0x4E20, $0x38;
	[tilespmem:$0x192C0] =	vst v63  }
0xaf: {  	_ =	swait.ge [sflag:s31], $0x4E20  }
0xb0: {  	[sflag:s31] =	ssyncset.done $0x0  }
0xb1: {  	[sflag:s31] =	ssyncadd.s32 $0xFFFFB1E0  }
0xb2: {  	_ =	sfence.sel $0x180000  }
0xb3: {  	[bflag:$0x0] =	sbarrier.arrive $0xFFFF  }
0xb4: {  	p0 =	sne.s32 s0, $0x0;
	_ =	strace $0x90000050  }
0xb5: {  	s0 =	sadd.s32 @!p0 $0x100000, s1;
	[bflag:$0x2] =	sbarrier.arrive $0xFFFF  }
0xb6: {  	[sflag:s0] =	ssyncadd.tile.s32 @!p0 $0x1;
	_ =	shalt  }
.Lfunc_end2:
_tile_overlayer_lowered:
.L_overlay_start_2:
0xb7: {  	(tag) =	ssettag $0x2  }
0xb8: {  	s0 =	rddreg [dreg:$0x0];
	s2 =	stileid.u32  }
0xb9: {  	s1 =	rddreg [dreg:$0x1];
	p0 =	sne.s32 s2, $0x0  }
0xba: {  	s3 =	rddreg [dreg:$0x2];
	[bflag:$0x3] =	sbarrier.arrive $0xFFFF;
	s2 =	simm.s32 @!p0 $0x1C09  }
0xbb: {  	[timem:s3], [sflag:s2] =	dma.local @!p0 [hbm:s0], s1  }
0xbc: {  	s0 =	simm.s32 @!p0 $0x9  }
0xbd: {  	_ =	swait.ge @!p0 [sflag:s0], s1  }
0xbe: {  	s1 =	ssub.s32 @!p0 $0x0, s1;
	[sflag:s0] =	ssyncset.done @!p0 $0x0  }
0xbf: {  	[sflag:s0] =	ssyncadd.s32 @!p0 s1  }
0xc0: {  	[bflag:$0x3] =	sbarrier.arrive $0xFFFF  }
0xc1: {  	_ =	shalt  }

// kernel: kernel.8.cloned.1.call-start
scs
__scs_entry_jumppad:
0x0: {  	(pc) =	sbr.rel $0x88, $3  }
0x1: {  	(tag) =	ssettag $0x0;
	lr =	simm.s32 $0x1  }
0x2: {  	[smem:$0x3F9A] =	sst lr;
	_ =	strace $0xD0000000  }
0x3: {  	_ = 	snop  }
0x4: {  	_ = 	snop  }
0x5: {  	_ = 	snop  }
0x6: {  	_ = 	snop  }
0x7: {  	_ = 	snop  }
__scs_overlays_trampoline_lowered:
0x8: {  	[smem:$0x3FA9] =	sst s0  }
0x9: {  	[smem:$0x3FAA] =	sst s1  }
0xa: {  	[smem:$0x3FAB] =	sst s2  }
0xb: {  	[smem:$0x3FAC] =	sst s3  }
0xc: {  	[smem:$0x3FAD] =	sst s4  }
0xd: {  	[smem:$0x3FAE] =	sst s5  }
0xe: {  	[smem:$0x3FAF] =	sst s6  }
0xf: {  	[smem:$0x3FB0] =	sst s7  }
0x10: {  	[smem:$0x3FB1] =	sst s8  }
0x11: {  	[smem:$0x3FB2] =	sst s9;
	s0 =	simm.s32 @!p0 $0x0  }
0x12: {  	s1 =	sld [smem:$0x3F98];
	s0 =	simm.s32 @p0 $0x1  }
0x13: {  	[smem:$0x3FB3] =	sst s0;
	s0 =	simm.s32 @!p1 $0x0  }
0x14: {  	s2 =	sld [smem:$0x3F97];
	s0 =	simm.s32 @p1 $0x1  }
0x15: {  	[smem:$0x3FB4] =	sst s0;
	s0 =	simm.s32 @!p2 $0x0  }
0x16: {  	s3 =	sld [smem:$0x3FDB];
	s0 =	simm.s32 @p2 $0x1  }
0x17: {  	s4 =	simm.s32 $0x1BF5;
	[smem:$0x3FB6] =	sst s0  }
0x18: {  	s0 =	sld [smem:$0x3F99];
	_ =	swait.ge [sflag:s4], $0x0  }
0x19: {  	s7 =	sld [smem:$0x3F9A]  }
0x1a: {  	s8 =	sadd.s32 $0xFFFFE003, lr  }
0x1b: {  	s9 =	sadd.s32 $0xFFFFFEF7, lr;
	s5 =	simm.s32 $0xFFFFFFFF;
	p2 =	slt.u32 s8, $0xFFFFF086  }
0x1c: {  	p1 =	slt.u32 s9, $0xF7A;
	s5 =	simm.s32 @!p2 $0x0  }
0x1d: {  	s5 =	simm.s32 @p1 $0x1;
	p0 =	seq.s32 s7, s2  }
0x1e: {  	s7 =	smul.u32 @!p0 $0xF7A, s2;
	p2 =	seq.s32 @!p0 s5, $0x0  }
0x1f: {  	s9 =	smul.u32 $0xF7A, s1;
	s8 =	simm.s32 @!p0 $0x1BF5;
	p2 =	por !p2, p0  }
0x20: {  	[sflag:s8] =	ssyncset.s32 @!p0 $0xFFFFF086;
	s6 =	sadd.s32 @!p0 s3, s7;
	s7 =	simm.s32 @!p0 $0x108  }
0x21: {  	s3 =	sadd.s32 s3, s9;
	s6 =	sadd.s32 @!p0 $0x88, s6;
	s7 =	simm.s32 @p2 $0x1082  }
0x22: {  	[simem:s7], [sflag:s8] =	dma.local @!p0 [hbm:s6], $0xF7A  }
0x23: {  	s9 =	sor.u32 $0xD0000000, s2;
	s6 =	simm.s32 $0x108;
	_ =	swait.ge @!p0 [sflag:s8], $0x0  }
0x24: {  	s3 =	sadd.s32 $0x88, s3;
	s6 =	simm.s32 @!p1 $0x1082;
	[sflag:s4] =	ssyncset.s32 $0xFFFFF086  }
0x25: {  	[simem:s6], [sflag:s4] =	dma.local [hbm:s3], $0xF7A  }
0x26: {  	[smem:$0x3F9A] =	sst s1;
	(tag) =	ssettag s2;
	_ =	strace s9  }
0x27: {  	s1 =	sld [smem:$0x3FAA]  }
0x28: {  	s2 =	sld [smem:$0x3FAB]  }
0x29: {  	s4 =	sld [smem:$0x3FAD]  }
0x2a: {  	p0 =	seq.s32 s5, $0x0;
	s5 =	sld [smem:$0x3FAE]  }
0x2b: {  	s6 =	sld [smem:$0x3FAF]  }
0x2c: {  	s7 =	sld [smem:$0x3FB0]  }
0x2d: {  	s3 =	simm.s32 $0x108;
	s8 =	sld [smem:$0x3FB1]  }
0x2e: {  	s3 =	simm.s32 @!p0 $0x1082;
	s9 =	sld [smem:$0x3FB2]  }
0x2f: {  	lr =	sadd.s32 s0, s3;
	s0 =	sld [smem:$0x3FA9]  }
0x30: {  	s3 =	sld [smem:$0x3FAC]  }
0x31: {  	[smem:$0x3FB5] =	sst s10  }
0x32: {  	s10 =	sld [smem:$0x3FB3];
	_ =	sdelay $0x3  }
0x33: {  	p0 =	seq.s32 s10, $0x1;
	s10 =	sld [smem:$0x3FB5];
	_ =	sdelay $0x3  }
0x34: {  	[smem:$0x3FB5] =	sst s10  }
0x35: {  	s10 =	sld [smem:$0x3FB4];
	_ =	sdelay $0x3  }
0x36: {  	p1 =	seq.s32 s10, $0x1;
	s10 =	sld [smem:$0x3FB5];
	_ =	sdelay $0x3  }
0x37: {  	[smem:$0x3FB5] =	sst s10  }
0x38: {  	s10 =	sld [smem:$0x3FB6]  }
0x39: {  	_ = 	snop;
	(pc) =	sbr.ind lr, $3  }
0x3a: {  	_ = 	snop  }
0x3b: {  	_ = 	snop  }
0x3c: {  	p2 =	seq.s32 s10, $0x1;
	s10 =	sld [smem:$0x3FB5]  }
0x3d: {  	_ =	shalt  }
0x3e: {  	_ =	shalt  }
0x3f: {  	_ =	shalt  }
0x40: {  	_ =	shalt  }
0x41: {  	_ =	shalt  }
0x42: {  	_ =	shalt  }
0x43: {  	_ =	shalt  }
0x44: {  	_ =	shalt  }
0x45: {  	_ =	shalt  }
0x46: {  	_ =	shalt  }
0x47: {  	_ =	shalt  }
0x48: {  	_ =	shalt  }
0x49: {  	_ =	shalt  }
0x4a: {  	_ =	shalt  }
0x4b: {  	_ =	shalt  }
0x4c: {  	_ =	shalt  }
0x4d: {  	_ =	shalt  }
0x4e: {  	_ =	shalt  }
0x4f: {  	_ =	shalt  }
0x50: {  	_ =	shalt  }
0x51: {  	_ =	shalt  }
0x52: {  	_ =	shalt  }
0x53: {  	_ =	shalt  }
0x54: {  	_ =	shalt  }
0x55: {  	_ =	shalt  }
0x56: {  	_ =	shalt  }
0x57: {  	_ =	shalt  }
0x58: {  	_ =	shalt  }
0x59: {  	_ =	shalt  }
0x5a: {  	_ =	shalt  }
0x5b: {  	_ =	shalt  }
0x5c: {  	_ =	shalt  }
0x5d: {  	_ =	shalt  }
0x5e: {  	_ =	shalt  }
0x5f: {  	_ =	shalt  }
0x60: {  	_ =	shalt  }
0x61: {  	_ =	shalt  }
0x62: {  	_ =	shalt  }
0x63: {  	_ =	shalt  }
0x64: {  	_ =	shalt  }
0x65: {  	_ =	shalt  }
0x66: {  	_ =	shalt  }
0x67: {  	_ =	shalt  }
0x68: {  	_ =	shalt  }
0x69: {  	_ =	shalt  }
0x6a: {  	_ =	shalt  }
0x6b: {  	_ =	shalt  }
0x6c: {  	_ =	shalt  }
0x6d: {  	_ =	shalt  }
0x6e: {  	_ =	shalt  }
0x6f: {  	_ =	shalt  }
0x70: {  	_ =	shalt  }
0x71: {  	_ =	shalt  }
0x72: {  	_ =	shalt  }
0x73: {  	_ =	shalt  }
0x74: {  	_ =	shalt  }
0x75: {  	_ =	shalt  }
0x76: {  	_ =	shalt  }
0x77: {  	_ =	shalt  }
0x78: {  	_ =	shalt  }
0x79: {  	_ =	shalt  }
0x7a: {  	_ =	shalt  }
0x7b: {  	_ =	shalt  }
0x7c: {  	_ =	shalt  }
0x7d: {  	_ =	shalt  }
0x7e: {  	_ =	shalt  }
0x7f: {  	_ =	shalt  }
0x80: {  	_ =	shalt  }
0x81: {  	_ =	shalt  }
0x82: {  	_ =	shalt  }
0x83: {  	_ =	shalt  }
0x84: {  	_ =	shalt  }
0x85: {  	_ =	shalt  }
0x86: {  	_ =	shalt  }
0x87: {  	_ =	shalt  }
.Lfunc_end0:
.L_simem_size_0:
called_computation_lowered:
.L_overlay_start_0:
0x88: {  	s2 =	sld [smem:$0x3FD9]  }
0x89: {  	s3 =	sld [smem:$0x3FFE];
	_ =	sdelay $0x1  }
0x8a: {  	s1 =	srdreg.scid  }
0x8b: {  	s0 =	sand.u32 $0x1, s1  }
0x8c: {  	s17 =	sshll.u32 s0, $0xA;
	s2 =	sadd.s32 s3, s2  }
0x8d: {  	s2 =	sadd.s32 s2, s17  }
0x8e: {  	[smem:$0x3FC1] =	sst s2  }
0x8f: {  	_ = 	snop  }
0x90: {  	s2 =	sld [smem:$0x3FD0];
	(tm) =	ssettm $0x1  }
0x91: {  	s18 =	sld [smem:$0x3FFB];
	_ =	sdelay $0x3  }
0x92: {  	_ =	strace s18  }
0x93: {  	s3 =	sld [smem:$0x3FFC];
	_ =	sdelay $0x3  }
0x94: {  	_ =	strace s3  }
0x95: {  	s3 =	sld [smem:$0x3FFD];
	_ =	sdelay $0x3  }
0x96: {  	_ =	strace s3  }
0x97: {  	_ =	strace $0x8FFFFFFF  }
0x98: {  	s19 =	sld [smem:$0x3FDB];
	_ =	sdelay $0x1  }
0x99: {  	s4 =	simm.s32 $_scs_section_size  }
0x9a: {  	s5 =	simm.s32 $_size__tile_overlayer_lowered;
	s6 =	simm.s32 $_tile_overlayer_lowered  }
0x9b: {  	s22 =	simm.s32 $0x1BFF;
	s21 =	sshll.u32 s6, $0x1;
	s3 =	sadd.s32 s4, s19  }
0x9c: {  	s7 =	simm.s32 $0x0;
	s20 =	sshll.u32 s5, $0x1;
	s5 =	sadd.s32 s21, s3  }
0x9d: {  	[timem:s7], [sflag:s22] =	dma.local [hbm:s5], s20  }
0x9e: {  	_ =	swait.ge [sflag:s22], s20  }
0x9f: {  	s4 =	ssub.s32 $0x0, s20;
	[sflag:s22] =	ssyncset.done $0x0  }
0xa0: {  	[sflag:s22] =	ssyncadd.s32 s4;
	_ =	sdelay $0x1  }
0xa1: {  	s23 =	simm.s32 $0x1B8B  }
0xa2: {  	_ =	swait.ge [sflag:s23], $0x1  }
0xa3: {  	[sflag:s23] =	ssyncset.done $0x0  }
0xa4: {  	s25 =	simm.s32 $0x1B8E;
	s24 =	sld [smem:$0x3FFE];
	[sflag:s23] =	ssyncadd.s32 $0xFFFFFFFF  }
0xa5: {  	s26 =	simm.s32 $execute0_lowered;
	[smem:$0x3FD2] =	sst s25  }
0xa6: {  	s5 =	sshll.u32 s26, $0x1;
	_ =	strace $0x80000046;
	[dreg:$0x1] =	wrdreg $0xFFFFFFFF  }
0xa7: {  	s28 =	simm.s32 $_size_execute0_lowered;
	s3 =	sadd.s32 s3, s5;
	[dreg:$0x0] =	wrdreg $0x0  }
0xa8: {  	s5 =	sshll.u32 s28, $0x1;
	[dreg:$0x2] =	wrdreg s3  }
0xa9: {  	[dreg:$0x3] =	wrdreg s5  }
0xaa: {  	[dreg:$0x4] =	wrdreg $0xC0  }
0xab: {  	_ =	task [dreg:s7], $0x5FFFF  }
0xac: {  	[dreg:$0x1] =	wrdreg $0xFFFFFFFF  }
0xad: {  	[dreg:$0x0] =	wrdreg $0x60  }
0xae: {  	[dreg:$0x2] =	wrdreg s2  }
0xaf: {  	[dreg:$0x3] =	wrdreg s24  }
0xb0: {  	[dreg:$0x4] =	wrdreg $0x94000  }
0xb1: {  	[dreg:$0x5] =	wrdreg $0x9  }
0xb2: {  	_ =	task.clear_ibuf [dreg:s7], $0x6FFFF;
	_ =	strace $0x90000046  }
0xb3: {  	s29 =	simm.s32 $0x9;
	_ =	strace $0x80000048  }
0xb4: {  	_ =	swait.ge [sflag:s29], $0x1  }
0xb5: {  	[sflag:s29] =	ssyncadd.s32 $0xFFFFFFFF  }
0xb6: {  	_ =	strace $0x90000048  }
0xb7: {  	_ =	sfence  }
0xb8: {  	s30 =	sld [smem:$0x0];
	_ =	sdelay $0x2  }
0xb9: {  	s31 =	sshll.u32 s1, $0xD;
	s1 =	sshrl.u32 s1, $0x2  }
0xba: {  	s3 =	sand.u32 $0x4000, s31;
	s1 =	sadd.s32 s1, s30  }
0xbb: {  	s0 =	sor.u32 s3, s0;
	s1 =	sshll.u32 s1, $0x11  }
0xbc: {  	s0 =	sor.u32 s1, s0  }
0xbd: {  	s0 =	sadd.s32 $0x8F2B, s0  }
0xbe: {  	[sflag:s0] =	ssyncadd.remote.s32 $0x1  }
0xbf: {  	_ =	sfence.sel $0xFFFF  }
0xc0: {  	[dreg:$0x0] =	wrdreg $0xFFFFFFFF;
	(pc) =	sbr.abs _section_cstart, $3  }
0xc1: {  	[dreg:$0x1] =	wrdreg $0xFFFFFFFF  }
0xc2: {  	_ =	task.clear_ibuf [dreg:s7], $0x2FFFF;
	_ =	strace $0x9FFFFFFF  }
0xc3: {  	(tm) =	ssettm $0x7FFFFFFF  }
tec
execute0_lowered:
.L_overlay_start_1:
0x0: {  	(tag) =	ssettag $0x1  }
0x1: {  	s0 =	srdreg.scid;
	s1 =	rddreg [dreg:$0x0]  }
0x2: {  	s12 =	stileid.u32;
	s4 =	rddreg [dreg:$0x1]  }
0x3: {  	s13 =	simm.s32 $0x2400;
	s14 =	simm.s32 $0x3400;
	s15 =	simm.s32 $0x4400  }
0x4: {  	s16 =	simm.s32 $0x5400;
	s17 =	simm.s32 $0x6400;
	s18 =	simm.s32 $0x7400  }
0x5: {  	s19 =	simm.s32 $0x8400;
	s20 =	simm.s32 $0x1;
	s6 =	smul.u32 $0x50, s12  }
0x6: {  	s28 =	simm.s32 $0x8;
	s29 =	simm.s32 $0x0;
	s10 =	smul.u32 $0x4E20, s12  }
0x7: {  	s0 =	sand.u32 $0x1, s0;
	s2 =	sshll.u32 s12, $0x1;
	s24 =	smul.u32 $0xA000, s12  }
0x8: {  	s31 =	sshll.u32 s12, $0x6;
	s12 =	simm.s32 $0x1400;
	s7 =	smul.u32 $0x28, s0  }
0x9: {  	s3 =	sor.u32 s0, s2;
	s8 =	ssub.s32 $0x2, s0;
	s0 =	smul.u32 $0x5000, s0  }
0xa: {  	s2 =	rddreg [dreg:$0x2];
	s5 =	smul.u32 $0x280, s3;
	s3 =	simm.s32 $0x0  }
0xb: {  	s9 =	sshrl.u32 s8, $0x1;
	s11 =	sadd.s32 s10, s2;
	s22 =	sshrl.u32 s10, $0x3  }
0xc: {  	[smem:$0x7FF] =	sst s3;
	s6 =	sadd.s32 s7, s6;
	s21 =	ssub.s32 s8, s9  }
0xd: {  	s1 =	sadd.s32 s1, s22;
	s8 =	simm.s32 $0x9;
	s9 =	sor.u32 $0x1C09, s31  }
0xe: {  	_ =	strace $0x80000047;
	s5 =	sadd.s32 s5, s4;
	s4 =	sadd.s32 $0x6A00, s4  }
0xf: {  	s6 =	sshll.u32 s6, $0x9;
	[dreg:$0x9] =	wrdreg s1;
	s5 =	sadd.s32 $0x1A00, s5  }
0x10: {  	s30 =	smax.u32 s21, $0x1;
	[dreg:$0x8] =	wrdreg s5;
	s5 =	sadd.s32 s6, s4  }
0x11: {  	s10 =	sshrl.u32 s11, $0x3;
	[dreg:$0xa] =	wrdreg s30;
	s23 =	sadd.s32 $0xC00, s5  }
0x12: {  	s11 =	simm.s32 $0x80;
	s25 =	sadd.s32 $0x800, s5;
	[dreg:$0x4] =	wrdreg s23  }
0x13: {  	s4 =	sadd.s32 s24, s4;
	s26 =	sadd.s32 $0x400, s5;
	[dreg:$0x5] =	wrdreg s25  }
0x14: {  	s22 =	simm.s32 $0x3;
	s0 =	sadd.s32 s0, s4;
	[dreg:$0x6] =	wrdreg s26  }
0x15: {  	s21 =	simm.s32 $0x2;
	s24 =	simm.s32 $0x5;
	[dreg:$0x7] =	wrdreg s0  }
0x16: {  	s23 =	simm.s32 $0x4;
	s25 =	simm.s32 $0x6;
	s26 =	simm.s32 $0x7  }
.LBB2_1:
0x17: {  	s0 =	rddreg [dreg:$0x8]  }
0x18: {  	[tilespmem:s3], [sflag:$0x9] =	stream.linear.gather [hbm4b:s0+s3], $0x1400, $0x38;
	[tilespmem:$0xE220] =	vst v63  }
0x19: {  	_ =	swait.ge [sflag:s8], $0x1400  }
0x1a: {  	[sflag:s8] =	ssyncset.done $0x0  }
0x1b: {  	s7 =	rddreg [dreg:$0x9];
	[sflag:s8] =	ssyncadd.s32 $0xFFFFEC00  }
0x1c: {  	[spmem:s10], [sflag:s9] =	dma.local [hbm:s7], $0x9C4  }
0x1d: {  	_ =	swait.ge [sflag:s8], $0x9C4  }
0x1e: {  	[sflag:s8] =	ssyncset.done $0x0  }
0x1f: {  	p0 =	por $0x1, $0x1;
	[sflag:s8] =	ssyncadd.s32 $0xFFFFF63C  }
0x20: {  	s0 =	simm.s32 @!p0 $0x1;
	[bflag:$0x0] =	sbarrier.arrive $0xFFFF  }
0x21: {  	_ =	swait.ge @!p0 [sflag:s0], $0x1000  }
0x22: {  	[sflag:s0] =	ssyncset.done @!p0 $0x0  }
0x23: {  	s1 =	simm.s32 $0x0;
	[sflag:s0] =	ssyncadd.s32 @!p0 $0xFFFFF000  }
0x24: {  	[tilespmem:s12], [sflag:$0x9] =	stream.indirect.gather [spmem:s2], $0x20, s1, s11, $0xb8;
	[tilespmem:$0xE220] =	vst v63  }
0x25: {  	_ =	swait.ge [sflag:s8], $0x1000  }
0x26: {  	s4 =	rddreg [dreg:$0x7];
	[sflag:s8] =	ssyncset.done $0x0  }
0x27: {  	s1 =	simm.s32 @!p0 $0x2;
	[sflag:s8] =	ssyncadd.s32 $0xFFFFF000;
	s0 =	sadd.s32 $0x0, s4  }
0x28: {  	[hbm4b:s0+s3] =	stream.linear.scatter [tilespmem:s12], [sflag:$0x1], $0x1000, $0x38;
	[tilespmem:$0xE220] =	vst v63  }
0x29: {  	_ =	swait.ge @!p0 [sflag:s1], $0x1000  }
0x2a: {  	[sflag:s1] =	ssyncset.done @!p0 $0x0  }
0x2b: {  	s6 =	simm.s32 $0x80;
	[sflag:s1] =	ssyncadd.s32 @!p0 $0xFFFFF000  }
0x2c: {  	[tilespmem:s13], [sflag:$0x9] =	stream.indirect.gather [spmem:s2], $0x20, s6, s11, $0xb8;
	[tilespmem:$0xE220] =	vst v63  }
0x2d: {  	_ =	swait.ge [sflag:s8], $0x1000  }
0x2e: {  	s0 =	sadd.s32 $0x0, s5;
	[sflag:s8] =	ssyncset.done $0x0  }
0x2f: {  	s4 =	simm.s32 @!p0 $0x3;
	s7 =	sadd.s32 $0x200, s0;
	[sflag:s8] =	ssyncadd.s32 $0xFFFFF000  }
0x30: {  	[hbm4b:s7+s3] =	stream.linear.scatter [tilespmem:s13], [sflag:$0x2], $0x1000, $0x38;
	[tilespmem:$0xE220] =	vst v63  }
0x31: {  	_ =	swait.ge @!p0 [sflag:s4], $0x1000  }
0x32: {  	[sflag:s4] =	ssyncset.done @!p0 $0x0  }
0x33: {  	s6 =	simm.s32 $0x100;
	[sflag:s4] =	ssyncadd.s32 @!p0 $0xFFFFF000  }
0x34: {  	[tilespmem:s14], [sflag:$0x9] =	stream.indirect.gather [spmem:s2], $0x20, s6, s11, $0xb8;
	[tilespmem:$0xE220] =	vst v63  }
0x35: {  	_ =	swait.ge [sflag:s8], $0x1000  }
0x36: {  	s7 =	rddreg [dreg:$0x6];
	[sflag:s8] =	ssyncset.done $0x0  }
0x37: {  	s4 =	simm.s32 @!p0 $0x4;
	[sflag:s8] =	ssyncadd.s32 $0xFFFFF000;
	s1 =	sadd.s32 $0x0, s7  }
0x38: {  	[hbm4b:s1+s3] =	stream.linear.scatter [tilespmem:s14], [sflag:$0x3], $0x1000, $0x38;
	[tilespmem:$0xE220] =	vst v63  }
0x39: {  	_ =	swait.ge @!p0 [sflag:s4], $0x1000  }
0x3a: {  	[sflag:s4] =	ssyncset.done @!p0 $0x0  }
0x3b: {  	[sflag:s4] =	ssyncadd.s32 @!p0 $0xFFFFF000;
	s4 =	simm.s32 $0x180  }
0x3c: {  	[tilespmem:s15], [sflag:$0x9] =	stream.indirect.gather [spmem:s2], $0x20, s4, s11, $0xb8;
	[tilespmem:$0xE220] =	vst v63  }
0x3d: {  	_ =	swait.ge [sflag:s8], $0x1000  }
0x3e: {  	[sflag:s8] =	ssyncset.done $0x0  }
0x3f: {  	s6 =	sadd.s32 $0x600, s0;
	s4 =	simm.s32 @!p0 $0x5;
	[sflag:s8] =	ssyncadd.s32 $0xFFFFF000  }
0x40: {  	[hbm4b:s6+s3] =	stream.linear.scatter [tilespmem:s15], [sflag:$0x4], $0x1000, $0x38;
	[tilespmem:$0xE220] =	vst v63  }
0x41: {  	_ =	swait.ge @!p0 [sflag:s4], $0x1000  }
0x42: {  	[sflag:s4] =	ssyncset.done @!p0 $0x0  }
0x43: {  	s7 =	simm.s32 $0x200;
	[sflag:s4] =	ssyncadd.s32 @!p0 $0xFFFFF000  }
0x44: {  	[tilespmem:s16], [sflag:$0x9] =	stream.indirect.gather [spmem:s2], $0x20, s7, s11, $0xb8;
	[tilespmem:$0xE220] =	vst v63  }
0x45: {  	_ =	swait.ge [sflag:s8], $0x1000  }
0x46: {  	s4 =	rddreg [dreg:$0x5];
	[sflag:s8] =	ssyncset.done $0x0  }
0x47: {  	[sflag:s8] =	ssyncadd.s32 $0xFFFFF000;
	s1 =	sadd.s32 $0x0, s4;
	s4 =	simm.s32 @!p0 $0x6  }
0x48: {  	[hbm4b:s1+s3] =	stream.linear.scatter [tilespmem:s16], [sflag:$0x5], $0x1000, $0x38;
	[tilespmem:$0xE220] =	vst v63  }
0x49: {  	_ =	swait.ge @!p0 [sflag:s4], $0x1000  }
0x4a: {  	[sflag:s4] =	ssyncset.done @!p0 $0x0  }
0x4b: {  	s6 =	simm.s32 $0x280;
	[sflag:s4] =	ssyncadd.s32 @!p0 $0xFFFFF000  }
0x4c: {  	[tilespmem:s17], [sflag:$0x9] =	stream.indirect.gather [spmem:s2], $0x20, s6, s11, $0xb8;
	[tilespmem:$0xE220] =	vst v63  }
0x4d: {  	_ =	swait.ge [sflag:s8], $0x1000  }
0x4e: {  	[sflag:s8] =	ssyncset.done $0x0  }
0x4f: {  	s7 =	sadd.s32 $0xA00, s0;
	s4 =	simm.s32 @!p0 $0x7;
	[sflag:s8] =	ssyncadd.s32 $0xFFFFF000  }
0x50: {  	[hbm4b:s7+s3] =	stream.linear.scatter [tilespmem:s17], [sflag:$0x6], $0x1000, $0x38;
	[tilespmem:$0xE220] =	vst v63  }
0x51: {  	_ =	swait.ge @!p0 [sflag:s4], $0x1000  }
0x52: {  	[sflag:s4] =	ssyncset.done @!p0 $0x0  }
0x53: {  	[sflag:s4] =	ssyncadd.s32 @!p0 $0xFFFFF000;
	s4 =	simm.s32 $0x300  }
0x54: {  	[tilespmem:s18], [sflag:$0x9] =	stream.indirect.gather [spmem:s2], $0x20, s4, s11, $0xb8;
	[tilespmem:$0xE220] =	vst v63  }
0x55: {  	_ =	swait.ge [sflag:s8], $0x1000  }
0x56: {  	s6 =	rddreg [dreg:$0x4];
	[sflag:s8] =	ssyncset.done $0x0  }
0x57: {  	s4 =	simm.s32 @!p0 $0x8;
	[sflag:s8] =	ssyncadd.s32 $0xFFFFF000;
	s1 =	sadd.s32 $0x0, s6  }
0x58: {  	[hbm4b:s1+s3] =	stream.linear.scatter [tilespmem:s18], [sflag:$0x7], $0x1000, $0x38;
	[tilespmem:$0xE220] =	vst v63  }
0x59: {  	_ =	swait.ge @!p0 [sflag:s4], $0x1000  }
0x5a: {  	[sflag:s4] =	ssyncset.done @!p0 $0x0  }
0x5b: {  	s7 =	simm.s32 $0x380;
	[sflag:s4] =	ssyncadd.s32 @!p0 $0xFFFFF000  }
0x5c: {  	[tilespmem:s19], [sflag:$0x9] =	stream.indirect.gather [spmem:s2], $0x20, s7, s11, $0xb8;
	[tilespmem:$0xE220] =	vst v63  }
0x5d: {  	s30 =	simm.s32 $0x1000;
	s31 =	simm.s32 $0x2000;
	_ =	swait.ge [sflag:s8], $0x1000  }
0x5e: {  	s0 =	sadd.s32 $0xE00, s0;
	p0 =	por $0x0, $0x0;
	[sflag:s8] =	ssyncset.done $0x0  }
.LBB2_2:
0x5f: {  	s4 =	simm.s32 @!p0 $0x1;
	[sflag:s8] =	ssyncadd.s32 $0xFFFFF000  }
0x60: {  	[hbm4b:s0+s3] =	stream.linear.scatter [tilespmem:s19], [sflag:$0x8], $0x1000, $0x38;
	[tilespmem:$0xE220] =	vst v63  }
0x61: {  	_ =	swait.ge @!p0 [sflag:s4], $0x1000  }
0x62: {  	[sflag:s4] =	ssyncset.done @!p0 $0x0  }
0x63: {  	s0 =	sshra.s32 s30, $0x2;
	[sflag:s4] =	ssyncadd.s32 @!p0 $0xFFFFF000  }
0x64: {  	[tilespmem:s12], [sflag:$0x9] =	stream.indirect.gather [spmem:s2], $0x20, s0, s11, $0xb8;
	[tilespmem:$0xE220] =	vst v63  }
0x65: {  	_ =	swait.ge [sflag:s8], $0x1000  }
0x66: {  	s7 =	rddreg [dreg:$0x7];
	[sflag:s8] =	ssyncset.done $0x0  }
0x67: {  	s6 =	simm.s32 @!p0 $0x2;
	[sflag:s8] =	ssyncadd.s32 $0xFFFFF000;
	s4 =	sadd.s32 s30, s7  }
0x68: {  	[hbm4b:s4+s3] =	stream.linear.scatter [tilespmem:s12], [sflag:$0x1], $0x1000, $0x38;
	[tilespmem:$0xE220] =	vst v63  }
0x69: {  	_ =	swait.ge @!p0 [sflag:s6], $0x1000  }
0x6a: {  	[sflag:s6] =	ssyncset.done @!p0 $0x0  }
0x6b: {  	[sflag:s6] =	ssyncadd.s32 @!p0 $0xFFFFF000;
	s6 =	sadd.s32 $0x80, s0  }
0x6c: {  	[tilespmem:s13], [sflag:$0x9] =	stream.indirect.gather [spmem:s2], $0x20, s6, s11, $0xb8;
	[tilespmem:$0xE220] =	vst v63  }
0x6d: {  	_ =	swait.ge [sflag:s8], $0x1000  }
0x6e: {  	s4 =	sadd.s32 s30, s5;
	[sflag:s8] =	ssyncset.done $0x0  }
0x6f: {  	s7 =	simm.s32 @!p0 $0x3;
	s6 =	sadd.s32 $0x200, s4;
	[sflag:s8] =	ssyncadd.s32 $0xFFFFF000  }
0x70: {  	[hbm4b:s6+s3] =	stream.linear.scatter [tilespmem:s13], [sflag:$0x2], $0x1000, $0x38;
	[tilespmem:$0xE220] =	vst v63  }
0x71: {  	_ =	swait.ge @!p0 [sflag:s7], $0x1000  }
0x72: {  	[sflag:s7] =	ssyncset.done @!p0 $0x0  }
0x73: {  	[sflag:s7] =	ssyncadd.s32 @!p0 $0xFFFFF000;
	s7 =	sadd.s32 $0x100, s0  }
0x74: {  	[tilespmem:s14], [sflag:$0x9] =	stream.indirect.gather [spmem:s2], $0x20, s7, s11, $0xb8;
	[tilespmem:$0xE220] =	vst v63  }
0x75: {  	_ =	swait.ge [sflag:s8], $0x1000  }
0x76: {  	s7 =	rddreg [dreg:$0x6];
	[sflag:s8] =	ssyncset.done $0x0  }
0x77: {  	[sflag:s8] =	ssyncadd.s32 $0xFFFFF000;
	s6 =	sadd.s32 s30, s7;
	s7 =	simm.s32 @!p0 $0x4  }
0x78: {  	[hbm4b:s6+s3] =	stream.linear.scatter [tilespmem:s14], [sflag:$0x3], $0x1000, $0x38;
	[tilespmem:$0xE220] =	vst v63  }
0x79: {  	_ =	swait.ge @!p0 [sflag:s7], $0x1000  }
0x7a: {  	[sflag:s7] =	ssyncset.done @!p0 $0x0  }
0x7b: {  	[sflag:s7] =	ssyncadd.s32 @!p0 $0xFFFFF000;
	s7 =	sadd.s32 $0x180, s0  }
0x7c: {  	[tilespmem:s15], [sflag:$0x9] =	stream.indirect.gather [spmem:s2], $0x20, s7, s11, $0xb8;
	[tilespmem:$0xE220] =	vst v63  }
0x7d: {  	_ =	swait.ge [sflag:s8], $0x1000  }
0x7e: {  	[sflag:s8] =	ssyncset.done $0x0  }
0x7f: {  	s6 =	sadd.s32 $0x600, s4;
	s7 =	simm.s32 @!p0 $0x5;
	[sflag:s8] =	ssyncadd.s32 $0xFFFFF000  }
0x80: {  	[hbm4b:s6+s3] =	stream.linear.scatter [tilespmem:s15], [sflag:$0x4], $0x1000, $0x38;
	[tilespmem:$0xE220] =	vst v63  }
0x81: {  	_ =	swait.ge @!p0 [sflag:s7], $0x1000  }
0x82: {  	[sflag:s7] =	ssyncset.done @!p0 $0x0  }
0x83: {  	[sflag:s7] =	ssyncadd.s32 @!p0 $0xFFFFF000;
	s7 =	sadd.s32 $0x200, s0  }
0x84: {  	[tilespmem:s16], [sflag:$0x9] =	stream.indirect.gather [spmem:s2], $0x20, s7, s11, $0xb8;
	[tilespmem:$0xE220] =	vst v63  }
0x85: {  	_ =	swait.ge [sflag:s8], $0x1000  }
0x86: {  	s7 =	rddreg [dreg:$0x5];
	[sflag:s8] =	ssyncset.done $0x0  }
0x87: {  	[sflag:s8] =	ssyncadd.s32 $0xFFFFF000;
	s6 =	sadd.s32 s30, s7;
	s7 =	simm.s32 @!p0 $0x6  }
0x88: {  	[hbm4b:s6+s3] =	stream.linear.scatter [tilespmem:s16], [sflag:$0x5], $0x1000, $0x38;
	[tilespmem:$0xE220] =	vst v63  }
0x89: {  	_ =	swait.ge @!p0 [sflag:s7], $0x1000  }
0x8a: {  	[sflag:s7] =	ssyncset.done @!p0 $0x0  }
0x8b: {  	[sflag:s7] =	ssyncadd.s32 @!p0 $0xFFFFF000;
	s7 =	sadd.s32 $0x280, s0  }
0x8c: {  	[tilespmem:s17], [sflag:$0x9] =	stream.indirect.gather [spmem:s2], $0x20, s7, s11, $0xb8;
	[tilespmem:$0xE220] =	vst v63  }
0x8d: {  	_ =	swait.ge [sflag:s8], $0x1000  }
0x8e: {  	[sflag:s8] =	ssyncset.done $0x0  }
0x8f: {  	s6 =	sadd.s32 $0xA00, s4;
	s7 =	simm.s32 @!p0 $0x7;
	[sflag:s8] =	ssyncadd.s32 $0xFFFFF000  }
0x90: {  	[hbm4b:s6+s3] =	stream.linear.scatter [tilespmem:s17], [sflag:$0x6], $0x1000, $0x38;
	[tilespmem:$0xE220] =	vst v63  }
0x91: {  	_ =	swait.ge @!p0 [sflag:s7], $0x1000  }
0x92: {  	[sflag:s7] =	ssyncset.done @!p0 $0x0  }
0x93: {  	[sflag:s7] =	ssyncadd.s32 @!p0 $0xFFFFF000;
	s7 =	sadd.s32 $0x300, s0  }
0x94: {  	[tilespmem:s18], [sflag:$0x9] =	stream.indirect.gather [spmem:s2], $0x20, s7, s11, $0xb8;
	[tilespmem:$0xE220] =	vst v63  }
0x95: {  	s1 =	smov.u32 s31;
	_ =	swait.ge [sflag:s8], $0x1000  }
0x96: {  	s31 =	sadd.s32 $0x1000, s31;
	s7 =	rddreg [dreg:$0x4];
	[sflag:s8] =	ssyncset.done $0x0  }
0x97: {  	[sflag:s8] =	ssyncadd.s32 $0xFFFFF000;
	s6 =	sadd.s32 s30, s7;
	s7 =	simm.s32 @!p0 $0x8  }
0x98: {  	[hbm4b:s6+s3] =	stream.linear.scatter [tilespmem:s18], [sflag:$0x7], $0x1000, $0x38;
	[tilespmem:$0xE220] =	vst v63  }
0x99: {  	p1 =	sne.s32 s31, $0x5000;
	_ =	swait.ge @!p0 [sflag:s7], $0x1000  }
.Ltmp0:
0x9a: {  	[sflag:s7] =	ssyncset.done @!p0 $0x0;
	(pc) =	sbr.rel @p1 .LBB2_2-.Ltmp0, $4  }
0x9b: {  	s0 =	sadd.s32 $0x380, s0;
	[sflag:s7] =	ssyncadd.s32 @!p0 $0xFFFFF000  }
0x9c: {  	[tilespmem:s19], [sflag:$0x9] =	stream.indirect.gather [spmem:s2], $0x20, s0, s11, $0xb8;
	[tilespmem:$0xE220] =	vst v63  }
0x9d: {  	s30 =	smov.u32 s1;
	_ =	swait.ge [sflag:s8], $0x1000  }
0x9e: {  	p0 =	seq.s32 s30, $0x0;
	s0 =	sadd.s32 $0xE00, s4;
	[sflag:s8] =	ssyncset.done $0x0  }
0x9f: {  	s1 =	simm.s32 @!p0 $0x1;
	[sflag:s8] =	ssyncadd.s32 $0xFFFFF000  }
0xa0: {  	[hbm4b:s0+s3] =	stream.linear.scatter [tilespmem:s19], [sflag:$0x8], $0x1000, $0x38;
	[tilespmem:$0xE220] =	vst v63  }
0xa1: {  	_ =	swait.ge @!p0 [sflag:s1], $0x1000  }
0xa2: {  	[sflag:s1] =	ssyncset.done @!p0 $0x0  }
0xa3: {  	s0 =	sshra.s32 s30, $0x2;
	[sflag:s1] =	ssyncadd.s32 @!p0 $0xFFFFF000  }
0xa4: {  	[tilespmem:s12], [sflag:$0x9] =	stream.indirect.gather [spmem:s2], $0x20, s0, s11, $0xb8;
	[tilespmem:$0xE220] =	vst v63  }
0xa5: {  	_ =	swait.ge [sflag:s8], $0x1000  }
0xa6: {  	s31 =	rddreg [dreg:$0x7];
	[sflag:s8] =	ssyncset.done $0x0  }
0xa7: {  	s4 =	simm.s32 @!p0 $0x2;
	[sflag:s8] =	ssyncadd.s32 $0xFFFFF000;
	s1 =	sadd.s32 s30, s31  }
0xa8: {  	[hbm4b:s1+s3] =	stream.linear.scatter [tilespmem:s12], [sflag:$0x1], $0x1000, $0x38;
	[tilespmem:$0xE220] =	vst v63  }
0xa9: {  	_ =	swait.ge @!p0 [sflag:s4], $0x1000  }
0xaa: {  	[sflag:s4] =	ssyncset.done @!p0 $0x0  }
0xab: {  	[sflag:s4] =	ssyncadd.s32 @!p0 $0xFFFFF000;
	s4 =	sadd.s32 $0x80, s0  }
0xac: {  	[tilespmem:s13], [sflag:$0x9] =	stream.indirect.gather [spmem:s2], $0x20, s4, s11, $0xb8;
	[tilespmem:$0xE220] =	vst v63  }
0xad: {  	_ =	swait.ge [sflag:s8], $0x1000  }
0xae: {  	s1 =	sadd.s32 s30, s5;
	[sflag:s8] =	ssyncset.done $0x0  }
0xaf: {  	s6 =	sadd.s32 $0x200, s1;
	s4 =	simm.s32 @!p0 $0x3;
	[sflag:s8] =	ssyncadd.s32 $0xFFFFF000  }
0xb0: {  	[hbm4b:s6+s3] =	stream.linear.scatter [tilespmem:s13], [sflag:$0x2], $0x1000, $0x38;
	[tilespmem:$0xE220] =	vst v63  }
0xb1: {  	_ =	swait.ge @!p0 [sflag:s4], $0x1000  }
0xb2: {  	[sflag:s4] =	ssyncset.done @!p0 $0x0  }
0xb3: {  	s7 =	sadd.s32 $0x100, s0;
	[sflag:s4] =	ssyncadd.s32 @!p0 $0xFFFFF000  }
0xb4: {  	[tilespmem:s14], [sflag:$0x9] =	stream.indirect.gather [spmem:s2], $0x20, s7, s11, $0xb8;
	[tilespmem:$0xE220] =	vst v63  }
0xb5: {  	_ =	swait.ge [sflag:s8], $0x1000  }
0xb6: {  	s31 =	rddreg [dreg:$0x6];
	[sflag:s8] =	ssyncset.done $0x0  }
0xb7: {  	[sflag:s8] =	ssyncadd.s32 $0xFFFFF000;
	s4 =	sadd.s32 s30, s31  }
0xb8: {  	[hbm4b:s4+s3] =	stream.linear.scatter [tilespmem:s14], [sflag:$0x3], $0x1000, $0x38;
	[tilespmem:$0xE220] =	vst v63  }
0xb9: {  	s4 =	simm.s32 @!p0 $0x4  }
0xba: {  	_ =	swait.ge @!p0 [sflag:s4], $0x1000  }
0xbb: {  	[sflag:s4] =	ssyncset.done @!p0 $0x0  }
0xbc: {  	s6 =	sadd.s32 $0x180, s0;
	[sflag:s4] =	ssyncadd.s32 @!p0 $0xFFFFF000  }
0xbd: {  	[tilespmem:s15], [sflag:$0x9] =	stream.indirect.gather [spmem:s2], $0x20, s6, s11, $0xb8;
	[tilespmem:$0xE220] =	vst v63  }
0xbe: {  	_ =	swait.ge [sflag:s8], $0x1000  }
0xbf: {  	[sflag:s8] =	ssyncset.done $0x0  }
0xc0: {  	s7 =	sadd.s32 $0x600, s1;
	s4 =	simm.s32 @!p0 $0x5;
	[sflag:s8] =	ssyncadd.s32 $0xFFFFF000  }
0xc1: {  	[hbm4b:s7+s3] =	stream.linear.scatter [tilespmem:s15], [sflag:$0x4], $0x1000, $0x38;
	[tilespmem:$0xE220] =	vst v63  }
0xc2: {  	_ =	swait.ge @!p0 [sflag:s4], $0x1000  }
0xc3: {  	[sflag:s4] =	ssyncset.done @!p0 $0x0  }
0xc4: {  	s31 =	sadd.s32 $0x200, s0;
	[sflag:s4] =	ssyncadd.s32 @!p0 $0xFFFFF000  }
0xc5: {  	[tilespmem:s16], [sflag:$0x9] =	stream.indirect.gather [spmem:s2], $0x20, s31, s11, $0xb8;
	[tilespmem:$0xE220] =	vst v63  }
0xc6: {  	_ =	swait.ge [sflag:s8], $0x1000  }
0xc7: {  	s6 =	rddreg [dreg:$0x5];
	[sflag:s8] =	ssyncset.done $0x0  }
0xc8: {  	[sflag:s8] =	ssyncadd.s32 $0xFFFFF000;
	s4 =	sadd.s32 s30, s6  }
0xc9: {  	[hbm4b:s4+s3] =	stream.linear.scatter [tilespmem:s16], [sflag:$0x5], $0x1000, $0x38;
	[tilespmem:$0xE220] =	vst v63  }
0xca: {  	s4 =	simm.s32 @!p0 $0x6  }
0xcb: {  	_ =	swait.ge @!p0 [sflag:s4], $0x1000  }
0xcc: {  	[sflag:s4] =	ssyncset.done @!p0 $0x0  }
0xcd: {  	s7 =	sadd.s32 $0x280, s0;
	[sflag:s4] =	ssyncadd.s32 @!p0 $0xFFFFF000  }
0xce: {  	[tilespmem:s17], [sflag:$0x9] =	stream.indirect.gather [spmem:s2], $0x20, s7, s11, $0xb8;
	[tilespmem:$0xE220] =	vst v63  }
0xcf: {  	_ =	swait.ge [sflag:s8], $0x1000  }
0xd0: {  	[sflag:s8] =	ssyncset.done $0x0  }
0xd1: {  	s31 =	sadd.s32 $0xA00, s1;
	s4 =	simm.s32 @!p0 $0x7;
	[sflag:s8] =	ssyncadd.s32 $0xFFFFF000  }
0xd2: {  	[hbm4b:s31+s3] =	stream.linear.scatter [tilespmem:s17], [sflag:$0x6], $0x1000, $0x38;
	[tilespmem:$0xE220] =	vst v63  }
0xd3: {  	_ =	swait.ge @!p0 [sflag:s4], $0x1000  }
0xd4: {  	[sflag:s4] =	ssyncset.done @!p0 $0x0  }
0xd5: {  	s6 =	sadd.s32 $0x300, s0;
	[sflag:s4] =	ssyncadd.s32 @!p0 $0xFFFFF000  }
0xd6: {  	[tilespmem:s18], [sflag:$0x9] =	stream.indirect.gather [spmem:s2], $0x20, s6, s11, $0xb8;
	[tilespmem:$0xE220] =	vst v63  }
0xd7: {  	_ =	swait.ge [sflag:s8], $0x1000  }
0xd8: {  	s7 =	rddreg [dreg:$0x4];
	[sflag:s8] =	ssyncset.done $0x0  }
0xd9: {  	s4 =	sadd.s32 s30, s7;
	[sflag:s8] =	ssyncadd.s32 $0xFFFFF000  }
0xda: {  	[hbm4b:s4+s3] =	stream.linear.scatter [tilespmem:s18], [sflag:$0x7], $0x1000, $0x38;
	[tilespmem:$0xE220] =	vst v63  }
0xdb: {  	s4 =	simm.s32 @!p0 $0x8  }
0xdc: {  	_ =	swait.ge @!p0 [sflag:s4], $0x1000  }
0xdd: {  	[sflag:s4] =	ssyncset.done @!p0 $0x0  }
0xde: {  	s0 =	sadd.s32 $0x380, s0;
	[sflag:s4] =	ssyncadd.s32 @!p0 $0xFFFFF000  }
0xdf: {  	[tilespmem:s19], [sflag:$0x9] =	stream.indirect.gather [spmem:s2], $0x20, s0, s11, $0xb8;
	[tilespmem:$0xE220] =	vst v63  }
0xe0: {  	_ =	swait.ge [sflag:s8], $0x1000  }
0xe1: {  	[sflag:s8] =	ssyncset.done $0x0  }
0xe2: {  	s30 =	sadd.s32 $0xE00, s1;
	[sflag:s8] =	ssyncadd.s32 $0xFFFFF000  }
0xe3: {  	[hbm4b:s30+s3] =	stream.linear.scatter [tilespmem:s19], [sflag:$0x8], $0x1000, $0x38;
	[tilespmem:$0xE220] =	vst v63  }
0xe4: {  	_ =	swait.ge [sflag:s20], $0x1000  }
0xe5: {  	[sflag:s20] =	ssyncset.done $0x0  }
0xe6: {  	[sflag:s20] =	ssyncadd.s32 $0xFFFFF000  }
0xe7: {  	_ =	swait.ge [sflag:s21], $0x1000  }
0xe8: {  	[sflag:s21] =	ssyncset.done $0x0  }
0xe9: {  	[sflag:s21] =	ssyncadd.s32 $0xFFFFF000  }
0xea: {  	_ =	swait.ge [sflag:s22], $0x1000  }
0xeb: {  	[sflag:s22] =	ssyncset.done $0x0  }
0xec: {  	[sflag:s22] =	ssyncadd.s32 $0xFFFFF000  }
0xed: {  	_ =	swait.ge [sflag:s23], $0x1000  }
0xee: {  	[sflag:s23] =	ssyncset.done $0x0  }
0xef: {  	[sflag:s23] =	ssyncadd.s32 $0xFFFFF000  }
0xf0: {  	_ =	swait.ge [sflag:s24], $0x1000  }
0xf1: {  	[sflag:s24] =	ssyncset.done $0x0  }
0xf2: {  	[sflag:s24] =	ssyncadd.s32 $0xFFFFF000  }
0xf3: {  	_ =	swait.ge [sflag:s25], $0x1000  }
0xf4: {  	[sflag:s25] =	ssyncset.done $0x0  }
0xf5: {  	[sflag:s25] =	ssyncadd.s32 $0xFFFFF000  }
0xf6: {  	_ =	swait.ge [sflag:s26], $0x1000  }
0xf7: {  	[sflag:s26] =	ssyncset.done $0x0  }
0xf8: {  	[sflag:s26] =	ssyncadd.s32 $0xFFFFF000  }
0xf9: {  	_ =	swait.ge [sflag:s28], $0x1000  }
0xfa: {  	s29 =	sadd.s32 $0x1, s29;
	s31 =	rddreg [dreg:$0xa]  }
0xfb: {  	p0 =	sne.s32 s29, s31  }
.Ltmp1:
0xfc: {  	_ = 	snop;
	(pc) =	sbr.rel @p0 .LBB2_1-.Ltmp1, $3  }
0xfd: {  	_ =	sdelay $0x1  }
0xfe: {  	[sflag:s28] =	ssyncset.done $0x0  }
0xff: {  	[sflag:s28] =	ssyncadd.s32 $0xFFFFF000  }
0x100: {  	_ =	sfence.sel $0x180000  }
0x101: {  	[bflag:$0x0] =	sbarrier.arrive $0xFFFF  }
0x102: {  	_ =	strace $0x90000047  }
0x103: {  	s0 =	stileid.u32;
	[bflag:$0x2] =	sbarrier.arrive $0xFFFF  }
0x104: {  	p0 =	sne.s32 s0, $0x0;
	s0 =	rddreg [dreg:$0x3]  }
0x105: {  	s0 =	sadd.s32 @!p0 $0x100000, s0  }
0x106: {  	[sflag:s0] =	ssyncadd.tile.s32 @!p0 $0x1;
	_ =	shalt  }
.Lfunc_end2:
_tile_overlayer_lowered:
.L_overlay_start_2:
0x107: {  	(tag) =	ssettag $0x2  }
0x108: {  	s0 =	rddreg [dreg:$0x0];
	s2 =	stileid.u32  }
0x109: {  	s1 =	rddreg [dreg:$0x1];
	p0 =	sne.s32 s2, $0x0  }
0x10a: {  	s3 =	rddreg [dreg:$0x2];
	[bflag:$0x3] =	sbarrier.arrive $0xFFFF;
	s2 =	simm.s32 @!p0 $0x1C09  }
0x10b: {  	[timem:s3], [sflag:s2] =	dma.local @!p0 [hbm:s0], s1  }
0x10c: {  	s0 =	simm.s32 @!p0 $0x9  }
0x10d: {  	_ =	swait.ge @!p0 [sflag:s0], s1  }
0x10e: {  	s1 =	ssub.s32 @!p0 $0x0, s1;
	[sflag:s0] =	ssyncset.done @!p0 $0x0  }
0x10f: {  	[sflag:s0] =	ssyncadd.s32 @!p0 s1  }
0x110: {  	[bflag:$0x3] =	sbarrier.arrive $0xFFFF  }
0x111: {  	_ =	shalt  }

</sc_bundles>
